<compile_context>
chip_gen: v7x
topology: tpu7x:2x2x1
jax: 0.10.2.dev20260603
libtpu: 0.0.44.dev20260713+nightly
codegen_flags: <defaults>
</compile_context>

<pallas_src>
import jax
import jax.numpy as jnp
from jax import lax
from jax.experimental import pallas as pl
from jax.experimental.pallas import tpu as pltpu
from jax.experimental.pallas import tpu_sc as plsc

N = 10000
E = 320000
D = 128
DH = 64
NC = 2
NS = 16
EPW = E // NS
CH = 400
NCH = EPW // CH
RPT = N // NS
ZR = 125
ND = 10240
DT = ND // NS
L = 16


def _embed_body(x_ref, w_ref, att_ref, hpad_ref, alpha_ref):
    h = jnp.dot(x_ref[...], w_ref[...], preferred_element_type=jnp.float32)
    hpad_ref[0] = h[:, :DH]
    hpad_ref[1] = h[:, DH:]
    alpha_ref[...] = lax.dot_general(
        att_ref[...], h, (((1,), (1,)), ((), ())),
        preferred_element_type=jnp.float32)


def _embed(x, W, att):
    return pl.pallas_call(
        _embed_body,
        out_shape=[
            jax.ShapeDtypeStruct((NC, N, DH), jnp.float32),
            jax.ShapeDtypeStruct((2, N), jnp.float32),
        ],
    )(x, W, att)


def _edge_body(hpad_hbm, alpha_hbm, src_hbm, dst_hbm, out_hbm, den_hbm,
               asrc_v, adst_v, sidx, didx, w2, rows2, sem0, sem1,
               acc_sh, den_sh):
    c = lax.axis_index("c")
    s = lax.axis_index("s")
    sems = (sem0, sem1)

    def _zrow(r, _):
        for cc in range(DH // L):
            rows2[0, r, pl.ds(cc * L, L)] = jnp.zeros((L,), jnp.float32)
        return ()
    lax.fori_loop(0, ZR, _zrow, ())
    for k in range(CH // L):
        w2[0, pl.ds(k * L, L)] = jnp.zeros((L,), jnp.float32)
    zb = rows2.at[0].at[pl.ds(0, ZR)]
    for t in range(RPT // ZR):
        pltpu.sync_copy(zb, acc_sh.at[pl.ds(s * RPT + t * ZR, ZR)])
    pltpu.sync_copy(w2.at[0], den_sh.at[pl.ds(s * DT, CH)])
    pltpu.sync_copy(w2.at[0].at[pl.ds(0, DT - CH)],
                    den_sh.at[pl.ds(s * DT + CH, DT - CH)])

    pltpu.sync_copy(alpha_hbm.at[0], asrc_v)
    pltpu.sync_copy(alpha_hbm.at[1], adst_v)

    plsc.subcore_barrier()

    pltpu.sync_copy(src_hbm.at[s].at[0], sidx.at[0])
    pltpu.sync_copy(dst_hbm.at[s].at[0], didx.at[0])
    pltpu.async_copy(hpad_hbm.at[c].at[sidx.at[0]], rows2.at[0], sem0)

    def _pair(i, _):
        for b in range(2):
            j = 2 * i + b
            nb = 1 - b

            def _prefetch():
                pltpu.sync_copy(src_hbm.at[s].at[j + 1], sidx.at[nb])
                pltpu.sync_copy(dst_hbm.at[s].at[j + 1], didx.at[nb])
                pltpu.async_copy(hpad_hbm.at[c].at[sidx.at[nb]],
                                 rows2.at[nb], sems[nb])
            if b == 0:
                _prefetch()
            else:
                pl.when(i < NCH // 2 - 1)(_prefetch)

            for k in range(CH // L):
                s16 = sidx[b, pl.ds(k * L, L)]
                d16 = didx[b, pl.ds(k * L, L)]
                al = (plsc.load_gather(asrc_v, [s16])
                      + plsc.load_gather(adst_v, [d16]))
                al = jnp.where(al >= 0.0, al, al * jnp.float32(0.2))
                w2[b, pl.ds(k * L, L)] = jnp.exp(al)

            pltpu.make_async_copy(hpad_hbm.at[c].at[sidx.at[b]],
                                  rows2.at[b], sems[b]).wait()

            def _scale(r4, _):
                r0 = r4 * 4
                for rr in range(4):
                    r = r0 + rr
                    wb = plsc.load_gather(
                        w2.at[b], [jnp.full((L,), r, jnp.int32)])
                    for cc in range(DH // L):
                        sl = pl.ds(cc * L, L)
                        rows2[b, r, sl] = rows2[b, r, sl] * wb
                return ()
            lax.fori_loop(0, CH // 4, _scale, ())

            pltpu.sync_copy(rows2.at[b], acc_sh.at[didx.at[b]], add=True)
            pltpu.sync_copy(w2.at[b], den_sh.at[didx.at[b]], add=True)
        return ()
    lax.fori_loop(0, NCH // 2, _pair, ())

    plsc.subcore_barrier()

    wb = rows2.at[0].at[pl.ds(0, ZR)]
    for t in range(RPT // ZR):
        row0 = s * RPT + t * ZR
        pltpu.sync_copy(acc_sh.at[pl.ds(row0, ZR)], wb)
        pltpu.sync_copy(wb, out_hbm.at[c].at[pl.ds(row0, ZR)])
    pltpu.sync_copy(den_sh.at[pl.ds(s * DT, CH)], w2.at[0])
    pltpu.sync_copy(w2.at[0], den_hbm.at[c].at[pl.ds(s * DT, CH)])
    pltpu.sync_copy(den_sh.at[pl.ds(s * DT + CH, DT - CH)],
                    w2.at[0].at[pl.ds(0, DT - CH)])
    pltpu.sync_copy(w2.at[0].at[pl.ds(0, DT - CH)],
                    den_hbm.at[c].at[pl.ds(s * DT + CH, DT - CH)])


def _edge(hpad, alpha2, src_r, dst_r):
    mesh = plsc.VectorSubcoreMesh(
        core_axis_name="c", subcore_axis_name="s",
        num_cores=NC, num_subcores=NS)
    run = pl.kernel(
        _edge_body,
        out_type=[
            jax.ShapeDtypeStruct((NC, N, DH), jnp.float32),
            jax.ShapeDtypeStruct((NC, ND), jnp.float32),
        ],
        mesh=mesh,
        compiler_params=pltpu.CompilerParams(
            use_tc_tiling_on_sc=False, needs_layout_passes=False),
        scratch_types=[
            pltpu.VMEM((N,), jnp.float32),
            pltpu.VMEM((N,), jnp.float32),
            pltpu.VMEM((2, CH), jnp.int32),
            pltpu.VMEM((2, CH), jnp.int32),
            pltpu.VMEM((2, CH), jnp.float32),
            pltpu.VMEM((2, CH, DH), jnp.float32),
            pltpu.SemaphoreType.DMA,
            pltpu.SemaphoreType.DMA,
            pltpu.VMEM_SHARED((N, DH), jnp.float32),
            pltpu.VMEM_SHARED((ND,), jnp.float32),
        ],
    )
    return run(hpad, alpha2, src_r, dst_r)


def _combine_body(part_ref, den_ref, bias_ref, out_ref):
    p = part_ref[...]
    d = den_ref[0, :N][:, None] + jnp.float32(1e-16)
    out_ref[...] = (jnp.concatenate([p[0] / d, p[1] / d], axis=1)
                    + bias_ref[...][None, :])


def _combine(part, den, bias):
    return pl.pallas_call(
        _combine_body,
        out_shape=jax.ShapeDtypeStruct((N, D), jnp.float32),
    )(part, den, bias)


def kernel(x_, edge_index, W, att_src, att_dst, bias):
    x = x_.reshape(N, D)
    src = edge_index[0].astype(jnp.int32).reshape(NS, NCH, CH)
    dst = edge_index[1].astype(jnp.int32).reshape(NS, NCH, CH)
    att = jnp.concatenate(
        [att_src.reshape(1, D), att_dst.reshape(1, D)], axis=0)

    hpad, alpha2 = _embed(x, W, att)
    part, den = _edge(hpad, alpha2, src, dst)
    out = _combine(part, den, bias)
    return out.reshape(1, N, D)

# --- scband reference (transcript-rebuilt; emitter-appended) ---
"""Pipeline reference for scband-feature-extraction-91302414778570 (READ-ONLY COPY).

The authoritative reference and input builder live on the scoring server;
editing this copy changes nothing except your own understanding.
"""

import jax, jax.numpy as jnp
import numpy as np

N_NODES = 10000
N_EDGES = 320000
D_IN = 128
D_OUT = 128
HEADS = 1

def setup_inputs(seed: int = 0) -> dict:
    key = jax.random.key(seed)
    k0, k1, k2, k3, k4 = jax.random.split(key, 5)
    x_ = jax.random.normal(k0, (1, N_NODES, D_IN), dtype=jnp.float32)
    edge_index = jax.random.randint(k1, (2, N_EDGES), 0, N_NODES, dtype=jnp.int64)
    # GATv1Conv parameters (heads=1, concat=False, bias=True)
    W = jax.random.normal(k2, (D_IN, HEADS * D_OUT), dtype=jnp.float32) * 0.05
    att_src = jax.random.normal(k3, (1, HEADS, D_OUT), dtype=jnp.float32) * 0.05
    att_dst = jax.random.normal(k4, (1, HEADS, D_OUT), dtype=jnp.float32) * 0.05
    bias = jnp.zeros((D_OUT,), dtype=jnp.float32)
    return {"x_": x_, "edge_index": edge_index, "W": W, "att_src": att_src, "att_dst": att_dst, "bias": bias}

def _gatv1(x, edge_index, W, att_src, att_dst, bias):
    N = x.shape[0]
    h = (x @ W).reshape(N, HEADS, D_OUT)                     # [N, H, C]
    alpha_src = jnp.sum(h * att_src, axis=-1)                # [N, H]
    alpha_dst = jnp.sum(h * att_dst, axis=-1)                # [N, H]
    src = edge_index[0]
    dst = edge_index[1]
    alpha = alpha_src[src] + alpha_dst[dst]                  # [E, H]
    alpha = jax.nn.leaky_relu(alpha, negative_slope=0.2)
    # softmax over incoming edges per destination node
    amax = jax.ops.segment_max(alpha, dst, num_segments=N)
    amax = jnp.where(jnp.isfinite(amax), amax, 0.0)
    ealpha = jnp.exp(alpha - amax[dst])
    denom = jax.ops.segment_sum(ealpha, dst, num_segments=N)
    alpha_n = ealpha / (denom[dst] + 1e-16)                  # [E, H]
    msg = h[src] * alpha_n[..., None]                        # [E, H, C]
    out = jax.ops.segment_sum(msg, dst, num_segments=N)      # [N, H, C]
    out = jnp.mean(out, axis=1)                              # concat=False -> mean over heads
    return out + bias

def reference(x_, edge_index, W, att_src, att_dst, bias):
    b, HW, d = x_.shape
    x = x_.reshape(-1, d)
    # num_convs == 1: single GAT layer, no activation after the last conv
    x = _gatv1(x, edge_index, W, att_src, att_dst, bias)
    return x.reshape(b, HW, -1)

if __name__ == "__main__":
    import jax
    _d = setup_inputs()
    print(jax.jit(kernel)(*tuple(_d.values())))

</pallas_src>

<mosaic_0001>
#map = affine_map<(d0, d1) -> (0, 0, 0)>
#map1 = affine_map<(d0, d1) -> (0, 0)>
module attributes {stable_mosaic.version = 14 : i64} {
  func.func @_edge_body(%arg0: i32, %arg1: i32, %arg2: memref<2x10000x64xf32, #tpu.memory_space<hbm>>, %arg3: memref<2x10000xf32, #tpu.memory_space<hbm>>, %arg4: memref<16x50x400xi32, #tpu.memory_space<hbm>>, %arg5: memref<16x50x400xi32, #tpu.memory_space<hbm>>, %arg6: memref<2x10000x64xf32, #tpu.memory_space<hbm>>, %arg7: memref<2x10240xf32, #tpu.memory_space<hbm>>, %arg8: memref<10000xf32, #tpu.memory_space<vmem>>, %arg9: memref<10000xf32, #tpu.memory_space<vmem>>, %arg10: memref<2x400xi32, #tpu.memory_space<vmem>>, %arg11: memref<2x400xi32, #tpu.memory_space<vmem>>, %arg12: memref<2x400xf32, #tpu.memory_space<vmem>>, %arg13: memref<2x400x64xf32, #tpu.memory_space<vmem>>, %arg14: memref<!tpu.dma_semaphore, #tpu.memory_space<semaphore_mem>>, %arg15: memref<!tpu.dma_semaphore, #tpu.memory_space<semaphore_mem>>, %arg16: memref<10000x64xf32, #tpu.memory_space<vmem_shared>>, %arg17: memref<10240xf32, #tpu.memory_space<vmem_shared>>) attributes {dimension_semantics = [#tpu.dimension_semantics<core_parallel>, #tpu.dimension_semantics<subcore_parallel>], iteration_bounds = array<i64: 2, 16>, scalar_prefetch = 0 : i64, scratch_operands = 10 : i64, tpu.core_type = #tpu.core_type<sc_vector_subcore>, window_params = [{transform_indices = #map}, {transform_indices = #map1}, {transform_indices = #map}, {transform_indices = #map}, {transform_indices = #map}, {transform_indices = #map1}]} {
    %scan3A = arith.constant 0 : i32
    %scan3A_0 = arith.constant 125 : i32
    %scan3A_1 = arith.addi %scan3A, %scan3A_0 : i32
    %scan3A_2 = arith.constant 1 : i32
    scf.for %scan3A_255 = %scan3A to %scan3A_1 step %scan3A_2  : i32 {
      %broadcast_in_dim3A_256 = arith.constant 0.000000e+00 : f32
      %broadcast_in_dim3A_257 = vector.broadcast %broadcast_in_dim3A_256 : f32 to vector<16xf32>
      %swap3A_258 = arith.constant 0 : i32
      %swap3A_259 = arith.index_cast %swap3A_258 : i32 to index
      %swap3A_260 = arith.index_cast %scan3A_255 : i32 to index
      %swap3A_261 = arith.constant 0 : index
      %swap3A_262 = tpu.vector_load %arg13[%swap3A_259, %swap3A_260, %swap3A_261] {strides = array<i32>} : memref<2x400x64xf32, #tpu.memory_space<vmem>>, vector<16xf32>,
      tpu.vector_store %arg13[%swap3A_259, %swap3A_260, %swap3A_261], %broadcast_in_dim3A_257 {strides = array<i32>} : memref<2x400x64xf32, #tpu.memory_space<vmem>>, vector<16xf32>,
      %broadcast_in_dim3A_263 = arith.constant 0.000000e+00 : f32
      %broadcast_in_dim3A_264 = vector.broadcast %broadcast_in_dim3A_263 : f32 to vector<16xf32>
      %swap3A_265 = arith.constant 0 : i32
      %swap3A_266 = arith.index_cast %swap3A_265 : i32 to index
      %swap3A_267 = arith.index_cast %scan3A_255 : i32 to index
      %swap3A_268 = arith.constant 16 : index
      %swap3A_269 = tpu.vector_load %arg13[%swap3A_266, %swap3A_267, %swap3A_268] {strides = array<i32>} : memref<2x400x64xf32, #tpu.memory_space<vmem>>, vector<16xf32>,
      tpu.vector_store %arg13[%swap3A_266, %swap3A_267, %swap3A_268], %broadcast_in_dim3A_264 {strides = array<i32>} : memref<2x400x64xf32, #tpu.memory_space<vmem>>, vector<16xf32>,
      %broadcast_in_dim3A_270 = arith.constant 0.000000e+00 : f32
      %broadcast_in_dim3A_271 = vector.broadcast %broadcast_in_dim3A_270 : f32 to vector<16xf32>
      %swap3A_272 = arith.constant 0 : i32
      %swap3A_273 = arith.index_cast %swap3A_272 : i32 to index
      %swap3A_274 = arith.index_cast %scan3A_255 : i32 to index
      %swap3A_275 = arith.constant 32 : index
      %swap3A_276 = tpu.vector_load %arg13[%swap3A_273, %swap3A_274, %swap3A_275] {strides = array<i32>} : memref<2x400x64xf32, #tpu.memory_space<vmem>>, vector<16xf32>,
      tpu.vector_store %arg13[%swap3A_273, %swap3A_274, %swap3A_275], %broadcast_in_dim3A_271 {strides = array<i32>} : memref<2x400x64xf32, #tpu.memory_space<vmem>>, vector<16xf32>,
      %broadcast_in_dim3A_277 = arith.constant 0.000000e+00 : f32
      %broadcast_in_dim3A_278 = vector.broadcast %broadcast_in_dim3A_277 : f32 to vector<16xf32>
      %swap3A_279 = arith.constant 0 : i32
      %swap3A_280 = arith.index_cast %swap3A_279 : i32 to index
      %swap3A_281 = arith.index_cast %scan3A_255 : i32 to index
      %swap3A_282 = arith.constant 48 : index
      %swap3A_283 = tpu.vector_load %arg13[%swap3A_280, %swap3A_281, %swap3A_282] {strides = array<i32>} : memref<2x400x64xf32, #tpu.memory_space<vmem>>, vector<16xf32>,
      tpu.vector_store %arg13[%swap3A_280, %swap3A_281, %swap3A_282], %broadcast_in_dim3A_278 {strides = array<i32>} : memref<2x400x64xf32, #tpu.memory_space<vmem>>, vector<16xf32>,
    }
    %scan3A_3 = arith.constant 125 : i32
    %broadcast_in_dim3A = arith.constant 0.000000e+00 : f32
    %broadcast_in_dim3A_4 = vector.broadcast %broadcast_in_dim3A : f32 to vector<16xf32>
    %swap3A = arith.constant 0 : i32
    %swap3A_5 = arith.index_cast %swap3A : i32 to index
    %swap3A_6 = arith.constant 0 : index
    %swap3A_7 = tpu.vector_load %arg12[%swap3A_5, %swap3A_6] {strides = array<i32>} : memref<2x400xf32, #tpu.memory_space<vmem>>, vector<16xf32>,
    tpu.vector_store %arg12[%swap3A_5, %swap3A_6], %broadcast_in_dim3A_4 {strides = array<i32>} : memref<2x400xf32, #tpu.memory_space<vmem>>, vector<16xf32>,
    %broadcast_in_dim3A_8 = arith.constant 0.000000e+00 : f32
    %broadcast_in_dim3A_9 = vector.broadcast %broadcast_in_dim3A_8 : f32 to vector<16xf32>
    %swap3A_10 = arith.constant 0 : i32
    %swap3A_11 = arith.index_cast %swap3A_10 : i32 to index
    %swap3A_12 = arith.constant 16 : index
    %swap3A_13 = tpu.vector_load %arg12[%swap3A_11, %swap3A_12] {strides = array<i32>} : memref<2x400xf32, #tpu.memory_space<vmem>>, vector<16xf32>,
    tpu.vector_store %arg12[%swap3A_11, %swap3A_12], %broadcast_in_dim3A_9 {strides = array<i32>} : memref<2x400xf32, #tpu.memory_space<vmem>>, vector<16xf32>,
    %broadcast_in_dim3A_14 = arith.constant 0.000000e+00 : f32
    %broadcast_in_dim3A_15 = vector.broadcast %broadcast_in_dim3A_14 : f32 to vector<16xf32>
    %swap3A_16 = arith.constant 0 : i32
    %swap3A_17 = arith.index_cast %swap3A_16 : i32 to index
    %swap3A_18 = arith.constant 32 : index
    %swap3A_19 = tpu.vector_load %arg12[%swap3A_17, %swap3A_18] {strides = array<i32>} : memref<2x400xf32, #tpu.memory_space<vmem>>, vector<16xf32>,
    tpu.vector_store %arg12[%swap3A_17, %swap3A_18], %broadcast_in_dim3A_15 {strides = array<i32>} : memref<2x400xf32, #tpu.memory_space<vmem>>, vector<16xf32>,
    %broadcast_in_dim3A_20 = arith.constant 0.000000e+00 : f32
    %broadcast_in_dim3A_21 = vector.broadcast %broadcast_in_dim3A_20 : f32 to vector<16xf32>
    %swap3A_22 = arith.constant 0 : i32
    %swap3A_23 = arith.index_cast %swap3A_22 : i32 to index
    %swap3A_24 = arith.constant 48 : index
    %swap3A_25 = tpu.vector_load %arg12[%swap3A_23, %swap3A_24] {strides = array<i32>} : memref<2x400xf32, #tpu.memory_space<vmem>>, vector<16xf32>,
    tpu.vector_store %arg12[%swap3A_23, %swap3A_24], %broadcast_in_dim3A_21 {strides = array<i32>} : memref<2x400xf32, #tpu.memory_space<vmem>>, vector<16xf32>,
    %broadcast_in_dim3A_26 = arith.constant 0.000000e+00 : f32
    %broadcast_in_dim3A_27 = vector.broadcast %broadcast_in_dim3A_26 : f32 to vector<16xf32>
    %swap3A_28 = arith.constant 0 : i32
    %swap3A_29 = arith.index_cast %swap3A_28 : i32 to index
    %swap3A_30 = arith.constant 64 : index
    %swap3A_31 = tpu.vector_load %arg12[%swap3A_29, %swap3A_30] {strides = array<i32>} : memref<2x400xf32, #tpu.memory_space<vmem>>, vector<16xf32>,
    tpu.vector_store %arg12[%swap3A_29, %swap3A_30], %broadcast_in_dim3A_27 {strides = array<i32>} : memref<2x400xf32, #tpu.memory_space<vmem>>, vector<16xf32>,
    %broadcast_in_dim3A_32 = arith.constant 0.000000e+00 : f32
    %broadcast_in_dim3A_33 = vector.broadcast %broadcast_in_dim3A_32 : f32 to vector<16xf32>
    %swap3A_34 = arith.constant 0 : i32
    %swap3A_35 = arith.index_cast %swap3A_34 : i32 to index
    %swap3A_36 = arith.constant 80 : index
    %swap3A_37 = tpu.vector_load %arg12[%swap3A_35, %swap3A_36] {strides = array<i32>} : memref<2x400xf32, #tpu.memory_space<vmem>>, vector<16xf32>,
    tpu.vector_store %arg12[%swap3A_35, %swap3A_36], %broadcast_in_dim3A_33 {strides = array<i32>} : memref<2x400xf32, #tpu.memory_space<vmem>>, vector<16xf32>,
    %broadcast_in_dim3A_38 = arith.constant 0.000000e+00 : f32
    %broadcast_in_dim3A_39 = vector.broadcast %broadcast_in_dim3A_38 : f32 to vector<16xf32>
    %swap3A_40 = arith.constant 0 : i32
    %swap3A_41 = arith.index_cast %swap3A_40 : i32 to index
    %swap3A_42 = arith.constant 96 : index
    %swap3A_43 = tpu.vector_load %arg12[%swap3A_41, %swap3A_42] {strides = array<i32>} : memref<2x400xf32, #tpu.memory_space<vmem>>, vector<16xf32>,
    tpu.vector_store %arg12[%swap3A_41, %swap3A_42], %broadcast_in_dim3A_39 {strides = array<i32>} : memref<2x400xf32, #tpu.memory_space<vmem>>, vector<16xf32>,
    %broadcast_in_dim3A_44 = arith.constant 0.000000e+00 : f32
    %broadcast_in_dim3A_45 = vector.broadcast %broadcast_in_dim3A_44 : f32 to vector<16xf32>
    %swap3A_46 = arith.constant 0 : i32
    %swap3A_47 = arith.index_cast %swap3A_46 : i32 to index
    %swap3A_48 = arith.constant 112 : index
    %swap3A_49 = tpu.vector_load %arg12[%swap3A_47, %swap3A_48] {strides = array<i32>} : memref<2x400xf32, #tpu.memory_space<vmem>>, vector<16xf32>,
    tpu.vector_store %arg12[%swap3A_47, %swap3A_48], %broadcast_in_dim3A_45 {strides = array<i32>} : memref<2x400xf32, #tpu.memory_space<vmem>>, vector<16xf32>,
    %broadcast_in_dim3A_50 = arith.constant 0.000000e+00 : f32
    %broadcast_in_dim3A_51 = vector.broadcast %broadcast_in_dim3A_50 : f32 to vector<16xf32>
    %swap3A_52 = arith.constant 0 : i32
    %swap3A_53 = arith.index_cast %swap3A_52 : i32 to index
    %swap3A_54 = arith.constant 128 : index
    %swap3A_55 = tpu.vector_load %arg12[%swap3A_53, %swap3A_54] {strides = array<i32>} : memref<2x400xf32, #tpu.memory_space<vmem>>, vector<16xf32>,
    tpu.vector_store %arg12[%swap3A_53, %swap3A_54], %broadcast_in_dim3A_51 {strides = array<i32>} : memref<2x400xf32, #tpu.memory_space<vmem>>, vector<16xf32>,
    %broadcast_in_dim3A_56 = arith.constant 0.000000e+00 : f32
    %broadcast_in_dim3A_57 = vector.broadcast %broadcast_in_dim3A_56 : f32 to vector<16xf32>
    %swap3A_58 = arith.constant 0 : i32
    %swap3A_59 = arith.index_cast %swap3A_58 : i32 to index
    %swap3A_60 = arith.constant 144 : index
    %swap3A_61 = tpu.vector_load %arg12[%swap3A_59, %swap3A_60] {strides = array<i32>} : memref<2x400xf32, #tpu.memory_space<vmem>>, vector<16xf32>,
    tpu.vector_store %arg12[%swap3A_59, %swap3A_60], %broadcast_in_dim3A_57 {strides = array<i32>} : memref<2x400xf32, #tpu.memory_space<vmem>>, vector<16xf32>,
    %broadcast_in_dim3A_62 = arith.constant 0.000000e+00 : f32
    %broadcast_in_dim3A_63 = vector.broadcast %broadcast_in_dim3A_62 : f32 to vector<16xf32>
    %swap3A_64 = arith.constant 0 : i32
    %swap3A_65 = arith.index_cast %swap3A_64 : i32 to index
    %swap3A_66 = arith.constant 160 : index
    %swap3A_67 = tpu.vector_load %arg12[%swap3A_65, %swap3A_66] {strides = array<i32>} : memref<2x400xf32, #tpu.memory_space<vmem>>, vector<16xf32>,
    tpu.vector_store %arg12[%swap3A_65, %swap3A_66], %broadcast_in_dim3A_63 {strides = array<i32>} : memref<2x400xf32, #tpu.memory_space<vmem>>, vector<16xf32>,
    %broadcast_in_dim3A_68 = arith.constant 0.000000e+00 : f32
    %broadcast_in_dim3A_69 = vector.broadcast %broadcast_in_dim3A_68 : f32 to vector<16xf32>
    %swap3A_70 = arith.constant 0 : i32
    %swap3A_71 = arith.index_cast %swap3A_70 : i32 to index
    %swap3A_72 = arith.constant 176 : index
    %swap3A_73 = tpu.vector_load %arg12[%swap3A_71, %swap3A_72] {strides = array<i32>} : memref<2x400xf32, #tpu.memory_space<vmem>>, vector<16xf32>,
    tpu.vector_store %arg12[%swap3A_71, %swap3A_72], %broadcast_in_dim3A_69 {strides = array<i32>} : memref<2x400xf32, #tpu.memory_space<vmem>>, vector<16xf32>,
    %broadcast_in_dim3A_74 = arith.constant 0.000000e+00 : f32
    %broadcast_in_dim3A_75 = vector.broadcast %broadcast_in_dim3A_74 : f32 to vector<16xf32>
    %swap3A_76 = arith.constant 0 : i32
    %swap3A_77 = arith.index_cast %swap3A_76 : i32 to index
    %swap3A_78 = arith.constant 192 : index
    %swap3A_79 = tpu.vector_load %arg12[%swap3A_77, %swap3A_78] {strides = array<i32>} : memref<2x400xf32, #tpu.memory_space<vmem>>, vector<16xf32>,
    tpu.vector_store %arg12[%swap3A_77, %swap3A_78], %broadcast_in_dim3A_75 {strides = array<i32>} : memref<2x400xf32, #tpu.memory_space<vmem>>, vector<16xf32>,
    %broadcast_in_dim3A_80 = arith.constant 0.000000e+00 : f32
    %broadcast_in_dim3A_81 = vector.broadcast %broadcast_in_dim3A_80 : f32 to vector<16xf32>
    %swap3A_82 = arith.constant 0 : i32
    %swap3A_83 = arith.index_cast %swap3A_82 : i32 to index
    %swap3A_84 = arith.constant 208 : index
    %swap3A_85 = tpu.vector_load %arg12[%swap3A_83, %swap3A_84] {strides = array<i32>} : memref<2x400xf32, #tpu.memory_space<vmem>>, vector<16xf32>,
    tpu.vector_store %arg12[%swap3A_83, %swap3A_84], %broadcast_in_dim3A_81 {strides = array<i32>} : memref<2x400xf32, #tpu.memory_space<vmem>>, vector<16xf32>,
    %broadcast_in_dim3A_86 = arith.constant 0.000000e+00 : f32
    %broadcast_in_dim3A_87 = vector.broadcast %broadcast_in_dim3A_86 : f32 to vector<16xf32>
    %swap3A_88 = arith.constant 0 : i32
    %swap3A_89 = arith.index_cast %swap3A_88 : i32 to index
    %swap3A_90 = arith.constant 224 : index
    %swap3A_91 = tpu.vector_load %arg12[%swap3A_89, %swap3A_90] {strides = array<i32>} : memref<2x400xf32, #tpu.memory_space<vmem>>, vector<16xf32>,
    tpu.vector_store %arg12[%swap3A_89, %swap3A_90], %broadcast_in_dim3A_87 {strides = array<i32>} : memref<2x400xf32, #tpu.memory_space<vmem>>, vector<16xf32>,
    %broadcast_in_dim3A_92 = arith.constant 0.000000e+00 : f32
    %broadcast_in_dim3A_93 = vector.broadcast %broadcast_in_dim3A_92 : f32 to vector<16xf32>
    %swap3A_94 = arith.constant 0 : i32
    %swap3A_95 = arith.index_cast %swap3A_94 : i32 to index
    %swap3A_96 = arith.constant 240 : index
    %swap3A_97 = tpu.vector_load %arg12[%swap3A_95, %swap3A_96] {strides = array<i32>} : memref<2x400xf32, #tpu.memory_space<vmem>>, vector<16xf32>,
    tpu.vector_store %arg12[%swap3A_95, %swap3A_96], %broadcast_in_dim3A_93 {strides = array<i32>} : memref<2x400xf32, #tpu.memory_space<vmem>>, vector<16xf32>,
    %broadcast_in_dim3A_98 = arith.constant 0.000000e+00 : f32
    %broadcast_in_dim3A_99 = vector.broadcast %broadcast_in_dim3A_98 : f32 to vector<16xf32>
    %swap3A_100 = arith.constant 0 : i32
    %swap3A_101 = arith.index_cast %swap3A_100 : i32 to index
    %swap3A_102 = arith.constant 256 : index
    %swap3A_103 = tpu.vector_load %arg12[%swap3A_101, %swap3A_102] {strides = array<i32>} : memref<2x400xf32, #tpu.memory_space<vmem>>, vector<16xf32>,
    tpu.vector_store %arg12[%swap3A_101, %swap3A_102], %broadcast_in_dim3A_99 {strides = array<i32>} : memref<2x400xf32, #tpu.memory_space<vmem>>, vector<16xf32>,
    %broadcast_in_dim3A_104 = arith.constant 0.000000e+00 : f32
    %broadcast_in_dim3A_105 = vector.broadcast %broadcast_in_dim3A_104 : f32 to vector<16xf32>
    %swap3A_106 = arith.constant 0 : i32
    %swap3A_107 = arith.index_cast %swap3A_106 : i32 to index
    %swap3A_108 = arith.constant 272 : index
    %swap3A_109 = tpu.vector_load %arg12[%swap3A_107, %swap3A_108] {strides = array<i32>} : memref<2x400xf32, #tpu.memory_space<vmem>>, vector<16xf32>,
    tpu.vector_store %arg12[%swap3A_107, %swap3A_108], %broadcast_in_dim3A_105 {strides = array<i32>} : memref<2x400xf32, #tpu.memory_space<vmem>>, vector<16xf32>,
    %broadcast_in_dim3A_110 = arith.constant 0.000000e+00 : f32
    %broadcast_in_dim3A_111 = vector.broadcast %broadcast_in_dim3A_110 : f32 to vector<16xf32>
    %swap3A_112 = arith.constant 0 : i32
    %swap3A_113 = arith.index_cast %swap3A_112 : i32 to index
    %swap3A_114 = arith.constant 288 : index
    %swap3A_115 = tpu.vector_load %arg12[%swap3A_113, %swap3A_114] {strides = array<i32>} : memref<2x400xf32, #tpu.memory_space<vmem>>, vector<16xf32>,
    tpu.vector_store %arg12[%swap3A_113, %swap3A_114], %broadcast_in_dim3A_111 {strides = array<i32>} : memref<2x400xf32, #tpu.memory_space<vmem>>, vector<16xf32>,
    %broadcast_in_dim3A_116 = arith.constant 0.000000e+00 : f32
    %broadcast_in_dim3A_117 = vector.broadcast %broadcast_in_dim3A_116 : f32 to vector<16xf32>
    %swap3A_118 = arith.constant 0 : i32
    %swap3A_119 = arith.index_cast %swap3A_118 : i32 to index
    %swap3A_120 = arith.constant 304 : index
    %swap3A_121 = tpu.vector_load %arg12[%swap3A_119, %swap3A_120] {strides = array<i32>} : memref<2x400xf32, #tpu.memory_space<vmem>>, vector<16xf32>,
    tpu.vector_store %arg12[%swap3A_119, %swap3A_120], %broadcast_in_dim3A_117 {strides = array<i32>} : memref<2x400xf32, #tpu.memory_space<vmem>>, vector<16xf32>,
    %broadcast_in_dim3A_122 = arith.constant 0.000000e+00 : f32
    %broadcast_in_dim3A_123 = vector.broadcast %broadcast_in_dim3A_122 : f32 to vector<16xf32>
    %swap3A_124 = arith.constant 0 : i32
    %swap3A_125 = arith.index_cast %swap3A_124 : i32 to index
    %swap3A_126 = arith.constant 320 : index
    %swap3A_127 = tpu.vector_load %arg12[%swap3A_125, %swap3A_126] {strides = array<i32>} : memref<2x400xf32, #tpu.memory_space<vmem>>, vector<16xf32>,
    tpu.vector_store %arg12[%swap3A_125, %swap3A_126], %broadcast_in_dim3A_123 {strides = array<i32>} : memref<2x400xf32, #tpu.memory_space<vmem>>, vector<16xf32>,
    %broadcast_in_dim3A_128 = arith.constant 0.000000e+00 : f32
    %broadcast_in_dim3A_129 = vector.broadcast %broadcast_in_dim3A_128 : f32 to vector<16xf32>
    %swap3A_130 = arith.constant 0 : i32
    %swap3A_131 = arith.index_cast %swap3A_130 : i32 to index
    %swap3A_132 = arith.constant 336 : index
    %swap3A_133 = tpu.vector_load %arg12[%swap3A_131, %swap3A_132] {strides = array<i32>} : memref<2x400xf32, #tpu.memory_space<vmem>>, vector<16xf32>,
    tpu.vector_store %arg12[%swap3A_131, %swap3A_132], %broadcast_in_dim3A_129 {strides = array<i32>} : memref<2x400xf32, #tpu.memory_space<vmem>>, vector<16xf32>,
    %broadcast_in_dim3A_134 = arith.constant 0.000000e+00 : f32
    %broadcast_in_dim3A_135 = vector.broadcast %broadcast_in_dim3A_134 : f32 to vector<16xf32>
    %swap3A_136 = arith.constant 0 : i32
    %swap3A_137 = arith.index_cast %swap3A_136 : i32 to index
    %swap3A_138 = arith.constant 352 : index
    %swap3A_139 = tpu.vector_load %arg12[%swap3A_137, %swap3A_138] {strides = array<i32>} : memref<2x400xf32, #tpu.memory_space<vmem>>, vector<16xf32>,
    tpu.vector_store %arg12[%swap3A_137, %swap3A_138], %broadcast_in_dim3A_135 {strides = array<i32>} : memref<2x400xf32, #tpu.memory_space<vmem>>, vector<16xf32>,
    %broadcast_in_dim3A_140 = arith.constant 0.000000e+00 : f32
    %broadcast_in_dim3A_141 = vector.broadcast %broadcast_in_dim3A_140 : f32 to vector<16xf32>
    %swap3A_142 = arith.constant 0 : i32
    %swap3A_143 = arith.index_cast %swap3A_142 : i32 to index
    %swap3A_144 = arith.constant 368 : index
    %swap3A_145 = tpu.vector_load %arg12[%swap3A_143, %swap3A_144] {strides = array<i32>} : memref<2x400xf32, #tpu.memory_space<vmem>>, vector<16xf32>,
    tpu.vector_store %arg12[%swap3A_143, %swap3A_144], %broadcast_in_dim3A_141 {strides = array<i32>} : memref<2x400xf32, #tpu.memory_space<vmem>>, vector<16xf32>,
    %broadcast_in_dim3A_146 = arith.constant 0.000000e+00 : f32
    %broadcast_in_dim3A_147 = vector.broadcast %broadcast_in_dim3A_146 : f32 to vector<16xf32>
    %swap3A_148 = arith.constant 0 : i32
    %swap3A_149 = arith.index_cast %swap3A_148 : i32 to index
    %swap3A_150 = arith.constant 384 : index
    %swap3A_151 = tpu.vector_load %arg12[%swap3A_149, %swap3A_150] {strides = array<i32>} : memref<2x400xf32, #tpu.memory_space<vmem>>, vector<16xf32>,
    tpu.vector_store %arg12[%swap3A_149, %swap3A_150], %broadcast_in_dim3A_147 {strides = array<i32>} : memref<2x400xf32, #tpu.memory_space<vmem>>, vector<16xf32>,
    %mul3A = arith.constant 625 : i32
    %mul3A_152 = arith.muli %arg1, %mul3A : i32
    %add3A = arith.constant 0 : i32
    %add3A_153 = arith.addi %mul3A_152, %add3A : i32
    %run_scoped3A = arith.constant 0 : i32
    "tpu.region"() ({
      %run_scoped3A_255 = tpu.sem_alloc : memref<!tpu.dma_semaphore, #tpu.memory_space<semaphore_mem>>
      %dma_start3A_256 = arith.constant 0 : i32
      %dma_start3A_257 = arith.constant 0 : i32
      %dma_start3A_258 = tpu.memref_slice %arg13[%run_scoped3A, %dma_start3A_256, %dma_start3A_257] : memref<2x400x64xf32, #tpu.memory_space<vmem>> -> memref<1x400x64xf32, #tpu.memory_space<vmem>>
      %dma_start3A_259 = tpu.memref_squeeze %dma_start3A_258 : memref<1x400x64xf32, #tpu.memory_space<vmem>> -> memref<400x64xf32, #tpu.memory_space<vmem>>
      %dma_start3A_260 = arith.constant 0 : i32
      %dma_start3A_261 = arith.constant 0 : i32
      %dma_start3A_262 = tpu.memref_slice %dma_start3A_259[%dma_start3A_260, %dma_start3A_261] : memref<400x64xf32, #tpu.memory_space<vmem>> -> memref<125x64xf32, #tpu.memory_space<vmem>>
      %dma_start3A_263 = arith.constant 0 : i32
      %dma_start3A_264 = tpu.memref_slice %arg16[%add3A_153, %dma_start3A_263] : memref<10000x64xf32, #tpu.memory_space<vmem_shared>> -> memref<125x64xf32, #tpu.memory_space<vmem_shared>>
      %dma_start3A_265 = arith.constant 0 : i32
      %dma_start3A_266 = tpu.memref_slice %arg16[%add3A_153, %dma_start3A_265] : memref<10000x64xf32, #tpu.memory_space<vmem_shared>> -> memref<125x64xf32, #tpu.memory_space<vmem_shared>>
      %dma_start3A_267 = arith.constant 0 : i32
      %dma_start3A_268 = arith.constant 0 : i32
      %dma_start3A_269 = tpu.memref_slice %arg13[%run_scoped3A, %dma_start3A_267, %dma_start3A_268] : memref<2x400x64xf32, #tpu.memory_space<vmem>> -> memref<1x400x64xf32, #tpu.memory_space<vmem>>
      %dma_start3A_270 = tpu.memref_squeeze %dma_start3A_269 : memref<1x400x64xf32, #tpu.memory_space<vmem>> -> memref<400x64xf32, #tpu.memory_space<vmem>>
      %dma_start3A_271 = arith.constant 0 : i32
      %dma_start3A_272 = arith.constant 0 : i32
      %dma_start3A_273 = tpu.memref_slice %dma_start3A_270[%dma_start3A_271, %dma_start3A_272] : memref<400x64xf32, #tpu.memory_space<vmem>> -> memref<125x64xf32, #tpu.memory_space<vmem>>
      tpu.enqueue_dma source(%dma_start3A_273 : memref<125x64xf32, #tpu.memory_space<vmem>>) target(%dma_start3A_266 : memref<125x64xf32, #tpu.memory_space<vmem_shared>>) target_semaphore(%run_scoped3A_255 : memref<!tpu.dma_semaphore, #tpu.memory_space<semaphore_mem>>)
      %dma_wait3A = arith.constant 0 : i32
      %dma_wait3A_274 = arith.constant 0 : i32
      %dma_wait3A_275 = tpu.memref_slice %arg13[%run_scoped3A, %dma_wait3A, %dma_wait3A_274] : memref<2x400x64xf32, #tpu.memory_space<vmem>> -> memref<1x400x64xf32, #tpu.memory_space<vmem>>
      %dma_wait3A_276 = tpu.memref_squeeze %dma_wait3A_275 : memref<1x400x64xf32, #tpu.memory_space<vmem>> -> memref<400x64xf32, #tpu.memory_space<vmem>>
      %dma_wait3A_277 = arith.constant 0 : i32
      %dma_wait3A_278 = arith.constant 0 : i32
      %dma_wait3A_279 = tpu.memref_slice %dma_wait3A_276[%dma_wait3A_277, %dma_wait3A_278] : memref<400x64xf32, #tpu.memory_space<vmem>> -> memref<125x64xf32, #tpu.memory_space<vmem>>
      %dma_wait3A_280 = arith.constant 0 : i32
      %dma_wait3A_281 = tpu.memref_slice %arg16[%add3A_153, %dma_wait3A_280] : memref<10000x64xf32, #tpu.memory_space<vmem_shared>> -> memref<125x64xf32, #tpu.memory_space<vmem_shared>>
      %dma_wait3A_282 = arith.constant 0 : i32
      %dma_wait3A_283 = tpu.memref_slice %arg16[%add3A_153, %dma_wait3A_282] : memref<10000x64xf32, #tpu.memory_space<vmem_shared>> -> memref<125x64xf32, #tpu.memory_space<vmem_shared>>
      %dma_wait3A_284 = arith.constant 0 : i32
      %dma_wait3A_285 = arith.constant 0 : i32
      %dma_wait3A_286 = tpu.memref_slice %arg13[%run_scoped3A, %dma_wait3A_284, %dma_wait3A_285] : memref<2x400x64xf32, #tpu.memory_space<vmem>> -> memref<1x400x64xf32, #tpu.memory_space<vmem>>
      %dma_wait3A_287 = tpu.memref_squeeze %dma_wait3A_286 : memref<1x400x64xf32, #tpu.memory_space<vmem>> -> memref<400x64xf32, #tpu.memory_space<vmem>>
      %dma_wait3A_288 = arith.constant 0 : i32
      %dma_wait3A_289 = arith.constant 0 : i32
      %dma_wait3A_290 = tpu.memref_slice %dma_wait3A_287[%dma_wait3A_288, %dma_wait3A_289] : memref<400x64xf32, #tpu.memory_space<vmem>> -> memref<125x64xf32, #tpu.memory_space<vmem>>
      tpu.wait_dma2 semaphore(%run_scoped3A_255 : memref<!tpu.dma_semaphore, #tpu.memory_space<semaphore_mem>>) src(%dma_wait3A_290 : memref<125x64xf32, #tpu.memory_space<vmem>>) dst(%dma_wait3A_283 : memref<125x64xf32, #tpu.memory_space<vmem_shared>>)
      tpu.yield
    }) : () -> ()
    %mul3A_154 = arith.constant 625 : i32
    %mul3A_155 = arith.muli %arg1, %mul3A_154 : i32
    %add3A_156 = arith.constant 125 : i32
    %add3A_157 = arith.addi %mul3A_155, %add3A_156 : i32
    %run_scoped3A_158 = arith.constant 0 : i32
    "tpu.region"() ({
      %run_scoped3A_255 = tpu.sem_alloc : memref<!tpu.dma_semaphore, #tpu.memory_space<semaphore_mem>>
      %dma_start3A_256 = arith.constant 0 : i32
      %dma_start3A_257 = arith.constant 0 : i32
      %dma_start3A_258 = tpu.memref_slice %arg13[%run_scoped3A_158, %dma_start3A_256, %dma_start3A_257] : memref<2x400x64xf32, #tpu.memory_space<vmem>> -> memref<1x400x64xf32, #tpu.memory_space<vmem>>
      %dma_start3A_259 = tpu.memref_squeeze %dma_start3A_258 : memref<1x400x64xf32, #tpu.memory_space<vmem>> -> memref<400x64xf32, #tpu.memory_space<vmem>>
      %dma_start3A_260 = arith.constant 0 : i32
      %dma_start3A_261 = arith.constant 0 : i32
      %dma_start3A_262 = tpu.memref_slice %dma_start3A_259[%dma_start3A_260, %dma_start3A_261] : memref<400x64xf32, #tpu.memory_space<vmem>> -> memref<125x64xf32, #tpu.memory_space<vmem>>
      %dma_start3A_263 = arith.constant 0 : i32
      %dma_start3A_264 = tpu.memref_slice %arg16[%add3A_157, %dma_start3A_263] : memref<10000x64xf32, #tpu.memory_space<vmem_shared>> -> memref<125x64xf32, #tpu.memory_space<vmem_shared>>
      %dma_start3A_265 = arith.constant 0 : i32
      %dma_start3A_266 = tpu.memref_slice %arg16[%add3A_157, %dma_start3A_265] : memref<10000x64xf32, #tpu.memory_space<vmem_shared>> -> memref<125x64xf32, #tpu.memory_space<vmem_shared>>
      %dma_start3A_267 = arith.constant 0 : i32
      %dma_start3A_268 = arith.constant 0 : i32
      %dma_start3A_269 = tpu.memref_slice %arg13[%run_scoped3A_158, %dma_start3A_267, %dma_start3A_268] : memref<2x400x64xf32, #tpu.memory_space<vmem>> -> memref<1x400x64xf32, #tpu.memory_space<vmem>>
      %dma_start3A_270 = tpu.memref_squeeze %dma_start3A_269 : memref<1x400x64xf32, #tpu.memory_space<vmem>> -> memref<400x64xf32, #tpu.memory_space<vmem>>
      %dma_start3A_271 = arith.constant 0 : i32
      %dma_start3A_272 = arith.constant 0 : i32
      %dma_start3A_273 = tpu.memref_slice %dma_start3A_270[%dma_start3A_271, %dma_start3A_272] : memref<400x64xf32, #tpu.memory_space<vmem>> -> memref<125x64xf32, #tpu.memory_space<vmem>>
      tpu.enqueue_dma source(%dma_start3A_273 : memref<125x64xf32, #tpu.memory_space<vmem>>) target(%dma_start3A_266 : memref<125x64xf32, #tpu.memory_space<vmem_shared>>) target_semaphore(%run_scoped3A_255 : memref<!tpu.dma_semaphore, #tpu.memory_space<semaphore_mem>>)
      %dma_wait3A = arith.constant 0 : i32
      %dma_wait3A_274 = arith.constant 0 : i32
      %dma_wait3A_275 = tpu.memref_slice %arg13[%run_scoped3A_158, %dma_wait3A, %dma_wait3A_274] : memref<2x400x64xf32, #tpu.memory_space<vmem>> -> memref<1x400x64xf32, #tpu.memory_space<vmem>>
      %dma_wait3A_276 = tpu.memref_squeeze %dma_wait3A_275 : memref<1x400x64xf32, #tpu.memory_space<vmem>> -> memref<400x64xf32, #tpu.memory_space<vmem>>
      %dma_wait3A_277 = arith.constant 0 : i32
      %dma_wait3A_278 = arith.constant 0 : i32
      %dma_wait3A_279 = tpu.memref_slice %dma_wait3A_276[%dma_wait3A_277, %dma_wait3A_278] : memref<400x64xf32, #tpu.memory_space<vmem>> -> memref<125x64xf32, #tpu.memory_space<vmem>>
      %dma_wait3A_280 = arith.constant 0 : i32
      %dma_wait3A_281 = tpu.memref_slice %arg16[%add3A_157, %dma_wait3A_280] : memref<10000x64xf32, #tpu.memory_space<vmem_shared>> -> memref<125x64xf32, #tpu.memory_space<vmem_shared>>
      %dma_wait3A_282 = arith.constant 0 : i32
      %dma_wait3A_283 = tpu.memref_slice %arg16[%add3A_157, %dma_wait3A_282] : memref<10000x64xf32, #tpu.memory_space<vmem_shared>> -> memref<125x64xf32, #tpu.memory_space<vmem_shared>>
      %dma_wait3A_284 = arith.constant 0 : i32
      %dma_wait3A_285 = arith.constant 0 : i32
      %dma_wait3A_286 = tpu.memref_slice %arg13[%run_scoped3A_158, %dma_wait3A_284, %dma_wait3A_285] : memref<2x400x64xf32, #tpu.memory_space<vmem>> -> memref<1x400x64xf32, #tpu.memory_space<vmem>>
      %dma_wait3A_287 = tpu.memref_squeeze %dma_wait3A_286 : memref<1x400x64xf32, #tpu.memory_space<vmem>> -> memref<400x64xf32, #tpu.memory_space<vmem>>
      %dma_wait3A_288 = arith.constant 0 : i32
      %dma_wait3A_289 = arith.constant 0 : i32
      %dma_wait3A_290 = tpu.memref_slice %dma_wait3A_287[%dma_wait3A_288, %dma_wait3A_289] : memref<400x64xf32, #tpu.memory_space<vmem>> -> memref<125x64xf32, #tpu.memory_space<vmem>>
      tpu.wait_dma2 semaphore(%run_scoped3A_255 : memref<!tpu.dma_semaphore, #tpu.memory_space<semaphore_mem>>) src(%dma_wait3A_290 : memref<125x64xf32, #tpu.memory_space<vmem>>) dst(%dma_wait3A_283 : memref<125x64xf32, #tpu.memory_space<vmem_shared>>)
      tpu.yield
    }) : () -> ()
    %mul3A_159 = arith.constant 625 : i32
    %mul3A_160 = arith.muli %arg1, %mul3A_159 : i32
    %add3A_161 = arith.constant 250 : i32
    %add3A_162 = arith.addi %mul3A_160, %add3A_161 : i32
    %run_scoped3A_163 = arith.constant 0 : i32
    "tpu.region"() ({
      %run_scoped3A_255 = tpu.sem_alloc : memref<!tpu.dma_semaphore, #tpu.memory_space<semaphore_mem>>
      %dma_start3A_256 = arith.constant 0 : i32
      %dma_start3A_257 = arith.constant 0 : i32
      %dma_start3A_258 = tpu.memref_slice %arg13[%run_scoped3A_163, %dma_start3A_256, %dma_start3A_257] : memref<2x400x64xf32, #tpu.memory_space<vmem>> -> memref<1x400x64xf32, #tpu.memory_space<vmem>>
      %dma_start3A_259 = tpu.memref_squeeze %dma_start3A_258 : memref<1x400x64xf32, #tpu.memory_space<vmem>> -> memref<400x64xf32, #tpu.memory_space<vmem>>
      %dma_start3A_260 = arith.constant 0 : i32
      %dma_start3A_261 = arith.constant 0 : i32
      %dma_start3A_262 = tpu.memref_slice %dma_start3A_259[%dma_start3A_260, %dma_start3A_261] : memref<400x64xf32, #tpu.memory_space<vmem>> -> memref<125x64xf32, #tpu.memory_space<vmem>>
      %dma_start3A_263 = arith.constant 0 : i32
      %dma_start3A_264 = tpu.memref_slice %arg16[%add3A_162, %dma_start3A_263] : memref<10000x64xf32, #tpu.memory_space<vmem_shared>> -> memref<125x64xf32, #tpu.memory_space<vmem_shared>>
      %dma_start3A_265 = arith.constant 0 : i32
      %dma_start3A_266 = tpu.memref_slice %arg16[%add3A_162, %dma_start3A_265] : memref<10000x64xf32, #tpu.memory_space<vmem_shared>> -> memref<125x64xf32, #tpu.memory_space<vmem_shared>>
      %dma_start3A_267 = arith.constant 0 : i32
      %dma_start3A_268 = arith.constant 0 : i32
      %dma_start3A_269 = tpu.memref_slice %arg13[%run_scoped3A_163, %dma_start3A_267, %dma_start3A_268] : memref<2x400x64xf32, #tpu.memory_space<vmem>> -> memref<1x400x64xf32, #tpu.memory_space<vmem>>
      %dma_start3A_270 = tpu.memref_squeeze %dma_start3A_269 : memref<1x400x64xf32, #tpu.memory_space<vmem>> -> memref<400x64xf32, #tpu.memory_space<vmem>>
      %dma_start3A_271 = arith.constant 0 : i32
      %dma_start3A_272 = arith.constant 0 : i32
      %dma_start3A_273 = tpu.memref_slice %dma_start3A_270[%dma_start3A_271, %dma_start3A_272] : memref<400x64xf32, #tpu.memory_space<vmem>> -> memref<125x64xf32, #tpu.memory_space<vmem>>
      tpu.enqueue_dma source(%dma_start3A_273 : memref<125x64xf32, #tpu.memory_space<vmem>>) target(%dma_start3A_266 : memref<125x64xf32, #tpu.memory_space<vmem_shared>>) target_semaphore(%run_scoped3A_255 : memref<!tpu.dma_semaphore, #tpu.memory_space<semaphore_mem>>)
      %dma_wait3A = arith.constant 0 : i32
      %dma_wait3A_274 = arith.constant 0 : i32
      %dma_wait3A_275 = tpu.memref_slice %arg13[%run_scoped3A_163, %dma_wait3A, %dma_wait3A_274] : memref<2x400x64xf32, #tpu.memory_space<vmem>> -> memref<1x400x64xf32, #tpu.memory_space<vmem>>
      %dma_wait3A_276 = tpu.memref_squeeze %dma_wait3A_275 : memref<1x400x64xf32, #tpu.memory_space<vmem>> -> memref<400x64xf32, #tpu.memory_space<vmem>>
      %dma_wait3A_277 = arith.constant 0 : i32
      %dma_wait3A_278 = arith.constant 0 : i32
      %dma_wait3A_279 = tpu.memref_slice %dma_wait3A_276[%dma_wait3A_277, %dma_wait3A_278] : memref<400x64xf32, #tpu.memory_space<vmem>> -> memref<125x64xf32, #tpu.memory_space<vmem>>
      %dma_wait3A_280 = arith.constant 0 : i32
      %dma_wait3A_281 = tpu.memref_slice %arg16[%add3A_162, %dma_wait3A_280] : memref<10000x64xf32, #tpu.memory_space<vmem_shared>> -> memref<125x64xf32, #tpu.memory_space<vmem_shared>>
      %dma_wait3A_282 = arith.constant 0 : i32
      %dma_wait3A_283 = tpu.memref_slice %arg16[%add3A_162, %dma_wait3A_282] : memref<10000x64xf32, #tpu.memory_space<vmem_shared>> -> memref<125x64xf32, #tpu.memory_space<vmem_shared>>
      %dma_wait3A_284 = arith.constant 0 : i32
      %dma_wait3A_285 = arith.constant 0 : i32
      %dma_wait3A_286 = tpu.memref_slice %arg13[%run_scoped3A_163, %dma_wait3A_284, %dma_wait3A_285] : memref<2x400x64xf32, #tpu.memory_space<vmem>> -> memref<1x400x64xf32, #tpu.memory_space<vmem>>
      %dma_wait3A_287 = tpu.memref_squeeze %dma_wait3A_286 : memref<1x400x64xf32, #tpu.memory_space<vmem>> -> memref<400x64xf32, #tpu.memory_space<vmem>>
      %dma_wait3A_288 = arith.constant 0 : i32
      %dma_wait3A_289 = arith.constant 0 : i32
      %dma_wait3A_290 = tpu.memref_slice %dma_wait3A_287[%dma_wait3A_288, %dma_wait3A_289] : memref<400x64xf32, #tpu.memory_space<vmem>> -> memref<125x64xf32, #tpu.memory_space<vmem>>
      tpu.wait_dma2 semaphore(%run_scoped3A_255 : memref<!tpu.dma_semaphore, #tpu.memory_space<semaphore_mem>>) src(%dma_wait3A_290 : memref<125x64xf32, #tpu.memory_space<vmem>>) dst(%dma_wait3A_283 : memref<125x64xf32, #tpu.memory_space<vmem_shared>>)
      tpu.yield
    }) : () -> ()
    %mul3A_164 = arith.constant 625 : i32
    %mul3A_165 = arith.muli %arg1, %mul3A_164 : i32
    %add3A_166 = arith.constant 375 : i32
    %add3A_167 = arith.addi %mul3A_165, %add3A_166 : i32
    %run_scoped3A_168 = arith.constant 0 : i32
    "tpu.region"() ({
      %run_scoped3A_255 = tpu.sem_alloc : memref<!tpu.dma_semaphore, #tpu.memory_space<semaphore_mem>>
      %dma_start3A_256 = arith.constant 0 : i32
      %dma_start3A_257 = arith.constant 0 : i32
      %dma_start3A_258 = tpu.memref_slice %arg13[%run_scoped3A_168, %dma_start3A_256, %dma_start3A_257] : memref<2x400x64xf32, #tpu.memory_space<vmem>> -> memref<1x400x64xf32, #tpu.memory_space<vmem>>
      %dma_start3A_259 = tpu.memref_squeeze %dma_start3A_258 : memref<1x400x64xf32, #tpu.memory_space<vmem>> -> memref<400x64xf32, #tpu.memory_space<vmem>>
      %dma_start3A_260 = arith.constant 0 : i32
      %dma_start3A_261 = arith.constant 0 : i32
      %dma_start3A_262 = tpu.memref_slice %dma_start3A_259[%dma_start3A_260, %dma_start3A_261] : memref<400x64xf32, #tpu.memory_space<vmem>> -> memref<125x64xf32, #tpu.memory_space<vmem>>
      %dma_start3A_263 = arith.constant 0 : i32
      %dma_start3A_264 = tpu.memref_slice %arg16[%add3A_167, %dma_start3A_263] : memref<10000x64xf32, #tpu.memory_space<vmem_shared>> -> memref<125x64xf32, #tpu.memory_space<vmem_shared>>
      %dma_start3A_265 = arith.constant 0 : i32
      %dma_start3A_266 = tpu.memref_slice %arg16[%add3A_167, %dma_start3A_265] : memref<10000x64xf32, #tpu.memory_space<vmem_shared>> -> memref<125x64xf32, #tpu.memory_space<vmem_shared>>
      %dma_start3A_267 = arith.constant 0 : i32
      %dma_start3A_268 = arith.constant 0 : i32
      %dma_start3A_269 = tpu.memref_slice %arg13[%run_scoped3A_168, %dma_start3A_267, %dma_start3A_268] : memref<2x400x64xf32, #tpu.memory_space<vmem>> -> memref<1x400x64xf32, #tpu.memory_space<vmem>>
      %dma_start3A_270 = tpu.memref_squeeze %dma_start3A_269 : memref<1x400x64xf32, #tpu.memory_space<vmem>> -> memref<400x64xf32, #tpu.memory_space<vmem>>
      %dma_start3A_271 = arith.constant 0 : i32
      %dma_start3A_272 = arith.constant 0 : i32
      %dma_start3A_273 = tpu.memref_slice %dma_start3A_270[%dma_start3A_271, %dma_start3A_272] : memref<400x64xf32, #tpu.memory_space<vmem>> -> memref<125x64xf32, #tpu.memory_space<vmem>>
      tpu.enqueue_dma source(%dma_start3A_273 : memref<125x64xf32, #tpu.memory_space<vmem>>) target(%dma_start3A_266 : memref<125x64xf32, #tpu.memory_space<vmem_shared>>) target_semaphore(%run_scoped3A_255 : memref<!tpu.dma_semaphore, #tpu.memory_space<semaphore_mem>>)
      %dma_wait3A = arith.constant 0 : i32
      %dma_wait3A_274 = arith.constant 0 : i32
      %dma_wait3A_275 = tpu.memref_slice %arg13[%run_scoped3A_168, %dma_wait3A, %dma_wait3A_274] : memref<2x400x64xf32, #tpu.memory_space<vmem>> -> memref<1x400x64xf32, #tpu.memory_space<vmem>>
      %dma_wait3A_276 = tpu.memref_squeeze %dma_wait3A_275 : memref<1x400x64xf32, #tpu.memory_space<vmem>> -> memref<400x64xf32, #tpu.memory_space<vmem>>
      %dma_wait3A_277 = arith.constant 0 : i32
      %dma_wait3A_278 = arith.constant 0 : i32
      %dma_wait3A_279 = tpu.memref_slice %dma_wait3A_276[%dma_wait3A_277, %dma_wait3A_278] : memref<400x64xf32, #tpu.memory_space<vmem>> -> memref<125x64xf32, #tpu.memory_space<vmem>>
      %dma_wait3A_280 = arith.constant 0 : i32
      %dma_wait3A_281 = tpu.memref_slice %arg16[%add3A_167, %dma_wait3A_280] : memref<10000x64xf32, #tpu.memory_space<vmem_shared>> -> memref<125x64xf32, #tpu.memory_space<vmem_shared>>
      %dma_wait3A_282 = arith.constant 0 : i32
      %dma_wait3A_283 = tpu.memref_slice %arg16[%add3A_167, %dma_wait3A_282] : memref<10000x64xf32, #tpu.memory_space<vmem_shared>> -> memref<125x64xf32, #tpu.memory_space<vmem_shared>>
      %dma_wait3A_284 = arith.constant 0 : i32
      %dma_wait3A_285 = arith.constant 0 : i32
      %dma_wait3A_286 = tpu.memref_slice %arg13[%run_scoped3A_168, %dma_wait3A_284, %dma_wait3A_285] : memref<2x400x64xf32, #tpu.memory_space<vmem>> -> memref<1x400x64xf32, #tpu.memory_space<vmem>>
      %dma_wait3A_287 = tpu.memref_squeeze %dma_wait3A_286 : memref<1x400x64xf32, #tpu.memory_space<vmem>> -> memref<400x64xf32, #tpu.memory_space<vmem>>
      %dma_wait3A_288 = arith.constant 0 : i32
      %dma_wait3A_289 = arith.constant 0 : i32
      %dma_wait3A_290 = tpu.memref_slice %dma_wait3A_287[%dma_wait3A_288, %dma_wait3A_289] : memref<400x64xf32, #tpu.memory_space<vmem>> -> memref<125x64xf32, #tpu.memory_space<vmem>>
      tpu.wait_dma2 semaphore(%run_scoped3A_255 : memref<!tpu.dma_semaphore, #tpu.memory_space<semaphore_mem>>) src(%dma_wait3A_290 : memref<125x64xf32, #tpu.memory_space<vmem>>) dst(%dma_wait3A_283 : memref<125x64xf32, #tpu.memory_space<vmem_shared>>)
      tpu.yield
    }) : () -> ()
    %mul3A_169 = arith.constant 625 : i32
    %mul3A_170 = arith.muli %arg1, %mul3A_169 : i32
    %add3A_171 = arith.constant 500 : i32
    %add3A_172 = arith.addi %mul3A_170, %add3A_171 : i32
    %run_scoped3A_173 = arith.constant 0 : i32
    "tpu.region"() ({
      %run_scoped3A_255 = tpu.sem_alloc : memref<!tpu.dma_semaphore, #tpu.memory_space<semaphore_mem>>
      %dma_start3A_256 = arith.constant 0 : i32
      %dma_start3A_257 = arith.constant 0 : i32
      %dma_start3A_258 = tpu.memref_slice %arg13[%run_scoped3A_173, %dma_start3A_256, %dma_start3A_257] : memref<2x400x64xf32, #tpu.memory_space<vmem>> -> memref<1x400x64xf32, #tpu.memory_space<vmem>>
      %dma_start3A_259 = tpu.memref_squeeze %dma_start3A_258 : memref<1x400x64xf32, #tpu.memory_space<vmem>> -> memref<400x64xf32, #tpu.memory_space<vmem>>
      %dma_start3A_260 = arith.constant 0 : i32
      %dma_start3A_261 = arith.constant 0 : i32
      %dma_start3A_262 = tpu.memref_slice %dma_start3A_259[%dma_start3A_260, %dma_start3A_261] : memref<400x64xf32, #tpu.memory_space<vmem>> -> memref<125x64xf32, #tpu.memory_space<vmem>>
      %dma_start3A_263 = arith.constant 0 : i32
      %dma_start3A_264 = tpu.memref_slice %arg16[%add3A_172, %dma_start3A_263] : memref<10000x64xf32, #tpu.memory_space<vmem_shared>> -> memref<125x64xf32, #tpu.memory_space<vmem_shared>>
      %dma_start3A_265 = arith.constant 0 : i32
      %dma_start3A_266 = tpu.memref_slice %arg16[%add3A_172, %dma_start3A_265] : memref<10000x64xf32, #tpu.memory_space<vmem_shared>> -> memref<125x64xf32, #tpu.memory_space<vmem_shared>>
      %dma_start3A_267 = arith.constant 0 : i32
      %dma_start3A_268 = arith.constant 0 : i32
      %dma_start3A_269 = tpu.memref_slice %arg13[%run_scoped3A_173, %dma_start3A_267, %dma_start3A_268] : memref<2x400x64xf32, #tpu.memory_space<vmem>> -> memref<1x400x64xf32, #tpu.memory_space<vmem>>
      %dma_start3A_270 = tpu.memref_squeeze %dma_start3A_269 : memref<1x400x64xf32, #tpu.memory_space<vmem>> -> memref<400x64xf32, #tpu.memory_space<vmem>>
      %dma_start3A_271 = arith.constant 0 : i32
      %dma_start3A_272 = arith.constant 0 : i32
      %dma_start3A_273 = tpu.memref_slice %dma_start3A_270[%dma_start3A_271, %dma_start3A_272] : memref<400x64xf32, #tpu.memory_space<vmem>> -> memref<125x64xf32, #tpu.memory_space<vmem>>
      tpu.enqueue_dma source(%dma_start3A_273 : memref<125x64xf32, #tpu.memory_space<vmem>>) target(%dma_start3A_266 : memref<125x64xf32, #tpu.memory_space<vmem_shared>>) target_semaphore(%run_scoped3A_255 : memref<!tpu.dma_semaphore, #tpu.memory_space<semaphore_mem>>)
      %dma_wait3A = arith.constant 0 : i32
      %dma_wait3A_274 = arith.constant 0 : i32
      %dma_wait3A_275 = tpu.memref_slice %arg13[%run_scoped3A_173, %dma_wait3A, %dma_wait3A_274] : memref<2x400x64xf32, #tpu.memory_space<vmem>> -> memref<1x400x64xf32, #tpu.memory_space<vmem>>
      %dma_wait3A_276 = tpu.memref_squeeze %dma_wait3A_275 : memref<1x400x64xf32, #tpu.memory_space<vmem>> -> memref<400x64xf32, #tpu.memory_space<vmem>>
      %dma_wait3A_277 = arith.constant 0 : i32
      %dma_wait3A_278 = arith.constant 0 : i32
      %dma_wait3A_279 = tpu.memref_slice %dma_wait3A_276[%dma_wait3A_277, %dma_wait3A_278] : memref<400x64xf32, #tpu.memory_space<vmem>> -> memref<125x64xf32, #tpu.memory_space<vmem>>
      %dma_wait3A_280 = arith.constant 0 : i32
      %dma_wait3A_281 = tpu.memref_slice %arg16[%add3A_172, %dma_wait3A_280] : memref<10000x64xf32, #tpu.memory_space<vmem_shared>> -> memref<125x64xf32, #tpu.memory_space<vmem_shared>>
      %dma_wait3A_282 = arith.constant 0 : i32
      %dma_wait3A_283 = tpu.memref_slice %arg16[%add3A_172, %dma_wait3A_282] : memref<10000x64xf32, #tpu.memory_space<vmem_shared>> -> memref<125x64xf32, #tpu.memory_space<vmem_shared>>
      %dma_wait3A_284 = arith.constant 0 : i32
      %dma_wait3A_285 = arith.constant 0 : i32
      %dma_wait3A_286 = tpu.memref_slice %arg13[%run_scoped3A_173, %dma_wait3A_284, %dma_wait3A_285] : memref<2x400x64xf32, #tpu.memory_space<vmem>> -> memref<1x400x64xf32, #tpu.memory_space<vmem>>
      %dma_wait3A_287 = tpu.memref_squeeze %dma_wait3A_286 : memref<1x400x64xf32, #tpu.memory_space<vmem>> -> memref<400x64xf32, #tpu.memory_space<vmem>>
      %dma_wait3A_288 = arith.constant 0 : i32
      %dma_wait3A_289 = arith.constant 0 : i32
      %dma_wait3A_290 = tpu.memref_slice %dma_wait3A_287[%dma_wait3A_288, %dma_wait3A_289] : memref<400x64xf32, #tpu.memory_space<vmem>> -> memref<125x64xf32, #tpu.memory_space<vmem>>
      tpu.wait_dma2 semaphore(%run_scoped3A_255 : memref<!tpu.dma_semaphore, #tpu.memory_space<semaphore_mem>>) src(%dma_wait3A_290 : memref<125x64xf32, #tpu.memory_space<vmem>>) dst(%dma_wait3A_283 : memref<125x64xf32, #tpu.memory_space<vmem_shared>>)
      tpu.yield
    }) : () -> ()
    %mul3A_174 = arith.constant 640 : i32
    %mul3A_175 = arith.muli %arg1, %mul3A_174 : i32
    %run_scoped3A_176 = arith.constant 0 : i32
    "tpu.region"() ({
      %run_scoped3A_255 = tpu.sem_alloc : memref<!tpu.dma_semaphore, #tpu.memory_space<semaphore_mem>>
      %dma_start3A_256 = arith.constant 0 : i32
      %dma_start3A_257 = tpu.memref_slice %arg12[%run_scoped3A_176, %dma_start3A_256] : memref<2x400xf32, #tpu.memory_space<vmem>> -> memref<1x400xf32, #tpu.memory_space<vmem>>
      %dma_start3A_258 = tpu.memref_squeeze %dma_start3A_257 : memref<1x400xf32, #tpu.memory_space<vmem>> -> memref<400xf32, #tpu.memory_space<vmem>>
      %dma_start3A_259 = tpu.memref_slice %arg17[%mul3A_175] : memref<10240xf32, #tpu.memory_space<vmem_shared>> -> memref<400xf32, #tpu.memory_space<vmem_shared>>
      %dma_start3A_260 = tpu.memref_slice %arg17[%mul3A_175] : memref<10240xf32, #tpu.memory_space<vmem_shared>> -> memref<400xf32, #tpu.memory_space<vmem_shared>>
      %dma_start3A_261 = arith.constant 0 : i32
      %dma_start3A_262 = tpu.memref_slice %arg12[%run_scoped3A_176, %dma_start3A_261] : memref<2x400xf32, #tpu.memory_space<vmem>> -> memref<1x400xf32, #tpu.memory_space<vmem>>
      %dma_start3A_263 = tpu.memref_squeeze %dma_start3A_262 : memref<1x400xf32, #tpu.memory_space<vmem>> -> memref<400xf32, #tpu.memory_space<vmem>>
      tpu.enqueue_dma source(%dma_start3A_263 : memref<400xf32, #tpu.memory_space<vmem>>) target(%dma_start3A_260 : memref<400xf32, #tpu.memory_space<vmem_shared>>) target_semaphore(%run_scoped3A_255 : memref<!tpu.dma_semaphore, #tpu.memory_space<semaphore_mem>>)
      %dma_wait3A = arith.constant 0 : i32
      %dma_wait3A_264 = tpu.memref_slice %arg12[%run_scoped3A_176, %dma_wait3A] : memref<2x400xf32, #tpu.memory_space<vmem>> -> memref<1x400xf32, #tpu.memory_space<vmem>>
      %dma_wait3A_265 = tpu.memref_squeeze %dma_wait3A_264 : memref<1x400xf32, #tpu.memory_space<vmem>> -> memref<400xf32, #tpu.memory_space<vmem>>
      %dma_wait3A_266 = tpu.memref_slice %arg17[%mul3A_175] : memref<10240xf32, #tpu.memory_space<vmem_shared>> -> memref<400xf32, #tpu.memory_space<vmem_shared>>
      %dma_wait3A_267 = tpu.memref_slice %arg17[%mul3A_175] : memref<10240xf32, #tpu.memory_space<vmem_shared>> -> memref<400xf32, #tpu.memory_space<vmem_shared>>
      %dma_wait3A_268 = arith.constant 0 : i32
      %dma_wait3A_269 = tpu.memref_slice %arg12[%run_scoped3A_176, %dma_wait3A_268] : memref<2x400xf32, #tpu.memory_space<vmem>> -> memref<1x400xf32, #tpu.memory_space<vmem>>
      %dma_wait3A_270 = tpu.memref_squeeze %dma_wait3A_269 : memref<1x400xf32, #tpu.memory_space<vmem>> -> memref<400xf32, #tpu.memory_space<vmem>>
      tpu.wait_dma2 semaphore(%run_scoped3A_255 : memref<!tpu.dma_semaphore, #tpu.memory_space<semaphore_mem>>) src(%dma_wait3A_270 : memref<400xf32, #tpu.memory_space<vmem>>) dst(%dma_wait3A_267 : memref<400xf32, #tpu.memory_space<vmem_shared>>)
      tpu.yield
    }) : () -> ()
    %mul3A_177 = arith.constant 640 : i32
    %mul3A_178 = arith.muli %arg1, %mul3A_177 : i32
    %add3A_179 = arith.constant 400 : i32
    %add3A_180 = arith.addi %mul3A_178, %add3A_179 : i32
    %run_scoped3A_181 = arith.constant 0 : i32
    "tpu.region"() ({
      %run_scoped3A_255 = tpu.sem_alloc : memref<!tpu.dma_semaphore, #tpu.memory_space<semaphore_mem>>
      %dma_start3A_256 = arith.constant 0 : i32
      %dma_start3A_257 = tpu.memref_slice %arg12[%run_scoped3A_181, %dma_start3A_256] : memref<2x400xf32, #tpu.memory_space<vmem>> -> memref<1x400xf32, #tpu.memory_space<vmem>>
      %dma_start3A_258 = tpu.memref_squeeze %dma_start3A_257 : memref<1x400xf32, #tpu.memory_space<vmem>> -> memref<400xf32, #tpu.memory_space<vmem>>
      %dma_start3A_259 = arith.constant 0 : i32
      %dma_start3A_260 = tpu.memref_slice %dma_start3A_258[%dma_start3A_259] : memref<400xf32, #tpu.memory_space<vmem>> -> memref<240xf32, #tpu.memory_space<vmem>>
      %dma_start3A_261 = tpu.memref_slice %arg17[%add3A_180] : memref<10240xf32, #tpu.memory_space<vmem_shared>> -> memref<240xf32, #tpu.memory_space<vmem_shared>>
      %dma_start3A_262 = tpu.memref_slice %arg17[%add3A_180] : memref<10240xf32, #tpu.memory_space<vmem_shared>> -> memref<240xf32, #tpu.memory_space<vmem_shared>>
      %dma_start3A_263 = arith.constant 0 : i32
      %dma_start3A_264 = tpu.memref_slice %arg12[%run_scoped3A_181, %dma_start3A_263] : memref<2x400xf32, #tpu.memory_space<vmem>> -> memref<1x400xf32, #tpu.memory_space<vmem>>
      %dma_start3A_265 = tpu.memref_squeeze %dma_start3A_264 : memref<1x400xf32, #tpu.memory_space<vmem>> -> memref<400xf32, #tpu.memory_space<vmem>>
      %dma_start3A_266 = arith.constant 0 : i32
      %dma_start3A_267 = tpu.memref_slice %dma_start3A_265[%dma_start3A_266] : memref<400xf32, #tpu.memory_space<vmem>> -> memref<240xf32, #tpu.memory_space<vmem>>
      tpu.enqueue_dma source(%dma_start3A_267 : memref<240xf32, #tpu.memory_space<vmem>>) target(%dma_start3A_262 : memref<240xf32, #tpu.memory_space<vmem_shared>>) target_semaphore(%run_scoped3A_255 : memref<!tpu.dma_semaphore, #tpu.memory_space<semaphore_mem>>)
      %dma_wait3A = arith.constant 0 : i32
      %dma_wait3A_268 = tpu.memref_slice %arg12[%run_scoped3A_181, %dma_wait3A] : memref<2x400xf32, #tpu.memory_space<vmem>> -> memref<1x400xf32, #tpu.memory_space<vmem>>
      %dma_wait3A_269 = tpu.memref_squeeze %dma_wait3A_268 : memref<1x400xf32, #tpu.memory_space<vmem>> -> memref<400xf32, #tpu.memory_space<vmem>>
      %dma_wait3A_270 = arith.constant 0 : i32
      %dma_wait3A_271 = tpu.memref_slice %dma_wait3A_269[%dma_wait3A_270] : memref<400xf32, #tpu.memory_space<vmem>> -> memref<240xf32, #tpu.memory_space<vmem>>
      %dma_wait3A_272 = tpu.memref_slice %arg17[%add3A_180] : memref<10240xf32, #tpu.memory_space<vmem_shared>> -> memref<240xf32, #tpu.memory_space<vmem_shared>>
      %dma_wait3A_273 = tpu.memref_slice %arg17[%add3A_180] : memref<10240xf32, #tpu.memory_space<vmem_shared>> -> memref<240xf32, #tpu.memory_space<vmem_shared>>
      %dma_wait3A_274 = arith.constant 0 : i32
      %dma_wait3A_275 = tpu.memref_slice %arg12[%run_scoped3A_181, %dma_wait3A_274] : memref<2x400xf32, #tpu.memory_space<vmem>> -> memref<1x400xf32, #tpu.memory_space<vmem>>
      %dma_wait3A_276 = tpu.memref_squeeze %dma_wait3A_275 : memref<1x400xf32, #tpu.memory_space<vmem>> -> memref<400xf32, #tpu.memory_space<vmem>>
      %dma_wait3A_277 = arith.constant 0 : i32
      %dma_wait3A_278 = tpu.memref_slice %dma_wait3A_276[%dma_wait3A_277] : memref<400xf32, #tpu.memory_space<vmem>> -> memref<240xf32, #tpu.memory_space<vmem>>
      tpu.wait_dma2 semaphore(%run_scoped3A_255 : memref<!tpu.dma_semaphore, #tpu.memory_space<semaphore_mem>>) src(%dma_wait3A_278 : memref<240xf32, #tpu.memory_space<vmem>>) dst(%dma_wait3A_273 : memref<240xf32, #tpu.memory_space<vmem_shared>>)
      tpu.yield
    }) : () -> ()
    %run_scoped3A_182 = arith.constant 0 : i32
    "tpu.region"() ({
      %run_scoped3A_255 = tpu.sem_alloc : memref<!tpu.dma_semaphore, #tpu.memory_space<semaphore_mem>>
      %dma_start3A_256 = arith.constant 0 : i32
      %dma_start3A_257 = tpu.memref_slice %arg3[%run_scoped3A_182, %dma_start3A_256] : memref<2x10000xf32, #tpu.memory_space<hbm>> -> memref<1x10000xf32, #tpu.memory_space<hbm>>
      %dma_start3A_258 = tpu.memref_squeeze %dma_start3A_257 : memref<1x10000xf32, #tpu.memory_space<hbm>> -> memref<10000xf32, #tpu.memory_space<hbm>>
      %dma_start3A_259 = arith.constant 0 : i32
      %dma_start3A_260 = tpu.memref_slice %arg3[%run_scoped3A_182, %dma_start3A_259] : memref<2x10000xf32, #tpu.memory_space<hbm>> -> memref<1x10000xf32, #tpu.memory_space<hbm>>
      %dma_start3A_261 = tpu.memref_squeeze %dma_start3A_260 : memref<1x10000xf32, #tpu.memory_space<hbm>> -> memref<10000xf32, #tpu.memory_space<hbm>>
      tpu.enqueue_dma source(%dma_start3A_261 : memref<10000xf32, #tpu.memory_space<hbm>>) target(%arg8 : memref<10000xf32, #tpu.memory_space<vmem>>) target_semaphore(%run_scoped3A_255 : memref<!tpu.dma_semaphore, #tpu.memory_space<semaphore_mem>>)
      %dma_wait3A = arith.constant 0 : i32
      %dma_wait3A_262 = tpu.memref_slice %arg3[%run_scoped3A_182, %dma_wait3A] : memref<2x10000xf32, #tpu.memory_space<hbm>> -> memref<1x10000xf32, #tpu.memory_space<hbm>>
      %dma_wait3A_263 = tpu.memref_squeeze %dma_wait3A_262 : memref<1x10000xf32, #tpu.memory_space<hbm>> -> memref<10000xf32, #tpu.memory_space<hbm>>
      %dma_wait3A_264 = arith.constant 0 : i32
      %dma_wait3A_265 = tpu.memref_slice %arg3[%run_scoped3A_182, %dma_wait3A_264] : memref<2x10000xf32, #tpu.memory_space<hbm>> -> memref<1x10000xf32, #tpu.memory_space<hbm>>
      %dma_wait3A_266 = tpu.memref_squeeze %dma_wait3A_265 : memref<1x10000xf32, #tpu.memory_space<hbm>> -> memref<10000xf32, #tpu.memory_space<hbm>>
      tpu.wait_dma2 semaphore(%run_scoped3A_255 : memref<!tpu.dma_semaphore, #tpu.memory_space<semaphore_mem>>) src(%dma_wait3A_266 : memref<10000xf32, #tpu.memory_space<hbm>>) dst(%arg8 : memref<10000xf32, #tpu.memory_space<vmem>>)
      tpu.yield
    }) : () -> ()
    %run_scoped3A_183 = arith.constant 1 : i32
    "tpu.region"() ({
      %run_scoped3A_255 = tpu.sem_alloc : memref<!tpu.dma_semaphore, #tpu.memory_space<semaphore_mem>>
      %dma_start3A_256 = arith.constant 0 : i32
      %dma_start3A_257 = tpu.memref_slice %arg3[%run_scoped3A_183, %dma_start3A_256] : memref<2x10000xf32, #tpu.memory_space<hbm>> -> memref<1x10000xf32, #tpu.memory_space<hbm>>
      %dma_start3A_258 = tpu.memref_squeeze %dma_start3A_257 : memref<1x10000xf32, #tpu.memory_space<hbm>> -> memref<10000xf32, #tpu.memory_space<hbm>>
      %dma_start3A_259 = arith.constant 0 : i32
      %dma_start3A_260 = tpu.memref_slice %arg3[%run_scoped3A_183, %dma_start3A_259] : memref<2x10000xf32, #tpu.memory_space<hbm>> -> memref<1x10000xf32, #tpu.memory_space<hbm>>
      %dma_start3A_261 = tpu.memref_squeeze %dma_start3A_260 : memref<1x10000xf32, #tpu.memory_space<hbm>> -> memref<10000xf32, #tpu.memory_space<hbm>>
      tpu.enqueue_dma source(%dma_start3A_261 : memref<10000xf32, #tpu.memory_space<hbm>>) target(%arg9 : memref<10000xf32, #tpu.memory_space<vmem>>) target_semaphore(%run_scoped3A_255 : memref<!tpu.dma_semaphore, #tpu.memory_space<semaphore_mem>>)
      %dma_wait3A = arith.constant 0 : i32
      %dma_wait3A_262 = tpu.memref_slice %arg3[%run_scoped3A_183, %dma_wait3A] : memref<2x10000xf32, #tpu.memory_space<hbm>> -> memref<1x10000xf32, #tpu.memory_space<hbm>>
      %dma_wait3A_263 = tpu.memref_squeeze %dma_wait3A_262 : memref<1x10000xf32, #tpu.memory_space<hbm>> -> memref<10000xf32, #tpu.memory_space<hbm>>
      %dma_wait3A_264 = arith.constant 0 : i32
      %dma_wait3A_265 = tpu.memref_slice %arg3[%run_scoped3A_183, %dma_wait3A_264] : memref<2x10000xf32, #tpu.memory_space<hbm>> -> memref<1x10000xf32, #tpu.memory_space<hbm>>
      %dma_wait3A_266 = tpu.memref_squeeze %dma_wait3A_265 : memref<1x10000xf32, #tpu.memory_space<hbm>> -> memref<10000xf32, #tpu.memory_space<hbm>>
      tpu.wait_dma2 semaphore(%run_scoped3A_255 : memref<!tpu.dma_semaphore, #tpu.memory_space<semaphore_mem>>) src(%dma_wait3A_266 : memref<10000xf32, #tpu.memory_space<hbm>>) dst(%arg9 : memref<10000xf32, #tpu.memory_space<vmem>>)
      tpu.yield
    }) : () -> ()
    %barrier3A = arith.constant 0 : index
    tpu.barrier barrier_id(%barrier3A)
    %run_scoped3A_184 = arith.constant 0 : i32
    %run_scoped3A_185 = arith.constant 0 : i32
    "tpu.region"() ({
      %run_scoped3A_255 = tpu.sem_alloc : memref<!tpu.dma_semaphore, #tpu.memory_space<semaphore_mem>>
      %dma_start3A_256 = arith.constant 0 : i32
      %dma_start3A_257 = tpu.memref_slice %arg10[%run_scoped3A_185, %dma_start3A_256] : memref<2x400xi32, #tpu.memory_space<vmem>> -> memref<1x400xi32, #tpu.memory_space<vmem>>
      %dma_start3A_258 = tpu.memref_squeeze %dma_start3A_257 : memref<1x400xi32, #tpu.memory_space<vmem>> -> memref<400xi32, #tpu.memory_space<vmem>>
      %dma_start3A_259 = arith.constant 0 : i32
      %dma_start3A_260 = arith.constant 0 : i32
      %dma_start3A_261 = tpu.memref_slice %arg4[%arg1, %dma_start3A_259, %dma_start3A_260] : memref<16x50x400xi32, #tpu.memory_space<hbm>> -> memref<1x50x400xi32, #tpu.memory_space<hbm>>
      %dma_start3A_262 = tpu.memref_squeeze %dma_start3A_261 : memref<1x50x400xi32, #tpu.memory_space<hbm>> -> memref<50x400xi32, #tpu.memory_space<hbm>>
      %dma_start3A_263 = arith.constant 0 : i32
      %dma_start3A_264 = tpu.memref_slice %dma_start3A_262[%run_scoped3A_184, %dma_start3A_263] : memref<50x400xi32, #tpu.memory_space<hbm>> -> memref<1x400xi32, #tpu.memory_space<hbm>>
      %dma_start3A_265 = tpu.memref_squeeze %dma_start3A_264 : memref<1x400xi32, #tpu.memory_space<hbm>> -> memref<400xi32, #tpu.memory_space<hbm>>
      %dma_start3A_266 = arith.constant 0 : i32
      %dma_start3A_267 = tpu.memref_slice %arg10[%run_scoped3A_185, %dma_start3A_266] : memref<2x400xi32, #tpu.memory_space<vmem>> -> memref<1x400xi32, #tpu.memory_space<vmem>>
      %dma_start3A_268 = tpu.memref_squeeze %dma_start3A_267 : memref<1x400xi32, #tpu.memory_space<vmem>> -> memref<400xi32, #tpu.memory_space<vmem>>
      %dma_start3A_269 = arith.constant 0 : i32
      %dma_start3A_270 = arith.constant 0 : i32
      %dma_start3A_271 = tpu.memref_slice %arg4[%arg1, %dma_start3A_269, %dma_start3A_270] : memref<16x50x400xi32, #tpu.memory_space<hbm>> -> memref<1x50x400xi32, #tpu.memory_space<hbm>>
      %dma_start3A_272 = tpu.memref_squeeze %dma_start3A_271 : memref<1x50x400xi32, #tpu.memory_space<hbm>> -> memref<50x400xi32, #tpu.memory_space<hbm>>
      %dma_start3A_273 = arith.constant 0 : i32
      %dma_start3A_274 = tpu.memref_slice %dma_start3A_272[%run_scoped3A_184, %dma_start3A_273] : memref<50x400xi32, #tpu.memory_space<hbm>> -> memref<1x400xi32, #tpu.memory_space<hbm>>
      %dma_start3A_275 = tpu.memref_squeeze %dma_start3A_274 : memref<1x400xi32, #tpu.memory_space<hbm>> -> memref<400xi32, #tpu.memory_space<hbm>>
      tpu.enqueue_dma source(%dma_start3A_275 : memref<400xi32, #tpu.memory_space<hbm>>) target(%dma_start3A_268 : memref<400xi32, #tpu.memory_space<vmem>>) target_semaphore(%run_scoped3A_255 : memref<!tpu.dma_semaphore, #tpu.memory_space<semaphore_mem>>)
      %dma_wait3A = arith.constant 0 : i32
      %dma_wait3A_276 = tpu.memref_slice %arg10[%run_scoped3A_185, %dma_wait3A] : memref<2x400xi32, #tpu.memory_space<vmem>> -> memref<1x400xi32, #tpu.memory_space<vmem>>
      %dma_wait3A_277 = tpu.memref_squeeze %dma_wait3A_276 : memref<1x400xi32, #tpu.memory_space<vmem>> -> memref<400xi32, #tpu.memory_space<vmem>>
      %dma_wait3A_278 = arith.constant 0 : i32
      %dma_wait3A_279 = arith.constant 0 : i32
      %dma_wait3A_280 = tpu.memref_slice %arg4[%arg1, %dma_wait3A_278, %dma_wait3A_279] : memref<16x50x400xi32, #tpu.memory_space<hbm>> -> memref<1x50x400xi32, #tpu.memory_space<hbm>>
      %dma_wait3A_281 = tpu.memref_squeeze %dma_wait3A_280 : memref<1x50x400xi32, #tpu.memory_space<hbm>> -> memref<50x400xi32, #tpu.memory_space<hbm>>
      %dma_wait3A_282 = arith.constant 0 : i32
      %dma_wait3A_283 = tpu.memref_slice %dma_wait3A_281[%run_scoped3A_184, %dma_wait3A_282] : memref<50x400xi32, #tpu.memory_space<hbm>> -> memref<1x400xi32, #tpu.memory_space<hbm>>
      %dma_wait3A_284 = tpu.memref_squeeze %dma_wait3A_283 : memref<1x400xi32, #tpu.memory_space<hbm>> -> memref<400xi32, #tpu.memory_space<hbm>>
      %dma_wait3A_285 = arith.constant 0 : i32
      %dma_wait3A_286 = tpu.memref_slice %arg10[%run_scoped3A_185, %dma_wait3A_285] : memref<2x400xi32, #tpu.memory_space<vmem>> -> memref<1x400xi32, #tpu.memory_space<vmem>>
      %dma_wait3A_287 = tpu.memref_squeeze %dma_wait3A_286 : memref<1x400xi32, #tpu.memory_space<vmem>> -> memref<400xi32, #tpu.memory_space<vmem>>
      %dma_wait3A_288 = arith.constant 0 : i32
      %dma_wait3A_289 = arith.constant 0 : i32
      %dma_wait3A_290 = tpu.memref_slice %arg4[%arg1, %dma_wait3A_288, %dma_wait3A_289] : memref<16x50x400xi32, #tpu.memory_space<hbm>> -> memref<1x50x400xi32, #tpu.memory_space<hbm>>
      %dma_wait3A_291 = tpu.memref_squeeze %dma_wait3A_290 : memref<1x50x400xi32, #tpu.memory_space<hbm>> -> memref<50x400xi32, #tpu.memory_space<hbm>>
      %dma_wait3A_292 = arith.constant 0 : i32
      %dma_wait3A_293 = tpu.memref_slice %dma_wait3A_291[%run_scoped3A_184, %dma_wait3A_292] : memref<50x400xi32, #tpu.memory_space<hbm>> -> memref<1x400xi32, #tpu.memory_space<hbm>>
      %dma_wait3A_294 = tpu.memref_squeeze %dma_wait3A_293 : memref<1x400xi32, #tpu.memory_space<hbm>> -> memref<400xi32, #tpu.memory_space<hbm>>
      tpu.wait_dma2 semaphore(%run_scoped3A_255 : memref<!tpu.dma_semaphore, #tpu.memory_space<semaphore_mem>>) src(%dma_wait3A_294 : memref<400xi32, #tpu.memory_space<hbm>>) dst(%dma_wait3A_287 : memref<400xi32, #tpu.memory_space<vmem>>)
      tpu.yield
    }) : () -> ()
    %run_scoped3A_186 = arith.constant 0 : i32
    %run_scoped3A_187 = arith.constant 0 : i32
    "tpu.region"() ({
      %run_scoped3A_255 = tpu.sem_alloc : memref<!tpu.dma_semaphore, #tpu.memory_space<semaphore_mem>>
      %dma_start3A_256 = arith.constant 0 : i32
      %dma_start3A_257 = tpu.memref_slice %arg11[%run_scoped3A_187, %dma_start3A_256] : memref<2x400xi32, #tpu.memory_space<vmem>> -> memref<1x400xi32, #tpu.memory_space<vmem>>
      %dma_start3A_258 = tpu.memref_squeeze %dma_start3A_257 : memref<1x400xi32, #tpu.memory_space<vmem>> -> memref<400xi32, #tpu.memory_space<vmem>>
      %dma_start3A_259 = arith.constant 0 : i32
      %dma_start3A_260 = arith.constant 0 : i32
      %dma_start3A_261 = tpu.memref_slice %arg5[%arg1, %dma_start3A_259, %dma_start3A_260] : memref<16x50x400xi32, #tpu.memory_space<hbm>> -> memref<1x50x400xi32, #tpu.memory_space<hbm>>
      %dma_start3A_262 = tpu.memref_squeeze %dma_start3A_261 : memref<1x50x400xi32, #tpu.memory_space<hbm>> -> memref<50x400xi32, #tpu.memory_space<hbm>>
      %dma_start3A_263 = arith.constant 0 : i32
      %dma_start3A_264 = tpu.memref_slice %dma_start3A_262[%run_scoped3A_186, %dma_start3A_263] : memref<50x400xi32, #tpu.memory_space<hbm>> -> memref<1x400xi32, #tpu.memory_space<hbm>>
      %dma_start3A_265 = tpu.memref_squeeze %dma_start3A_264 : memref<1x400xi32, #tpu.memory_space<hbm>> -> memref<400xi32, #tpu.memory_space<hbm>>
      %dma_start3A_266 = arith.constant 0 : i32
      %dma_start3A_267 = tpu.memref_slice %arg11[%run_scoped3A_187, %dma_start3A_266] : memref<2x400xi32, #tpu.memory_space<vmem>> -> memref<1x400xi32, #tpu.memory_space<vmem>>
      %dma_start3A_268 = tpu.memref_squeeze %dma_start3A_267 : memref<1x400xi32, #tpu.memory_space<vmem>> -> memref<400xi32, #tpu.memory_space<vmem>>
      %dma_start3A_269 = arith.constant 0 : i32
      %dma_start3A_270 = arith.constant 0 : i32
      %dma_start3A_271 = tpu.memref_slice %arg5[%arg1, %dma_start3A_269, %dma_start3A_270] : memref<16x50x400xi32, #tpu.memory_space<hbm>> -> memref<1x50x400xi32, #tpu.memory_space<hbm>>
      %dma_start3A_272 = tpu.memref_squeeze %dma_start3A_271 : memref<1x50x400xi32, #tpu.memory_space<hbm>> -> memref<50x400xi32, #tpu.memory_space<hbm>>
      %dma_start3A_273 = arith.constant 0 : i32
      %dma_start3A_274 = tpu.memref_slice %dma_start3A_272[%run_scoped3A_186, %dma_start3A_273] : memref<50x400xi32, #tpu.memory_space<hbm>> -> memref<1x400xi32, #tpu.memory_space<hbm>>
      %dma_start3A_275 = tpu.memref_squeeze %dma_start3A_274 : memref<1x400xi32, #tpu.memory_space<hbm>> -> memref<400xi32, #tpu.memory_space<hbm>>
      tpu.enqueue_dma source(%dma_start3A_275 : memref<400xi32, #tpu.memory_space<hbm>>) target(%dma_start3A_268 : memref<400xi32, #tpu.memory_space<vmem>>) target_semaphore(%run_scoped3A_255 : memref<!tpu.dma_semaphore, #tpu.memory_space<semaphore_mem>>)
      %dma_wait3A = arith.constant 0 : i32
      %dma_wait3A_276 = tpu.memref_slice %arg11[%run_scoped3A_187, %dma_wait3A] : memref<2x400xi32, #tpu.memory_space<vmem>> -> memref<1x400xi32, #tpu.memory_space<vmem>>
      %dma_wait3A_277 = tpu.memref_squeeze %dma_wait3A_276 : memref<1x400xi32, #tpu.memory_space<vmem>> -> memref<400xi32, #tpu.memory_space<vmem>>
      %dma_wait3A_278 = arith.constant 0 : i32
      %dma_wait3A_279 = arith.constant 0 : i32
      %dma_wait3A_280 = tpu.memref_slice %arg5[%arg1, %dma_wait3A_278, %dma_wait3A_279] : memref<16x50x400xi32, #tpu.memory_space<hbm>> -> memref<1x50x400xi32, #tpu.memory_space<hbm>>
      %dma_wait3A_281 = tpu.memref_squeeze %dma_wait3A_280 : memref<1x50x400xi32, #tpu.memory_space<hbm>> -> memref<50x400xi32, #tpu.memory_space<hbm>>
      %dma_wait3A_282 = arith.constant 0 : i32
      %dma_wait3A_283 = tpu.memref_slice %dma_wait3A_281[%run_scoped3A_186, %dma_wait3A_282] : memref<50x400xi32, #tpu.memory_space<hbm>> -> memref<1x400xi32, #tpu.memory_space<hbm>>
      %dma_wait3A_284 = tpu.memref_squeeze %dma_wait3A_283 : memref<1x400xi32, #tpu.memory_space<hbm>> -> memref<400xi32, #tpu.memory_space<hbm>>
      %dma_wait3A_285 = arith.constant 0 : i32
      %dma_wait3A_286 = tpu.memref_slice %arg11[%run_scoped3A_187, %dma_wait3A_285] : memref<2x400xi32, #tpu.memory_space<vmem>> -> memref<1x400xi32, #tpu.memory_space<vmem>>
      %dma_wait3A_287 = tpu.memref_squeeze %dma_wait3A_286 : memref<1x400xi32, #tpu.memory_space<vmem>> -> memref<400xi32, #tpu.memory_space<vmem>>
      %dma_wait3A_288 = arith.constant 0 : i32
      %dma_wait3A_289 = arith.constant 0 : i32
      %dma_wait3A_290 = tpu.memref_slice %arg5[%arg1, %dma_wait3A_288, %dma_wait3A_289] : memref<16x50x400xi32, #tpu.memory_space<hbm>> -> memref<1x50x400xi32, #tpu.memory_space<hbm>>
      %dma_wait3A_291 = tpu.memref_squeeze %dma_wait3A_290 : memref<1x50x400xi32, #tpu.memory_space<hbm>> -> memref<50x400xi32, #tpu.memory_space<hbm>>
      %dma_wait3A_292 = arith.constant 0 : i32
      %dma_wait3A_293 = tpu.memref_slice %dma_wait3A_291[%run_scoped3A_186, %dma_wait3A_292] : memref<50x400xi32, #tpu.memory_space<hbm>> -> memref<1x400xi32, #tpu.memory_space<hbm>>
      %dma_wait3A_294 = tpu.memref_squeeze %dma_wait3A_293 : memref<1x400xi32, #tpu.memory_space<hbm>> -> memref<400xi32, #tpu.memory_space<hbm>>
      tpu.wait_dma2 semaphore(%run_scoped3A_255 : memref<!tpu.dma_semaphore, #tpu.memory_space<semaphore_mem>>) src(%dma_wait3A_294 : memref<400xi32, #tpu.memory_space<hbm>>) dst(%dma_wait3A_287 : memref<400xi32, #tpu.memory_space<vmem>>)
      tpu.yield
    }) : () -> ()
    %dma_start3A = arith.constant 0 : i32
    %dma_start3A_188 = arith.constant 0 : i32
    %dma_start3A_189 = arith.constant 0 : i32
    %dma_start3A_190 = arith.constant 0 : i32
    %dma_start3A_191 = tpu.memref_slice %arg13[%dma_start3A_188, %dma_start3A_189, %dma_start3A_190] : memref<2x400x64xf32, #tpu.memory_space<vmem>> -> memref<1x400x64xf32, #tpu.memory_space<vmem>>
    %dma_start3A_192 = tpu.memref_squeeze %dma_start3A_191 : memref<1x400x64xf32, #tpu.memory_space<vmem>> -> memref<400x64xf32, #tpu.memory_space<vmem>>
    %dma_start3A_193 = arith.constant 0 : i32
    %dma_start3A_194 = tpu.memref_slice %arg10[%dma_start3A, %dma_start3A_193] : memref<2x400xi32, #tpu.memory_space<vmem>> -> memref<1x400xi32, #tpu.memory_space<vmem>>
    %dma_start3A_195 = tpu.memref_squeeze %dma_start3A_194 : memref<1x400xi32, #tpu.memory_space<vmem>> -> memref<400xi32, #tpu.memory_space<vmem>>
    %dma_start3A_196 = arith.constant 0 : i32
    %dma_start3A_197 = arith.constant 0 : i32
    %dma_start3A_198 = tpu.memref_slice %arg2[%arg0, %dma_start3A_196, %dma_start3A_197] : memref<2x10000x64xf32, #tpu.memory_space<hbm>> -> memref<1x10000x64xf32, #tpu.memory_space<hbm>>
    %dma_start3A_199 = tpu.memref_squeeze %dma_start3A_198 : memref<1x10000x64xf32, #tpu.memory_space<hbm>> -> memref<10000x64xf32, #tpu.memory_space<hbm>>
    %dma_start3A_200 = arith.constant 0 : i32
    %dma_start3A_201 = arith.constant 0 : i32
    %dma_start3A_202 = tpu.memref_slice %dma_start3A_199[%dma_start3A_200, %dma_start3A_201] : memref<10000x64xf32, #tpu.memory_space<hbm>> -> memref<10000x64xf32, #tpu.memory_space<hbm>>
    tpu.enqueue_indirect_dma source(%dma_start3A_202 : memref<10000x64xf32, #tpu.memory_space<hbm>>) target(%dma_start3A_192 : memref<400x64xf32, #tpu.memory_space<vmem>>) offsets(%dma_start3A_195 : memref<400xi32, #tpu.memory_space<vmem>>) semaphore(%arg14 : memref<!tpu.dma_semaphore, #tpu.memory_space<semaphore_mem>>)
    %scan3A_203 = arith.constant 0 : i32
    %scan3A_204 = arith.constant 25 : i32
    %scan3A_205 = arith.addi %scan3A_203, %scan3A_204 : i32
    %scan3A_206 = arith.constant 1 : i32
    scf.for %scan3A_255 = %scan3A_203 to %scan3A_205 step %scan3A_206  : i32 {
      %mul3A_256 = arith.constant 2 : i32
      %mul3A_257 = arith.muli %mul3A_256, %scan3A_255 : i32
      %add3A_258 = arith.constant 0 : i32
      %add3A_259 = arith.addi %mul3A_257, %add3A_258 : i32
      %add3A_260 = arith.constant 1 : i32
      %add3A_261 = arith.addi %add3A_259, %add3A_260 : i32
      %run_scoped3A_262 = arith.constant 1 : i32
      "tpu.region"() ({
        %run_scoped3A_1482 = tpu.sem_alloc : memref<!tpu.dma_semaphore, #tpu.memory_space<semaphore_mem>>
        %dma_start3A_1483 = arith.constant 0 : i32
        %dma_start3A_1484 = tpu.memref_slice %arg10[%run_scoped3A_262, %dma_start3A_1483] : memref<2x400xi32, #tpu.memory_space<vmem>> -> memref<1x400xi32, #tpu.memory_space<vmem>>
        %dma_start3A_1485 = tpu.memref_squeeze %dma_start3A_1484 : memref<1x400xi32, #tpu.memory_space<vmem>> -> memref<400xi32, #tpu.memory_space<vmem>>
        %dma_start3A_1486 = arith.constant 0 : i32
        %dma_start3A_1487 = arith.constant 0 : i32
        %dma_start3A_1488 = tpu.memref_slice %arg4[%arg1, %dma_start3A_1486, %dma_start3A_1487] : memref<16x50x400xi32, #tpu.memory_space<hbm>> -> memref<1x50x400xi32, #tpu.memory_space<hbm>>
        %dma_start3A_1489 = tpu.memref_squeeze %dma_start3A_1488 : memref<1x50x400xi32, #tpu.memory_space<hbm>> -> memref<50x400xi32, #tpu.memory_space<hbm>>
        %dma_start3A_1490 = arith.constant 0 : i32
        %dma_start3A_1491 = tpu.memref_slice %dma_start3A_1489[%add3A_261, %dma_start3A_1490] : memref<50x400xi32, #tpu.memory_space<hbm>> -> memref<1x400xi32, #tpu.memory_space<hbm>>
        %dma_start3A_1492 = tpu.memref_squeeze %dma_start3A_1491 : memref<1x400xi32, #tpu.memory_space<hbm>> -> memref<400xi32, #tpu.memory_space<hbm>>
        %dma_start3A_1493 = arith.constant 0 : i32
        %dma_start3A_1494 = tpu.memref_slice %arg10[%run_scoped3A_262, %dma_start3A_1493] : memref<2x400xi32, #tpu.memory_space<vmem>> -> memref<1x400xi32, #tpu.memory_space<vmem>>
        %dma_start3A_1495 = tpu.memref_squeeze %dma_start3A_1494 : memref<1x400xi32, #tpu.memory_space<vmem>> -> memref<400xi32, #tpu.memory_space<vmem>>
        %dma_start3A_1496 = arith.constant 0 : i32
        %dma_start3A_1497 = arith.constant 0 : i32
        %dma_start3A_1498 = tpu.memref_slice %arg4[%arg1, %dma_start3A_1496, %dma_start3A_1497] : memref<16x50x400xi32, #tpu.memory_space<hbm>> -> memref<1x50x400xi32, #tpu.memory_space<hbm>>
        %dma_start3A_1499 = tpu.memref_squeeze %dma_start3A_1498 : memref<1x50x400xi32, #tpu.memory_space<hbm>> -> memref<50x400xi32, #tpu.memory_space<hbm>>
        %dma_start3A_1500 = arith.constant 0 : i32
        %dma_start3A_1501 = tpu.memref_slice %dma_start3A_1499[%add3A_261, %dma_start3A_1500] : memref<50x400xi32, #tpu.memory_space<hbm>> -> memref<1x400xi32, #tpu.memory_space<hbm>>
        %dma_start3A_1502 = tpu.memref_squeeze %dma_start3A_1501 : memref<1x400xi32, #tpu.memory_space<hbm>> -> memref<400xi32, #tpu.memory_space<hbm>>
        tpu.enqueue_dma source(%dma_start3A_1502 : memref<400xi32, #tpu.memory_space<hbm>>) target(%dma_start3A_1495 : memref<400xi32, #tpu.memory_space<vmem>>) target_semaphore(%run_scoped3A_1482 : memref<!tpu.dma_semaphore, #tpu.memory_space<semaphore_mem>>)
        %dma_wait3A_1503 = arith.constant 0 : i32
        %dma_wait3A_1504 = tpu.memref_slice %arg10[%run_scoped3A_262, %dma_wait3A_1503] : memref<2x400xi32, #tpu.memory_space<vmem>> -> memref<1x400xi32, #tpu.memory_space<vmem>>
        %dma_wait3A_1505 = tpu.memref_squeeze %dma_wait3A_1504 : memref<1x400xi32, #tpu.memory_space<vmem>> -> memref<400xi32, #tpu.memory_space<vmem>>
        %dma_wait3A_1506 = arith.constant 0 : i32
        %dma_wait3A_1507 = arith.constant 0 : i32
        %dma_wait3A_1508 = tpu.memref_slice %arg4[%arg1, %dma_wait3A_1506, %dma_wait3A_1507] : memref<16x50x400xi32, #tpu.memory_space<hbm>> -> memref<1x50x400xi32, #tpu.memory_space<hbm>>
        %dma_wait3A_1509 = tpu.memref_squeeze %dma_wait3A_1508 : memref<1x50x400xi32, #tpu.memory_space<hbm>> -> memref<50x400xi32, #tpu.memory_space<hbm>>
        %dma_wait3A_1510 = arith.constant 0 : i32
        %dma_wait3A_1511 = tpu.memref_slice %dma_wait3A_1509[%add3A_261, %dma_wait3A_1510] : memref<50x400xi32, #tpu.memory_space<hbm>> -> memref<1x400xi32, #tpu.memory_space<hbm>>
        %dma_wait3A_1512 = tpu.memref_squeeze %dma_wait3A_1511 : memref<1x400xi32, #tpu.memory_space<hbm>> -> memref<400xi32, #tpu.memory_space<hbm>>
        %dma_wait3A_1513 = arith.constant 0 : i32
        %dma_wait3A_1514 = tpu.memref_slice %arg10[%run_scoped3A_262, %dma_wait3A_1513] : memref<2x400xi32, #tpu.memory_space<vmem>> -> memref<1x400xi32, #tpu.memory_space<vmem>>
        %dma_wait3A_1515 = tpu.memref_squeeze %dma_wait3A_1514 : memref<1x400xi32, #tpu.memory_space<vmem>> -> memref<400xi32, #tpu.memory_space<vmem>>
        %dma_wait3A_1516 = arith.constant 0 : i32
        %dma_wait3A_1517 = arith.constant 0 : i32
        %dma_wait3A_1518 = tpu.memref_slice %arg4[%arg1, %dma_wait3A_1516, %dma_wait3A_1517] : memref<16x50x400xi32, #tpu.memory_space<hbm>> -> memref<1x50x400xi32, #tpu.memory_space<hbm>>
        %dma_wait3A_1519 = tpu.memref_squeeze %dma_wait3A_1518 : memref<1x50x400xi32, #tpu.memory_space<hbm>> -> memref<50x400xi32, #tpu.memory_space<hbm>>
        %dma_wait3A_1520 = arith.constant 0 : i32
        %dma_wait3A_1521 = tpu.memref_slice %dma_wait3A_1519[%add3A_261, %dma_wait3A_1520] : memref<50x400xi32, #tpu.memory_space<hbm>> -> memref<1x400xi32, #tpu.memory_space<hbm>>
        %dma_wait3A_1522 = tpu.memref_squeeze %dma_wait3A_1521 : memref<1x400xi32, #tpu.memory_space<hbm>> -> memref<400xi32, #tpu.memory_space<hbm>>
        tpu.wait_dma2 semaphore(%run_scoped3A_1482 : memref<!tpu.dma_semaphore, #tpu.memory_space<semaphore_mem>>) src(%dma_wait3A_1522 : memref<400xi32, #tpu.memory_space<hbm>>) dst(%dma_wait3A_1515 : memref<400xi32, #tpu.memory_space<vmem>>)
        tpu.yield
      }) : () -> ()
      %add3A_263 = arith.constant 1 : i32
      %add3A_264 = arith.addi %add3A_259, %add3A_263 : i32
      %run_scoped3A_265 = arith.constant 1 : i32
      "tpu.region"() ({
        %run_scoped3A_1482 = tpu.sem_alloc : memref<!tpu.dma_semaphore, #tpu.memory_space<semaphore_mem>>
        %dma_start3A_1483 = arith.constant 0 : i32
        %dma_start3A_1484 = tpu.memref_slice %arg11[%run_scoped3A_265, %dma_start3A_1483] : memref<2x400xi32, #tpu.memory_space<vmem>> -> memref<1x400xi32, #tpu.memory_space<vmem>>
        %dma_start3A_1485 = tpu.memref_squeeze %dma_start3A_1484 : memref<1x400xi32, #tpu.memory_space<vmem>> -> memref<400xi32, #tpu.memory_space<vmem>>
        %dma_start3A_1486 = arith.constant 0 : i32
        %dma_start3A_1487 = arith.constant 0 : i32
        %dma_start3A_1488 = tpu.memref_slice %arg5[%arg1, %dma_start3A_1486, %dma_start3A_1487] : memref<16x50x400xi32, #tpu.memory_space<hbm>> -> memref<1x50x400xi32, #tpu.memory_space<hbm>>
        %dma_start3A_1489 = tpu.memref_squeeze %dma_start3A_1488 : memref<1x50x400xi32, #tpu.memory_space<hbm>> -> memref<50x400xi32, #tpu.memory_space<hbm>>
        %dma_start3A_1490 = arith.constant 0 : i32
        %dma_start3A_1491 = tpu.memref_slice %dma_start3A_1489[%add3A_264, %dma_start3A_1490] : memref<50x400xi32, #tpu.memory_space<hbm>> -> memref<1x400xi32, #tpu.memory_space<hbm>>
        %dma_start3A_1492 = tpu.memref_squeeze %dma_start3A_1491 : memref<1x400xi32, #tpu.memory_space<hbm>> -> memref<400xi32, #tpu.memory_space<hbm>>
        %dma_start3A_1493 = arith.constant 0 : i32
        %dma_start3A_1494 = tpu.memref_slice %arg11[%run_scoped3A_265, %dma_start3A_1493] : memref<2x400xi32, #tpu.memory_space<vmem>> -> memref<1x400xi32, #tpu.memory_space<vmem>>
        %dma_start3A_1495 = tpu.memref_squeeze %dma_start3A_1494 : memref<1x400xi32, #tpu.memory_space<vmem>> -> memref<400xi32, #tpu.memory_space<vmem>>
        %dma_start3A_1496 = arith.constant 0 : i32
        %dma_start3A_1497 = arith.constant 0 : i32
        %dma_start3A_1498 = tpu.memref_slice %arg5[%arg1, %dma_start3A_1496, %dma_start3A_1497] : memref<16x50x400xi32, #tpu.memory_space<hbm>> -> memref<1x50x400xi32, #tpu.memory_space<hbm>>
        %dma_start3A_1499 = tpu.memref_squeeze %dma_start3A_1498 : memref<1x50x400xi32, #tpu.memory_space<hbm>> -> memref<50x400xi32, #tpu.memory_space<hbm>>
        %dma_start3A_1500 = arith.constant 0 : i32
        %dma_start3A_1501 = tpu.memref_slice %dma_start3A_1499[%add3A_264, %dma_start3A_1500] : memref<50x400xi32, #tpu.memory_space<hbm>> -> memref<1x400xi32, #tpu.memory_space<hbm>>
        %dma_start3A_1502 = tpu.memref_squeeze %dma_start3A_1501 : memref<1x400xi32, #tpu.memory_space<hbm>> -> memref<400xi32, #tpu.memory_space<hbm>>
        tpu.enqueue_dma source(%dma_start3A_1502 : memref<400xi32, #tpu.memory_space<hbm>>) target(%dma_start3A_1495 : memref<400xi32, #tpu.memory_space<vmem>>) target_semaphore(%run_scoped3A_1482 : memref<!tpu.dma_semaphore, #tpu.memory_space<semaphore_mem>>)
        %dma_wait3A_1503 = arith.constant 0 : i32
        %dma_wait3A_1504 = tpu.memref_slice %arg11[%run_scoped3A_265, %dma_wait3A_1503] : memref<2x400xi32, #tpu.memory_space<vmem>> -> memref<1x400xi32, #tpu.memory_space<vmem>>
        %dma_wait3A_1505 = tpu.memref_squeeze %dma_wait3A_1504 : memref<1x400xi32, #tpu.memory_space<vmem>> -> memref<400xi32, #tpu.memory_space<vmem>>
        %dma_wait3A_1506 = arith.constant 0 : i32
        %dma_wait3A_1507 = arith.constant 0 : i32
        %dma_wait3A_1508 = tpu.memref_slice %arg5[%arg1, %dma_wait3A_1506, %dma_wait3A_1507] : memref<16x50x400xi32, #tpu.memory_space<hbm>> -> memref<1x50x400xi32, #tpu.memory_space<hbm>>
        %dma_wait3A_1509 = tpu.memref_squeeze %dma_wait3A_1508 : memref<1x50x400xi32, #tpu.memory_space<hbm>> -> memref<50x400xi32, #tpu.memory_space<hbm>>
        %dma_wait3A_1510 = arith.constant 0 : i32
        %dma_wait3A_1511 = tpu.memref_slice %dma_wait3A_1509[%add3A_264, %dma_wait3A_1510] : memref<50x400xi32, #tpu.memory_space<hbm>> -> memref<1x400xi32, #tpu.memory_space<hbm>>
        %dma_wait3A_1512 = tpu.memref_squeeze %dma_wait3A_1511 : memref<1x400xi32, #tpu.memory_space<hbm>> -> memref<400xi32, #tpu.memory_space<hbm>>
        %dma_wait3A_1513 = arith.constant 0 : i32
        %dma_wait3A_1514 = tpu.memref_slice %arg11[%run_scoped3A_265, %dma_wait3A_1513] : memref<2x400xi32, #tpu.memory_space<vmem>> -> memref<1x400xi32, #tpu.memory_space<vmem>>
        %dma_wait3A_1515 = tpu.memref_squeeze %dma_wait3A_1514 : memref<1x400xi32, #tpu.memory_space<vmem>> -> memref<400xi32, #tpu.memory_space<vmem>>
        %dma_wait3A_1516 = arith.constant 0 : i32
        %dma_wait3A_1517 = arith.constant 0 : i32
        %dma_wait3A_1518 = tpu.memref_slice %arg5[%arg1, %dma_wait3A_1516, %dma_wait3A_1517] : memref<16x50x400xi32, #tpu.memory_space<hbm>> -> memref<1x50x400xi32, #tpu.memory_space<hbm>>
        %dma_wait3A_1519 = tpu.memref_squeeze %dma_wait3A_1518 : memref<1x50x400xi32, #tpu.memory_space<hbm>> -> memref<50x400xi32, #tpu.memory_space<hbm>>
        %dma_wait3A_1520 = arith.constant 0 : i32
        %dma_wait3A_1521 = tpu.memref_slice %dma_wait3A_1519[%add3A_264, %dma_wait3A_1520] : memref<50x400xi32, #tpu.memory_space<hbm>> -> memref<1x400xi32, #tpu.memory_space<hbm>>
        %dma_wait3A_1522 = tpu.memref_squeeze %dma_wait3A_1521 : memref<1x400xi32, #tpu.memory_space<hbm>> -> memref<400xi32, #tpu.memory_space<hbm>>
        tpu.wait_dma2 semaphore(%run_scoped3A_1482 : memref<!tpu.dma_semaphore, #tpu.memory_space<semaphore_mem>>) src(%dma_wait3A_1522 : memref<400xi32, #tpu.memory_space<hbm>>) dst(%dma_wait3A_1515 : memref<400xi32, #tpu.memory_space<vmem>>)
        tpu.yield
      }) : () -> ()
      %dma_start3A_266 = arith.constant 1 : i32
      %dma_start3A_267 = arith.constant 1 : i32
      %dma_start3A_268 = arith.constant 0 : i32
      %dma_start3A_269 = arith.constant 0 : i32
      %dma_start3A_270 = tpu.memref_slice %arg13[%dma_start3A_267, %dma_start3A_268, %dma_start3A_269] : memref<2x400x64xf32, #tpu.memory_space<vmem>> -> memref<1x400x64xf32, #tpu.memory_space<vmem>>
      %dma_start3A_271 = tpu.memref_squeeze %dma_start3A_270 : memref<1x400x64xf32, #tpu.memory_space<vmem>> -> memref<400x64xf32, #tpu.memory_space<vmem>>
      %dma_start3A_272 = arith.constant 0 : i32
      %dma_start3A_273 = tpu.memref_slice %arg10[%dma_start3A_266, %dma_start3A_272] : memref<2x400xi32, #tpu.memory_space<vmem>> -> memref<1x400xi32, #tpu.memory_space<vmem>>
      %dma_start3A_274 = tpu.memref_squeeze %dma_start3A_273 : memref<1x400xi32, #tpu.memory_space<vmem>> -> memref<400xi32, #tpu.memory_space<vmem>>
      %dma_start3A_275 = arith.constant 0 : i32
      %dma_start3A_276 = arith.constant 0 : i32
      %dma_start3A_277 = tpu.memref_slice %arg2[%arg0, %dma_start3A_275, %dma_start3A_276] : memref<2x10000x64xf32, #tpu.memory_space<hbm>> -> memref<1x10000x64xf32, #tpu.memory_space<hbm>>
      %dma_start3A_278 = tpu.memref_squeeze %dma_start3A_277 : memref<1x10000x64xf32, #tpu.memory_space<hbm>> -> memref<10000x64xf32, #tpu.memory_space<hbm>>
      %dma_start3A_279 = arith.constant 0 : i32
      %dma_start3A_280 = arith.constant 0 : i32
      %dma_start3A_281 = tpu.memref_slice %dma_start3A_278[%dma_start3A_279, %dma_start3A_280] : memref<10000x64xf32, #tpu.memory_space<hbm>> -> memref<10000x64xf32, #tpu.memory_space<hbm>>
      tpu.enqueue_indirect_dma source(%dma_start3A_281 : memref<10000x64xf32, #tpu.memory_space<hbm>>) target(%dma_start3A_271 : memref<400x64xf32, #tpu.memory_space<vmem>>) offsets(%dma_start3A_274 : memref<400xi32, #tpu.memory_space<vmem>>) semaphore(%arg15 : memref<!tpu.dma_semaphore, #tpu.memory_space<semaphore_mem>>)
      %get3A = arith.constant 0 : i32
      %get3A_282 = arith.index_cast %get3A : i32 to index
      %get3A_283 = arith.constant 0 : index
      %get3A_284 = tpu.vector_load %arg10[%get3A_282, %get3A_283] {strides = array<i32>} : memref<2x400xi32, #tpu.memory_space<vmem>>, vector<16xi32>,
      %get3A_285 = arith.constant 0 : i32
      %get3A_286 = arith.index_cast %get3A_285 : i32 to index
      %get3A_287 = arith.constant 0 : index
      %get3A_288 = tpu.vector_load %arg11[%get3A_286, %get3A_287] {strides = array<i32>} : memref<2x400xi32, #tpu.memory_space<vmem>>, vector<16xi32>,
      %gather3A = tpu.vector_load_idx %arg8[%get3A_284] : memref<10000xf32, #tpu.memory_space<vmem>>[vector<16xi32>], vector<16xf32>,
      %gather3A_289 = tpu.vector_load_idx %arg9[%get3A_288] : memref<10000xf32, #tpu.memory_space<vmem>>[vector<16xi32>], vector<16xf32>,
      %add3A_290 = arith.addf %gather3A, %gather3A_289 : vector<16xf32>
      %ge3A = arith.constant 0.000000e+00 : f32
      %ge3A_291 = vector.broadcast %ge3A : f32 to vector<16xf32>
      %ge3A_292 = arith.cmpf oge, %add3A_290, %ge3A_291 : vector<16xf32>
      %mul3A_293 = arith.constant 2.000000e-01 : f32
      %mul3A_294 = vector.broadcast %mul3A_293 : f32 to vector<16xf32>
      %mul3A_295 = arith.mulf %add3A_290, %mul3A_294 : vector<16xf32>
      %select_n3A = arith.select %ge3A_292, %add3A_290, %mul3A_295 : vector<16xi1>, vector<16xf32>
      %exp3A = math.exp %select_n3A : vector<16xf32>
      %swap3A_296 = arith.constant 0 : i32
      %swap3A_297 = arith.index_cast %swap3A_296 : i32 to index
      %swap3A_298 = arith.constant 0 : index
      %swap3A_299 = tpu.vector_load %arg12[%swap3A_297, %swap3A_298] {strides = array<i32>} : memref<2x400xf32, #tpu.memory_space<vmem>>, vector<16xf32>,
      tpu.vector_store %arg12[%swap3A_297, %swap3A_298], %exp3A {strides = array<i32>} : memref<2x400xf32, #tpu.memory_space<vmem>>, vector<16xf32>,
      %get3A_300 = arith.constant 0 : i32
      %get3A_301 = arith.index_cast %get3A_300 : i32 to index
      %get3A_302 = arith.constant 16 : index
      %get3A_303 = tpu.vector_load %arg10[%get3A_301, %get3A_302] {strides = array<i32>} : memref<2x400xi32, #tpu.memory_space<vmem>>, vector<16xi32>,
      %get3A_304 = arith.constant 0 : i32
      %get3A_305 = arith.index_cast %get3A_304 : i32 to index
      %get3A_306 = arith.constant 16 : index
      %get3A_307 = tpu.vector_load %arg11[%get3A_305, %get3A_306] {strides = array<i32>} : memref<2x400xi32, #tpu.memory_space<vmem>>, vector<16xi32>,
      %gather3A_308 = tpu.vector_load_idx %arg8[%get3A_303] : memref<10000xf32, #tpu.memory_space<vmem>>[vector<16xi32>], vector<16xf32>,
      %gather3A_309 = tpu.vector_load_idx %arg9[%get3A_307] : memref<10000xf32, #tpu.memory_space<vmem>>[vector<16xi32>], vector<16xf32>,
      %add3A_310 = arith.addf %gather3A_308, %gather3A_309 : vector<16xf32>
      %ge3A_311 = arith.constant 0.000000e+00 : f32
      %ge3A_312 = vector.broadcast %ge3A_311 : f32 to vector<16xf32>
      %ge3A_313 = arith.cmpf oge, %add3A_310, %ge3A_312 : vector<16xf32>
      %mul3A_314 = arith.constant 2.000000e-01 : f32
      %mul3A_315 = vector.broadcast %mul3A_314 : f32 to vector<16xf32>
      %mul3A_316 = arith.mulf %add3A_310, %mul3A_315 : vector<16xf32>
      %select_n3A_317 = arith.select %ge3A_313, %add3A_310, %mul3A_316 : vector<16xi1>, vector<16xf32>
      %exp3A_318 = math.exp %select_n3A_317 : vector<16xf32>
      %swap3A_319 = arith.constant 0 : i32
      %swap3A_320 = arith.index_cast %swap3A_319 : i32 to index
      %swap3A_321 = arith.constant 16 : index
      %swap3A_322 = tpu.vector_load %arg12[%swap3A_320, %swap3A_321] {strides = array<i32>} : memref<2x400xf32, #tpu.memory_space<vmem>>, vector<16xf32>,
      tpu.vector_store %arg12[%swap3A_320, %swap3A_321], %exp3A_318 {strides = array<i32>} : memref<2x400xf32, #tpu.memory_space<vmem>>, vector<16xf32>,
      %get3A_323 = arith.constant 0 : i32
      %get3A_324 = arith.index_cast %get3A_323 : i32 to index
      %get3A_325 = arith.constant 32 : index
      %get3A_326 = tpu.vector_load %arg10[%get3A_324, %get3A_325] {strides = array<i32>} : memref<2x400xi32, #tpu.memory_space<vmem>>, vector<16xi32>,
      %get3A_327 = arith.constant 0 : i32
      %get3A_328 = arith.index_cast %get3A_327 : i32 to index
      %get3A_329 = arith.constant 32 : index
      %get3A_330 = tpu.vector_load %arg11[%get3A_328, %get3A_329] {strides = array<i32>} : memref<2x400xi32, #tpu.memory_space<vmem>>, vector<16xi32>,
      %gather3A_331 = tpu.vector_load_idx %arg8[%get3A_326] : memref<10000xf32, #tpu.memory_space<vmem>>[vector<16xi32>], vector<16xf32>,
      %gather3A_332 = tpu.vector_load_idx %arg9[%get3A_330] : memref<10000xf32, #tpu.memory_space<vmem>>[vector<16xi32>], vector<16xf32>,
      %add3A_333 = arith.addf %gather3A_331, %gather3A_332 : vector<16xf32>
      %ge3A_334 = arith.constant 0.000000e+00 : f32
      %ge3A_335 = vector.broadcast %ge3A_334 : f32 to vector<16xf32>
      %ge3A_336 = arith.cmpf oge, %add3A_333, %ge3A_335 : vector<16xf32>
      %mul3A_337 = arith.constant 2.000000e-01 : f32
      %mul3A_338 = vector.broadcast %mul3A_337 : f32 to vector<16xf32>
      %mul3A_339 = arith.mulf %add3A_333, %mul3A_338 : vector<16xf32>
      %select_n3A_340 = arith.select %ge3A_336, %add3A_333, %mul3A_339 : vector<16xi1>, vector<16xf32>
      %exp3A_341 = math.exp %select_n3A_340 : vector<16xf32>
      %swap3A_342 = arith.constant 0 : i32
      %swap3A_343 = arith.index_cast %swap3A_342 : i32 to index
      %swap3A_344 = arith.constant 32 : index
      %swap3A_345 = tpu.vector_load %arg12[%swap3A_343, %swap3A_344] {strides = array<i32>} : memref<2x400xf32, #tpu.memory_space<vmem>>, vector<16xf32>,
      tpu.vector_store %arg12[%swap3A_343, %swap3A_344], %exp3A_341 {strides = array<i32>} : memref<2x400xf32, #tpu.memory_space<vmem>>, vector<16xf32>,
      %get3A_346 = arith.constant 0 : i32
      %get3A_347 = arith.index_cast %get3A_346 : i32 to index
      %get3A_348 = arith.constant 48 : index
      %get3A_349 = tpu.vector_load %arg10[%get3A_347, %get3A_348] {strides = array<i32>} : memref<2x400xi32, #tpu.memory_space<vmem>>, vector<16xi32>,
      %get3A_350 = arith.constant 0 : i32
      %get3A_351 = arith.index_cast %get3A_350 : i32 to index
      %get3A_352 = arith.constant 48 : index
      %get3A_353 = tpu.vector_load %arg11[%get3A_351, %get3A_352] {strides = array<i32>} : memref<2x400xi32, #tpu.memory_space<vmem>>, vector<16xi32>,
      %gather3A_354 = tpu.vector_load_idx %arg8[%get3A_349] : memref<10000xf32, #tpu.memory_space<vmem>>[vector<16xi32>], vector<16xf32>,
      %gather3A_355 = tpu.vector_load_idx %arg9[%get3A_353] : memref<10000xf32, #tpu.memory_space<vmem>>[vector<16xi32>], vector<16xf32>,
      %add3A_356 = arith.addf %gather3A_354, %gather3A_355 : vector<16xf32>
      %ge3A_357 = arith.constant 0.000000e+00 : f32
      %ge3A_358 = vector.broadcast %ge3A_357 : f32 to vector<16xf32>
      %ge3A_359 = arith.cmpf oge, %add3A_356, %ge3A_358 : vector<16xf32>
      %mul3A_360 = arith.constant 2.000000e-01 : f32
      %mul3A_361 = vector.broadcast %mul3A_360 : f32 to vector<16xf32>
      %mul3A_362 = arith.mulf %add3A_356, %mul3A_361 : vector<16xf32>
      %select_n3A_363 = arith.select %ge3A_359, %add3A_356, %mul3A_362 : vector<16xi1>, vector<16xf32>
      %exp3A_364 = math.exp %select_n3A_363 : vector<16xf32>
      %swap3A_365 = arith.constant 0 : i32
      %swap3A_366 = arith.index_cast %swap3A_365 : i32 to index
      %swap3A_367 = arith.constant 48 : index
      %swap3A_368 = tpu.vector_load %arg12[%swap3A_366, %swap3A_367] {strides = array<i32>} : memref<2x400xf32, #tpu.memory_space<vmem>>, vector<16xf32>,
      tpu.vector_store %arg12[%swap3A_366, %swap3A_367], %exp3A_364 {strides = array<i32>} : memref<2x400xf32, #tpu.memory_space<vmem>>, vector<16xf32>,
      %get3A_369 = arith.constant 0 : i32
      %get3A_370 = arith.index_cast %get3A_369 : i32 to index
      %get3A_371 = arith.constant 64 : index
      %get3A_372 = tpu.vector_load %arg10[%get3A_370, %get3A_371] {strides = array<i32>} : memref<2x400xi32, #tpu.memory_space<vmem>>, vector<16xi32>,
      %get3A_373 = arith.constant 0 : i32
      %get3A_374 = arith.index_cast %get3A_373 : i32 to index
      %get3A_375 = arith.constant 64 : index
      %get3A_376 = tpu.vector_load %arg11[%get3A_374, %get3A_375] {strides = array<i32>} : memref<2x400xi32, #tpu.memory_space<vmem>>, vector<16xi32>,
      %gather3A_377 = tpu.vector_load_idx %arg8[%get3A_372] : memref<10000xf32, #tpu.memory_space<vmem>>[vector<16xi32>], vector<16xf32>,
      %gather3A_378 = tpu.vector_load_idx %arg9[%get3A_376] : memref<10000xf32, #tpu.memory_space<vmem>>[vector<16xi32>], vector<16xf32>,
      %add3A_379 = arith.addf %gather3A_377, %gather3A_378 : vector<16xf32>
      %ge3A_380 = arith.constant 0.000000e+00 : f32
      %ge3A_381 = vector.broadcast %ge3A_380 : f32 to vector<16xf32>
      %ge3A_382 = arith.cmpf oge, %add3A_379, %ge3A_381 : vector<16xf32>
      %mul3A_383 = arith.constant 2.000000e-01 : f32
      %mul3A_384 = vector.broadcast %mul3A_383 : f32 to vector<16xf32>
      %mul3A_385 = arith.mulf %add3A_379, %mul3A_384 : vector<16xf32>
      %select_n3A_386 = arith.select %ge3A_382, %add3A_379, %mul3A_385 : vector<16xi1>, vector<16xf32>
      %exp3A_387 = math.exp %select_n3A_386 : vector<16xf32>
      %swap3A_388 = arith.constant 0 : i32
      %swap3A_389 = arith.index_cast %swap3A_388 : i32 to index
      %swap3A_390 = arith.constant 64 : index
      %swap3A_391 = tpu.vector_load %arg12[%swap3A_389, %swap3A_390] {strides = array<i32>} : memref<2x400xf32, #tpu.memory_space<vmem>>, vector<16xf32>,
      tpu.vector_store %arg12[%swap3A_389, %swap3A_390], %exp3A_387 {strides = array<i32>} : memref<2x400xf32, #tpu.memory_space<vmem>>, vector<16xf32>,
      %get3A_392 = arith.constant 0 : i32
      %get3A_393 = arith.index_cast %get3A_392 : i32 to index
      %get3A_394 = arith.constant 80 : index
      %get3A_395 = tpu.vector_load %arg10[%get3A_393, %get3A_394] {strides = array<i32>} : memref<2x400xi32, #tpu.memory_space<vmem>>, vector<16xi32>,
      %get3A_396 = arith.constant 0 : i32
      %get3A_397 = arith.index_cast %get3A_396 : i32 to index
      %get3A_398 = arith.constant 80 : index
      %get3A_399 = tpu.vector_load %arg11[%get3A_397, %get3A_398] {strides = array<i32>} : memref<2x400xi32, #tpu.memory_space<vmem>>, vector<16xi32>,
      %gather3A_400 = tpu.vector_load_idx %arg8[%get3A_395] : memref<10000xf32, #tpu.memory_space<vmem>>[vector<16xi32>], vector<16xf32>,
      %gather3A_401 = tpu.vector_load_idx %arg9[%get3A_399] : memref<10000xf32, #tpu.memory_space<vmem>>[vector<16xi32>], vector<16xf32>,
      %add3A_402 = arith.addf %gather3A_400, %gather3A_401 : vector<16xf32>
      %ge3A_403 = arith.constant 0.000000e+00 : f32
      %ge3A_404 = vector.broadcast %ge3A_403 : f32 to vector<16xf32>
      %ge3A_405 = arith.cmpf oge, %add3A_402, %ge3A_404 : vector<16xf32>
      %mul3A_406 = arith.constant 2.000000e-01 : f32
      %mul3A_407 = vector.broadcast %mul3A_406 : f32 to vector<16xf32>
      %mul3A_408 = arith.mulf %add3A_402, %mul3A_407 : vector<16xf32>
      %select_n3A_409 = arith.select %ge3A_405, %add3A_402, %mul3A_408 : vector<16xi1>, vector<16xf32>
      %exp3A_410 = math.exp %select_n3A_409 : vector<16xf32>
      %swap3A_411 = arith.constant 0 : i32
      %swap3A_412 = arith.index_cast %swap3A_411 : i32 to index
      %swap3A_413 = arith.constant 80 : index
      %swap3A_414 = tpu.vector_load %arg12[%swap3A_412, %swap3A_413] {strides = array<i32>} : memref<2x400xf32, #tpu.memory_space<vmem>>, vector<16xf32>,
      tpu.vector_store %arg12[%swap3A_412, %swap3A_413], %exp3A_410 {strides = array<i32>} : memref<2x400xf32, #tpu.memory_space<vmem>>, vector<16xf32>,
      %get3A_415 = arith.constant 0 : i32
      %get3A_416 = arith.index_cast %get3A_415 : i32 to index
      %get3A_417 = arith.constant 96 : index
      %get3A_418 = tpu.vector_load %arg10[%get3A_416, %get3A_417] {strides = array<i32>} : memref<2x400xi32, #tpu.memory_space<vmem>>, vector<16xi32>,
      %get3A_419 = arith.constant 0 : i32
      %get3A_420 = arith.index_cast %get3A_419 : i32 to index
      %get3A_421 = arith.constant 96 : index
      %get3A_422 = tpu.vector_load %arg11[%get3A_420, %get3A_421] {strides = array<i32>} : memref<2x400xi32, #tpu.memory_space<vmem>>, vector<16xi32>,
      %gather3A_423 = tpu.vector_load_idx %arg8[%get3A_418] : memref<10000xf32, #tpu.memory_space<vmem>>[vector<16xi32>], vector<16xf32>,
      %gather3A_424 = tpu.vector_load_idx %arg9[%get3A_422] : memref<10000xf32, #tpu.memory_space<vmem>>[vector<16xi32>], vector<16xf32>,
      %add3A_425 = arith.addf %gather3A_423, %gather3A_424 : vector<16xf32>
      %ge3A_426 = arith.constant 0.000000e+00 : f32
      %ge3A_427 = vector.broadcast %ge3A_426 : f32 to vector<16xf32>
      %ge3A_428 = arith.cmpf oge, %add3A_425, %ge3A_427 : vector<16xf32>
      %mul3A_429 = arith.constant 2.000000e-01 : f32
      %mul3A_430 = vector.broadcast %mul3A_429 : f32 to vector<16xf32>
      %mul3A_431 = arith.mulf %add3A_425, %mul3A_430 : vector<16xf32>
      %select_n3A_432 = arith.select %ge3A_428, %add3A_425, %mul3A_431 : vector<16xi1>, vector<16xf32>
      %exp3A_433 = math.exp %select_n3A_432 : vector<16xf32>
      %swap3A_434 = arith.constant 0 : i32
      %swap3A_435 = arith.index_cast %swap3A_434 : i32 to index
      %swap3A_436 = arith.constant 96 : index
      %swap3A_437 = tpu.vector_load %arg12[%swap3A_435, %swap3A_436] {strides = array<i32>} : memref<2x400xf32, #tpu.memory_space<vmem>>, vector<16xf32>,
      tpu.vector_store %arg12[%swap3A_435, %swap3A_436], %exp3A_433 {strides = array<i32>} : memref<2x400xf32, #tpu.memory_space<vmem>>, vector<16xf32>,
      %get3A_438 = arith.constant 0 : i32
      %get3A_439 = arith.index_cast %get3A_438 : i32 to index
      %get3A_440 = arith.constant 112 : index
      %get3A_441 = tpu.vector_load %arg10[%get3A_439, %get3A_440] {strides = array<i32>} : memref<2x400xi32, #tpu.memory_space<vmem>>, vector<16xi32>,
      %get3A_442 = arith.constant 0 : i32
      %get3A_443 = arith.index_cast %get3A_442 : i32 to index
      %get3A_444 = arith.constant 112 : index
      %get3A_445 = tpu.vector_load %arg11[%get3A_443, %get3A_444] {strides = array<i32>} : memref<2x400xi32, #tpu.memory_space<vmem>>, vector<16xi32>,
      %gather3A_446 = tpu.vector_load_idx %arg8[%get3A_441] : memref<10000xf32, #tpu.memory_space<vmem>>[vector<16xi32>], vector<16xf32>,
      %gather3A_447 = tpu.vector_load_idx %arg9[%get3A_445] : memref<10000xf32, #tpu.memory_space<vmem>>[vector<16xi32>], vector<16xf32>,
      %add3A_448 = arith.addf %gather3A_446, %gather3A_447 : vector<16xf32>
      %ge3A_449 = arith.constant 0.000000e+00 : f32
      %ge3A_450 = vector.broadcast %ge3A_449 : f32 to vector<16xf32>
      %ge3A_451 = arith.cmpf oge, %add3A_448, %ge3A_450 : vector<16xf32>
      %mul3A_452 = arith.constant 2.000000e-01 : f32
      %mul3A_453 = vector.broadcast %mul3A_452 : f32 to vector<16xf32>
      %mul3A_454 = arith.mulf %add3A_448, %mul3A_453 : vector<16xf32>
      %select_n3A_455 = arith.select %ge3A_451, %add3A_448, %mul3A_454 : vector<16xi1>, vector<16xf32>
      %exp3A_456 = math.exp %select_n3A_455 : vector<16xf32>
      %swap3A_457 = arith.constant 0 : i32
      %swap3A_458 = arith.index_cast %swap3A_457 : i32 to index
      %swap3A_459 = arith.constant 112 : index
      %swap3A_460 = tpu.vector_load %arg12[%swap3A_458, %swap3A_459] {strides = array<i32>} : memref<2x400xf32, #tpu.memory_space<vmem>>, vector<16xf32>,
      tpu.vector_store %arg12[%swap3A_458, %swap3A_459], %exp3A_456 {strides = array<i32>} : memref<2x400xf32, #tpu.memory_space<vmem>>, vector<16xf32>,
      %get3A_461 = arith.constant 0 : i32
      %get3A_462 = arith.index_cast %get3A_461 : i32 to index
      %get3A_463 = arith.constant 128 : index
      %get3A_464 = tpu.vector_load %arg10[%get3A_462, %get3A_463] {strides = array<i32>} : memref<2x400xi32, #tpu.memory_space<vmem>>, vector<16xi32>,
      %get3A_465 = arith.constant 0 : i32
      %get3A_466 = arith.index_cast %get3A_465 : i32 to index
      %get3A_467 = arith.constant 128 : index
      %get3A_468 = tpu.vector_load %arg11[%get3A_466, %get3A_467] {strides = array<i32>} : memref<2x400xi32, #tpu.memory_space<vmem>>, vector<16xi32>,
      %gather3A_469 = tpu.vector_load_idx %arg8[%get3A_464] : memref<10000xf32, #tpu.memory_space<vmem>>[vector<16xi32>], vector<16xf32>,
      %gather3A_470 = tpu.vector_load_idx %arg9[%get3A_468] : memref<10000xf32, #tpu.memory_space<vmem>>[vector<16xi32>], vector<16xf32>,
      %add3A_471 = arith.addf %gather3A_469, %gather3A_470 : vector<16xf32>
      %ge3A_472 = arith.constant 0.000000e+00 : f32
      %ge3A_473 = vector.broadcast %ge3A_472 : f32 to vector<16xf32>
      %ge3A_474 = arith.cmpf oge, %add3A_471, %ge3A_473 : vector<16xf32>
      %mul3A_475 = arith.constant 2.000000e-01 : f32
      %mul3A_476 = vector.broadcast %mul3A_475 : f32 to vector<16xf32>
      %mul3A_477 = arith.mulf %add3A_471, %mul3A_476 : vector<16xf32>
      %select_n3A_478 = arith.select %ge3A_474, %add3A_471, %mul3A_477 : vector<16xi1>, vector<16xf32>
      %exp3A_479 = math.exp %select_n3A_478 : vector<16xf32>
      %swap3A_480 = arith.constant 0 : i32
      %swap3A_481 = arith.index_cast %swap3A_480 : i32 to index
      %swap3A_482 = arith.constant 128 : index
      %swap3A_483 = tpu.vector_load %arg12[%swap3A_481, %swap3A_482] {strides = array<i32>} : memref<2x400xf32, #tpu.memory_space<vmem>>, vector<16xf32>,
      tpu.vector_store %arg12[%swap3A_481, %swap3A_482], %exp3A_479 {strides = array<i32>} : memref<2x400xf32, #tpu.memory_space<vmem>>, vector<16xf32>,
      %get3A_484 = arith.constant 0 : i32
      %get3A_485 = arith.index_cast %get3A_484 : i32 to index
      %get3A_486 = arith.constant 144 : index
      %get3A_487 = tpu.vector_load %arg10[%get3A_485, %get3A_486] {strides = array<i32>} : memref<2x400xi32, #tpu.memory_space<vmem>>, vector<16xi32>,
      %get3A_488 = arith.constant 0 : i32
      %get3A_489 = arith.index_cast %get3A_488 : i32 to index
      %get3A_490 = arith.constant 144 : index
      %get3A_491 = tpu.vector_load %arg11[%get3A_489, %get3A_490] {strides = array<i32>} : memref<2x400xi32, #tpu.memory_space<vmem>>, vector<16xi32>,
      %gather3A_492 = tpu.vector_load_idx %arg8[%get3A_487] : memref<10000xf32, #tpu.memory_space<vmem>>[vector<16xi32>], vector<16xf32>,
      %gather3A_493 = tpu.vector_load_idx %arg9[%get3A_491] : memref<10000xf32, #tpu.memory_space<vmem>>[vector<16xi32>], vector<16xf32>,
      %add3A_494 = arith.addf %gather3A_492, %gather3A_493 : vector<16xf32>
      %ge3A_495 = arith.constant 0.000000e+00 : f32
      %ge3A_496 = vector.broadcast %ge3A_495 : f32 to vector<16xf32>
      %ge3A_497 = arith.cmpf oge, %add3A_494, %ge3A_496 : vector<16xf32>
      %mul3A_498 = arith.constant 2.000000e-01 : f32
      %mul3A_499 = vector.broadcast %mul3A_498 : f32 to vector<16xf32>
      %mul3A_500 = arith.mulf %add3A_494, %mul3A_499 : vector<16xf32>
      %select_n3A_501 = arith.select %ge3A_497, %add3A_494, %mul3A_500 : vector<16xi1>, vector<16xf32>
      %exp3A_502 = math.exp %select_n3A_501 : vector<16xf32>
      %swap3A_503 = arith.constant 0 : i32
      %swap3A_504 = arith.index_cast %swap3A_503 : i32 to index
      %swap3A_505 = arith.constant 144 : index
      %swap3A_506 = tpu.vector_load %arg12[%swap3A_504, %swap3A_505] {strides = array<i32>} : memref<2x400xf32, #tpu.memory_space<vmem>>, vector<16xf32>,
      tpu.vector_store %arg12[%swap3A_504, %swap3A_505], %exp3A_502 {strides = array<i32>} : memref<2x400xf32, #tpu.memory_space<vmem>>, vector<16xf32>,
      %get3A_507 = arith.constant 0 : i32
      %get3A_508 = arith.index_cast %get3A_507 : i32 to index
      %get3A_509 = arith.constant 160 : index
      %get3A_510 = tpu.vector_load %arg10[%get3A_508, %get3A_509] {strides = array<i32>} : memref<2x400xi32, #tpu.memory_space<vmem>>, vector<16xi32>,
      %get3A_511 = arith.constant 0 : i32
      %get3A_512 = arith.index_cast %get3A_511 : i32 to index
      %get3A_513 = arith.constant 160 : index
      %get3A_514 = tpu.vector_load %arg11[%get3A_512, %get3A_513] {strides = array<i32>} : memref<2x400xi32, #tpu.memory_space<vmem>>, vector<16xi32>,
      %gather3A_515 = tpu.vector_load_idx %arg8[%get3A_510] : memref<10000xf32, #tpu.memory_space<vmem>>[vector<16xi32>], vector<16xf32>,
      %gather3A_516 = tpu.vector_load_idx %arg9[%get3A_514] : memref<10000xf32, #tpu.memory_space<vmem>>[vector<16xi32>], vector<16xf32>,
      %add3A_517 = arith.addf %gather3A_515, %gather3A_516 : vector<16xf32>
      %ge3A_518 = arith.constant 0.000000e+00 : f32
      %ge3A_519 = vector.broadcast %ge3A_518 : f32 to vector<16xf32>
      %ge3A_520 = arith.cmpf oge, %add3A_517, %ge3A_519 : vector<16xf32>
      %mul3A_521 = arith.constant 2.000000e-01 : f32
      %mul3A_522 = vector.broadcast %mul3A_521 : f32 to vector<16xf32>
      %mul3A_523 = arith.mulf %add3A_517, %mul3A_522 : vector<16xf32>
      %select_n3A_524 = arith.select %ge3A_520, %add3A_517, %mul3A_523 : vector<16xi1>, vector<16xf32>
      %exp3A_525 = math.exp %select_n3A_524 : vector<16xf32>
      %swap3A_526 = arith.constant 0 : i32
      %swap3A_527 = arith.index_cast %swap3A_526 : i32 to index
      %swap3A_528 = arith.constant 160 : index
      %swap3A_529 = tpu.vector_load %arg12[%swap3A_527, %swap3A_528] {strides = array<i32>} : memref<2x400xf32, #tpu.memory_space<vmem>>, vector<16xf32>,
      tpu.vector_store %arg12[%swap3A_527, %swap3A_528], %exp3A_525 {strides = array<i32>} : memref<2x400xf32, #tpu.memory_space<vmem>>, vector<16xf32>,
      %get3A_530 = arith.constant 0 : i32
      %get3A_531 = arith.index_cast %get3A_530 : i32 to index
      %get3A_532 = arith.constant 176 : index
      %get3A_533 = tpu.vector_load %arg10[%get3A_531, %get3A_532] {strides = array<i32>} : memref<2x400xi32, #tpu.memory_space<vmem>>, vector<16xi32>,
      %get3A_534 = arith.constant 0 : i32
      %get3A_535 = arith.index_cast %get3A_534 : i32 to index
      %get3A_536 = arith.constant 176 : index
      %get3A_537 = tpu.vector_load %arg11[%get3A_535, %get3A_536] {strides = array<i32>} : memref<2x400xi32, #tpu.memory_space<vmem>>, vector<16xi32>,
      %gather3A_538 = tpu.vector_load_idx %arg8[%get3A_533] : memref<10000xf32, #tpu.memory_space<vmem>>[vector<16xi32>], vector<16xf32>,
      %gather3A_539 = tpu.vector_load_idx %arg9[%get3A_537] : memref<10000xf32, #tpu.memory_space<vmem>>[vector<16xi32>], vector<16xf32>,
      %add3A_540 = arith.addf %gather3A_538, %gather3A_539 : vector<16xf32>
      %ge3A_541 = arith.constant 0.000000e+00 : f32
      %ge3A_542 = vector.broadcast %ge3A_541 : f32 to vector<16xf32>
      %ge3A_543 = arith.cmpf oge, %add3A_540, %ge3A_542 : vector<16xf32>
      %mul3A_544 = arith.constant 2.000000e-01 : f32
      %mul3A_545 = vector.broadcast %mul3A_544 : f32 to vector<16xf32>
      %mul3A_546 = arith.mulf %add3A_540, %mul3A_545 : vector<16xf32>
      %select_n3A_547 = arith.select %ge3A_543, %add3A_540, %mul3A_546 : vector<16xi1>, vector<16xf32>
      %exp3A_548 = math.exp %select_n3A_547 : vector<16xf32>
      %swap3A_549 = arith.constant 0 : i32
      %swap3A_550 = arith.index_cast %swap3A_549 : i32 to index
      %swap3A_551 = arith.constant 176 : index
      %swap3A_552 = tpu.vector_load %arg12[%swap3A_550, %swap3A_551] {strides = array<i32>} : memref<2x400xf32, #tpu.memory_space<vmem>>, vector<16xf32>,
      tpu.vector_store %arg12[%swap3A_550, %swap3A_551], %exp3A_548 {strides = array<i32>} : memref<2x400xf32, #tpu.memory_space<vmem>>, vector<16xf32>,
      %get3A_553 = arith.constant 0 : i32
      %get3A_554 = arith.index_cast %get3A_553 : i32 to index
      %get3A_555 = arith.constant 192 : index
      %get3A_556 = tpu.vector_load %arg10[%get3A_554, %get3A_555] {strides = array<i32>} : memref<2x400xi32, #tpu.memory_space<vmem>>, vector<16xi32>,
      %get3A_557 = arith.constant 0 : i32
      %get3A_558 = arith.index_cast %get3A_557 : i32 to index
      %get3A_559 = arith.constant 192 : index
      %get3A_560 = tpu.vector_load %arg11[%get3A_558, %get3A_559] {strides = array<i32>} : memref<2x400xi32, #tpu.memory_space<vmem>>, vector<16xi32>,
      %gather3A_561 = tpu.vector_load_idx %arg8[%get3A_556] : memref<10000xf32, #tpu.memory_space<vmem>>[vector<16xi32>], vector<16xf32>,
      %gather3A_562 = tpu.vector_load_idx %arg9[%get3A_560] : memref<10000xf32, #tpu.memory_space<vmem>>[vector<16xi32>], vector<16xf32>,
      %add3A_563 = arith.addf %gather3A_561, %gather3A_562 : vector<16xf32>
      %ge3A_564 = arith.constant 0.000000e+00 : f32
      %ge3A_565 = vector.broadcast %ge3A_564 : f32 to vector<16xf32>
      %ge3A_566 = arith.cmpf oge, %add3A_563, %ge3A_565 : vector<16xf32>
      %mul3A_567 = arith.constant 2.000000e-01 : f32
      %mul3A_568 = vector.broadcast %mul3A_567 : f32 to vector<16xf32>
      %mul3A_569 = arith.mulf %add3A_563, %mul3A_568 : vector<16xf32>
      %select_n3A_570 = arith.select %ge3A_566, %add3A_563, %mul3A_569 : vector<16xi1>, vector<16xf32>
      %exp3A_571 = math.exp %select_n3A_570 : vector<16xf32>
      %swap3A_572 = arith.constant 0 : i32
      %swap3A_573 = arith.index_cast %swap3A_572 : i32 to index
      %swap3A_574 = arith.constant 192 : index
      %swap3A_575 = tpu.vector_load %arg12[%swap3A_573, %swap3A_574] {strides = array<i32>} : memref<2x400xf32, #tpu.memory_space<vmem>>, vector<16xf32>,
      tpu.vector_store %arg12[%swap3A_573, %swap3A_574], %exp3A_571 {strides = array<i32>} : memref<2x400xf32, #tpu.memory_space<vmem>>, vector<16xf32>,
      %get3A_576 = arith.constant 0 : i32
      %get3A_577 = arith.index_cast %get3A_576 : i32 to index
      %get3A_578 = arith.constant 208 : index
      %get3A_579 = tpu.vector_load %arg10[%get3A_577, %get3A_578] {strides = array<i32>} : memref<2x400xi32, #tpu.memory_space<vmem>>, vector<16xi32>,
      %get3A_580 = arith.constant 0 : i32
      %get3A_581 = arith.index_cast %get3A_580 : i32 to index
      %get3A_582 = arith.constant 208 : index
      %get3A_583 = tpu.vector_load %arg11[%get3A_581, %get3A_582] {strides = array<i32>} : memref<2x400xi32, #tpu.memory_space<vmem>>, vector<16xi32>,
      %gather3A_584 = tpu.vector_load_idx %arg8[%get3A_579] : memref<10000xf32, #tpu.memory_space<vmem>>[vector<16xi32>], vector<16xf32>,
      %gather3A_585 = tpu.vector_load_idx %arg9[%get3A_583] : memref<10000xf32, #tpu.memory_space<vmem>>[vector<16xi32>], vector<16xf32>,
      %add3A_586 = arith.addf %gather3A_584, %gather3A_585 : vector<16xf32>
      %ge3A_587 = arith.constant 0.000000e+00 : f32
      %ge3A_588 = vector.broadcast %ge3A_587 : f32 to vector<16xf32>
      %ge3A_589 = arith.cmpf oge, %add3A_586, %ge3A_588 : vector<16xf32>
      %mul3A_590 = arith.constant 2.000000e-01 : f32
      %mul3A_591 = vector.broadcast %mul3A_590 : f32 to vector<16xf32>
      %mul3A_592 = arith.mulf %add3A_586, %mul3A_591 : vector<16xf32>
      %select_n3A_593 = arith.select %ge3A_589, %add3A_586, %mul3A_592 : vector<16xi1>, vector<16xf32>
      %exp3A_594 = math.exp %select_n3A_593 : vector<16xf32>
      %swap3A_595 = arith.constant 0 : i32
      %swap3A_596 = arith.index_cast %swap3A_595 : i32 to index
      %swap3A_597 = arith.constant 208 : index
      %swap3A_598 = tpu.vector_load %arg12[%swap3A_596, %swap3A_597] {strides = array<i32>} : memref<2x400xf32, #tpu.memory_space<vmem>>, vector<16xf32>,
      tpu.vector_store %arg12[%swap3A_596, %swap3A_597], %exp3A_594 {strides = array<i32>} : memref<2x400xf32, #tpu.memory_space<vmem>>, vector<16xf32>,
      %get3A_599 = arith.constant 0 : i32
      %get3A_600 = arith.index_cast %get3A_599 : i32 to index
      %get3A_601 = arith.constant 224 : index
      %get3A_602 = tpu.vector_load %arg10[%get3A_600, %get3A_601] {strides = array<i32>} : memref<2x400xi32, #tpu.memory_space<vmem>>, vector<16xi32>,
      %get3A_603 = arith.constant 0 : i32
      %get3A_604 = arith.index_cast %get3A_603 : i32 to index
      %get3A_605 = arith.constant 224 : index
      %get3A_606 = tpu.vector_load %arg11[%get3A_604, %get3A_605] {strides = array<i32>} : memref<2x400xi32, #tpu.memory_space<vmem>>, vector<16xi32>,
      %gather3A_607 = tpu.vector_load_idx %arg8[%get3A_602] : memref<10000xf32, #tpu.memory_space<vmem>>[vector<16xi32>], vector<16xf32>,
      %gather3A_608 = tpu.vector_load_idx %arg9[%get3A_606] : memref<10000xf32, #tpu.memory_space<vmem>>[vector<16xi32>], vector<16xf32>,
      %add3A_609 = arith.addf %gather3A_607, %gather3A_608 : vector<16xf32>
      %ge3A_610 = arith.constant 0.000000e+00 : f32
      %ge3A_611 = vector.broadcast %ge3A_610 : f32 to vector<16xf32>
      %ge3A_612 = arith.cmpf oge, %add3A_609, %ge3A_611 : vector<16xf32>
      %mul3A_613 = arith.constant 2.000000e-01 : f32
      %mul3A_614 = vector.broadcast %mul3A_613 : f32 to vector<16xf32>
      %mul3A_615 = arith.mulf %add3A_609, %mul3A_614 : vector<16xf32>
      %select_n3A_616 = arith.select %ge3A_612, %add3A_609, %mul3A_615 : vector<16xi1>, vector<16xf32>
      %exp3A_617 = math.exp %select_n3A_616 : vector<16xf32>
      %swap3A_618 = arith.constant 0 : i32
      %swap3A_619 = arith.index_cast %swap3A_618 : i32 to index
      %swap3A_620 = arith.constant 224 : index
      %swap3A_621 = tpu.vector_load %arg12[%swap3A_619, %swap3A_620] {strides = array<i32>} : memref<2x400xf32, #tpu.memory_space<vmem>>, vector<16xf32>,
      tpu.vector_store %arg12[%swap3A_619, %swap3A_620], %exp3A_617 {strides = array<i32>} : memref<2x400xf32, #tpu.memory_space<vmem>>, vector<16xf32>,
      %get3A_622 = arith.constant 0 : i32
      %get3A_623 = arith.index_cast %get3A_622 : i32 to index
      %get3A_624 = arith.constant 240 : index
      %get3A_625 = tpu.vector_load %arg10[%get3A_623, %get3A_624] {strides = array<i32>} : memref<2x400xi32, #tpu.memory_space<vmem>>, vector<16xi32>,
      %get3A_626 = arith.constant 0 : i32
      %get3A_627 = arith.index_cast %get3A_626 : i32 to index
      %get3A_628 = arith.constant 240 : index
      %get3A_629 = tpu.vector_load %arg11[%get3A_627, %get3A_628] {strides = array<i32>} : memref<2x400xi32, #tpu.memory_space<vmem>>, vector<16xi32>,
      %gather3A_630 = tpu.vector_load_idx %arg8[%get3A_625] : memref<10000xf32, #tpu.memory_space<vmem>>[vector<16xi32>], vector<16xf32>,
      %gather3A_631 = tpu.vector_load_idx %arg9[%get3A_629] : memref<10000xf32, #tpu.memory_space<vmem>>[vector<16xi32>], vector<16xf32>,
      %add3A_632 = arith.addf %gather3A_630, %gather3A_631 : vector<16xf32>
      %ge3A_633 = arith.constant 0.000000e+00 : f32
      %ge3A_634 = vector.broadcast %ge3A_633 : f32 to vector<16xf32>
      %ge3A_635 = arith.cmpf oge, %add3A_632, %ge3A_634 : vector<16xf32>
      %mul3A_636 = arith.constant 2.000000e-01 : f32
      %mul3A_637 = vector.broadcast %mul3A_636 : f32 to vector<16xf32>
      %mul3A_638 = arith.mulf %add3A_632, %mul3A_637 : vector<16xf32>
      %select_n3A_639 = arith.select %ge3A_635, %add3A_632, %mul3A_638 : vector<16xi1>, vector<16xf32>
      %exp3A_640 = math.exp %select_n3A_639 : vector<16xf32>
      %swap3A_641 = arith.constant 0 : i32
      %swap3A_642 = arith.index_cast %swap3A_641 : i32 to index
      %swap3A_643 = arith.constant 240 : index
      %swap3A_644 = tpu.vector_load %arg12[%swap3A_642, %swap3A_643] {strides = array<i32>} : memref<2x400xf32, #tpu.memory_space<vmem>>, vector<16xf32>,
      tpu.vector_store %arg12[%swap3A_642, %swap3A_643], %exp3A_640 {strides = array<i32>} : memref<2x400xf32, #tpu.memory_space<vmem>>, vector<16xf32>,
      %get3A_645 = arith.constant 0 : i32
      %get3A_646 = arith.index_cast %get3A_645 : i32 to index
      %get3A_647 = arith.constant 256 : index
      %get3A_648 = tpu.vector_load %arg10[%get3A_646, %get3A_647] {strides = array<i32>} : memref<2x400xi32, #tpu.memory_space<vmem>>, vector<16xi32>,
      %get3A_649 = arith.constant 0 : i32
      %get3A_650 = arith.index_cast %get3A_649 : i32 to index
      %get3A_651 = arith.constant 256 : index
      %get3A_652 = tpu.vector_load %arg11[%get3A_650, %get3A_651] {strides = array<i32>} : memref<2x400xi32, #tpu.memory_space<vmem>>, vector<16xi32>,
      %gather3A_653 = tpu.vector_load_idx %arg8[%get3A_648] : memref<10000xf32, #tpu.memory_space<vmem>>[vector<16xi32>], vector<16xf32>,
      %gather3A_654 = tpu.vector_load_idx %arg9[%get3A_652] : memref<10000xf32, #tpu.memory_space<vmem>>[vector<16xi32>], vector<16xf32>,
      %add3A_655 = arith.addf %gather3A_653, %gather3A_654 : vector<16xf32>
      %ge3A_656 = arith.constant 0.000000e+00 : f32
      %ge3A_657 = vector.broadcast %ge3A_656 : f32 to vector<16xf32>
      %ge3A_658 = arith.cmpf oge, %add3A_655, %ge3A_657 : vector<16xf32>
      %mul3A_659 = arith.constant 2.000000e-01 : f32
      %mul3A_660 = vector.broadcast %mul3A_659 : f32 to vector<16xf32>
      %mul3A_661 = arith.mulf %add3A_655, %mul3A_660 : vector<16xf32>
      %select_n3A_662 = arith.select %ge3A_658, %add3A_655, %mul3A_661 : vector<16xi1>, vector<16xf32>
      %exp3A_663 = math.exp %select_n3A_662 : vector<16xf32>
      %swap3A_664 = arith.constant 0 : i32
      %swap3A_665 = arith.index_cast %swap3A_664 : i32 to index
      %swap3A_666 = arith.constant 256 : index
      %swap3A_667 = tpu.vector_load %arg12[%swap3A_665, %swap3A_666] {strides = array<i32>} : memref<2x400xf32, #tpu.memory_space<vmem>>, vector<16xf32>,
      tpu.vector_store %arg12[%swap3A_665, %swap3A_666], %exp3A_663 {strides = array<i32>} : memref<2x400xf32, #tpu.memory_space<vmem>>, vector<16xf32>,
      %get3A_668 = arith.constant 0 : i32
      %get3A_669 = arith.index_cast %get3A_668 : i32 to index
      %get3A_670 = arith.constant 272 : index
      %get3A_671 = tpu.vector_load %arg10[%get3A_669, %get3A_670] {strides = array<i32>} : memref<2x400xi32, #tpu.memory_space<vmem>>, vector<16xi32>,
      %get3A_672 = arith.constant 0 : i32
      %get3A_673 = arith.index_cast %get3A_672 : i32 to index
      %get3A_674 = arith.constant 272 : index
      %get3A_675 = tpu.vector_load %arg11[%get3A_673, %get3A_674] {strides = array<i32>} : memref<2x400xi32, #tpu.memory_space<vmem>>, vector<16xi32>,
      %gather3A_676 = tpu.vector_load_idx %arg8[%get3A_671] : memref<10000xf32, #tpu.memory_space<vmem>>[vector<16xi32>], vector<16xf32>,
      %gather3A_677 = tpu.vector_load_idx %arg9[%get3A_675] : memref<10000xf32, #tpu.memory_space<vmem>>[vector<16xi32>], vector<16xf32>,
      %add3A_678 = arith.addf %gather3A_676, %gather3A_677 : vector<16xf32>
      %ge3A_679 = arith.constant 0.000000e+00 : f32
      %ge3A_680 = vector.broadcast %ge3A_679 : f32 to vector<16xf32>
      %ge3A_681 = arith.cmpf oge, %add3A_678, %ge3A_680 : vector<16xf32>
      %mul3A_682 = arith.constant 2.000000e-01 : f32
      %mul3A_683 = vector.broadcast %mul3A_682 : f32 to vector<16xf32>
      %mul3A_684 = arith.mulf %add3A_678, %mul3A_683 : vector<16xf32>
      %select_n3A_685 = arith.select %ge3A_681, %add3A_678, %mul3A_684 : vector<16xi1>, vector<16xf32>
      %exp3A_686 = math.exp %select_n3A_685 : vector<16xf32>
      %swap3A_687 = arith.constant 0 : i32
      %swap3A_688 = arith.index_cast %swap3A_687 : i32 to index
      %swap3A_689 = arith.constant 272 : index
      %swap3A_690 = tpu.vector_load %arg12[%swap3A_688, %swap3A_689] {strides = array<i32>} : memref<2x400xf32, #tpu.memory_space<vmem>>, vector<16xf32>,
      tpu.vector_store %arg12[%swap3A_688, %swap3A_689], %exp3A_686 {strides = array<i32>} : memref<2x400xf32, #tpu.memory_space<vmem>>, vector<16xf32>,
      %get3A_691 = arith.constant 0 : i32
      %get3A_692 = arith.index_cast %get3A_691 : i32 to index
      %get3A_693 = arith.constant 288 : index
      %get3A_694 = tpu.vector_load %arg10[%get3A_692, %get3A_693] {strides = array<i32>} : memref<2x400xi32, #tpu.memory_space<vmem>>, vector<16xi32>,
      %get3A_695 = arith.constant 0 : i32
      %get3A_696 = arith.index_cast %get3A_695 : i32 to index
      %get3A_697 = arith.constant 288 : index
      %get3A_698 = tpu.vector_load %arg11[%get3A_696, %get3A_697] {strides = array<i32>} : memref<2x400xi32, #tpu.memory_space<vmem>>, vector<16xi32>,
      %gather3A_699 = tpu.vector_load_idx %arg8[%get3A_694] : memref<10000xf32, #tpu.memory_space<vmem>>[vector<16xi32>], vector<16xf32>,
      %gather3A_700 = tpu.vector_load_idx %arg9[%get3A_698] : memref<10000xf32, #tpu.memory_space<vmem>>[vector<16xi32>], vector<16xf32>,
      %add3A_701 = arith.addf %gather3A_699, %gather3A_700 : vector<16xf32>
      %ge3A_702 = arith.constant 0.000000e+00 : f32
      %ge3A_703 = vector.broadcast %ge3A_702 : f32 to vector<16xf32>
      %ge3A_704 = arith.cmpf oge, %add3A_701, %ge3A_703 : vector<16xf32>
      %mul3A_705 = arith.constant 2.000000e-01 : f32
      %mul3A_706 = vector.broadcast %mul3A_705 : f32 to vector<16xf32>
      %mul3A_707 = arith.mulf %add3A_701, %mul3A_706 : vector<16xf32>
      %select_n3A_708 = arith.select %ge3A_704, %add3A_701, %mul3A_707 : vector<16xi1>, vector<16xf32>
      %exp3A_709 = math.exp %select_n3A_708 : vector<16xf32>
      %swap3A_710 = arith.constant 0 : i32
      %swap3A_711 = arith.index_cast %swap3A_710 : i32 to index
      %swap3A_712 = arith.constant 288 : index
      %swap3A_713 = tpu.vector_load %arg12[%swap3A_711, %swap3A_712] {strides = array<i32>} : memref<2x400xf32, #tpu.memory_space<vmem>>, vector<16xf32>,
      tpu.vector_store %arg12[%swap3A_711, %swap3A_712], %exp3A_709 {strides = array<i32>} : memref<2x400xf32, #tpu.memory_space<vmem>>, vector<16xf32>,
      %get3A_714 = arith.constant 0 : i32
      %get3A_715 = arith.index_cast %get3A_714 : i32 to index
      %get3A_716 = arith.constant 304 : index
      %get3A_717 = tpu.vector_load %arg10[%get3A_715, %get3A_716] {strides = array<i32>} : memref<2x400xi32, #tpu.memory_space<vmem>>, vector<16xi32>,
      %get3A_718 = arith.constant 0 : i32
      %get3A_719 = arith.index_cast %get3A_718 : i32 to index
      %get3A_720 = arith.constant 304 : index
      %get3A_721 = tpu.vector_load %arg11[%get3A_719, %get3A_720] {strides = array<i32>} : memref<2x400xi32, #tpu.memory_space<vmem>>, vector<16xi32>,
      %gather3A_722 = tpu.vector_load_idx %arg8[%get3A_717] : memref<10000xf32, #tpu.memory_space<vmem>>[vector<16xi32>], vector<16xf32>,
      %gather3A_723 = tpu.vector_load_idx %arg9[%get3A_721] : memref<10000xf32, #tpu.memory_space<vmem>>[vector<16xi32>], vector<16xf32>,
      %add3A_724 = arith.addf %gather3A_722, %gather3A_723 : vector<16xf32>
      %ge3A_725 = arith.constant 0.000000e+00 : f32
      %ge3A_726 = vector.broadcast %ge3A_725 : f32 to vector<16xf32>
      %ge3A_727 = arith.cmpf oge, %add3A_724, %ge3A_726 : vector<16xf32>
      %mul3A_728 = arith.constant 2.000000e-01 : f32
      %mul3A_729 = vector.broadcast %mul3A_728 : f32 to vector<16xf32>
      %mul3A_730 = arith.mulf %add3A_724, %mul3A_729 : vector<16xf32>
      %select_n3A_731 = arith.select %ge3A_727, %add3A_724, %mul3A_730 : vector<16xi1>, vector<16xf32>
      %exp3A_732 = math.exp %select_n3A_731 : vector<16xf32>
      %swap3A_733 = arith.constant 0 : i32
      %swap3A_734 = arith.index_cast %swap3A_733 : i32 to index
      %swap3A_735 = arith.constant 304 : index
      %swap3A_736 = tpu.vector_load %arg12[%swap3A_734, %swap3A_735] {strides = array<i32>} : memref<2x400xf32, #tpu.memory_space<vmem>>, vector<16xf32>,
      tpu.vector_store %arg12[%swap3A_734, %swap3A_735], %exp3A_732 {strides = array<i32>} : memref<2x400xf32, #tpu.memory_space<vmem>>, vector<16xf32>,
      %get3A_737 = arith.constant 0 : i32
      %get3A_738 = arith.index_cast %get3A_737 : i32 to index
      %get3A_739 = arith.constant 320 : index
      %get3A_740 = tpu.vector_load %arg10[%get3A_738, %get3A_739] {strides = array<i32>} : memref<2x400xi32, #tpu.memory_space<vmem>>, vector<16xi32>,
      %get3A_741 = arith.constant 0 : i32
      %get3A_742 = arith.index_cast %get3A_741 : i32 to index
      %get3A_743 = arith.constant 320 : index
      %get3A_744 = tpu.vector_load %arg11[%get3A_742, %get3A_743] {strides = array<i32>} : memref<2x400xi32, #tpu.memory_space<vmem>>, vector<16xi32>,
      %gather3A_745 = tpu.vector_load_idx %arg8[%get3A_740] : memref<10000xf32, #tpu.memory_space<vmem>>[vector<16xi32>], vector<16xf32>,
      %gather3A_746 = tpu.vector_load_idx %arg9[%get3A_744] : memref<10000xf32, #tpu.memory_space<vmem>>[vector<16xi32>], vector<16xf32>,
      %add3A_747 = arith.addf %gather3A_745, %gather3A_746 : vector<16xf32>
      %ge3A_748 = arith.constant 0.000000e+00 : f32
      %ge3A_749 = vector.broadcast %ge3A_748 : f32 to vector<16xf32>
      %ge3A_750 = arith.cmpf oge, %add3A_747, %ge3A_749 : vector<16xf32>
      %mul3A_751 = arith.constant 2.000000e-01 : f32
      %mul3A_752 = vector.broadcast %mul3A_751 : f32 to vector<16xf32>
      %mul3A_753 = arith.mulf %add3A_747, %mul3A_752 : vector<16xf32>
      %select_n3A_754 = arith.select %ge3A_750, %add3A_747, %mul3A_753 : vector<16xi1>, vector<16xf32>
      %exp3A_755 = math.exp %select_n3A_754 : vector<16xf32>
      %swap3A_756 = arith.constant 0 : i32
      %swap3A_757 = arith.index_cast %swap3A_756 : i32 to index
      %swap3A_758 = arith.constant 320 : index
      %swap3A_759 = tpu.vector_load %arg12[%swap3A_757, %swap3A_758] {strides = array<i32>} : memref<2x400xf32, #tpu.memory_space<vmem>>, vector<16xf32>,
      tpu.vector_store %arg12[%swap3A_757, %swap3A_758], %exp3A_755 {strides = array<i32>} : memref<2x400xf32, #tpu.memory_space<vmem>>, vector<16xf32>,
      %get3A_760 = arith.constant 0 : i32
      %get3A_761 = arith.index_cast %get3A_760 : i32 to index
      %get3A_762 = arith.constant 336 : index
      %get3A_763 = tpu.vector_load %arg10[%get3A_761, %get3A_762] {strides = array<i32>} : memref<2x400xi32, #tpu.memory_space<vmem>>, vector<16xi32>,
      %get3A_764 = arith.constant 0 : i32
      %get3A_765 = arith.index_cast %get3A_764 : i32 to index
      %get3A_766 = arith.constant 336 : index
      %get3A_767 = tpu.vector_load %arg11[%get3A_765, %get3A_766] {strides = array<i32>} : memref<2x400xi32, #tpu.memory_space<vmem>>, vector<16xi32>,
      %gather3A_768 = tpu.vector_load_idx %arg8[%get3A_763] : memref<10000xf32, #tpu.memory_space<vmem>>[vector<16xi32>], vector<16xf32>,
      %gather3A_769 = tpu.vector_load_idx %arg9[%get3A_767] : memref<10000xf32, #tpu.memory_space<vmem>>[vector<16xi32>], vector<16xf32>,
      %add3A_770 = arith.addf %gather3A_768, %gather3A_769 : vector<16xf32>
      %ge3A_771 = arith.constant 0.000000e+00 : f32
      %ge3A_772 = vector.broadcast %ge3A_771 : f32 to vector<16xf32>
      %ge3A_773 = arith.cmpf oge, %add3A_770, %ge3A_772 : vector<16xf32>
      %mul3A_774 = arith.constant 2.000000e-01 : f32
      %mul3A_775 = vector.broadcast %mul3A_774 : f32 to vector<16xf32>
      %mul3A_776 = arith.mulf %add3A_770, %mul3A_775 : vector<16xf32>
      %select_n3A_777 = arith.select %ge3A_773, %add3A_770, %mul3A_776 : vector<16xi1>, vector<16xf32>
      %exp3A_778 = math.exp %select_n3A_777 : vector<16xf32>
      %swap3A_779 = arith.constant 0 : i32
      %swap3A_780 = arith.index_cast %swap3A_779 : i32 to index
      %swap3A_781 = arith.constant 336 : index
      %swap3A_782 = tpu.vector_load %arg12[%swap3A_780, %swap3A_781] {strides = array<i32>} : memref<2x400xf32, #tpu.memory_space<vmem>>, vector<16xf32>,
      tpu.vector_store %arg12[%swap3A_780, %swap3A_781], %exp3A_778 {strides = array<i32>} : memref<2x400xf32, #tpu.memory_space<vmem>>, vector<16xf32>,
      %get3A_783 = arith.constant 0 : i32
      %get3A_784 = arith.index_cast %get3A_783 : i32 to index
      %get3A_785 = arith.constant 352 : index
      %get3A_786 = tpu.vector_load %arg10[%get3A_784, %get3A_785] {strides = array<i32>} : memref<2x400xi32, #tpu.memory_space<vmem>>, vector<16xi32>,
      %get3A_787 = arith.constant 0 : i32
      %get3A_788 = arith.index_cast %get3A_787 : i32 to index
      %get3A_789 = arith.constant 352 : index
      %get3A_790 = tpu.vector_load %arg11[%get3A_788, %get3A_789] {strides = array<i32>} : memref<2x400xi32, #tpu.memory_space<vmem>>, vector<16xi32>,
      %gather3A_791 = tpu.vector_load_idx %arg8[%get3A_786] : memref<10000xf32, #tpu.memory_space<vmem>>[vector<16xi32>], vector<16xf32>,
      %gather3A_792 = tpu.vector_load_idx %arg9[%get3A_790] : memref<10000xf32, #tpu.memory_space<vmem>>[vector<16xi32>], vector<16xf32>,
      %add3A_793 = arith.addf %gather3A_791, %gather3A_792 : vector<16xf32>
      %ge3A_794 = arith.constant 0.000000e+00 : f32
      %ge3A_795 = vector.broadcast %ge3A_794 : f32 to vector<16xf32>
      %ge3A_796 = arith.cmpf oge, %add3A_793, %ge3A_795 : vector<16xf32>
      %mul3A_797 = arith.constant 2.000000e-01 : f32
      %mul3A_798 = vector.broadcast %mul3A_797 : f32 to vector<16xf32>
      %mul3A_799 = arith.mulf %add3A_793, %mul3A_798 : vector<16xf32>
      %select_n3A_800 = arith.select %ge3A_796, %add3A_793, %mul3A_799 : vector<16xi1>, vector<16xf32>
      %exp3A_801 = math.exp %select_n3A_800 : vector<16xf32>
      %swap3A_802 = arith.constant 0 : i32
      %swap3A_803 = arith.index_cast %swap3A_802 : i32 to index
      %swap3A_804 = arith.constant 352 : index
      %swap3A_805 = tpu.vector_load %arg12[%swap3A_803, %swap3A_804] {strides = array<i32>} : memref<2x400xf32, #tpu.memory_space<vmem>>, vector<16xf32>,
      tpu.vector_store %arg12[%swap3A_803, %swap3A_804], %exp3A_801 {strides = array<i32>} : memref<2x400xf32, #tpu.memory_space<vmem>>, vector<16xf32>,
      %get3A_806 = arith.constant 0 : i32
      %get3A_807 = arith.index_cast %get3A_806 : i32 to index
      %get3A_808 = arith.constant 368 : index
      %get3A_809 = tpu.vector_load %arg10[%get3A_807, %get3A_808] {strides = array<i32>} : memref<2x400xi32, #tpu.memory_space<vmem>>, vector<16xi32>,
      %get3A_810 = arith.constant 0 : i32
      %get3A_811 = arith.index_cast %get3A_810 : i32 to index
      %get3A_812 = arith.constant 368 : index
      %get3A_813 = tpu.vector_load %arg11[%get3A_811, %get3A_812] {strides = array<i32>} : memref<2x400xi32, #tpu.memory_space<vmem>>, vector<16xi32>,
      %gather3A_814 = tpu.vector_load_idx %arg8[%get3A_809] : memref<10000xf32, #tpu.memory_space<vmem>>[vector<16xi32>], vector<16xf32>,
      %gather3A_815 = tpu.vector_load_idx %arg9[%get3A_813] : memref<10000xf32, #tpu.memory_space<vmem>>[vector<16xi32>], vector<16xf32>,
      %add3A_816 = arith.addf %gather3A_814, %gather3A_815 : vector<16xf32>
      %ge3A_817 = arith.constant 0.000000e+00 : f32
      %ge3A_818 = vector.broadcast %ge3A_817 : f32 to vector<16xf32>
      %ge3A_819 = arith.cmpf oge, %add3A_816, %ge3A_818 : vector<16xf32>
      %mul3A_820 = arith.constant 2.000000e-01 : f32
      %mul3A_821 = vector.broadcast %mul3A_820 : f32 to vector<16xf32>
      %mul3A_822 = arith.mulf %add3A_816, %mul3A_821 : vector<16xf32>
      %select_n3A_823 = arith.select %ge3A_819, %add3A_816, %mul3A_822 : vector<16xi1>, vector<16xf32>
      %exp3A_824 = math.exp %select_n3A_823 : vector<16xf32>
      %swap3A_825 = arith.constant 0 : i32
      %swap3A_826 = arith.index_cast %swap3A_825 : i32 to index
      %swap3A_827 = arith.constant 368 : index
      %swap3A_828 = tpu.vector_load %arg12[%swap3A_826, %swap3A_827] {strides = array<i32>} : memref<2x400xf32, #tpu.memory_space<vmem>>, vector<16xf32>,
      tpu.vector_store %arg12[%swap3A_826, %swap3A_827], %exp3A_824 {strides = array<i32>} : memref<2x400xf32, #tpu.memory_space<vmem>>, vector<16xf32>,
      %get3A_829 = arith.constant 0 : i32
      %get3A_830 = arith.index_cast %get3A_829 : i32 to index
      %get3A_831 = arith.constant 384 : index
      %get3A_832 = tpu.vector_load %arg10[%get3A_830, %get3A_831] {strides = array<i32>} : memref<2x400xi32, #tpu.memory_space<vmem>>, vector<16xi32>,
      %get3A_833 = arith.constant 0 : i32
      %get3A_834 = arith.index_cast %get3A_833 : i32 to index
      %get3A_835 = arith.constant 384 : index
      %get3A_836 = tpu.vector_load %arg11[%get3A_834, %get3A_835] {strides = array<i32>} : memref<2x400xi32, #tpu.memory_space<vmem>>, vector<16xi32>,
      %gather3A_837 = tpu.vector_load_idx %arg8[%get3A_832] : memref<10000xf32, #tpu.memory_space<vmem>>[vector<16xi32>], vector<16xf32>,
      %gather3A_838 = tpu.vector_load_idx %arg9[%get3A_836] : memref<10000xf32, #tpu.memory_space<vmem>>[vector<16xi32>], vector<16xf32>,
      %add3A_839 = arith.addf %gather3A_837, %gather3A_838 : vector<16xf32>
      %ge3A_840 = arith.constant 0.000000e+00 : f32
      %ge3A_841 = vector.broadcast %ge3A_840 : f32 to vector<16xf32>
      %ge3A_842 = arith.cmpf oge, %add3A_839, %ge3A_841 : vector<16xf32>
      %mul3A_843 = arith.constant 2.000000e-01 : f32
      %mul3A_844 = vector.broadcast %mul3A_843 : f32 to vector<16xf32>
      %mul3A_845 = arith.mulf %add3A_839, %mul3A_844 : vector<16xf32>
      %select_n3A_846 = arith.select %ge3A_842, %add3A_839, %mul3A_845 : vector<16xi1>, vector<16xf32>
      %exp3A_847 = math.exp %select_n3A_846 : vector<16xf32>
      %swap3A_848 = arith.constant 0 : i32
      %swap3A_849 = arith.index_cast %swap3A_848 : i32 to index
      %swap3A_850 = arith.constant 384 : index
      %swap3A_851 = tpu.vector_load %arg12[%swap3A_849, %swap3A_850] {strides = array<i32>} : memref<2x400xf32, #tpu.memory_space<vmem>>, vector<16xf32>,
      tpu.vector_store %arg12[%swap3A_849, %swap3A_850], %exp3A_847 {strides = array<i32>} : memref<2x400xf32, #tpu.memory_space<vmem>>, vector<16xf32>,
      %dma_wait3A = arith.constant 0 : i32
      %dma_wait3A_852 = arith.constant 0 : i32
      %dma_wait3A_853 = arith.constant 0 : i32
      %dma_wait3A_854 = arith.constant 0 : i32
      %dma_wait3A_855 = tpu.memref_slice %arg13[%dma_wait3A_852, %dma_wait3A_853, %dma_wait3A_854] : memref<2x400x64xf32, #tpu.memory_space<vmem>> -> memref<1x400x64xf32, #tpu.memory_space<vmem>>
      %dma_wait3A_856 = tpu.memref_squeeze %dma_wait3A_855 : memref<1x400x64xf32, #tpu.memory_space<vmem>> -> memref<400x64xf32, #tpu.memory_space<vmem>>
      %dma_wait3A_857 = arith.constant 0 : i32
      %dma_wait3A_858 = tpu.memref_slice %arg10[%dma_wait3A, %dma_wait3A_857] : memref<2x400xi32, #tpu.memory_space<vmem>> -> memref<1x400xi32, #tpu.memory_space<vmem>>
      %dma_wait3A_859 = tpu.memref_squeeze %dma_wait3A_858 : memref<1x400xi32, #tpu.memory_space<vmem>> -> memref<400xi32, #tpu.memory_space<vmem>>
      %dma_wait3A_860 = arith.constant 0 : i32
      %dma_wait3A_861 = arith.constant 0 : i32
      %dma_wait3A_862 = tpu.memref_slice %arg2[%arg0, %dma_wait3A_860, %dma_wait3A_861] : memref<2x10000x64xf32, #tpu.memory_space<hbm>> -> memref<1x10000x64xf32, #tpu.memory_space<hbm>>
      %dma_wait3A_863 = tpu.memref_squeeze %dma_wait3A_862 : memref<1x10000x64xf32, #tpu.memory_space<hbm>> -> memref<10000x64xf32, #tpu.memory_space<hbm>>
      %dma_wait3A_864 = arith.constant 0 : i32
      %dma_wait3A_865 = arith.constant 0 : i32
      %dma_wait3A_866 = tpu.memref_slice %dma_wait3A_863[%dma_wait3A_864, %dma_wait3A_865] : memref<10000x64xf32, #tpu.memory_space<hbm>> -> memref<10000x64xf32, #tpu.memory_space<hbm>>
      tpu.wait_indirect_dma semaphore(%arg14 : memref<!tpu.dma_semaphore, #tpu.memory_space<semaphore_mem>>) src(%dma_wait3A_866 : memref<10000x64xf32, #tpu.memory_space<hbm>>) dst(%dma_wait3A_856 : memref<400x64xf32, #tpu.memory_space<vmem>>)
      %scan3A_867 = arith.constant 0 : i32
      %scan3A_868 = arith.constant 100 : i32
      %scan3A_869 = arith.addi %scan3A_867, %scan3A_868 : i32
      %scan3A_870 = arith.constant 1 : i32
      scf.for %scan3A_1482 = %scan3A_867 to %scan3A_869 step %scan3A_870  : i32 {
        %mul3A_1483 = arith.constant 4 : i32
        %mul3A_1484 = arith.muli %scan3A_1482, %mul3A_1483 : i32
        %add3A_1485 = arith.constant 0 : i32
        %add3A_1486 = arith.addi %mul3A_1484, %add3A_1485 : i32
        %broadcast_in_dim3A_1487 = vector.broadcast %add3A_1486 : i32 to vector<16xi32>
        %gather3A_1488 = arith.constant 0 : i32
        %gather3A_1489 = arith.constant 0 : i32
        %gather3A_1490 = tpu.memref_slice %arg12[%gather3A_1488, %gather3A_1489] : memref<2x400xf32, #tpu.memory_space<vmem>> -> memref<1x400xf32, #tpu.memory_space<vmem>>
        %gather3A_1491 = tpu.memref_squeeze %gather3A_1490 : memref<1x400xf32, #tpu.memory_space<vmem>> -> memref<400xf32, #tpu.memory_space<vmem>>
        %gather3A_1492 = tpu.vector_load_idx %gather3A_1491[%broadcast_in_dim3A_1487] : memref<400xf32, #tpu.memory_space<vmem>>[vector<16xi32>], vector<16xf32>,
        %get3A_1493 = arith.constant 0 : i32
        %get3A_1494 = arith.index_cast %get3A_1493 : i32 to index
        %get3A_1495 = arith.index_cast %add3A_1486 : i32 to index
        %get3A_1496 = arith.constant 0 : index
        %get3A_1497 = tpu.vector_load %arg13[%get3A_1494, %get3A_1495, %get3A_1496] {strides = array<i32>} : memref<2x400x64xf32, #tpu.memory_space<vmem>>, vector<16xf32>,
        %mul3A_1498 = arith.mulf %get3A_1497, %gather3A_1492 : vector<16xf32>
        %swap3A_1499 = arith.constant 0 : i32
        %swap3A_1500 = arith.index_cast %swap3A_1499 : i32 to index
        %swap3A_1501 = arith.index_cast %add3A_1486 : i32 to index
        %swap3A_1502 = arith.constant 0 : index
        %swap3A_1503 = tpu.vector_load %arg13[%swap3A_1500, %swap3A_1501, %swap3A_1502] {strides = array<i32>} : memref<2x400x64xf32, #tpu.memory_space<vmem>>, vector<16xf32>,
        tpu.vector_store %arg13[%swap3A_1500, %swap3A_1501, %swap3A_1502], %mul3A_1498 {strides = array<i32>} : memref<2x400x64xf32, #tpu.memory_space<vmem>>, vector<16xf32>,
        %get3A_1504 = arith.constant 0 : i32
        %get3A_1505 = arith.index_cast %get3A_1504 : i32 to index
        %get3A_1506 = arith.index_cast %add3A_1486 : i32 to index
        %get3A_1507 = arith.constant 16 : index
        %get3A_1508 = tpu.vector_load %arg13[%get3A_1505, %get3A_1506, %get3A_1507] {strides = array<i32>} : memref<2x400x64xf32, #tpu.memory_space<vmem>>, vector<16xf32>,
        %mul3A_1509 = arith.mulf %get3A_1508, %gather3A_1492 : vector<16xf32>
        %swap3A_1510 = arith.constant 0 : i32
        %swap3A_1511 = arith.index_cast %swap3A_1510 : i32 to index
        %swap3A_1512 = arith.index_cast %add3A_1486 : i32 to index
        %swap3A_1513 = arith.constant 16 : index
        %swap3A_1514 = tpu.vector_load %arg13[%swap3A_1511, %swap3A_1512, %swap3A_1513] {strides = array<i32>} : memref<2x400x64xf32, #tpu.memory_space<vmem>>, vector<16xf32>,
        tpu.vector_store %arg13[%swap3A_1511, %swap3A_1512, %swap3A_1513], %mul3A_1509 {strides = array<i32>} : memref<2x400x64xf32, #tpu.memory_space<vmem>>, vector<16xf32>,
        %get3A_1515 = arith.constant 0 : i32
        %get3A_1516 = arith.index_cast %get3A_1515 : i32 to index
        %get3A_1517 = arith.index_cast %add3A_1486 : i32 to index
        %get3A_1518 = arith.constant 32 : index
        %get3A_1519 = tpu.vector_load %arg13[%get3A_1516, %get3A_1517, %get3A_1518] {strides = array<i32>} : memref<2x400x64xf32, #tpu.memory_space<vmem>>, vector<16xf32>,
        %mul3A_1520 = arith.mulf %get3A_1519, %gather3A_1492 : vector<16xf32>
        %swap3A_1521 = arith.constant 0 : i32
        %swap3A_1522 = arith.index_cast %swap3A_1521 : i32 to index
        %swap3A_1523 = arith.index_cast %add3A_1486 : i32 to index
        %swap3A_1524 = arith.constant 32 : index
        %swap3A_1525 = tpu.vector_load %arg13[%swap3A_1522, %swap3A_1523, %swap3A_1524] {strides = array<i32>} : memref<2x400x64xf32, #tpu.memory_space<vmem>>, vector<16xf32>,
        tpu.vector_store %arg13[%swap3A_1522, %swap3A_1523, %swap3A_1524], %mul3A_1520 {strides = array<i32>} : memref<2x400x64xf32, #tpu.memory_space<vmem>>, vector<16xf32>,
        %get3A_1526 = arith.constant 0 : i32
        %get3A_1527 = arith.index_cast %get3A_1526 : i32 to index
        %get3A_1528 = arith.index_cast %add3A_1486 : i32 to index
        %get3A_1529 = arith.constant 48 : index
        %get3A_1530 = tpu.vector_load %arg13[%get3A_1527, %get3A_1528, %get3A_1529] {strides = array<i32>} : memref<2x400x64xf32, #tpu.memory_space<vmem>>, vector<16xf32>,
        %mul3A_1531 = arith.mulf %get3A_1530, %gather3A_1492 : vector<16xf32>
        %swap3A_1532 = arith.constant 0 : i32
        %swap3A_1533 = arith.index_cast %swap3A_1532 : i32 to index
        %swap3A_1534 = arith.index_cast %add3A_1486 : i32 to index
        %swap3A_1535 = arith.constant 48 : index
        %swap3A_1536 = tpu.vector_load %arg13[%swap3A_1533, %swap3A_1534, %swap3A_1535] {strides = array<i32>} : memref<2x400x64xf32, #tpu.memory_space<vmem>>, vector<16xf32>,
        tpu.vector_store %arg13[%swap3A_1533, %swap3A_1534, %swap3A_1535], %mul3A_1531 {strides = array<i32>} : memref<2x400x64xf32, #tpu.memory_space<vmem>>, vector<16xf32>,
        %add3A_1537 = arith.constant 1 : i32
        %add3A_1538 = arith.addi %mul3A_1484, %add3A_1537 : i32
        %broadcast_in_dim3A_1539 = vector.broadcast %add3A_1538 : i32 to vector<16xi32>
        %gather3A_1540 = arith.constant 0 : i32
        %gather3A_1541 = arith.constant 0 : i32
        %gather3A_1542 = tpu.memref_slice %arg12[%gather3A_1540, %gather3A_1541] : memref<2x400xf32, #tpu.memory_space<vmem>> -> memref<1x400xf32, #tpu.memory_space<vmem>>
        %gather3A_1543 = tpu.memref_squeeze %gather3A_1542 : memref<1x400xf32, #tpu.memory_space<vmem>> -> memref<400xf32, #tpu.memory_space<vmem>>
        %gather3A_1544 = tpu.vector_load_idx %gather3A_1543[%broadcast_in_dim3A_1539] : memref<400xf32, #tpu.memory_space<vmem>>[vector<16xi32>], vector<16xf32>,
        %get3A_1545 = arith.constant 0 : i32
        %get3A_1546 = arith.index_cast %get3A_1545 : i32 to index
        %get3A_1547 = arith.index_cast %add3A_1538 : i32 to index
        %get3A_1548 = arith.constant 0 : index
        %get3A_1549 = tpu.vector_load %arg13[%get3A_1546, %get3A_1547, %get3A_1548] {strides = array<i32>} : memref<2x400x64xf32, #tpu.memory_space<vmem>>, vector<16xf32>,
        %mul3A_1550 = arith.mulf %get3A_1549, %gather3A_1544 : vector<16xf32>
        %swap3A_1551 = arith.constant 0 : i32
        %swap3A_1552 = arith.index_cast %swap3A_1551 : i32 to index
        %swap3A_1553 = arith.index_cast %add3A_1538 : i32 to index
        %swap3A_1554 = arith.constant 0 : index
        %swap3A_1555 = tpu.vector_load %arg13[%swap3A_1552, %swap3A_1553, %swap3A_1554] {strides = array<i32>} : memref<2x400x64xf32, #tpu.memory_space<vmem>>, vector<16xf32>,
        tpu.vector_store %arg13[%swap3A_1552, %swap3A_1553, %swap3A_1554], %mul3A_1550 {strides = array<i32>} : memref<2x400x64xf32, #tpu.memory_space<vmem>>, vector<16xf32>,
        %get3A_1556 = arith.constant 0 : i32
        %get3A_1557 = arith.index_cast %get3A_1556 : i32 to index
        %get3A_1558 = arith.index_cast %add3A_1538 : i32 to index
        %get3A_1559 = arith.constant 16 : index
        %get3A_1560 = tpu.vector_load %arg13[%get3A_1557, %get3A_1558, %get3A_1559] {strides = array<i32>} : memref<2x400x64xf32, #tpu.memory_space<vmem>>, vector<16xf32>,
        %mul3A_1561 = arith.mulf %get3A_1560, %gather3A_1544 : vector<16xf32>
        %swap3A_1562 = arith.constant 0 : i32
        %swap3A_1563 = arith.index_cast %swap3A_1562 : i32 to index
        %swap3A_1564 = arith.index_cast %add3A_1538 : i32 to index
        %swap3A_1565 = arith.constant 16 : index
        %swap3A_1566 = tpu.vector_load %arg13[%swap3A_1563, %swap3A_1564, %swap3A_1565] {strides = array<i32>} : memref<2x400x64xf32, #tpu.memory_space<vmem>>, vector<16xf32>,
        tpu.vector_store %arg13[%swap3A_1563, %swap3A_1564, %swap3A_1565], %mul3A_1561 {strides = array<i32>} : memref<2x400x64xf32, #tpu.memory_space<vmem>>, vector<16xf32>,
        %get3A_1567 = arith.constant 0 : i32
        %get3A_1568 = arith.index_cast %get3A_1567 : i32 to index
        %get3A_1569 = arith.index_cast %add3A_1538 : i32 to index
        %get3A_1570 = arith.constant 32 : index
        %get3A_1571 = tpu.vector_load %arg13[%get3A_1568, %get3A_1569, %get3A_1570] {strides = array<i32>} : memref<2x400x64xf32, #tpu.memory_space<vmem>>, vector<16xf32>,
        %mul3A_1572 = arith.mulf %get3A_1571, %gather3A_1544 : vector<16xf32>
        %swap3A_1573 = arith.constant 0 : i32
        %swap3A_1574 = arith.index_cast %swap3A_1573 : i32 to index
        %swap3A_1575 = arith.index_cast %add3A_1538 : i32 to index
        %swap3A_1576 = arith.constant 32 : index
        %swap3A_1577 = tpu.vector_load %arg13[%swap3A_1574, %swap3A_1575, %swap3A_1576] {strides = array<i32>} : memref<2x400x64xf32, #tpu.memory_space<vmem>>, vector<16xf32>,
        tpu.vector_store %arg13[%swap3A_1574, %swap3A_1575, %swap3A_1576], %mul3A_1572 {strides = array<i32>} : memref<2x400x64xf32, #tpu.memory_space<vmem>>, vector<16xf32>,
        %get3A_1578 = arith.constant 0 : i32
        %get3A_1579 = arith.index_cast %get3A_1578 : i32 to index
        %get3A_1580 = arith.index_cast %add3A_1538 : i32 to index
        %get3A_1581 = arith.constant 48 : index
        %get3A_1582 = tpu.vector_load %arg13[%get3A_1579, %get3A_1580, %get3A_1581] {strides = array<i32>} : memref<2x400x64xf32, #tpu.memory_space<vmem>>, vector<16xf32>,
        %mul3A_1583 = arith.mulf %get3A_1582, %gather3A_1544 : vector<16xf32>
        %swap3A_1584 = arith.constant 0 : i32
        %swap3A_1585 = arith.index_cast %swap3A_1584 : i32 to index
        %swap3A_1586 = arith.index_cast %add3A_1538 : i32 to index
        %swap3A_1587 = arith.constant 48 : index
        %swap3A_1588 = tpu.vector_load %arg13[%swap3A_1585, %swap3A_1586, %swap3A_1587] {strides = array<i32>} : memref<2x400x64xf32, #tpu.memory_space<vmem>>, vector<16xf32>,
        tpu.vector_store %arg13[%swap3A_1585, %swap3A_1586, %swap3A_1587], %mul3A_1583 {strides = array<i32>} : memref<2x400x64xf32, #tpu.memory_space<vmem>>, vector<16xf32>,
        %add3A_1589 = arith.constant 2 : i32
        %add3A_1590 = arith.addi %mul3A_1484, %add3A_1589 : i32
        %broadcast_in_dim3A_1591 = vector.broadcast %add3A_1590 : i32 to vector<16xi32>
        %gather3A_1592 = arith.constant 0 : i32
        %gather3A_1593 = arith.constant 0 : i32
        %gather3A_1594 = tpu.memref_slice %arg12[%gather3A_1592, %gather3A_1593] : memref<2x400xf32, #tpu.memory_space<vmem>> -> memref<1x400xf32, #tpu.memory_space<vmem>>
        %gather3A_1595 = tpu.memref_squeeze %gather3A_1594 : memref<1x400xf32, #tpu.memory_space<vmem>> -> memref<400xf32, #tpu.memory_space<vmem>>
        %gather3A_1596 = tpu.vector_load_idx %gather3A_1595[%broadcast_in_dim3A_1591] : memref<400xf32, #tpu.memory_space<vmem>>[vector<16xi32>], vector<16xf32>,
        %get3A_1597 = arith.constant 0 : i32
        %get3A_1598 = arith.index_cast %get3A_1597 : i32 to index
        %get3A_1599 = arith.index_cast %add3A_1590 : i32 to index
        %get3A_1600 = arith.constant 0 : index
        %get3A_1601 = tpu.vector_load %arg13[%get3A_1598, %get3A_1599, %get3A_1600] {strides = array<i32>} : memref<2x400x64xf32, #tpu.memory_space<vmem>>, vector<16xf32>,
        %mul3A_1602 = arith.mulf %get3A_1601, %gather3A_1596 : vector<16xf32>
        %swap3A_1603 = arith.constant 0 : i32
        %swap3A_1604 = arith.index_cast %swap3A_1603 : i32 to index
        %swap3A_1605 = arith.index_cast %add3A_1590 : i32 to index
        %swap3A_1606 = arith.constant 0 : index
        %swap3A_1607 = tpu.vector_load %arg13[%swap3A_1604, %swap3A_1605, %swap3A_1606] {strides = array<i32>} : memref<2x400x64xf32, #tpu.memory_space<vmem>>, vector<16xf32>,
        tpu.vector_store %arg13[%swap3A_1604, %swap3A_1605, %swap3A_1606], %mul3A_1602 {strides = array<i32>} : memref<2x400x64xf32, #tpu.memory_space<vmem>>, vector<16xf32>,
        %get3A_1608 = arith.constant 0 : i32
        %get3A_1609 = arith.index_cast %get3A_1608 : i32 to index
        %get3A_1610 = arith.index_cast %add3A_1590 : i32 to index
        %get3A_1611 = arith.constant 16 : index
        %get3A_1612 = tpu.vector_load %arg13[%get3A_1609, %get3A_1610, %get3A_1611] {strides = array<i32>} : memref<2x400x64xf32, #tpu.memory_space<vmem>>, vector<16xf32>,
        %mul3A_1613 = arith.mulf %get3A_1612, %gather3A_1596 : vector<16xf32>
        %swap3A_1614 = arith.constant 0 : i32
        %swap3A_1615 = arith.index_cast %swap3A_1614 : i32 to index
        %swap3A_1616 = arith.index_cast %add3A_1590 : i32 to index
        %swap3A_1617 = arith.constant 16 : index
        %swap3A_1618 = tpu.vector_load %arg13[%swap3A_1615, %swap3A_1616, %swap3A_1617] {strides = array<i32>} : memref<2x400x64xf32, #tpu.memory_space<vmem>>, vector<16xf32>,
        tpu.vector_store %arg13[%swap3A_1615, %swap3A_1616, %swap3A_1617], %mul3A_1613 {strides = array<i32>} : memref<2x400x64xf32, #tpu.memory_space<vmem>>, vector<16xf32>,
        %get3A_1619 = arith.constant 0 : i32
        %get3A_1620 = arith.index_cast %get3A_1619 : i32 to index
        %get3A_1621 = arith.index_cast %add3A_1590 : i32 to index
        %get3A_1622 = arith.constant 32 : index
        %get3A_1623 = tpu.vector_load %arg13[%get3A_1620, %get3A_1621, %get3A_1622] {strides = array<i32>} : memref<2x400x64xf32, #tpu.memory_space<vmem>>, vector<16xf32>,
        %mul3A_1624 = arith.mulf %get3A_1623, %gather3A_1596 : vector<16xf32>
        %swap3A_1625 = arith.constant 0 : i32
        %swap3A_1626 = arith.index_cast %swap3A_1625 : i32 to index
        %swap3A_1627 = arith.index_cast %add3A_1590 : i32 to index
        %swap3A_1628 = arith.constant 32 : index
        %swap3A_1629 = tpu.vector_load %arg13[%swap3A_1626, %swap3A_1627, %swap3A_1628] {strides = array<i32>} : memref<2x400x64xf32, #tpu.memory_space<vmem>>, vector<16xf32>,
        tpu.vector_store %arg13[%swap3A_1626, %swap3A_1627, %swap3A_1628], %mul3A_1624 {strides = array<i32>} : memref<2x400x64xf32, #tpu.memory_space<vmem>>, vector<16xf32>,
        %get3A_1630 = arith.constant 0 : i32
        %get3A_1631 = arith.index_cast %get3A_1630 : i32 to index
        %get3A_1632 = arith.index_cast %add3A_1590 : i32 to index
        %get3A_1633 = arith.constant 48 : index
        %get3A_1634 = tpu.vector_load %arg13[%get3A_1631, %get3A_1632, %get3A_1633] {strides = array<i32>} : memref<2x400x64xf32, #tpu.memory_space<vmem>>, vector<16xf32>,
        %mul3A_1635 = arith.mulf %get3A_1634, %gather3A_1596 : vector<16xf32>
        %swap3A_1636 = arith.constant 0 : i32
        %swap3A_1637 = arith.index_cast %swap3A_1636 : i32 to index
        %swap3A_1638 = arith.index_cast %add3A_1590 : i32 to index
        %swap3A_1639 = arith.constant 48 : index
        %swap3A_1640 = tpu.vector_load %arg13[%swap3A_1637, %swap3A_1638, %swap3A_1639] {strides = array<i32>} : memref<2x400x64xf32, #tpu.memory_space<vmem>>, vector<16xf32>,
        tpu.vector_store %arg13[%swap3A_1637, %swap3A_1638, %swap3A_1639], %mul3A_1635 {strides = array<i32>} : memref<2x400x64xf32, #tpu.memory_space<vmem>>, vector<16xf32>,
        %add3A_1641 = arith.constant 3 : i32
        %add3A_1642 = arith.addi %mul3A_1484, %add3A_1641 : i32
        %broadcast_in_dim3A_1643 = vector.broadcast %add3A_1642 : i32 to vector<16xi32>
        %gather3A_1644 = arith.constant 0 : i32
        %gather3A_1645 = arith.constant 0 : i32
        %gather3A_1646 = tpu.memref_slice %arg12[%gather3A_1644, %gather3A_1645] : memref<2x400xf32, #tpu.memory_space<vmem>> -> memref<1x400xf32, #tpu.memory_space<vmem>>
        %gather3A_1647 = tpu.memref_squeeze %gather3A_1646 : memref<1x400xf32, #tpu.memory_space<vmem>> -> memref<400xf32, #tpu.memory_space<vmem>>
        %gather3A_1648 = tpu.vector_load_idx %gather3A_1647[%broadcast_in_dim3A_1643] : memref<400xf32, #tpu.memory_space<vmem>>[vector<16xi32>], vector<16xf32>,
        %get3A_1649 = arith.constant 0 : i32
        %get3A_1650 = arith.index_cast %get3A_1649 : i32 to index
        %get3A_1651 = arith.index_cast %add3A_1642 : i32 to index
        %get3A_1652 = arith.constant 0 : index
        %get3A_1653 = tpu.vector_load %arg13[%get3A_1650, %get3A_1651, %get3A_1652] {strides = array<i32>} : memref<2x400x64xf32, #tpu.memory_space<vmem>>, vector<16xf32>,
        %mul3A_1654 = arith.mulf %get3A_1653, %gather3A_1648 : vector<16xf32>
        %swap3A_1655 = arith.constant 0 : i32
        %swap3A_1656 = arith.index_cast %swap3A_1655 : i32 to index
        %swap3A_1657 = arith.index_cast %add3A_1642 : i32 to index
        %swap3A_1658 = arith.constant 0 : index
        %swap3A_1659 = tpu.vector_load %arg13[%swap3A_1656, %swap3A_1657, %swap3A_1658] {strides = array<i32>} : memref<2x400x64xf32, #tpu.memory_space<vmem>>, vector<16xf32>,
        tpu.vector_store %arg13[%swap3A_1656, %swap3A_1657, %swap3A_1658], %mul3A_1654 {strides = array<i32>} : memref<2x400x64xf32, #tpu.memory_space<vmem>>, vector<16xf32>,
        %get3A_1660 = arith.constant 0 : i32
        %get3A_1661 = arith.index_cast %get3A_1660 : i32 to index
        %get3A_1662 = arith.index_cast %add3A_1642 : i32 to index
        %get3A_1663 = arith.constant 16 : index
        %get3A_1664 = tpu.vector_load %arg13[%get3A_1661, %get3A_1662, %get3A_1663] {strides = array<i32>} : memref<2x400x64xf32, #tpu.memory_space<vmem>>, vector<16xf32>,
        %mul3A_1665 = arith.mulf %get3A_1664, %gather3A_1648 : vector<16xf32>
        %swap3A_1666 = arith.constant 0 : i32
        %swap3A_1667 = arith.index_cast %swap3A_1666 : i32 to index
        %swap3A_1668 = arith.index_cast %add3A_1642 : i32 to index
        %swap3A_1669 = arith.constant 16 : index
        %swap3A_1670 = tpu.vector_load %arg13[%swap3A_1667, %swap3A_1668, %swap3A_1669] {strides = array<i32>} : memref<2x400x64xf32, #tpu.memory_space<vmem>>, vector<16xf32>,
        tpu.vector_store %arg13[%swap3A_1667, %swap3A_1668, %swap3A_1669], %mul3A_1665 {strides = array<i32>} : memref<2x400x64xf32, #tpu.memory_space<vmem>>, vector<16xf32>,
        %get3A_1671 = arith.constant 0 : i32
        %get3A_1672 = arith.index_cast %get3A_1671 : i32 to index
        %get3A_1673 = arith.index_cast %add3A_1642 : i32 to index
        %get3A_1674 = arith.constant 32 : index
        %get3A_1675 = tpu.vector_load %arg13[%get3A_1672, %get3A_1673, %get3A_1674] {strides = array<i32>} : memref<2x400x64xf32, #tpu.memory_space<vmem>>, vector<16xf32>,
        %mul3A_1676 = arith.mulf %get3A_1675, %gather3A_1648 : vector<16xf32>
        %swap3A_1677 = arith.constant 0 : i32
        %swap3A_1678 = arith.index_cast %swap3A_1677 : i32 to index
        %swap3A_1679 = arith.index_cast %add3A_1642 : i32 to index
        %swap3A_1680 = arith.constant 32 : index
        %swap3A_1681 = tpu.vector_load %arg13[%swap3A_1678, %swap3A_1679, %swap3A_1680] {strides = array<i32>} : memref<2x400x64xf32, #tpu.memory_space<vmem>>, vector<16xf32>,
        tpu.vector_store %arg13[%swap3A_1678, %swap3A_1679, %swap3A_1680], %mul3A_1676 {strides = array<i32>} : memref<2x400x64xf32, #tpu.memory_space<vmem>>, vector<16xf32>,
        %get3A_1682 = arith.constant 0 : i32
        %get3A_1683 = arith.index_cast %get3A_1682 : i32 to index
        %get3A_1684 = arith.index_cast %add3A_1642 : i32 to index
        %get3A_1685 = arith.constant 48 : index
        %get3A_1686 = tpu.vector_load %arg13[%get3A_1683, %get3A_1684, %get3A_1685] {strides = array<i32>} : memref<2x400x64xf32, #tpu.memory_space<vmem>>, vector<16xf32>,
        %mul3A_1687 = arith.mulf %get3A_1686, %gather3A_1648 : vector<16xf32>
        %swap3A_1688 = arith.constant 0 : i32
        %swap3A_1689 = arith.index_cast %swap3A_1688 : i32 to index
        %swap3A_1690 = arith.index_cast %add3A_1642 : i32 to index
        %swap3A_1691 = arith.constant 48 : index
        %swap3A_1692 = tpu.vector_load %arg13[%swap3A_1689, %swap3A_1690, %swap3A_1691] {strides = array<i32>} : memref<2x400x64xf32, #tpu.memory_space<vmem>>, vector<16xf32>,
        tpu.vector_store %arg13[%swap3A_1689, %swap3A_1690, %swap3A_1691], %mul3A_1687 {strides = array<i32>} : memref<2x400x64xf32, #tpu.memory_space<vmem>>, vector<16xf32>,
      }
      %scan3A_871 = arith.constant 100 : i32
      %run_scoped3A_872 = arith.constant 0 : i32
      %run_scoped3A_873 = arith.constant 0 : i32
      "tpu.region"() ({
        %run_scoped3A_1482 = tpu.sem_alloc : memref<!tpu.dma_semaphore, #tpu.memory_space<semaphore_mem>>
        %dma_start3A_1483 = arith.constant 0 : i32
        %dma_start3A_1484 = arith.constant 0 : i32
        %dma_start3A_1485 = tpu.memref_slice %arg13[%run_scoped3A_872, %dma_start3A_1483, %dma_start3A_1484] : memref<2x400x64xf32, #tpu.memory_space<vmem>> -> memref<1x400x64xf32, #tpu.memory_space<vmem>>
        %dma_start3A_1486 = tpu.memref_squeeze %dma_start3A_1485 : memref<1x400x64xf32, #tpu.memory_space<vmem>> -> memref<400x64xf32, #tpu.memory_space<vmem>>
        %dma_start3A_1487 = arith.constant 0 : i32
        %dma_start3A_1488 = tpu.memref_slice %arg11[%run_scoped3A_873, %dma_start3A_1487] : memref<2x400xi32, #tpu.memory_space<vmem>> -> memref<1x400xi32, #tpu.memory_space<vmem>>
        %dma_start3A_1489 = tpu.memref_squeeze %dma_start3A_1488 : memref<1x400xi32, #tpu.memory_space<vmem>> -> memref<400xi32, #tpu.memory_space<vmem>>
        %dma_start3A_1490 = arith.constant 0 : i32
        %dma_start3A_1491 = arith.constant 0 : i32
        %dma_start3A_1492 = tpu.memref_slice %arg16[%dma_start3A_1490, %dma_start3A_1491] : memref<10000x64xf32, #tpu.memory_space<vmem_shared>> -> memref<10000x64xf32, #tpu.memory_space<vmem_shared>>
        tpu.enqueue_indirect_dma source(%dma_start3A_1486 : memref<400x64xf32, #tpu.memory_space<vmem>>) target(%dma_start3A_1492 : memref<10000x64xf32, #tpu.memory_space<vmem_shared>>) offsets(%dma_start3A_1489 : memref<400xi32, #tpu.memory_space<vmem>>) semaphore(%run_scoped3A_1482 : memref<!tpu.dma_semaphore, #tpu.memory_space<semaphore_mem>>) {add = true}
        %dma_wait3A_1493 = arith.constant 0 : i32
        %dma_wait3A_1494 = arith.constant 0 : i32
        %dma_wait3A_1495 = tpu.memref_slice %arg13[%run_scoped3A_872, %dma_wait3A_1493, %dma_wait3A_1494] : memref<2x400x64xf32, #tpu.memory_space<vmem>> -> memref<1x400x64xf32, #tpu.memory_space<vmem>>
        %dma_wait3A_1496 = tpu.memref_squeeze %dma_wait3A_1495 : memref<1x400x64xf32, #tpu.memory_space<vmem>> -> memref<400x64xf32, #tpu.memory_space<vmem>>
        %dma_wait3A_1497 = arith.constant 0 : i32
        %dma_wait3A_1498 = tpu.memref_slice %arg11[%run_scoped3A_873, %dma_wait3A_1497] : memref<2x400xi32, #tpu.memory_space<vmem>> -> memref<1x400xi32, #tpu.memory_space<vmem>>
        %dma_wait3A_1499 = tpu.memref_squeeze %dma_wait3A_1498 : memref<1x400xi32, #tpu.memory_space<vmem>> -> memref<400xi32, #tpu.memory_space<vmem>>
        %dma_wait3A_1500 = arith.constant 0 : i32
        %dma_wait3A_1501 = arith.constant 0 : i32
        %dma_wait3A_1502 = tpu.memref_slice %arg16[%dma_wait3A_1500, %dma_wait3A_1501] : memref<10000x64xf32, #tpu.memory_space<vmem_shared>> -> memref<10000x64xf32, #tpu.memory_space<vmem_shared>>
        tpu.wait_indirect_dma semaphore(%run_scoped3A_1482 : memref<!tpu.dma_semaphore, #tpu.memory_space<semaphore_mem>>) src(%dma_wait3A_1496 : memref<400x64xf32, #tpu.memory_space<vmem>>) dst(%dma_wait3A_1502 : memref<10000x64xf32, #tpu.memory_space<vmem_shared>>)
        tpu.yield
      }) : () -> ()
      %run_scoped3A_874 = arith.constant 0 : i32
      %run_scoped3A_875 = arith.constant 0 : i32
      "tpu.region"() ({
        %run_scoped3A_1482 = tpu.sem_alloc : memref<!tpu.dma_semaphore, #tpu.memory_space<semaphore_mem>>
        %dma_start3A_1483 = arith.constant 0 : i32
        %dma_start3A_1484 = tpu.memref_slice %arg12[%run_scoped3A_874, %dma_start3A_1483] : memref<2x400xf32, #tpu.memory_space<vmem>> -> memref<1x400xf32, #tpu.memory_space<vmem>>
        %dma_start3A_1485 = tpu.memref_squeeze %dma_start3A_1484 : memref<1x400xf32, #tpu.memory_space<vmem>> -> memref<400xf32, #tpu.memory_space<vmem>>
        %dma_start3A_1486 = arith.constant 0 : i32
        %dma_start3A_1487 = tpu.memref_slice %arg11[%run_scoped3A_875, %dma_start3A_1486] : memref<2x400xi32, #tpu.memory_space<vmem>> -> memref<1x400xi32, #tpu.memory_space<vmem>>
        %dma_start3A_1488 = tpu.memref_squeeze %dma_start3A_1487 : memref<1x400xi32, #tpu.memory_space<vmem>> -> memref<400xi32, #tpu.memory_space<vmem>>
        %dma_start3A_1489 = arith.constant 0 : i32
        %dma_start3A_1490 = tpu.memref_slice %arg17[%dma_start3A_1489] : memref<10240xf32, #tpu.memory_space<vmem_shared>> -> memref<10240xf32, #tpu.memory_space<vmem_shared>>
        tpu.enqueue_indirect_dma source(%dma_start3A_1485 : memref<400xf32, #tpu.memory_space<vmem>>) target(%dma_start3A_1490 : memref<10240xf32, #tpu.memory_space<vmem_shared>>) offsets(%dma_start3A_1488 : memref<400xi32, #tpu.memory_space<vmem>>) semaphore(%run_scoped3A_1482 : memref<!tpu.dma_semaphore, #tpu.memory_space<semaphore_mem>>) {add = true}
        %dma_wait3A_1491 = arith.constant 0 : i32
        %dma_wait3A_1492 = tpu.memref_slice %arg12[%run_scoped3A_874, %dma_wait3A_1491] : memref<2x400xf32, #tpu.memory_space<vmem>> -> memref<1x400xf32, #tpu.memory_space<vmem>>
        %dma_wait3A_1493 = tpu.memref_squeeze %dma_wait3A_1492 : memref<1x400xf32, #tpu.memory_space<vmem>> -> memref<400xf32, #tpu.memory_space<vmem>>
        %dma_wait3A_1494 = arith.constant 0 : i32
        %dma_wait3A_1495 = tpu.memref_slice %arg11[%run_scoped3A_875, %dma_wait3A_1494] : memref<2x400xi32, #tpu.memory_space<vmem>> -> memref<1x400xi32, #tpu.memory_space<vmem>>
        %dma_wait3A_1496 = tpu.memref_squeeze %dma_wait3A_1495 : memref<1x400xi32, #tpu.memory_space<vmem>> -> memref<400xi32, #tpu.memory_space<vmem>>
        %dma_wait3A_1497 = arith.constant 0 : i32
        %dma_wait3A_1498 = tpu.memref_slice %arg17[%dma_wait3A_1497] : memref<10240xf32, #tpu.memory_space<vmem_shared>> -> memref<10240xf32, #tpu.memory_space<vmem_shared>>
        tpu.wait_indirect_dma semaphore(%run_scoped3A_1482 : memref<!tpu.dma_semaphore, #tpu.memory_space<semaphore_mem>>) src(%dma_wait3A_1493 : memref<400xf32, #tpu.memory_space<vmem>>) dst(%dma_wait3A_1498 : memref<10240xf32, #tpu.memory_space<vmem_shared>>)
        tpu.yield
      }) : () -> ()
      %mul3A_876 = arith.constant 2 : i32
      %mul3A_877 = arith.muli %mul3A_876, %scan3A_255 : i32
      %add3A_878 = arith.constant 1 : i32
      %add3A_879 = arith.addi %mul3A_877, %add3A_878 : i32
      %lt3A = arith.constant 24 : i32
      %lt3A_880 = arith.cmpi slt, %scan3A_255, %lt3A : i32
      %convert_element_type3A = arith.extui %lt3A_880 : i1 to i32
      %cond3A = arith.constant 0 : i32
      %cond3A_881 = arith.cmpi ne, %convert_element_type3A, %cond3A : i32
      scf.if %cond3A_881 {
        %add3A_1482 = arith.constant 1 : i32
        %add3A_1483 = arith.addi %add3A_879, %add3A_1482 : i32
        %run_scoped3A_1484 = arith.constant 0 : i32
        "tpu.region"() ({
          %run_scoped3A_1504 = tpu.sem_alloc : memref<!tpu.dma_semaphore, #tpu.memory_space<semaphore_mem>>
          %dma_start3A_1505 = arith.constant 0 : i32
          %dma_start3A_1506 = tpu.memref_slice %arg10[%run_scoped3A_1484, %dma_start3A_1505] : memref<2x400xi32, #tpu.memory_space<vmem>> -> memref<1x400xi32, #tpu.memory_space<vmem>>
          %dma_start3A_1507 = tpu.memref_squeeze %dma_start3A_1506 : memref<1x400xi32, #tpu.memory_space<vmem>> -> memref<400xi32, #tpu.memory_space<vmem>>
          %dma_start3A_1508 = arith.constant 0 : i32
          %dma_start3A_1509 = arith.constant 0 : i32
          %dma_start3A_1510 = tpu.memref_slice %arg4[%arg1, %dma_start3A_1508, %dma_start3A_1509] : memref<16x50x400xi32, #tpu.memory_space<hbm>> -> memref<1x50x400xi32, #tpu.memory_space<hbm>>
          %dma_start3A_1511 = tpu.memref_squeeze %dma_start3A_1510 : memref<1x50x400xi32, #tpu.memory_space<hbm>> -> memref<50x400xi32, #tpu.memory_space<hbm>>
          %dma_start3A_1512 = arith.constant 0 : i32
          %dma_start3A_1513 = tpu.memref_slice %dma_start3A_1511[%add3A_1483, %dma_start3A_1512] : memref<50x400xi32, #tpu.memory_space<hbm>> -> memref<1x400xi32, #tpu.memory_space<hbm>>
          %dma_start3A_1514 = tpu.memref_squeeze %dma_start3A_1513 : memref<1x400xi32, #tpu.memory_space<hbm>> -> memref<400xi32, #tpu.memory_space<hbm>>
          %dma_start3A_1515 = arith.constant 0 : i32
          %dma_start3A_1516 = tpu.memref_slice %arg10[%run_scoped3A_1484, %dma_start3A_1515] : memref<2x400xi32, #tpu.memory_space<vmem>> -> memref<1x400xi32, #tpu.memory_space<vmem>>
          %dma_start3A_1517 = tpu.memref_squeeze %dma_start3A_1516 : memref<1x400xi32, #tpu.memory_space<vmem>> -> memref<400xi32, #tpu.memory_space<vmem>>
          %dma_start3A_1518 = arith.constant 0 : i32
          %dma_start3A_1519 = arith.constant 0 : i32
          %dma_start3A_1520 = tpu.memref_slice %arg4[%arg1, %dma_start3A_1518, %dma_start3A_1519] : memref<16x50x400xi32, #tpu.memory_space<hbm>> -> memref<1x50x400xi32, #tpu.memory_space<hbm>>
          %dma_start3A_1521 = tpu.memref_squeeze %dma_start3A_1520 : memref<1x50x400xi32, #tpu.memory_space<hbm>> -> memref<50x400xi32, #tpu.memory_space<hbm>>
          %dma_start3A_1522 = arith.constant 0 : i32
          %dma_start3A_1523 = tpu.memref_slice %dma_start3A_1521[%add3A_1483, %dma_start3A_1522] : memref<50x400xi32, #tpu.memory_space<hbm>> -> memref<1x400xi32, #tpu.memory_space<hbm>>
          %dma_start3A_1524 = tpu.memref_squeeze %dma_start3A_1523 : memref<1x400xi32, #tpu.memory_space<hbm>> -> memref<400xi32, #tpu.memory_space<hbm>>
          tpu.enqueue_dma source(%dma_start3A_1524 : memref<400xi32, #tpu.memory_space<hbm>>) target(%dma_start3A_1517 : memref<400xi32, #tpu.memory_space<vmem>>) target_semaphore(%run_scoped3A_1504 : memref<!tpu.dma_semaphore, #tpu.memory_space<semaphore_mem>>)
          %dma_wait3A_1525 = arith.constant 0 : i32
          %dma_wait3A_1526 = tpu.memref_slice %arg10[%run_scoped3A_1484, %dma_wait3A_1525] : memref<2x400xi32, #tpu.memory_space<vmem>> -> memref<1x400xi32, #tpu.memory_space<vmem>>
          %dma_wait3A_1527 = tpu.memref_squeeze %dma_wait3A_1526 : memref<1x400xi32, #tpu.memory_space<vmem>> -> memref<400xi32, #tpu.memory_space<vmem>>
          %dma_wait3A_1528 = arith.constant 0 : i32
          %dma_wait3A_1529 = arith.constant 0 : i32
          %dma_wait3A_1530 = tpu.memref_slice %arg4[%arg1, %dma_wait3A_1528, %dma_wait3A_1529] : memref<16x50x400xi32, #tpu.memory_space<hbm>> -> memref<1x50x400xi32, #tpu.memory_space<hbm>>
          %dma_wait3A_1531 = tpu.memref_squeeze %dma_wait3A_1530 : memref<1x50x400xi32, #tpu.memory_space<hbm>> -> memref<50x400xi32, #tpu.memory_space<hbm>>
          %dma_wait3A_1532 = arith.constant 0 : i32
          %dma_wait3A_1533 = tpu.memref_slice %dma_wait3A_1531[%add3A_1483, %dma_wait3A_1532] : memref<50x400xi32, #tpu.memory_space<hbm>> -> memref<1x400xi32, #tpu.memory_space<hbm>>
          %dma_wait3A_1534 = tpu.memref_squeeze %dma_wait3A_1533 : memref<1x400xi32, #tpu.memory_space<hbm>> -> memref<400xi32, #tpu.memory_space<hbm>>
          %dma_wait3A_1535 = arith.constant 0 : i32
          %dma_wait3A_1536 = tpu.memref_slice %arg10[%run_scoped3A_1484, %dma_wait3A_1535] : memref<2x400xi32, #tpu.memory_space<vmem>> -> memref<1x400xi32, #tpu.memory_space<vmem>>
          %dma_wait3A_1537 = tpu.memref_squeeze %dma_wait3A_1536 : memref<1x400xi32, #tpu.memory_space<vmem>> -> memref<400xi32, #tpu.memory_space<vmem>>
          %dma_wait3A_1538 = arith.constant 0 : i32
          %dma_wait3A_1539 = arith.constant 0 : i32
          %dma_wait3A_1540 = tpu.memref_slice %arg4[%arg1, %dma_wait3A_1538, %dma_wait3A_1539] : memref<16x50x400xi32, #tpu.memory_space<hbm>> -> memref<1x50x400xi32, #tpu.memory_space<hbm>>
          %dma_wait3A_1541 = tpu.memref_squeeze %dma_wait3A_1540 : memref<1x50x400xi32, #tpu.memory_space<hbm>> -> memref<50x400xi32, #tpu.memory_space<hbm>>
          %dma_wait3A_1542 = arith.constant 0 : i32
          %dma_wait3A_1543 = tpu.memref_slice %dma_wait3A_1541[%add3A_1483, %dma_wait3A_1542] : memref<50x400xi32, #tpu.memory_space<hbm>> -> memref<1x400xi32, #tpu.memory_space<hbm>>
          %dma_wait3A_1544 = tpu.memref_squeeze %dma_wait3A_1543 : memref<1x400xi32, #tpu.memory_space<hbm>> -> memref<400xi32, #tpu.memory_space<hbm>>
          tpu.wait_dma2 semaphore(%run_scoped3A_1504 : memref<!tpu.dma_semaphore, #tpu.memory_space<semaphore_mem>>) src(%dma_wait3A_1544 : memref<400xi32, #tpu.memory_space<hbm>>) dst(%dma_wait3A_1537 : memref<400xi32, #tpu.memory_space<vmem>>)
          tpu.yield
        }) : () -> ()
        %add3A_1485 = arith.constant 1 : i32
        %add3A_1486 = arith.addi %add3A_879, %add3A_1485 : i32
        %run_scoped3A_1487 = arith.constant 0 : i32
        "tpu.region"() ({
          %run_scoped3A_1504 = tpu.sem_alloc : memref<!tpu.dma_semaphore, #tpu.memory_space<semaphore_mem>>
          %dma_start3A_1505 = arith.constant 0 : i32
          %dma_start3A_1506 = tpu.memref_slice %arg11[%run_scoped3A_1487, %dma_start3A_1505] : memref<2x400xi32, #tpu.memory_space<vmem>> -> memref<1x400xi32, #tpu.memory_space<vmem>>
          %dma_start3A_1507 = tpu.memref_squeeze %dma_start3A_1506 : memref<1x400xi32, #tpu.memory_space<vmem>> -> memref<400xi32, #tpu.memory_space<vmem>>
          %dma_start3A_1508 = arith.constant 0 : i32
          %dma_start3A_1509 = arith.constant 0 : i32
          %dma_start3A_1510 = tpu.memref_slice %arg5[%arg1, %dma_start3A_1508, %dma_start3A_1509] : memref<16x50x400xi32, #tpu.memory_space<hbm>> -> memref<1x50x400xi32, #tpu.memory_space<hbm>>
          %dma_start3A_1511 = tpu.memref_squeeze %dma_start3A_1510 : memref<1x50x400xi32, #tpu.memory_space<hbm>> -> memref<50x400xi32, #tpu.memory_space<hbm>>
          %dma_start3A_1512 = arith.constant 0 : i32
          %dma_start3A_1513 = tpu.memref_slice %dma_start3A_1511[%add3A_1486, %dma_start3A_1512] : memref<50x400xi32, #tpu.memory_space<hbm>> -> memref<1x400xi32, #tpu.memory_space<hbm>>
          %dma_start3A_1514 = tpu.memref_squeeze %dma_start3A_1513 : memref<1x400xi32, #tpu.memory_space<hbm>> -> memref<400xi32, #tpu.memory_space<hbm>>
          %dma_start3A_1515 = arith.constant 0 : i32
          %dma_start3A_1516 = tpu.memref_slice %arg11[%run_scoped3A_1487, %dma_start3A_1515] : memref<2x400xi32, #tpu.memory_space<vmem>> -> memref<1x400xi32, #tpu.memory_space<vmem>>
          %dma_start3A_1517 = tpu.memref_squeeze %dma_start3A_1516 : memref<1x400xi32, #tpu.memory_space<vmem>> -> memref<400xi32, #tpu.memory_space<vmem>>
          %dma_start3A_1518 = arith.constant 0 : i32
          %dma_start3A_1519 = arith.constant 0 : i32
          %dma_start3A_1520 = tpu.memref_slice %arg5[%arg1, %dma_start3A_1518, %dma_start3A_1519] : memref<16x50x400xi32, #tpu.memory_space<hbm>> -> memref<1x50x400xi32, #tpu.memory_space<hbm>>
          %dma_start3A_1521 = tpu.memref_squeeze %dma_start3A_1520 : memref<1x50x400xi32, #tpu.memory_space<hbm>> -> memref<50x400xi32, #tpu.memory_space<hbm>>
          %dma_start3A_1522 = arith.constant 0 : i32
          %dma_start3A_1523 = tpu.memref_slice %dma_start3A_1521[%add3A_1486, %dma_start3A_1522] : memref<50x400xi32, #tpu.memory_space<hbm>> -> memref<1x400xi32, #tpu.memory_space<hbm>>
          %dma_start3A_1524 = tpu.memref_squeeze %dma_start3A_1523 : memref<1x400xi32, #tpu.memory_space<hbm>> -> memref<400xi32, #tpu.memory_space<hbm>>
          tpu.enqueue_dma source(%dma_start3A_1524 : memref<400xi32, #tpu.memory_space<hbm>>) target(%dma_start3A_1517 : memref<400xi32, #tpu.memory_space<vmem>>) target_semaphore(%run_scoped3A_1504 : memref<!tpu.dma_semaphore, #tpu.memory_space<semaphore_mem>>)
          %dma_wait3A_1525 = arith.constant 0 : i32
          %dma_wait3A_1526 = tpu.memref_slice %arg11[%run_scoped3A_1487, %dma_wait3A_1525] : memref<2x400xi32, #tpu.memory_space<vmem>> -> memref<1x400xi32, #tpu.memory_space<vmem>>
          %dma_wait3A_1527 = tpu.memref_squeeze %dma_wait3A_1526 : memref<1x400xi32, #tpu.memory_space<vmem>> -> memref<400xi32, #tpu.memory_space<vmem>>
          %dma_wait3A_1528 = arith.constant 0 : i32
          %dma_wait3A_1529 = arith.constant 0 : i32
          %dma_wait3A_1530 = tpu.memref_slice %arg5[%arg1, %dma_wait3A_1528, %dma_wait3A_1529] : memref<16x50x400xi32, #tpu.memory_space<hbm>> -> memref<1x50x400xi32, #tpu.memory_space<hbm>>
          %dma_wait3A_1531 = tpu.memref_squeeze %dma_wait3A_1530 : memref<1x50x400xi32, #tpu.memory_space<hbm>> -> memref<50x400xi32, #tpu.memory_space<hbm>>
          %dma_wait3A_1532 = arith.constant 0 : i32
          %dma_wait3A_1533 = tpu.memref_slice %dma_wait3A_1531[%add3A_1486, %dma_wait3A_1532] : memref<50x400xi32, #tpu.memory_space<hbm>> -> memref<1x400xi32, #tpu.memory_space<hbm>>
          %dma_wait3A_1534 = tpu.memref_squeeze %dma_wait3A_1533 : memref<1x400xi32, #tpu.memory_space<hbm>> -> memref<400xi32, #tpu.memory_space<hbm>>
          %dma_wait3A_1535 = arith.constant 0 : i32
          %dma_wait3A_1536 = tpu.memref_slice %arg11[%run_scoped3A_1487, %dma_wait3A_1535] : memref<2x400xi32, #tpu.memory_space<vmem>> -> memref<1x400xi32, #tpu.memory_space<vmem>>
          %dma_wait3A_1537 = tpu.memref_squeeze %dma_wait3A_1536 : memref<1x400xi32, #tpu.memory_space<vmem>> -> memref<400xi32, #tpu.memory_space<vmem>>
          %dma_wait3A_1538 = arith.constant 0 : i32
          %dma_wait3A_1539 = arith.constant 0 : i32
          %dma_wait3A_1540 = tpu.memref_slice %arg5[%arg1, %dma_wait3A_1538, %dma_wait3A_1539] : memref<16x50x400xi32, #tpu.memory_space<hbm>> -> memref<1x50x400xi32, #tpu.memory_space<hbm>>
          %dma_wait3A_1541 = tpu.memref_squeeze %dma_wait3A_1540 : memref<1x50x400xi32, #tpu.memory_space<hbm>> -> memref<50x400xi32, #tpu.memory_space<hbm>>
          %dma_wait3A_1542 = arith.constant 0 : i32
          %dma_wait3A_1543 = tpu.memref_slice %dma_wait3A_1541[%add3A_1486, %dma_wait3A_1542] : memref<50x400xi32, #tpu.memory_space<hbm>> -> memref<1x400xi32, #tpu.memory_space<hbm>>
          %dma_wait3A_1544 = tpu.memref_squeeze %dma_wait3A_1543 : memref<1x400xi32, #tpu.memory_space<hbm>> -> memref<400xi32, #tpu.memory_space<hbm>>
          tpu.wait_dma2 semaphore(%run_scoped3A_1504 : memref<!tpu.dma_semaphore, #tpu.memory_space<semaphore_mem>>) src(%dma_wait3A_1544 : memref<400xi32, #tpu.memory_space<hbm>>) dst(%dma_wait3A_1537 : memref<400xi32, #tpu.memory_space<vmem>>)
          tpu.yield
        }) : () -> ()
        %dma_start3A_1488 = arith.constant 0 : i32
        %dma_start3A_1489 = arith.constant 0 : i32
        %dma_start3A_1490 = arith.constant 0 : i32
        %dma_start3A_1491 = arith.constant 0 : i32
        %dma_start3A_1492 = tpu.memref_slice %arg13[%dma_start3A_1489, %dma_start3A_1490, %dma_start3A_1491] : memref<2x400x64xf32, #tpu.memory_space<vmem>> -> memref<1x400x64xf32, #tpu.memory_space<vmem>>
        %dma_start3A_1493 = tpu.memref_squeeze %dma_start3A_1492 : memref<1x400x64xf32, #tpu.memory_space<vmem>> -> memref<400x64xf32, #tpu.memory_space<vmem>>
        %dma_start3A_1494 = arith.constant 0 : i32
        %dma_start3A_1495 = tpu.memref_slice %arg10[%dma_start3A_1488, %dma_start3A_1494] : memref<2x400xi32, #tpu.memory_space<vmem>> -> memref<1x400xi32, #tpu.memory_space<vmem>>
        %dma_start3A_1496 = tpu.memref_squeeze %dma_start3A_1495 : memref<1x400xi32, #tpu.memory_space<vmem>> -> memref<400xi32, #tpu.memory_space<vmem>>
        %dma_start3A_1497 = arith.constant 0 : i32
        %dma_start3A_1498 = arith.constant 0 : i32
        %dma_start3A_1499 = tpu.memref_slice %arg2[%arg0, %dma_start3A_1497, %dma_start3A_1498] : memref<2x10000x64xf32, #tpu.memory_space<hbm>> -> memref<1x10000x64xf32, #tpu.memory_space<hbm>>
        %dma_start3A_1500 = tpu.memref_squeeze %dma_start3A_1499 : memref<1x10000x64xf32, #tpu.memory_space<hbm>> -> memref<10000x64xf32, #tpu.memory_space<hbm>>
        %dma_start3A_1501 = arith.constant 0 : i32
        %dma_start3A_1502 = arith.constant 0 : i32
        %dma_start3A_1503 = tpu.memref_slice %dma_start3A_1500[%dma_start3A_1501, %dma_start3A_1502] : memref<10000x64xf32, #tpu.memory_space<hbm>> -> memref<10000x64xf32, #tpu.memory_space<hbm>>
        tpu.enqueue_indirect_dma source(%dma_start3A_1503 : memref<10000x64xf32, #tpu.memory_space<hbm>>) target(%dma_start3A_1493 : memref<400x64xf32, #tpu.memory_space<vmem>>) offsets(%dma_start3A_1496 : memref<400xi32, #tpu.memory_space<vmem>>) semaphore(%arg14 : memref<!tpu.dma_semaphore, #tpu.memory_space<semaphore_mem>>)
      } else {
      }
      %get3A_882 = arith.constant 1 : i32
      %get3A_883 = arith.index_cast %get3A_882 : i32 to index
      %get3A_884 = arith.constant 0 : index
      %get3A_885 = tpu.vector_load %arg10[%get3A_883, %get3A_884] {strides = array<i32>} : memref<2x400xi32, #tpu.memory_space<vmem>>, vector<16xi32>,
      %get3A_886 = arith.constant 1 : i32
      %get3A_887 = arith.index_cast %get3A_886 : i32 to index
      %get3A_888 = arith.constant 0 : index
      %get3A_889 = tpu.vector_load %arg11[%get3A_887, %get3A_888] {strides = array<i32>} : memref<2x400xi32, #tpu.memory_space<vmem>>, vector<16xi32>,
      %gather3A_890 = tpu.vector_load_idx %arg8[%get3A_885] : memref<10000xf32, #tpu.memory_space<vmem>>[vector<16xi32>], vector<16xf32>,
      %gather3A_891 = tpu.vector_load_idx %arg9[%get3A_889] : memref<10000xf32, #tpu.memory_space<vmem>>[vector<16xi32>], vector<16xf32>,
      %add3A_892 = arith.addf %gather3A_890, %gather3A_891 : vector<16xf32>
      %ge3A_893 = arith.constant 0.000000e+00 : f32
      %ge3A_894 = vector.broadcast %ge3A_893 : f32 to vector<16xf32>
      %ge3A_895 = arith.cmpf oge, %add3A_892, %ge3A_894 : vector<16xf32>
      %mul3A_896 = arith.constant 2.000000e-01 : f32
      %mul3A_897 = vector.broadcast %mul3A_896 : f32 to vector<16xf32>
      %mul3A_898 = arith.mulf %add3A_892, %mul3A_897 : vector<16xf32>
      %select_n3A_899 = arith.select %ge3A_895, %add3A_892, %mul3A_898 : vector<16xi1>, vector<16xf32>
      %exp3A_900 = math.exp %select_n3A_899 : vector<16xf32>
      %swap3A_901 = arith.constant 1 : i32
      %swap3A_902 = arith.index_cast %swap3A_901 : i32 to index
      %swap3A_903 = arith.constant 0 : index
      %swap3A_904 = tpu.vector_load %arg12[%swap3A_902, %swap3A_903] {strides = array<i32>} : memref<2x400xf32, #tpu.memory_space<vmem>>, vector<16xf32>,
      tpu.vector_store %arg12[%swap3A_902, %swap3A_903], %exp3A_900 {strides = array<i32>} : memref<2x400xf32, #tpu.memory_space<vmem>>, vector<16xf32>,
      %get3A_905 = arith.constant 1 : i32
      %get3A_906 = arith.index_cast %get3A_905 : i32 to index
      %get3A_907 = arith.constant 16 : index
      %get3A_908 = tpu.vector_load %arg10[%get3A_906, %get3A_907] {strides = array<i32>} : memref<2x400xi32, #tpu.memory_space<vmem>>, vector<16xi32>,
      %get3A_909 = arith.constant 1 : i32
      %get3A_910 = arith.index_cast %get3A_909 : i32 to index
      %get3A_911 = arith.constant 16 : index
      %get3A_912 = tpu.vector_load %arg11[%get3A_910, %get3A_911] {strides = array<i32>} : memref<2x400xi32, #tpu.memory_space<vmem>>, vector<16xi32>,
      %gather3A_913 = tpu.vector_load_idx %arg8[%get3A_908] : memref<10000xf32, #tpu.memory_space<vmem>>[vector<16xi32>], vector<16xf32>,
      %gather3A_914 = tpu.vector_load_idx %arg9[%get3A_912] : memref<10000xf32, #tpu.memory_space<vmem>>[vector<16xi32>], vector<16xf32>,
      %add3A_915 = arith.addf %gather3A_913, %gather3A_914 : vector<16xf32>
      %ge3A_916 = arith.constant 0.000000e+00 : f32
      %ge3A_917 = vector.broadcast %ge3A_916 : f32 to vector<16xf32>
      %ge3A_918 = arith.cmpf oge, %add3A_915, %ge3A_917 : vector<16xf32>
      %mul3A_919 = arith.constant 2.000000e-01 : f32
      %mul3A_920 = vector.broadcast %mul3A_919 : f32 to vector<16xf32>
      %mul3A_921 = arith.mulf %add3A_915, %mul3A_920 : vector<16xf32>
      %select_n3A_922 = arith.select %ge3A_918, %add3A_915, %mul3A_921 : vector<16xi1>, vector<16xf32>
      %exp3A_923 = math.exp %select_n3A_922 : vector<16xf32>
      %swap3A_924 = arith.constant 1 : i32
      %swap3A_925 = arith.index_cast %swap3A_924 : i32 to index
      %swap3A_926 = arith.constant 16 : index
      %swap3A_927 = tpu.vector_load %arg12[%swap3A_925, %swap3A_926] {strides = array<i32>} : memref<2x400xf32, #tpu.memory_space<vmem>>, vector<16xf32>,
      tpu.vector_store %arg12[%swap3A_925, %swap3A_926], %exp3A_923 {strides = array<i32>} : memref<2x400xf32, #tpu.memory_space<vmem>>, vector<16xf32>,
      %get3A_928 = arith.constant 1 : i32
      %get3A_929 = arith.index_cast %get3A_928 : i32 to index
      %get3A_930 = arith.constant 32 : index
      %get3A_931 = tpu.vector_load %arg10[%get3A_929, %get3A_930] {strides = array<i32>} : memref<2x400xi32, #tpu.memory_space<vmem>>, vector<16xi32>,
      %get3A_932 = arith.constant 1 : i32
      %get3A_933 = arith.index_cast %get3A_932 : i32 to index
      %get3A_934 = arith.constant 32 : index
      %get3A_935 = tpu.vector_load %arg11[%get3A_933, %get3A_934] {strides = array<i32>} : memref<2x400xi32, #tpu.memory_space<vmem>>, vector<16xi32>,
      %gather3A_936 = tpu.vector_load_idx %arg8[%get3A_931] : memref<10000xf32, #tpu.memory_space<vmem>>[vector<16xi32>], vector<16xf32>,
      %gather3A_937 = tpu.vector_load_idx %arg9[%get3A_935] : memref<10000xf32, #tpu.memory_space<vmem>>[vector<16xi32>], vector<16xf32>,
      %add3A_938 = arith.addf %gather3A_936, %gather3A_937 : vector<16xf32>
      %ge3A_939 = arith.constant 0.000000e+00 : f32
      %ge3A_940 = vector.broadcast %ge3A_939 : f32 to vector<16xf32>
      %ge3A_941 = arith.cmpf oge, %add3A_938, %ge3A_940 : vector<16xf32>
      %mul3A_942 = arith.constant 2.000000e-01 : f32
      %mul3A_943 = vector.broadcast %mul3A_942 : f32 to vector<16xf32>
      %mul3A_944 = arith.mulf %add3A_938, %mul3A_943 : vector<16xf32>
      %select_n3A_945 = arith.select %ge3A_941, %add3A_938, %mul3A_944 : vector<16xi1>, vector<16xf32>
      %exp3A_946 = math.exp %select_n3A_945 : vector<16xf32>
      %swap3A_947 = arith.constant 1 : i32
      %swap3A_948 = arith.index_cast %swap3A_947 : i32 to index
      %swap3A_949 = arith.constant 32 : index
      %swap3A_950 = tpu.vector_load %arg12[%swap3A_948, %swap3A_949] {strides = array<i32>} : memref<2x400xf32, #tpu.memory_space<vmem>>, vector<16xf32>,
      tpu.vector_store %arg12[%swap3A_948, %swap3A_949], %exp3A_946 {strides = array<i32>} : memref<2x400xf32, #tpu.memory_space<vmem>>, vector<16xf32>,
      %get3A_951 = arith.constant 1 : i32
      %get3A_952 = arith.index_cast %get3A_951 : i32 to index
      %get3A_953 = arith.constant 48 : index
      %get3A_954 = tpu.vector_load %arg10[%get3A_952, %get3A_953] {strides = array<i32>} : memref<2x400xi32, #tpu.memory_space<vmem>>, vector<16xi32>,
      %get3A_955 = arith.constant 1 : i32
      %get3A_956 = arith.index_cast %get3A_955 : i32 to index
      %get3A_957 = arith.constant 48 : index
      %get3A_958 = tpu.vector_load %arg11[%get3A_956, %get3A_957] {strides = array<i32>} : memref<2x400xi32, #tpu.memory_space<vmem>>, vector<16xi32>,
      %gather3A_959 = tpu.vector_load_idx %arg8[%get3A_954] : memref<10000xf32, #tpu.memory_space<vmem>>[vector<16xi32>], vector<16xf32>,
      %gather3A_960 = tpu.vector_load_idx %arg9[%get3A_958] : memref<10000xf32, #tpu.memory_space<vmem>>[vector<16xi32>], vector<16xf32>,
      %add3A_961 = arith.addf %gather3A_959, %gather3A_960 : vector<16xf32>
      %ge3A_962 = arith.constant 0.000000e+00 : f32
      %ge3A_963 = vector.broadcast %ge3A_962 : f32 to vector<16xf32>
      %ge3A_964 = arith.cmpf oge, %add3A_961, %ge3A_963 : vector<16xf32>
      %mul3A_965 = arith.constant 2.000000e-01 : f32
      %mul3A_966 = vector.broadcast %mul3A_965 : f32 to vector<16xf32>
      %mul3A_967 = arith.mulf %add3A_961, %mul3A_966 : vector<16xf32>
      %select_n3A_968 = arith.select %ge3A_964, %add3A_961, %mul3A_967 : vector<16xi1>, vector<16xf32>
      %exp3A_969 = math.exp %select_n3A_968 : vector<16xf32>
      %swap3A_970 = arith.constant 1 : i32
      %swap3A_971 = arith.index_cast %swap3A_970 : i32 to index
      %swap3A_972 = arith.constant 48 : index
      %swap3A_973 = tpu.vector_load %arg12[%swap3A_971, %swap3A_972] {strides = array<i32>} : memref<2x400xf32, #tpu.memory_space<vmem>>, vector<16xf32>,
      tpu.vector_store %arg12[%swap3A_971, %swap3A_972], %exp3A_969 {strides = array<i32>} : memref<2x400xf32, #tpu.memory_space<vmem>>, vector<16xf32>,
      %get3A_974 = arith.constant 1 : i32
      %get3A_975 = arith.index_cast %get3A_974 : i32 to index
      %get3A_976 = arith.constant 64 : index
      %get3A_977 = tpu.vector_load %arg10[%get3A_975, %get3A_976] {strides = array<i32>} : memref<2x400xi32, #tpu.memory_space<vmem>>, vector<16xi32>,
      %get3A_978 = arith.constant 1 : i32
      %get3A_979 = arith.index_cast %get3A_978 : i32 to index
      %get3A_980 = arith.constant 64 : index
      %get3A_981 = tpu.vector_load %arg11[%get3A_979, %get3A_980] {strides = array<i32>} : memref<2x400xi32, #tpu.memory_space<vmem>>, vector<16xi32>,
      %gather3A_982 = tpu.vector_load_idx %arg8[%get3A_977] : memref<10000xf32, #tpu.memory_space<vmem>>[vector<16xi32>], vector<16xf32>,
      %gather3A_983 = tpu.vector_load_idx %arg9[%get3A_981] : memref<10000xf32, #tpu.memory_space<vmem>>[vector<16xi32>], vector<16xf32>,
      %add3A_984 = arith.addf %gather3A_982, %gather3A_983 : vector<16xf32>
      %ge3A_985 = arith.constant 0.000000e+00 : f32
      %ge3A_986 = vector.broadcast %ge3A_985 : f32 to vector<16xf32>
      %ge3A_987 = arith.cmpf oge, %add3A_984, %ge3A_986 : vector<16xf32>
      %mul3A_988 = arith.constant 2.000000e-01 : f32
      %mul3A_989 = vector.broadcast %mul3A_988 : f32 to vector<16xf32>
      %mul3A_990 = arith.mulf %add3A_984, %mul3A_989 : vector<16xf32>
      %select_n3A_991 = arith.select %ge3A_987, %add3A_984, %mul3A_990 : vector<16xi1>, vector<16xf32>
      %exp3A_992 = math.exp %select_n3A_991 : vector<16xf32>
      %swap3A_993 = arith.constant 1 : i32
      %swap3A_994 = arith.index_cast %swap3A_993 : i32 to index
      %swap3A_995 = arith.constant 64 : index
      %swap3A_996 = tpu.vector_load %arg12[%swap3A_994, %swap3A_995] {strides = array<i32>} : memref<2x400xf32, #tpu.memory_space<vmem>>, vector<16xf32>,
      tpu.vector_store %arg12[%swap3A_994, %swap3A_995], %exp3A_992 {strides = array<i32>} : memref<2x400xf32, #tpu.memory_space<vmem>>, vector<16xf32>,
      %get3A_997 = arith.constant 1 : i32
      %get3A_998 = arith.index_cast %get3A_997 : i32 to index
      %get3A_999 = arith.constant 80 : index
      %get3A_1000 = tpu.vector_load %arg10[%get3A_998, %get3A_999] {strides = array<i32>} : memref<2x400xi32, #tpu.memory_space<vmem>>, vector<16xi32>,
      %get3A_1001 = arith.constant 1 : i32
      %get3A_1002 = arith.index_cast %get3A_1001 : i32 to index
      %get3A_1003 = arith.constant 80 : index
      %get3A_1004 = tpu.vector_load %arg11[%get3A_1002, %get3A_1003] {strides = array<i32>} : memref<2x400xi32, #tpu.memory_space<vmem>>, vector<16xi32>,
      %gather3A_1005 = tpu.vector_load_idx %arg8[%get3A_1000] : memref<10000xf32, #tpu.memory_space<vmem>>[vector<16xi32>], vector<16xf32>,
      %gather3A_1006 = tpu.vector_load_idx %arg9[%get3A_1004] : memref<10000xf32, #tpu.memory_space<vmem>>[vector<16xi32>], vector<16xf32>,
      %add3A_1007 = arith.addf %gather3A_1005, %gather3A_1006 : vector<16xf32>
      %ge3A_1008 = arith.constant 0.000000e+00 : f32
      %ge3A_1009 = vector.broadcast %ge3A_1008 : f32 to vector<16xf32>
      %ge3A_1010 = arith.cmpf oge, %add3A_1007, %ge3A_1009 : vector<16xf32>
      %mul3A_1011 = arith.constant 2.000000e-01 : f32
      %mul3A_1012 = vector.broadcast %mul3A_1011 : f32 to vector<16xf32>
      %mul3A_1013 = arith.mulf %add3A_1007, %mul3A_1012 : vector<16xf32>
      %select_n3A_1014 = arith.select %ge3A_1010, %add3A_1007, %mul3A_1013 : vector<16xi1>, vector<16xf32>
      %exp3A_1015 = math.exp %select_n3A_1014 : vector<16xf32>
      %swap3A_1016 = arith.constant 1 : i32
      %swap3A_1017 = arith.index_cast %swap3A_1016 : i32 to index
      %swap3A_1018 = arith.constant 80 : index
      %swap3A_1019 = tpu.vector_load %arg12[%swap3A_1017, %swap3A_1018] {strides = array<i32>} : memref<2x400xf32, #tpu.memory_space<vmem>>, vector<16xf32>,
      tpu.vector_store %arg12[%swap3A_1017, %swap3A_1018], %exp3A_1015 {strides = array<i32>} : memref<2x400xf32, #tpu.memory_space<vmem>>, vector<16xf32>,
      %get3A_1020 = arith.constant 1 : i32
      %get3A_1021 = arith.index_cast %get3A_1020 : i32 to index
      %get3A_1022 = arith.constant 96 : index
      %get3A_1023 = tpu.vector_load %arg10[%get3A_1021, %get3A_1022] {strides = array<i32>} : memref<2x400xi32, #tpu.memory_space<vmem>>, vector<16xi32>,
      %get3A_1024 = arith.constant 1 : i32
      %get3A_1025 = arith.index_cast %get3A_1024 : i32 to index
      %get3A_1026 = arith.constant 96 : index
      %get3A_1027 = tpu.vector_load %arg11[%get3A_1025, %get3A_1026] {strides = array<i32>} : memref<2x400xi32, #tpu.memory_space<vmem>>, vector<16xi32>,
      %gather3A_1028 = tpu.vector_load_idx %arg8[%get3A_1023] : memref<10000xf32, #tpu.memory_space<vmem>>[vector<16xi32>], vector<16xf32>,
      %gather3A_1029 = tpu.vector_load_idx %arg9[%get3A_1027] : memref<10000xf32, #tpu.memory_space<vmem>>[vector<16xi32>], vector<16xf32>,
      %add3A_1030 = arith.addf %gather3A_1028, %gather3A_1029 : vector<16xf32>
      %ge3A_1031 = arith.constant 0.000000e+00 : f32
      %ge3A_1032 = vector.broadcast %ge3A_1031 : f32 to vector<16xf32>
      %ge3A_1033 = arith.cmpf oge, %add3A_1030, %ge3A_1032 : vector<16xf32>
      %mul3A_1034 = arith.constant 2.000000e-01 : f32
      %mul3A_1035 = vector.broadcast %mul3A_1034 : f32 to vector<16xf32>
      %mul3A_1036 = arith.mulf %add3A_1030, %mul3A_1035 : vector<16xf32>
      %select_n3A_1037 = arith.select %ge3A_1033, %add3A_1030, %mul3A_1036 : vector<16xi1>, vector<16xf32>
      %exp3A_1038 = math.exp %select_n3A_1037 : vector<16xf32>
      %swap3A_1039 = arith.constant 1 : i32
      %swap3A_1040 = arith.index_cast %swap3A_1039 : i32 to index
      %swap3A_1041 = arith.constant 96 : index
      %swap3A_1042 = tpu.vector_load %arg12[%swap3A_1040, %swap3A_1041] {strides = array<i32>} : memref<2x400xf32, #tpu.memory_space<vmem>>, vector<16xf32>,
      tpu.vector_store %arg12[%swap3A_1040, %swap3A_1041], %exp3A_1038 {strides = array<i32>} : memref<2x400xf32, #tpu.memory_space<vmem>>, vector<16xf32>,
      %get3A_1043 = arith.constant 1 : i32
      %get3A_1044 = arith.index_cast %get3A_1043 : i32 to index
      %get3A_1045 = arith.constant 112 : index
      %get3A_1046 = tpu.vector_load %arg10[%get3A_1044, %get3A_1045] {strides = array<i32>} : memref<2x400xi32, #tpu.memory_space<vmem>>, vector<16xi32>,
      %get3A_1047 = arith.constant 1 : i32
      %get3A_1048 = arith.index_cast %get3A_1047 : i32 to index
      %get3A_1049 = arith.constant 112 : index
      %get3A_1050 = tpu.vector_load %arg11[%get3A_1048, %get3A_1049] {strides = array<i32>} : memref<2x400xi32, #tpu.memory_space<vmem>>, vector<16xi32>,
      %gather3A_1051 = tpu.vector_load_idx %arg8[%get3A_1046] : memref<10000xf32, #tpu.memory_space<vmem>>[vector<16xi32>], vector<16xf32>,
      %gather3A_1052 = tpu.vector_load_idx %arg9[%get3A_1050] : memref<10000xf32, #tpu.memory_space<vmem>>[vector<16xi32>], vector<16xf32>,
      %add3A_1053 = arith.addf %gather3A_1051, %gather3A_1052 : vector<16xf32>
      %ge3A_1054 = arith.constant 0.000000e+00 : f32
      %ge3A_1055 = vector.broadcast %ge3A_1054 : f32 to vector<16xf32>
      %ge3A_1056 = arith.cmpf oge, %add3A_1053, %ge3A_1055 : vector<16xf32>
      %mul3A_1057 = arith.constant 2.000000e-01 : f32
      %mul3A_1058 = vector.broadcast %mul3A_1057 : f32 to vector<16xf32>
      %mul3A_1059 = arith.mulf %add3A_1053, %mul3A_1058 : vector<16xf32>
      %select_n3A_1060 = arith.select %ge3A_1056, %add3A_1053, %mul3A_1059 : vector<16xi1>, vector<16xf32>
      %exp3A_1061 = math.exp %select_n3A_1060 : vector<16xf32>
      %swap3A_1062 = arith.constant 1 : i32
      %swap3A_1063 = arith.index_cast %swap3A_1062 : i32 to index
      %swap3A_1064 = arith.constant 112 : index
      %swap3A_1065 = tpu.vector_load %arg12[%swap3A_1063, %swap3A_1064] {strides = array<i32>} : memref<2x400xf32, #tpu.memory_space<vmem>>, vector<16xf32>,
      tpu.vector_store %arg12[%swap3A_1063, %swap3A_1064], %exp3A_1061 {strides = array<i32>} : memref<2x400xf32, #tpu.memory_space<vmem>>, vector<16xf32>,
      %get3A_1066 = arith.constant 1 : i32
      %get3A_1067 = arith.index_cast %get3A_1066 : i32 to index
      %get3A_1068 = arith.constant 128 : index
      %get3A_1069 = tpu.vector_load %arg10[%get3A_1067, %get3A_1068] {strides = array<i32>} : memref<2x400xi32, #tpu.memory_space<vmem>>, vector<16xi32>,
      %get3A_1070 = arith.constant 1 : i32
      %get3A_1071 = arith.index_cast %get3A_1070 : i32 to index
      %get3A_1072 = arith.constant 128 : index
      %get3A_1073 = tpu.vector_load %arg11[%get3A_1071, %get3A_1072] {strides = array<i32>} : memref<2x400xi32, #tpu.memory_space<vmem>>, vector<16xi32>,
      %gather3A_1074 = tpu.vector_load_idx %arg8[%get3A_1069] : memref<10000xf32, #tpu.memory_space<vmem>>[vector<16xi32>], vector<16xf32>,
      %gather3A_1075 = tpu.vector_load_idx %arg9[%get3A_1073] : memref<10000xf32, #tpu.memory_space<vmem>>[vector<16xi32>], vector<16xf32>,
      %add3A_1076 = arith.addf %gather3A_1074, %gather3A_1075 : vector<16xf32>
      %ge3A_1077 = arith.constant 0.000000e+00 : f32
      %ge3A_1078 = vector.broadcast %ge3A_1077 : f32 to vector<16xf32>
      %ge3A_1079 = arith.cmpf oge, %add3A_1076, %ge3A_1078 : vector<16xf32>
      %mul3A_1080 = arith.constant 2.000000e-01 : f32
      %mul3A_1081 = vector.broadcast %mul3A_1080 : f32 to vector<16xf32>
      %mul3A_1082 = arith.mulf %add3A_1076, %mul3A_1081 : vector<16xf32>
      %select_n3A_1083 = arith.select %ge3A_1079, %add3A_1076, %mul3A_1082 : vector<16xi1>, vector<16xf32>
      %exp3A_1084 = math.exp %select_n3A_1083 : vector<16xf32>
      %swap3A_1085 = arith.constant 1 : i32
      %swap3A_1086 = arith.index_cast %swap3A_1085 : i32 to index
      %swap3A_1087 = arith.constant 128 : index
      %swap3A_1088 = tpu.vector_load %arg12[%swap3A_1086, %swap3A_1087] {strides = array<i32>} : memref<2x400xf32, #tpu.memory_space<vmem>>, vector<16xf32>,
      tpu.vector_store %arg12[%swap3A_1086, %swap3A_1087], %exp3A_1084 {strides = array<i32>} : memref<2x400xf32, #tpu.memory_space<vmem>>, vector<16xf32>,
      %get3A_1089 = arith.constant 1 : i32
      %get3A_1090 = arith.index_cast %get3A_1089 : i32 to index
      %get3A_1091 = arith.constant 144 : index
      %get3A_1092 = tpu.vector_load %arg10[%get3A_1090, %get3A_1091] {strides = array<i32>} : memref<2x400xi32, #tpu.memory_space<vmem>>, vector<16xi32>,
      %get3A_1093 = arith.constant 1 : i32
      %get3A_1094 = arith.index_cast %get3A_1093 : i32 to index
      %get3A_1095 = arith.constant 144 : index
      %get3A_1096 = tpu.vector_load %arg11[%get3A_1094, %get3A_1095] {strides = array<i32>} : memref<2x400xi32, #tpu.memory_space<vmem>>, vector<16xi32>,
      %gather3A_1097 = tpu.vector_load_idx %arg8[%get3A_1092] : memref<10000xf32, #tpu.memory_space<vmem>>[vector<16xi32>], vector<16xf32>,
      %gather3A_1098 = tpu.vector_load_idx %arg9[%get3A_1096] : memref<10000xf32, #tpu.memory_space<vmem>>[vector<16xi32>], vector<16xf32>,
      %add3A_1099 = arith.addf %gather3A_1097, %gather3A_1098 : vector<16xf32>
      %ge3A_1100 = arith.constant 0.000000e+00 : f32
      %ge3A_1101 = vector.broadcast %ge3A_1100 : f32 to vector<16xf32>
      %ge3A_1102 = arith.cmpf oge, %add3A_1099, %ge3A_1101 : vector<16xf32>
      %mul3A_1103 = arith.constant 2.000000e-01 : f32
      %mul3A_1104 = vector.broadcast %mul3A_1103 : f32 to vector<16xf32>
      %mul3A_1105 = arith.mulf %add3A_1099, %mul3A_1104 : vector<16xf32>
      %select_n3A_1106 = arith.select %ge3A_1102, %add3A_1099, %mul3A_1105 : vector<16xi1>, vector<16xf32>
      %exp3A_1107 = math.exp %select_n3A_1106 : vector<16xf32>
      %swap3A_1108 = arith.constant 1 : i32
      %swap3A_1109 = arith.index_cast %swap3A_1108 : i32 to index
      %swap3A_1110 = arith.constant 144 : index
      %swap3A_1111 = tpu.vector_load %arg12[%swap3A_1109, %swap3A_1110] {strides = array<i32>} : memref<2x400xf32, #tpu.memory_space<vmem>>, vector<16xf32>,
      tpu.vector_store %arg12[%swap3A_1109, %swap3A_1110], %exp3A_1107 {strides = array<i32>} : memref<2x400xf32, #tpu.memory_space<vmem>>, vector<16xf32>,
      %get3A_1112 = arith.constant 1 : i32
      %get3A_1113 = arith.index_cast %get3A_1112 : i32 to index
      %get3A_1114 = arith.constant 160 : index
      %get3A_1115 = tpu.vector_load %arg10[%get3A_1113, %get3A_1114] {strides = array<i32>} : memref<2x400xi32, #tpu.memory_space<vmem>>, vector<16xi32>,
      %get3A_1116 = arith.constant 1 : i32
      %get3A_1117 = arith.index_cast %get3A_1116 : i32 to index
      %get3A_1118 = arith.constant 160 : index
      %get3A_1119 = tpu.vector_load %arg11[%get3A_1117, %get3A_1118] {strides = array<i32>} : memref<2x400xi32, #tpu.memory_space<vmem>>, vector<16xi32>,
      %gather3A_1120 = tpu.vector_load_idx %arg8[%get3A_1115] : memref<10000xf32, #tpu.memory_space<vmem>>[vector<16xi32>], vector<16xf32>,
      %gather3A_1121 = tpu.vector_load_idx %arg9[%get3A_1119] : memref<10000xf32, #tpu.memory_space<vmem>>[vector<16xi32>], vector<16xf32>,
      %add3A_1122 = arith.addf %gather3A_1120, %gather3A_1121 : vector<16xf32>
      %ge3A_1123 = arith.constant 0.000000e+00 : f32
      %ge3A_1124 = vector.broadcast %ge3A_1123 : f32 to vector<16xf32>
      %ge3A_1125 = arith.cmpf oge, %add3A_1122, %ge3A_1124 : vector<16xf32>
      %mul3A_1126 = arith.constant 2.000000e-01 : f32
      %mul3A_1127 = vector.broadcast %mul3A_1126 : f32 to vector<16xf32>
      %mul3A_1128 = arith.mulf %add3A_1122, %mul3A_1127 : vector<16xf32>
      %select_n3A_1129 = arith.select %ge3A_1125, %add3A_1122, %mul3A_1128 : vector<16xi1>, vector<16xf32>
      %exp3A_1130 = math.exp %select_n3A_1129 : vector<16xf32>
      %swap3A_1131 = arith.constant 1 : i32
      %swap3A_1132 = arith.index_cast %swap3A_1131 : i32 to index
      %swap3A_1133 = arith.constant 160 : index
      %swap3A_1134 = tpu.vector_load %arg12[%swap3A_1132, %swap3A_1133] {strides = array<i32>} : memref<2x400xf32, #tpu.memory_space<vmem>>, vector<16xf32>,
      tpu.vector_store %arg12[%swap3A_1132, %swap3A_1133], %exp3A_1130 {strides = array<i32>} : memref<2x400xf32, #tpu.memory_space<vmem>>, vector<16xf32>,
      %get3A_1135 = arith.constant 1 : i32
      %get3A_1136 = arith.index_cast %get3A_1135 : i32 to index
      %get3A_1137 = arith.constant 176 : index
      %get3A_1138 = tpu.vector_load %arg10[%get3A_1136, %get3A_1137] {strides = array<i32>} : memref<2x400xi32, #tpu.memory_space<vmem>>, vector<16xi32>,
      %get3A_1139 = arith.constant 1 : i32
      %get3A_1140 = arith.index_cast %get3A_1139 : i32 to index
      %get3A_1141 = arith.constant 176 : index
      %get3A_1142 = tpu.vector_load %arg11[%get3A_1140, %get3A_1141] {strides = array<i32>} : memref<2x400xi32, #tpu.memory_space<vmem>>, vector<16xi32>,
      %gather3A_1143 = tpu.vector_load_idx %arg8[%get3A_1138] : memref<10000xf32, #tpu.memory_space<vmem>>[vector<16xi32>], vector<16xf32>,
      %gather3A_1144 = tpu.vector_load_idx %arg9[%get3A_1142] : memref<10000xf32, #tpu.memory_space<vmem>>[vector<16xi32>], vector<16xf32>,
      %add3A_1145 = arith.addf %gather3A_1143, %gather3A_1144 : vector<16xf32>
      %ge3A_1146 = arith.constant 0.000000e+00 : f32
      %ge3A_1147 = vector.broadcast %ge3A_1146 : f32 to vector<16xf32>
      %ge3A_1148 = arith.cmpf oge, %add3A_1145, %ge3A_1147 : vector<16xf32>
      %mul3A_1149 = arith.constant 2.000000e-01 : f32
      %mul3A_1150 = vector.broadcast %mul3A_1149 : f32 to vector<16xf32>
      %mul3A_1151 = arith.mulf %add3A_1145, %mul3A_1150 : vector<16xf32>
      %select_n3A_1152 = arith.select %ge3A_1148, %add3A_1145, %mul3A_1151 : vector<16xi1>, vector<16xf32>
      %exp3A_1153 = math.exp %select_n3A_1152 : vector<16xf32>
      %swap3A_1154 = arith.constant 1 : i32
      %swap3A_1155 = arith.index_cast %swap3A_1154 : i32 to index
      %swap3A_1156 = arith.constant 176 : index
      %swap3A_1157 = tpu.vector_load %arg12[%swap3A_1155, %swap3A_1156] {strides = array<i32>} : memref<2x400xf32, #tpu.memory_space<vmem>>, vector<16xf32>,
      tpu.vector_store %arg12[%swap3A_1155, %swap3A_1156], %exp3A_1153 {strides = array<i32>} : memref<2x400xf32, #tpu.memory_space<vmem>>, vector<16xf32>,
      %get3A_1158 = arith.constant 1 : i32
      %get3A_1159 = arith.index_cast %get3A_1158 : i32 to index
      %get3A_1160 = arith.constant 192 : index
      %get3A_1161 = tpu.vector_load %arg10[%get3A_1159, %get3A_1160] {strides = array<i32>} : memref<2x400xi32, #tpu.memory_space<vmem>>, vector<16xi32>,
      %get3A_1162 = arith.constant 1 : i32
      %get3A_1163 = arith.index_cast %get3A_1162 : i32 to index
      %get3A_1164 = arith.constant 192 : index
      %get3A_1165 = tpu.vector_load %arg11[%get3A_1163, %get3A_1164] {strides = array<i32>} : memref<2x400xi32, #tpu.memory_space<vmem>>, vector<16xi32>,
      %gather3A_1166 = tpu.vector_load_idx %arg8[%get3A_1161] : memref<10000xf32, #tpu.memory_space<vmem>>[vector<16xi32>], vector<16xf32>,
      %gather3A_1167 = tpu.vector_load_idx %arg9[%get3A_1165] : memref<10000xf32, #tpu.memory_space<vmem>>[vector<16xi32>], vector<16xf32>,
      %add3A_1168 = arith.addf %gather3A_1166, %gather3A_1167 : vector<16xf32>
      %ge3A_1169 = arith.constant 0.000000e+00 : f32
      %ge3A_1170 = vector.broadcast %ge3A_1169 : f32 to vector<16xf32>
      %ge3A_1171 = arith.cmpf oge, %add3A_1168, %ge3A_1170 : vector<16xf32>
      %mul3A_1172 = arith.constant 2.000000e-01 : f32
      %mul3A_1173 = vector.broadcast %mul3A_1172 : f32 to vector<16xf32>
      %mul3A_1174 = arith.mulf %add3A_1168, %mul3A_1173 : vector<16xf32>
      %select_n3A_1175 = arith.select %ge3A_1171, %add3A_1168, %mul3A_1174 : vector<16xi1>, vector<16xf32>
      %exp3A_1176 = math.exp %select_n3A_1175 : vector<16xf32>
      %swap3A_1177 = arith.constant 1 : i32
      %swap3A_1178 = arith.index_cast %swap3A_1177 : i32 to index
      %swap3A_1179 = arith.constant 192 : index
      %swap3A_1180 = tpu.vector_load %arg12[%swap3A_1178, %swap3A_1179] {strides = array<i32>} : memref<2x400xf32, #tpu.memory_space<vmem>>, vector<16xf32>,
      tpu.vector_store %arg12[%swap3A_1178, %swap3A_1179], %exp3A_1176 {strides = array<i32>} : memref<2x400xf32, #tpu.memory_space<vmem>>, vector<16xf32>,
      %get3A_1181 = arith.constant 1 : i32
      %get3A_1182 = arith.index_cast %get3A_1181 : i32 to index
      %get3A_1183 = arith.constant 208 : index
      %get3A_1184 = tpu.vector_load %arg10[%get3A_1182, %get3A_1183] {strides = array<i32>} : memref<2x400xi32, #tpu.memory_space<vmem>>, vector<16xi32>,
      %get3A_1185 = arith.constant 1 : i32
      %get3A_1186 = arith.index_cast %get3A_1185 : i32 to index
      %get3A_1187 = arith.constant 208 : index
      %get3A_1188 = tpu.vector_load %arg11[%get3A_1186, %get3A_1187] {strides = array<i32>} : memref<2x400xi32, #tpu.memory_space<vmem>>, vector<16xi32>,
      %gather3A_1189 = tpu.vector_load_idx %arg8[%get3A_1184] : memref<10000xf32, #tpu.memory_space<vmem>>[vector<16xi32>], vector<16xf32>,
      %gather3A_1190 = tpu.vector_load_idx %arg9[%get3A_1188] : memref<10000xf32, #tpu.memory_space<vmem>>[vector<16xi32>], vector<16xf32>,
      %add3A_1191 = arith.addf %gather3A_1189, %gather3A_1190 : vector<16xf32>
      %ge3A_1192 = arith.constant 0.000000e+00 : f32
      %ge3A_1193 = vector.broadcast %ge3A_1192 : f32 to vector<16xf32>
      %ge3A_1194 = arith.cmpf oge, %add3A_1191, %ge3A_1193 : vector<16xf32>
      %mul3A_1195 = arith.constant 2.000000e-01 : f32
      %mul3A_1196 = vector.broadcast %mul3A_1195 : f32 to vector<16xf32>
      %mul3A_1197 = arith.mulf %add3A_1191, %mul3A_1196 : vector<16xf32>
      %select_n3A_1198 = arith.select %ge3A_1194, %add3A_1191, %mul3A_1197 : vector<16xi1>, vector<16xf32>
      %exp3A_1199 = math.exp %select_n3A_1198 : vector<16xf32>
      %swap3A_1200 = arith.constant 1 : i32
      %swap3A_1201 = arith.index_cast %swap3A_1200 : i32 to index
      %swap3A_1202 = arith.constant 208 : index
      %swap3A_1203 = tpu.vector_load %arg12[%swap3A_1201, %swap3A_1202] {strides = array<i32>} : memref<2x400xf32, #tpu.memory_space<vmem>>, vector<16xf32>,
      tpu.vector_store %arg12[%swap3A_1201, %swap3A_1202], %exp3A_1199 {strides = array<i32>} : memref<2x400xf32, #tpu.memory_space<vmem>>, vector<16xf32>,
      %get3A_1204 = arith.constant 1 : i32
      %get3A_1205 = arith.index_cast %get3A_1204 : i32 to index
      %get3A_1206 = arith.constant 224 : index
      %get3A_1207 = tpu.vector_load %arg10[%get3A_1205, %get3A_1206] {strides = array<i32>} : memref<2x400xi32, #tpu.memory_space<vmem>>, vector<16xi32>,
      %get3A_1208 = arith.constant 1 : i32
      %get3A_1209 = arith.index_cast %get3A_1208 : i32 to index
      %get3A_1210 = arith.constant 224 : index
      %get3A_1211 = tpu.vector_load %arg11[%get3A_1209, %get3A_1210] {strides = array<i32>} : memref<2x400xi32, #tpu.memory_space<vmem>>, vector<16xi32>,
      %gather3A_1212 = tpu.vector_load_idx %arg8[%get3A_1207] : memref<10000xf32, #tpu.memory_space<vmem>>[vector<16xi32>], vector<16xf32>,
      %gather3A_1213 = tpu.vector_load_idx %arg9[%get3A_1211] : memref<10000xf32, #tpu.memory_space<vmem>>[vector<16xi32>], vector<16xf32>,
      %add3A_1214 = arith.addf %gather3A_1212, %gather3A_1213 : vector<16xf32>
      %ge3A_1215 = arith.constant 0.000000e+00 : f32
      %ge3A_1216 = vector.broadcast %ge3A_1215 : f32 to vector<16xf32>
      %ge3A_1217 = arith.cmpf oge, %add3A_1214, %ge3A_1216 : vector<16xf32>
      %mul3A_1218 = arith.constant 2.000000e-01 : f32
      %mul3A_1219 = vector.broadcast %mul3A_1218 : f32 to vector<16xf32>
      %mul3A_1220 = arith.mulf %add3A_1214, %mul3A_1219 : vector<16xf32>
      %select_n3A_1221 = arith.select %ge3A_1217, %add3A_1214, %mul3A_1220 : vector<16xi1>, vector<16xf32>
      %exp3A_1222 = math.exp %select_n3A_1221 : vector<16xf32>
      %swap3A_1223 = arith.constant 1 : i32
      %swap3A_1224 = arith.index_cast %swap3A_1223 : i32 to index
      %swap3A_1225 = arith.constant 224 : index
      %swap3A_1226 = tpu.vector_load %arg12[%swap3A_1224, %swap3A_1225] {strides = array<i32>} : memref<2x400xf32, #tpu.memory_space<vmem>>, vector<16xf32>,
      tpu.vector_store %arg12[%swap3A_1224, %swap3A_1225], %exp3A_1222 {strides = array<i32>} : memref<2x400xf32, #tpu.memory_space<vmem>>, vector<16xf32>,
      %get3A_1227 = arith.constant 1 : i32
      %get3A_1228 = arith.index_cast %get3A_1227 : i32 to index
      %get3A_1229 = arith.constant 240 : index
      %get3A_1230 = tpu.vector_load %arg10[%get3A_1228, %get3A_1229] {strides = array<i32>} : memref<2x400xi32, #tpu.memory_space<vmem>>, vector<16xi32>,
      %get3A_1231 = arith.constant 1 : i32
      %get3A_1232 = arith.index_cast %get3A_1231 : i32 to index
      %get3A_1233 = arith.constant 240 : index
      %get3A_1234 = tpu.vector_load %arg11[%get3A_1232, %get3A_1233] {strides = array<i32>} : memref<2x400xi32, #tpu.memory_space<vmem>>, vector<16xi32>,
      %gather3A_1235 = tpu.vector_load_idx %arg8[%get3A_1230] : memref<10000xf32, #tpu.memory_space<vmem>>[vector<16xi32>], vector<16xf32>,
      %gather3A_1236 = tpu.vector_load_idx %arg9[%get3A_1234] : memref<10000xf32, #tpu.memory_space<vmem>>[vector<16xi32>], vector<16xf32>,
      %add3A_1237 = arith.addf %gather3A_1235, %gather3A_1236 : vector<16xf32>
      %ge3A_1238 = arith.constant 0.000000e+00 : f32
      %ge3A_1239 = vector.broadcast %ge3A_1238 : f32 to vector<16xf32>
      %ge3A_1240 = arith.cmpf oge, %add3A_1237, %ge3A_1239 : vector<16xf32>
      %mul3A_1241 = arith.constant 2.000000e-01 : f32
      %mul3A_1242 = vector.broadcast %mul3A_1241 : f32 to vector<16xf32>
      %mul3A_1243 = arith.mulf %add3A_1237, %mul3A_1242 : vector<16xf32>
      %select_n3A_1244 = arith.select %ge3A_1240, %add3A_1237, %mul3A_1243 : vector<16xi1>, vector<16xf32>
      %exp3A_1245 = math.exp %select_n3A_1244 : vector<16xf32>
      %swap3A_1246 = arith.constant 1 : i32
      %swap3A_1247 = arith.index_cast %swap3A_1246 : i32 to index
      %swap3A_1248 = arith.constant 240 : index
      %swap3A_1249 = tpu.vector_load %arg12[%swap3A_1247, %swap3A_1248] {strides = array<i32>} : memref<2x400xf32, #tpu.memory_space<vmem>>, vector<16xf32>,
      tpu.vector_store %arg12[%swap3A_1247, %swap3A_1248], %exp3A_1245 {strides = array<i32>} : memref<2x400xf32, #tpu.memory_space<vmem>>, vector<16xf32>,
      %get3A_1250 = arith.constant 1 : i32
      %get3A_1251 = arith.index_cast %get3A_1250 : i32 to index
      %get3A_1252 = arith.constant 256 : index
      %get3A_1253 = tpu.vector_load %arg10[%get3A_1251, %get3A_1252] {strides = array<i32>} : memref<2x400xi32, #tpu.memory_space<vmem>>, vector<16xi32>,
      %get3A_1254 = arith.constant 1 : i32
      %get3A_1255 = arith.index_cast %get3A_1254 : i32 to index
      %get3A_1256 = arith.constant 256 : index
      %get3A_1257 = tpu.vector_load %arg11[%get3A_1255, %get3A_1256] {strides = array<i32>} : memref<2x400xi32, #tpu.memory_space<vmem>>, vector<16xi32>,
      %gather3A_1258 = tpu.vector_load_idx %arg8[%get3A_1253] : memref<10000xf32, #tpu.memory_space<vmem>>[vector<16xi32>], vector<16xf32>,
      %gather3A_1259 = tpu.vector_load_idx %arg9[%get3A_1257] : memref<10000xf32, #tpu.memory_space<vmem>>[vector<16xi32>], vector<16xf32>,
      %add3A_1260 = arith.addf %gather3A_1258, %gather3A_1259 : vector<16xf32>
      %ge3A_1261 = arith.constant 0.000000e+00 : f32
      %ge3A_1262 = vector.broadcast %ge3A_1261 : f32 to vector<16xf32>
      %ge3A_1263 = arith.cmpf oge, %add3A_1260, %ge3A_1262 : vector<16xf32>
      %mul3A_1264 = arith.constant 2.000000e-01 : f32
      %mul3A_1265 = vector.broadcast %mul3A_1264 : f32 to vector<16xf32>
      %mul3A_1266 = arith.mulf %add3A_1260, %mul3A_1265 : vector<16xf32>
      %select_n3A_1267 = arith.select %ge3A_1263, %add3A_1260, %mul3A_1266 : vector<16xi1>, vector<16xf32>
      %exp3A_1268 = math.exp %select_n3A_1267 : vector<16xf32>
      %swap3A_1269 = arith.constant 1 : i32
      %swap3A_1270 = arith.index_cast %swap3A_1269 : i32 to index
      %swap3A_1271 = arith.constant 256 : index
      %swap3A_1272 = tpu.vector_load %arg12[%swap3A_1270, %swap3A_1271] {strides = array<i32>} : memref<2x400xf32, #tpu.memory_space<vmem>>, vector<16xf32>,
      tpu.vector_store %arg12[%swap3A_1270, %swap3A_1271], %exp3A_1268 {strides = array<i32>} : memref<2x400xf32, #tpu.memory_space<vmem>>, vector<16xf32>,
      %get3A_1273 = arith.constant 1 : i32
      %get3A_1274 = arith.index_cast %get3A_1273 : i32 to index
      %get3A_1275 = arith.constant 272 : index
      %get3A_1276 = tpu.vector_load %arg10[%get3A_1274, %get3A_1275] {strides = array<i32>} : memref<2x400xi32, #tpu.memory_space<vmem>>, vector<16xi32>,
      %get3A_1277 = arith.constant 1 : i32
      %get3A_1278 = arith.index_cast %get3A_1277 : i32 to index
      %get3A_1279 = arith.constant 272 : index
      %get3A_1280 = tpu.vector_load %arg11[%get3A_1278, %get3A_1279] {strides = array<i32>} : memref<2x400xi32, #tpu.memory_space<vmem>>, vector<16xi32>,
      %gather3A_1281 = tpu.vector_load_idx %arg8[%get3A_1276] : memref<10000xf32, #tpu.memory_space<vmem>>[vector<16xi32>], vector<16xf32>,
      %gather3A_1282 = tpu.vector_load_idx %arg9[%get3A_1280] : memref<10000xf32, #tpu.memory_space<vmem>>[vector<16xi32>], vector<16xf32>,
      %add3A_1283 = arith.addf %gather3A_1281, %gather3A_1282 : vector<16xf32>
      %ge3A_1284 = arith.constant 0.000000e+00 : f32
      %ge3A_1285 = vector.broadcast %ge3A_1284 : f32 to vector<16xf32>
      %ge3A_1286 = arith.cmpf oge, %add3A_1283, %ge3A_1285 : vector<16xf32>
      %mul3A_1287 = arith.constant 2.000000e-01 : f32
      %mul3A_1288 = vector.broadcast %mul3A_1287 : f32 to vector<16xf32>
      %mul3A_1289 = arith.mulf %add3A_1283, %mul3A_1288 : vector<16xf32>
      %select_n3A_1290 = arith.select %ge3A_1286, %add3A_1283, %mul3A_1289 : vector<16xi1>, vector<16xf32>
      %exp3A_1291 = math.exp %select_n3A_1290 : vector<16xf32>
      %swap3A_1292 = arith.constant 1 : i32
      %swap3A_1293 = arith.index_cast %swap3A_1292 : i32 to index
      %swap3A_1294 = arith.constant 272 : index
      %swap3A_1295 = tpu.vector_load %arg12[%swap3A_1293, %swap3A_1294] {strides = array<i32>} : memref<2x400xf32, #tpu.memory_space<vmem>>, vector<16xf32>,
      tpu.vector_store %arg12[%swap3A_1293, %swap3A_1294], %exp3A_1291 {strides = array<i32>} : memref<2x400xf32, #tpu.memory_space<vmem>>, vector<16xf32>,
      %get3A_1296 = arith.constant 1 : i32
      %get3A_1297 = arith.index_cast %get3A_1296 : i32 to index
      %get3A_1298 = arith.constant 288 : index
      %get3A_1299 = tpu.vector_load %arg10[%get3A_1297, %get3A_1298] {strides = array<i32>} : memref<2x400xi32, #tpu.memory_space<vmem>>, vector<16xi32>,
      %get3A_1300 = arith.constant 1 : i32
      %get3A_1301 = arith.index_cast %get3A_1300 : i32 to index
      %get3A_1302 = arith.constant 288 : index
      %get3A_1303 = tpu.vector_load %arg11[%get3A_1301, %get3A_1302] {strides = array<i32>} : memref<2x400xi32, #tpu.memory_space<vmem>>, vector<16xi32>,
      %gather3A_1304 = tpu.vector_load_idx %arg8[%get3A_1299] : memref<10000xf32, #tpu.memory_space<vmem>>[vector<16xi32>], vector<16xf32>,
      %gather3A_1305 = tpu.vector_load_idx %arg9[%get3A_1303] : memref<10000xf32, #tpu.memory_space<vmem>>[vector<16xi32>], vector<16xf32>,
      %add3A_1306 = arith.addf %gather3A_1304, %gather3A_1305 : vector<16xf32>
      %ge3A_1307 = arith.constant 0.000000e+00 : f32
      %ge3A_1308 = vector.broadcast %ge3A_1307 : f32 to vector<16xf32>
      %ge3A_1309 = arith.cmpf oge, %add3A_1306, %ge3A_1308 : vector<16xf32>
      %mul3A_1310 = arith.constant 2.000000e-01 : f32
      %mul3A_1311 = vector.broadcast %mul3A_1310 : f32 to vector<16xf32>
      %mul3A_1312 = arith.mulf %add3A_1306, %mul3A_1311 : vector<16xf32>
      %select_n3A_1313 = arith.select %ge3A_1309, %add3A_1306, %mul3A_1312 : vector<16xi1>, vector<16xf32>
      %exp3A_1314 = math.exp %select_n3A_1313 : vector<16xf32>
      %swap3A_1315 = arith.constant 1 : i32
      %swap3A_1316 = arith.index_cast %swap3A_1315 : i32 to index
      %swap3A_1317 = arith.constant 288 : index
      %swap3A_1318 = tpu.vector_load %arg12[%swap3A_1316, %swap3A_1317] {strides = array<i32>} : memref<2x400xf32, #tpu.memory_space<vmem>>, vector<16xf32>,
      tpu.vector_store %arg12[%swap3A_1316, %swap3A_1317], %exp3A_1314 {strides = array<i32>} : memref<2x400xf32, #tpu.memory_space<vmem>>, vector<16xf32>,
      %get3A_1319 = arith.constant 1 : i32
      %get3A_1320 = arith.index_cast %get3A_1319 : i32 to index
      %get3A_1321 = arith.constant 304 : index
      %get3A_1322 = tpu.vector_load %arg10[%get3A_1320, %get3A_1321] {strides = array<i32>} : memref<2x400xi32, #tpu.memory_space<vmem>>, vector<16xi32>,
      %get3A_1323 = arith.constant 1 : i32
      %get3A_1324 = arith.index_cast %get3A_1323 : i32 to index
      %get3A_1325 = arith.constant 304 : index
      %get3A_1326 = tpu.vector_load %arg11[%get3A_1324, %get3A_1325] {strides = array<i32>} : memref<2x400xi32, #tpu.memory_space<vmem>>, vector<16xi32>,
      %gather3A_1327 = tpu.vector_load_idx %arg8[%get3A_1322] : memref<10000xf32, #tpu.memory_space<vmem>>[vector<16xi32>], vector<16xf32>,
      %gather3A_1328 = tpu.vector_load_idx %arg9[%get3A_1326] : memref<10000xf32, #tpu.memory_space<vmem>>[vector<16xi32>], vector<16xf32>,
      %add3A_1329 = arith.addf %gather3A_1327, %gather3A_1328 : vector<16xf32>
      %ge3A_1330 = arith.constant 0.000000e+00 : f32
      %ge3A_1331 = vector.broadcast %ge3A_1330 : f32 to vector<16xf32>
      %ge3A_1332 = arith.cmpf oge, %add3A_1329, %ge3A_1331 : vector<16xf32>
      %mul3A_1333 = arith.constant 2.000000e-01 : f32
      %mul3A_1334 = vector.broadcast %mul3A_1333 : f32 to vector<16xf32>
      %mul3A_1335 = arith.mulf %add3A_1329, %mul3A_1334 : vector<16xf32>
      %select_n3A_1336 = arith.select %ge3A_1332, %add3A_1329, %mul3A_1335 : vector<16xi1>, vector<16xf32>
      %exp3A_1337 = math.exp %select_n3A_1336 : vector<16xf32>
      %swap3A_1338 = arith.constant 1 : i32
      %swap3A_1339 = arith.index_cast %swap3A_1338 : i32 to index
      %swap3A_1340 = arith.constant 304 : index
      %swap3A_1341 = tpu.vector_load %arg12[%swap3A_1339, %swap3A_1340] {strides = array<i32>} : memref<2x400xf32, #tpu.memory_space<vmem>>, vector<16xf32>,
      tpu.vector_store %arg12[%swap3A_1339, %swap3A_1340], %exp3A_1337 {strides = array<i32>} : memref<2x400xf32, #tpu.memory_space<vmem>>, vector<16xf32>,
      %get3A_1342 = arith.constant 1 : i32
      %get3A_1343 = arith.index_cast %get3A_1342 : i32 to index
      %get3A_1344 = arith.constant 320 : index
      %get3A_1345 = tpu.vector_load %arg10[%get3A_1343, %get3A_1344] {strides = array<i32>} : memref<2x400xi32, #tpu.memory_space<vmem>>, vector<16xi32>,
      %get3A_1346 = arith.constant 1 : i32
      %get3A_1347 = arith.index_cast %get3A_1346 : i32 to index
      %get3A_1348 = arith.constant 320 : index
      %get3A_1349 = tpu.vector_load %arg11[%get3A_1347, %get3A_1348] {strides = array<i32>} : memref<2x400xi32, #tpu.memory_space<vmem>>, vector<16xi32>,
      %gather3A_1350 = tpu.vector_load_idx %arg8[%get3A_1345] : memref<10000xf32, #tpu.memory_space<vmem>>[vector<16xi32>], vector<16xf32>,
      %gather3A_1351 = tpu.vector_load_idx %arg9[%get3A_1349] : memref<10000xf32, #tpu.memory_space<vmem>>[vector<16xi32>], vector<16xf32>,
      %add3A_1352 = arith.addf %gather3A_1350, %gather3A_1351 : vector<16xf32>
      %ge3A_1353 = arith.constant 0.000000e+00 : f32
      %ge3A_1354 = vector.broadcast %ge3A_1353 : f32 to vector<16xf32>
      %ge3A_1355 = arith.cmpf oge, %add3A_1352, %ge3A_1354 : vector<16xf32>
      %mul3A_1356 = arith.constant 2.000000e-01 : f32
      %mul3A_1357 = vector.broadcast %mul3A_1356 : f32 to vector<16xf32>
      %mul3A_1358 = arith.mulf %add3A_1352, %mul3A_1357 : vector<16xf32>
      %select_n3A_1359 = arith.select %ge3A_1355, %add3A_1352, %mul3A_1358 : vector<16xi1>, vector<16xf32>
      %exp3A_1360 = math.exp %select_n3A_1359 : vector<16xf32>
      %swap3A_1361 = arith.constant 1 : i32
      %swap3A_1362 = arith.index_cast %swap3A_1361 : i32 to index
      %swap3A_1363 = arith.constant 320 : index
      %swap3A_1364 = tpu.vector_load %arg12[%swap3A_1362, %swap3A_1363] {strides = array<i32>} : memref<2x400xf32, #tpu.memory_space<vmem>>, vector<16xf32>,
      tpu.vector_store %arg12[%swap3A_1362, %swap3A_1363], %exp3A_1360 {strides = array<i32>} : memref<2x400xf32, #tpu.memory_space<vmem>>, vector<16xf32>,
      %get3A_1365 = arith.constant 1 : i32
      %get3A_1366 = arith.index_cast %get3A_1365 : i32 to index
      %get3A_1367 = arith.constant 336 : index
      %get3A_1368 = tpu.vector_load %arg10[%get3A_1366, %get3A_1367] {strides = array<i32>} : memref<2x400xi32, #tpu.memory_space<vmem>>, vector<16xi32>,
      %get3A_1369 = arith.constant 1 : i32
      %get3A_1370 = arith.index_cast %get3A_1369 : i32 to index
      %get3A_1371 = arith.constant 336 : index
      %get3A_1372 = tpu.vector_load %arg11[%get3A_1370, %get3A_1371] {strides = array<i32>} : memref<2x400xi32, #tpu.memory_space<vmem>>, vector<16xi32>,
      %gather3A_1373 = tpu.vector_load_idx %arg8[%get3A_1368] : memref<10000xf32, #tpu.memory_space<vmem>>[vector<16xi32>], vector<16xf32>,
      %gather3A_1374 = tpu.vector_load_idx %arg9[%get3A_1372] : memref<10000xf32, #tpu.memory_space<vmem>>[vector<16xi32>], vector<16xf32>,
      %add3A_1375 = arith.addf %gather3A_1373, %gather3A_1374 : vector<16xf32>
      %ge3A_1376 = arith.constant 0.000000e+00 : f32
      %ge3A_1377 = vector.broadcast %ge3A_1376 : f32 to vector<16xf32>
      %ge3A_1378 = arith.cmpf oge, %add3A_1375, %ge3A_1377 : vector<16xf32>
      %mul3A_1379 = arith.constant 2.000000e-01 : f32
      %mul3A_1380 = vector.broadcast %mul3A_1379 : f32 to vector<16xf32>
      %mul3A_1381 = arith.mulf %add3A_1375, %mul3A_1380 : vector<16xf32>
      %select_n3A_1382 = arith.select %ge3A_1378, %add3A_1375, %mul3A_1381 : vector<16xi1>, vector<16xf32>
      %exp3A_1383 = math.exp %select_n3A_1382 : vector<16xf32>
      %swap3A_1384 = arith.constant 1 : i32
      %swap3A_1385 = arith.index_cast %swap3A_1384 : i32 to index
      %swap3A_1386 = arith.constant 336 : index
      %swap3A_1387 = tpu.vector_load %arg12[%swap3A_1385, %swap3A_1386] {strides = array<i32>} : memref<2x400xf32, #tpu.memory_space<vmem>>, vector<16xf32>,
      tpu.vector_store %arg12[%swap3A_1385, %swap3A_1386], %exp3A_1383 {strides = array<i32>} : memref<2x400xf32, #tpu.memory_space<vmem>>, vector<16xf32>,
      %get3A_1388 = arith.constant 1 : i32
      %get3A_1389 = arith.index_cast %get3A_1388 : i32 to index
      %get3A_1390 = arith.constant 352 : index
      %get3A_1391 = tpu.vector_load %arg10[%get3A_1389, %get3A_1390] {strides = array<i32>} : memref<2x400xi32, #tpu.memory_space<vmem>>, vector<16xi32>,
      %get3A_1392 = arith.constant 1 : i32
      %get3A_1393 = arith.index_cast %get3A_1392 : i32 to index
      %get3A_1394 = arith.constant 352 : index
      %get3A_1395 = tpu.vector_load %arg11[%get3A_1393, %get3A_1394] {strides = array<i32>} : memref<2x400xi32, #tpu.memory_space<vmem>>, vector<16xi32>,
      %gather3A_1396 = tpu.vector_load_idx %arg8[%get3A_1391] : memref<10000xf32, #tpu.memory_space<vmem>>[vector<16xi32>], vector<16xf32>,
      %gather3A_1397 = tpu.vector_load_idx %arg9[%get3A_1395] : memref<10000xf32, #tpu.memory_space<vmem>>[vector<16xi32>], vector<16xf32>,
      %add3A_1398 = arith.addf %gather3A_1396, %gather3A_1397 : vector<16xf32>
      %ge3A_1399 = arith.constant 0.000000e+00 : f32
      %ge3A_1400 = vector.broadcast %ge3A_1399 : f32 to vector<16xf32>
      %ge3A_1401 = arith.cmpf oge, %add3A_1398, %ge3A_1400 : vector<16xf32>
      %mul3A_1402 = arith.constant 2.000000e-01 : f32
      %mul3A_1403 = vector.broadcast %mul3A_1402 : f32 to vector<16xf32>
      %mul3A_1404 = arith.mulf %add3A_1398, %mul3A_1403 : vector<16xf32>
      %select_n3A_1405 = arith.select %ge3A_1401, %add3A_1398, %mul3A_1404 : vector<16xi1>, vector<16xf32>
      %exp3A_1406 = math.exp %select_n3A_1405 : vector<16xf32>
      %swap3A_1407 = arith.constant 1 : i32
      %swap3A_1408 = arith.index_cast %swap3A_1407 : i32 to index
      %swap3A_1409 = arith.constant 352 : index
      %swap3A_1410 = tpu.vector_load %arg12[%swap3A_1408, %swap3A_1409] {strides = array<i32>} : memref<2x400xf32, #tpu.memory_space<vmem>>, vector<16xf32>,
      tpu.vector_store %arg12[%swap3A_1408, %swap3A_1409], %exp3A_1406 {strides = array<i32>} : memref<2x400xf32, #tpu.memory_space<vmem>>, vector<16xf32>,
      %get3A_1411 = arith.constant 1 : i32
      %get3A_1412 = arith.index_cast %get3A_1411 : i32 to index
      %get3A_1413 = arith.constant 368 : index
      %get3A_1414 = tpu.vector_load %arg10[%get3A_1412, %get3A_1413] {strides = array<i32>} : memref<2x400xi32, #tpu.memory_space<vmem>>, vector<16xi32>,
      %get3A_1415 = arith.constant 1 : i32
      %get3A_1416 = arith.index_cast %get3A_1415 : i32 to index
      %get3A_1417 = arith.constant 368 : index
      %get3A_1418 = tpu.vector_load %arg11[%get3A_1416, %get3A_1417] {strides = array<i32>} : memref<2x400xi32, #tpu.memory_space<vmem>>, vector<16xi32>,
      %gather3A_1419 = tpu.vector_load_idx %arg8[%get3A_1414] : memref<10000xf32, #tpu.memory_space<vmem>>[vector<16xi32>], vector<16xf32>,
      %gather3A_1420 = tpu.vector_load_idx %arg9[%get3A_1418] : memref<10000xf32, #tpu.memory_space<vmem>>[vector<16xi32>], vector<16xf32>,
      %add3A_1421 = arith.addf %gather3A_1419, %gather3A_1420 : vector<16xf32>
      %ge3A_1422 = arith.constant 0.000000e+00 : f32
      %ge3A_1423 = vector.broadcast %ge3A_1422 : f32 to vector<16xf32>
      %ge3A_1424 = arith.cmpf oge, %add3A_1421, %ge3A_1423 : vector<16xf32>
      %mul3A_1425 = arith.constant 2.000000e-01 : f32
      %mul3A_1426 = vector.broadcast %mul3A_1425 : f32 to vector<16xf32>
      %mul3A_1427 = arith.mulf %add3A_1421, %mul3A_1426 : vector<16xf32>
      %select_n3A_1428 = arith.select %ge3A_1424, %add3A_1421, %mul3A_1427 : vector<16xi1>, vector<16xf32>
      %exp3A_1429 = math.exp %select_n3A_1428 : vector<16xf32>
      %swap3A_1430 = arith.constant 1 : i32
      %swap3A_1431 = arith.index_cast %swap3A_1430 : i32 to index
      %swap3A_1432 = arith.constant 368 : index
      %swap3A_1433 = tpu.vector_load %arg12[%swap3A_1431, %swap3A_1432] {strides = array<i32>} : memref<2x400xf32, #tpu.memory_space<vmem>>, vector<16xf32>,
      tpu.vector_store %arg12[%swap3A_1431, %swap3A_1432], %exp3A_1429 {strides = array<i32>} : memref<2x400xf32, #tpu.memory_space<vmem>>, vector<16xf32>,
      %get3A_1434 = arith.constant 1 : i32
      %get3A_1435 = arith.index_cast %get3A_1434 : i32 to index
      %get3A_1436 = arith.constant 384 : index
      %get3A_1437 = tpu.vector_load %arg10[%get3A_1435, %get3A_1436] {strides = array<i32>} : memref<2x400xi32, #tpu.memory_space<vmem>>, vector<16xi32>,
      %get3A_1438 = arith.constant 1 : i32
      %get3A_1439 = arith.index_cast %get3A_1438 : i32 to index
      %get3A_1440 = arith.constant 384 : index
      %get3A_1441 = tpu.vector_load %arg11[%get3A_1439, %get3A_1440] {strides = array<i32>} : memref<2x400xi32, #tpu.memory_space<vmem>>, vector<16xi32>,
      %gather3A_1442 = tpu.vector_load_idx %arg8[%get3A_1437] : memref<10000xf32, #tpu.memory_space<vmem>>[vector<16xi32>], vector<16xf32>,
      %gather3A_1443 = tpu.vector_load_idx %arg9[%get3A_1441] : memref<10000xf32, #tpu.memory_space<vmem>>[vector<16xi32>], vector<16xf32>,
      %add3A_1444 = arith.addf %gather3A_1442, %gather3A_1443 : vector<16xf32>
      %ge3A_1445 = arith.constant 0.000000e+00 : f32
      %ge3A_1446 = vector.broadcast %ge3A_1445 : f32 to vector<16xf32>
      %ge3A_1447 = arith.cmpf oge, %add3A_1444, %ge3A_1446 : vector<16xf32>
      %mul3A_1448 = arith.constant 2.000000e-01 : f32
      %mul3A_1449 = vector.broadcast %mul3A_1448 : f32 to vector<16xf32>
      %mul3A_1450 = arith.mulf %add3A_1444, %mul3A_1449 : vector<16xf32>
      %select_n3A_1451 = arith.select %ge3A_1447, %add3A_1444, %mul3A_1450 : vector<16xi1>, vector<16xf32>
      %exp3A_1452 = math.exp %select_n3A_1451 : vector<16xf32>
      %swap3A_1453 = arith.constant 1 : i32
      %swap3A_1454 = arith.index_cast %swap3A_1453 : i32 to index
      %swap3A_1455 = arith.constant 384 : index
      %swap3A_1456 = tpu.vector_load %arg12[%swap3A_1454, %swap3A_1455] {strides = array<i32>} : memref<2x400xf32, #tpu.memory_space<vmem>>, vector<16xf32>,
      tpu.vector_store %arg12[%swap3A_1454, %swap3A_1455], %exp3A_1452 {strides = array<i32>} : memref<2x400xf32, #tpu.memory_space<vmem>>, vector<16xf32>,
      %dma_wait3A_1457 = arith.constant 1 : i32
      %dma_wait3A_1458 = arith.constant 1 : i32
      %dma_wait3A_1459 = arith.constant 0 : i32
      %dma_wait3A_1460 = arith.constant 0 : i32
      %dma_wait3A_1461 = tpu.memref_slice %arg13[%dma_wait3A_1458, %dma_wait3A_1459, %dma_wait3A_1460] : memref<2x400x64xf32, #tpu.memory_space<vmem>> -> memref<1x400x64xf32, #tpu.memory_space<vmem>>
      %dma_wait3A_1462 = tpu.memref_squeeze %dma_wait3A_1461 : memref<1x400x64xf32, #tpu.memory_space<vmem>> -> memref<400x64xf32, #tpu.memory_space<vmem>>
      %dma_wait3A_1463 = arith.constant 0 : i32
      %dma_wait3A_1464 = tpu.memref_slice %arg10[%dma_wait3A_1457, %dma_wait3A_1463] : memref<2x400xi32, #tpu.memory_space<vmem>> -> memref<1x400xi32, #tpu.memory_space<vmem>>
      %dma_wait3A_1465 = tpu.memref_squeeze %dma_wait3A_1464 : memref<1x400xi32, #tpu.memory_space<vmem>> -> memref<400xi32, #tpu.memory_space<vmem>>
      %dma_wait3A_1466 = arith.constant 0 : i32
      %dma_wait3A_1467 = arith.constant 0 : i32
      %dma_wait3A_1468 = tpu.memref_slice %arg2[%arg0, %dma_wait3A_1466, %dma_wait3A_1467] : memref<2x10000x64xf32, #tpu.memory_space<hbm>> -> memref<1x10000x64xf32, #tpu.memory_space<hbm>>
      %dma_wait3A_1469 = tpu.memref_squeeze %dma_wait3A_1468 : memref<1x10000x64xf32, #tpu.memory_space<hbm>> -> memref<10000x64xf32, #tpu.memory_space<hbm>>
      %dma_wait3A_1470 = arith.constant 0 : i32
      %dma_wait3A_1471 = arith.constant 0 : i32
      %dma_wait3A_1472 = tpu.memref_slice %dma_wait3A_1469[%dma_wait3A_1470, %dma_wait3A_1471] : memref<10000x64xf32, #tpu.memory_space<hbm>> -> memref<10000x64xf32, #tpu.memory_space<hbm>>
      tpu.wait_indirect_dma semaphore(%arg15 : memref<!tpu.dma_semaphore, #tpu.memory_space<semaphore_mem>>) src(%dma_wait3A_1472 : memref<10000x64xf32, #tpu.memory_space<hbm>>) dst(%dma_wait3A_1462 : memref<400x64xf32, #tpu.memory_space<vmem>>)
      %scan3A_1473 = arith.constant 0 : i32
      %scan3A_1474 = arith.constant 100 : i32
      %scan3A_1475 = arith.addi %scan3A_1473, %scan3A_1474 : i32
      %scan3A_1476 = arith.constant 1 : i32
      scf.for %scan3A_1482 = %scan3A_1473 to %scan3A_1475 step %scan3A_1476  : i32 {
        %mul3A_1483 = arith.constant 4 : i32
        %mul3A_1484 = arith.muli %scan3A_1482, %mul3A_1483 : i32
        %add3A_1485 = arith.constant 0 : i32
        %add3A_1486 = arith.addi %mul3A_1484, %add3A_1485 : i32
        %broadcast_in_dim3A_1487 = vector.broadcast %add3A_1486 : i32 to vector<16xi32>
        %gather3A_1488 = arith.constant 1 : i32
        %gather3A_1489 = arith.constant 0 : i32
        %gather3A_1490 = tpu.memref_slice %arg12[%gather3A_1488, %gather3A_1489] : memref<2x400xf32, #tpu.memory_space<vmem>> -> memref<1x400xf32, #tpu.memory_space<vmem>>
        %gather3A_1491 = tpu.memref_squeeze %gather3A_1490 : memref<1x400xf32, #tpu.memory_space<vmem>> -> memref<400xf32, #tpu.memory_space<vmem>>
        %gather3A_1492 = tpu.vector_load_idx %gather3A_1491[%broadcast_in_dim3A_1487] : memref<400xf32, #tpu.memory_space<vmem>>[vector<16xi32>], vector<16xf32>,
        %get3A_1493 = arith.constant 1 : i32
        %get3A_1494 = arith.index_cast %get3A_1493 : i32 to index
        %get3A_1495 = arith.index_cast %add3A_1486 : i32 to index
        %get3A_1496 = arith.constant 0 : index
        %get3A_1497 = tpu.vector_load %arg13[%get3A_1494, %get3A_1495, %get3A_1496] {strides = array<i32>} : memref<2x400x64xf32, #tpu.memory_space<vmem>>, vector<16xf32>,
        %mul3A_1498 = arith.mulf %get3A_1497, %gather3A_1492 : vector<16xf32>
        %swap3A_1499 = arith.constant 1 : i32
        %swap3A_1500 = arith.index_cast %swap3A_1499 : i32 to index
        %swap3A_1501 = arith.index_cast %add3A_1486 : i32 to index
        %swap3A_1502 = arith.constant 0 : index
        %swap3A_1503 = tpu.vector_load %arg13[%swap3A_1500, %swap3A_1501, %swap3A_1502] {strides = array<i32>} : memref<2x400x64xf32, #tpu.memory_space<vmem>>, vector<16xf32>,
        tpu.vector_store %arg13[%swap3A_1500, %swap3A_1501, %swap3A_1502], %mul3A_1498 {strides = array<i32>} : memref<2x400x64xf32, #tpu.memory_space<vmem>>, vector<16xf32>,
        %get3A_1504 = arith.constant 1 : i32
        %get3A_1505 = arith.index_cast %get3A_1504 : i32 to index
        %get3A_1506 = arith.index_cast %add3A_1486 : i32 to index
        %get3A_1507 = arith.constant 16 : index
        %get3A_1508 = tpu.vector_load %arg13[%get3A_1505, %get3A_1506, %get3A_1507] {strides = array<i32>} : memref<2x400x64xf32, #tpu.memory_space<vmem>>, vector<16xf32>,
        %mul3A_1509 = arith.mulf %get3A_1508, %gather3A_1492 : vector<16xf32>
        %swap3A_1510 = arith.constant 1 : i32
        %swap3A_1511 = arith.index_cast %swap3A_1510 : i32 to index
        %swap3A_1512 = arith.index_cast %add3A_1486 : i32 to index
        %swap3A_1513 = arith.constant 16 : index
        %swap3A_1514 = tpu.vector_load %arg13[%swap3A_1511, %swap3A_1512, %swap3A_1513] {strides = array<i32>} : memref<2x400x64xf32, #tpu.memory_space<vmem>>, vector<16xf32>,
        tpu.vector_store %arg13[%swap3A_1511, %swap3A_1512, %swap3A_1513], %mul3A_1509 {strides = array<i32>} : memref<2x400x64xf32, #tpu.memory_space<vmem>>, vector<16xf32>,
        %get3A_1515 = arith.constant 1 : i32
        %get3A_1516 = arith.index_cast %get3A_1515 : i32 to index
        %get3A_1517 = arith.index_cast %add3A_1486 : i32 to index
        %get3A_1518 = arith.constant 32 : index
        %get3A_1519 = tpu.vector_load %arg13[%get3A_1516, %get3A_1517, %get3A_1518] {strides = array<i32>} : memref<2x400x64xf32, #tpu.memory_space<vmem>>, vector<16xf32>,
        %mul3A_1520 = arith.mulf %get3A_1519, %gather3A_1492 : vector<16xf32>
        %swap3A_1521 = arith.constant 1 : i32
        %swap3A_1522 = arith.index_cast %swap3A_1521 : i32 to index
        %swap3A_1523 = arith.index_cast %add3A_1486 : i32 to index
        %swap3A_1524 = arith.constant 32 : index
        %swap3A_1525 = tpu.vector_load %arg13[%swap3A_1522, %swap3A_1523, %swap3A_1524] {strides = array<i32>} : memref<2x400x64xf32, #tpu.memory_space<vmem>>, vector<16xf32>,
        tpu.vector_store %arg13[%swap3A_1522, %swap3A_1523, %swap3A_1524], %mul3A_1520 {strides = array<i32>} : memref<2x400x64xf32, #tpu.memory_space<vmem>>, vector<16xf32>,
        %get3A_1526 = arith.constant 1 : i32
        %get3A_1527 = arith.index_cast %get3A_1526 : i32 to index
        %get3A_1528 = arith.index_cast %add3A_1486 : i32 to index
        %get3A_1529 = arith.constant 48 : index
        %get3A_1530 = tpu.vector_load %arg13[%get3A_1527, %get3A_1528, %get3A_1529] {strides = array<i32>} : memref<2x400x64xf32, #tpu.memory_space<vmem>>, vector<16xf32>,
        %mul3A_1531 = arith.mulf %get3A_1530, %gather3A_1492 : vector<16xf32>
        %swap3A_1532 = arith.constant 1 : i32
        %swap3A_1533 = arith.index_cast %swap3A_1532 : i32 to index
        %swap3A_1534 = arith.index_cast %add3A_1486 : i32 to index
        %swap3A_1535 = arith.constant 48 : index
        %swap3A_1536 = tpu.vector_load %arg13[%swap3A_1533, %swap3A_1534, %swap3A_1535] {strides = array<i32>} : memref<2x400x64xf32, #tpu.memory_space<vmem>>, vector<16xf32>,
        tpu.vector_store %arg13[%swap3A_1533, %swap3A_1534, %swap3A_1535], %mul3A_1531 {strides = array<i32>} : memref<2x400x64xf32, #tpu.memory_space<vmem>>, vector<16xf32>,
        %add3A_1537 = arith.constant 1 : i32
        %add3A_1538 = arith.addi %mul3A_1484, %add3A_1537 : i32
        %broadcast_in_dim3A_1539 = vector.broadcast %add3A_1538 : i32 to vector<16xi32>
        %gather3A_1540 = arith.constant 1 : i32
        %gather3A_1541 = arith.constant 0 : i32
        %gather3A_1542 = tpu.memref_slice %arg12[%gather3A_1540, %gather3A_1541] : memref<2x400xf32, #tpu.memory_space<vmem>> -> memref<1x400xf32, #tpu.memory_space<vmem>>
        %gather3A_1543 = tpu.memref_squeeze %gather3A_1542 : memref<1x400xf32, #tpu.memory_space<vmem>> -> memref<400xf32, #tpu.memory_space<vmem>>
        %gather3A_1544 = tpu.vector_load_idx %gather3A_1543[%broadcast_in_dim3A_1539] : memref<400xf32, #tpu.memory_space<vmem>>[vector<16xi32>], vector<16xf32>,
        %get3A_1545 = arith.constant 1 : i32
        %get3A_1546 = arith.index_cast %get3A_1545 : i32 to index
        %get3A_1547 = arith.index_cast %add3A_1538 : i32 to index
        %get3A_1548 = arith.constant 0 : index
        %get3A_1549 = tpu.vector_load %arg13[%get3A_1546, %get3A_1547, %get3A_1548] {strides = array<i32>} : memref<2x400x64xf32, #tpu.memory_space<vmem>>, vector<16xf32>,
        %mul3A_1550 = arith.mulf %get3A_1549, %gather3A_1544 : vector<16xf32>
        %swap3A_1551 = arith.constant 1 : i32
        %swap3A_1552 = arith.index_cast %swap3A_1551 : i32 to index
        %swap3A_1553 = arith.index_cast %add3A_1538 : i32 to index
        %swap3A_1554 = arith.constant 0 : index
        %swap3A_1555 = tpu.vector_load %arg13[%swap3A_1552, %swap3A_1553, %swap3A_1554] {strides = array<i32>} : memref<2x400x64xf32, #tpu.memory_space<vmem>>, vector<16xf32>,
        tpu.vector_store %arg13[%swap3A_1552, %swap3A_1553, %swap3A_1554], %mul3A_1550 {strides = array<i32>} : memref<2x400x64xf32, #tpu.memory_space<vmem>>, vector<16xf32>,
        %get3A_1556 = arith.constant 1 : i32
        %get3A_1557 = arith.index_cast %get3A_1556 : i32 to index
        %get3A_1558 = arith.index_cast %add3A_1538 : i32 to index
        %get3A_1559 = arith.constant 16 : index
        %get3A_1560 = tpu.vector_load %arg13[%get3A_1557, %get3A_1558, %get3A_1559] {strides = array<i32>} : memref<2x400x64xf32, #tpu.memory_space<vmem>>, vector<16xf32>,
        %mul3A_1561 = arith.mulf %get3A_1560, %gather3A_1544 : vector<16xf32>
        %swap3A_1562 = arith.constant 1 : i32
        %swap3A_1563 = arith.index_cast %swap3A_1562 : i32 to index
        %swap3A_1564 = arith.index_cast %add3A_1538 : i32 to index
        %swap3A_1565 = arith.constant 16 : index
        %swap3A_1566 = tpu.vector_load %arg13[%swap3A_1563, %swap3A_1564, %swap3A_1565] {strides = array<i32>} : memref<2x400x64xf32, #tpu.memory_space<vmem>>, vector<16xf32>,
        tpu.vector_store %arg13[%swap3A_1563, %swap3A_1564, %swap3A_1565], %mul3A_1561 {strides = array<i32>} : memref<2x400x64xf32, #tpu.memory_space<vmem>>, vector<16xf32>,
        %get3A_1567 = arith.constant 1 : i32
        %get3A_1568 = arith.index_cast %get3A_1567 : i32 to index
        %get3A_1569 = arith.index_cast %add3A_1538 : i32 to index
        %get3A_1570 = arith.constant 32 : index
        %get3A_1571 = tpu.vector_load %arg13[%get3A_1568, %get3A_1569, %get3A_1570] {strides = array<i32>} : memref<2x400x64xf32, #tpu.memory_space<vmem>>, vector<16xf32>,
        %mul3A_1572 = arith.mulf %get3A_1571, %gather3A_1544 : vector<16xf32>
        %swap3A_1573 = arith.constant 1 : i32
        %swap3A_1574 = arith.index_cast %swap3A_1573 : i32 to index
        %swap3A_1575 = arith.index_cast %add3A_1538 : i32 to index
        %swap3A_1576 = arith.constant 32 : index
        %swap3A_1577 = tpu.vector_load %arg13[%swap3A_1574, %swap3A_1575, %swap3A_1576] {strides = array<i32>} : memref<2x400x64xf32, #tpu.memory_space<vmem>>, vector<16xf32>,
        tpu.vector_store %arg13[%swap3A_1574, %swap3A_1575, %swap3A_1576], %mul3A_1572 {strides = array<i32>} : memref<2x400x64xf32, #tpu.memory_space<vmem>>, vector<16xf32>,
        %get3A_1578 = arith.constant 1 : i32
        %get3A_1579 = arith.index_cast %get3A_1578 : i32 to index
        %get3A_1580 = arith.index_cast %add3A_1538 : i32 to index
        %get3A_1581 = arith.constant 48 : index
        %get3A_1582 = tpu.vector_load %arg13[%get3A_1579, %get3A_1580, %get3A_1581] {strides = array<i32>} : memref<2x400x64xf32, #tpu.memory_space<vmem>>, vector<16xf32>,
        %mul3A_1583 = arith.mulf %get3A_1582, %gather3A_1544 : vector<16xf32>
        %swap3A_1584 = arith.constant 1 : i32
        %swap3A_1585 = arith.index_cast %swap3A_1584 : i32 to index
        %swap3A_1586 = arith.index_cast %add3A_1538 : i32 to index
        %swap3A_1587 = arith.constant 48 : index
        %swap3A_1588 = tpu.vector_load %arg13[%swap3A_1585, %swap3A_1586, %swap3A_1587] {strides = array<i32>} : memref<2x400x64xf32, #tpu.memory_space<vmem>>, vector<16xf32>,
        tpu.vector_store %arg13[%swap3A_1585, %swap3A_1586, %swap3A_1587], %mul3A_1583 {strides = array<i32>} : memref<2x400x64xf32, #tpu.memory_space<vmem>>, vector<16xf32>,
        %add3A_1589 = arith.constant 2 : i32
        %add3A_1590 = arith.addi %mul3A_1484, %add3A_1589 : i32
        %broadcast_in_dim3A_1591 = vector.broadcast %add3A_1590 : i32 to vector<16xi32>
        %gather3A_1592 = arith.constant 1 : i32
        %gather3A_1593 = arith.constant 0 : i32
        %gather3A_1594 = tpu.memref_slice %arg12[%gather3A_1592, %gather3A_1593] : memref<2x400xf32, #tpu.memory_space<vmem>> -> memref<1x400xf32, #tpu.memory_space<vmem>>
        %gather3A_1595 = tpu.memref_squeeze %gather3A_1594 : memref<1x400xf32, #tpu.memory_space<vmem>> -> memref<400xf32, #tpu.memory_space<vmem>>
        %gather3A_1596 = tpu.vector_load_idx %gather3A_1595[%broadcast_in_dim3A_1591] : memref<400xf32, #tpu.memory_space<vmem>>[vector<16xi32>], vector<16xf32>,
        %get3A_1597 = arith.constant 1 : i32
        %get3A_1598 = arith.index_cast %get3A_1597 : i32 to index
        %get3A_1599 = arith.index_cast %add3A_1590 : i32 to index
        %get3A_1600 = arith.constant 0 : index
        %get3A_1601 = tpu.vector_load %arg13[%get3A_1598, %get3A_1599, %get3A_1600] {strides = array<i32>} : memref<2x400x64xf32, #tpu.memory_space<vmem>>, vector<16xf32>,
        %mul3A_1602 = arith.mulf %get3A_1601, %gather3A_1596 : vector<16xf32>
        %swap3A_1603 = arith.constant 1 : i32
        %swap3A_1604 = arith.index_cast %swap3A_1603 : i32 to index
        %swap3A_1605 = arith.index_cast %add3A_1590 : i32 to index
        %swap3A_1606 = arith.constant 0 : index
        %swap3A_1607 = tpu.vector_load %arg13[%swap3A_1604, %swap3A_1605, %swap3A_1606] {strides = array<i32>} : memref<2x400x64xf32, #tpu.memory_space<vmem>>, vector<16xf32>,
        tpu.vector_store %arg13[%swap3A_1604, %swap3A_1605, %swap3A_1606], %mul3A_1602 {strides = array<i32>} : memref<2x400x64xf32, #tpu.memory_space<vmem>>, vector<16xf32>,
        %get3A_1608 = arith.constant 1 : i32
        %get3A_1609 = arith.index_cast %get3A_1608 : i32 to index
        %get3A_1610 = arith.index_cast %add3A_1590 : i32 to index
        %get3A_1611 = arith.constant 16 : index
        %get3A_1612 = tpu.vector_load %arg13[%get3A_1609, %get3A_1610, %get3A_1611] {strides = array<i32>} : memref<2x400x64xf32, #tpu.memory_space<vmem>>, vector<16xf32>,
        %mul3A_1613 = arith.mulf %get3A_1612, %gather3A_1596 : vector<16xf32>
        %swap3A_1614 = arith.constant 1 : i32
        %swap3A_1615 = arith.index_cast %swap3A_1614 : i32 to index
        %swap3A_1616 = arith.index_cast %add3A_1590 : i32 to index
        %swap3A_1617 = arith.constant 16 : index
        %swap3A_1618 = tpu.vector_load %arg13[%swap3A_1615, %swap3A_1616, %swap3A_1617] {strides = array<i32>} : memref<2x400x64xf32, #tpu.memory_space<vmem>>, vector<16xf32>,
        tpu.vector_store %arg13[%swap3A_1615, %swap3A_1616, %swap3A_1617], %mul3A_1613 {strides = array<i32>} : memref<2x400x64xf32, #tpu.memory_space<vmem>>, vector<16xf32>,
        %get3A_1619 = arith.constant 1 : i32
        %get3A_1620 = arith.index_cast %get3A_1619 : i32 to index
        %get3A_1621 = arith.index_cast %add3A_1590 : i32 to index
        %get3A_1622 = arith.constant 32 : index
        %get3A_1623 = tpu.vector_load %arg13[%get3A_1620, %get3A_1621, %get3A_1622] {strides = array<i32>} : memref<2x400x64xf32, #tpu.memory_space<vmem>>, vector<16xf32>,
        %mul3A_1624 = arith.mulf %get3A_1623, %gather3A_1596 : vector<16xf32>
        %swap3A_1625 = arith.constant 1 : i32
        %swap3A_1626 = arith.index_cast %swap3A_1625 : i32 to index
        %swap3A_1627 = arith.index_cast %add3A_1590 : i32 to index
        %swap3A_1628 = arith.constant 32 : index
        %swap3A_1629 = tpu.vector_load %arg13[%swap3A_1626, %swap3A_1627, %swap3A_1628] {strides = array<i32>} : memref<2x400x64xf32, #tpu.memory_space<vmem>>, vector<16xf32>,
        tpu.vector_store %arg13[%swap3A_1626, %swap3A_1627, %swap3A_1628], %mul3A_1624 {strides = array<i32>} : memref<2x400x64xf32, #tpu.memory_space<vmem>>, vector<16xf32>,
        %get3A_1630 = arith.constant 1 : i32
        %get3A_1631 = arith.index_cast %get3A_1630 : i32 to index
        %get3A_1632 = arith.index_cast %add3A_1590 : i32 to index
        %get3A_1633 = arith.constant 48 : index
        %get3A_1634 = tpu.vector_load %arg13[%get3A_1631, %get3A_1632, %get3A_1633] {strides = array<i32>} : memref<2x400x64xf32, #tpu.memory_space<vmem>>, vector<16xf32>,
        %mul3A_1635 = arith.mulf %get3A_1634, %gather3A_1596 : vector<16xf32>
        %swap3A_1636 = arith.constant 1 : i32
        %swap3A_1637 = arith.index_cast %swap3A_1636 : i32 to index
        %swap3A_1638 = arith.index_cast %add3A_1590 : i32 to index
        %swap3A_1639 = arith.constant 48 : index
        %swap3A_1640 = tpu.vector_load %arg13[%swap3A_1637, %swap3A_1638, %swap3A_1639] {strides = array<i32>} : memref<2x400x64xf32, #tpu.memory_space<vmem>>, vector<16xf32>,
        tpu.vector_store %arg13[%swap3A_1637, %swap3A_1638, %swap3A_1639], %mul3A_1635 {strides = array<i32>} : memref<2x400x64xf32, #tpu.memory_space<vmem>>, vector<16xf32>,
        %add3A_1641 = arith.constant 3 : i32
        %add3A_1642 = arith.addi %mul3A_1484, %add3A_1641 : i32
        %broadcast_in_dim3A_1643 = vector.broadcast %add3A_1642 : i32 to vector<16xi32>
        %gather3A_1644 = arith.constant 1 : i32
        %gather3A_1645 = arith.constant 0 : i32
        %gather3A_1646 = tpu.memref_slice %arg12[%gather3A_1644, %gather3A_1645] : memref<2x400xf32, #tpu.memory_space<vmem>> -> memref<1x400xf32, #tpu.memory_space<vmem>>
        %gather3A_1647 = tpu.memref_squeeze %gather3A_1646 : memref<1x400xf32, #tpu.memory_space<vmem>> -> memref<400xf32, #tpu.memory_space<vmem>>
        %gather3A_1648 = tpu.vector_load_idx %gather3A_1647[%broadcast_in_dim3A_1643] : memref<400xf32, #tpu.memory_space<vmem>>[vector<16xi32>], vector<16xf32>,
        %get3A_1649 = arith.constant 1 : i32
        %get3A_1650 = arith.index_cast %get3A_1649 : i32 to index
        %get3A_1651 = arith.index_cast %add3A_1642 : i32 to index
        %get3A_1652 = arith.constant 0 : index
        %get3A_1653 = tpu.vector_load %arg13[%get3A_1650, %get3A_1651, %get3A_1652] {strides = array<i32>} : memref<2x400x64xf32, #tpu.memory_space<vmem>>, vector<16xf32>,
        %mul3A_1654 = arith.mulf %get3A_1653, %gather3A_1648 : vector<16xf32>
        %swap3A_1655 = arith.constant 1 : i32
        %swap3A_1656 = arith.index_cast %swap3A_1655 : i32 to index
        %swap3A_1657 = arith.index_cast %add3A_1642 : i32 to index
        %swap3A_1658 = arith.constant 0 : index
        %swap3A_1659 = tpu.vector_load %arg13[%swap3A_1656, %swap3A_1657, %swap3A_1658] {strides = array<i32>} : memref<2x400x64xf32, #tpu.memory_space<vmem>>, vector<16xf32>,
        tpu.vector_store %arg13[%swap3A_1656, %swap3A_1657, %swap3A_1658], %mul3A_1654 {strides = array<i32>} : memref<2x400x64xf32, #tpu.memory_space<vmem>>, vector<16xf32>,
        %get3A_1660 = arith.constant 1 : i32
        %get3A_1661 = arith.index_cast %get3A_1660 : i32 to index
        %get3A_1662 = arith.index_cast %add3A_1642 : i32 to index
        %get3A_1663 = arith.constant 16 : index
        %get3A_1664 = tpu.vector_load %arg13[%get3A_1661, %get3A_1662, %get3A_1663] {strides = array<i32>} : memref<2x400x64xf32, #tpu.memory_space<vmem>>, vector<16xf32>,
        %mul3A_1665 = arith.mulf %get3A_1664, %gather3A_1648 : vector<16xf32>
        %swap3A_1666 = arith.constant 1 : i32
        %swap3A_1667 = arith.index_cast %swap3A_1666 : i32 to index
        %swap3A_1668 = arith.index_cast %add3A_1642 : i32 to index
        %swap3A_1669 = arith.constant 16 : index
        %swap3A_1670 = tpu.vector_load %arg13[%swap3A_1667, %swap3A_1668, %swap3A_1669] {strides = array<i32>} : memref<2x400x64xf32, #tpu.memory_space<vmem>>, vector<16xf32>,
        tpu.vector_store %arg13[%swap3A_1667, %swap3A_1668, %swap3A_1669], %mul3A_1665 {strides = array<i32>} : memref<2x400x64xf32, #tpu.memory_space<vmem>>, vector<16xf32>,
        %get3A_1671 = arith.constant 1 : i32
        %get3A_1672 = arith.index_cast %get3A_1671 : i32 to index
        %get3A_1673 = arith.index_cast %add3A_1642 : i32 to index
        %get3A_1674 = arith.constant 32 : index
        %get3A_1675 = tpu.vector_load %arg13[%get3A_1672, %get3A_1673, %get3A_1674] {strides = array<i32>} : memref<2x400x64xf32, #tpu.memory_space<vmem>>, vector<16xf32>,
        %mul3A_1676 = arith.mulf %get3A_1675, %gather3A_1648 : vector<16xf32>
        %swap3A_1677 = arith.constant 1 : i32
        %swap3A_1678 = arith.index_cast %swap3A_1677 : i32 to index
        %swap3A_1679 = arith.index_cast %add3A_1642 : i32 to index
        %swap3A_1680 = arith.constant 32 : index
        %swap3A_1681 = tpu.vector_load %arg13[%swap3A_1678, %swap3A_1679, %swap3A_1680] {strides = array<i32>} : memref<2x400x64xf32, #tpu.memory_space<vmem>>, vector<16xf32>,
        tpu.vector_store %arg13[%swap3A_1678, %swap3A_1679, %swap3A_1680], %mul3A_1676 {strides = array<i32>} : memref<2x400x64xf32, #tpu.memory_space<vmem>>, vector<16xf32>,
        %get3A_1682 = arith.constant 1 : i32
        %get3A_1683 = arith.index_cast %get3A_1682 : i32 to index
        %get3A_1684 = arith.index_cast %add3A_1642 : i32 to index
        %get3A_1685 = arith.constant 48 : index
        %get3A_1686 = tpu.vector_load %arg13[%get3A_1683, %get3A_1684, %get3A_1685] {strides = array<i32>} : memref<2x400x64xf32, #tpu.memory_space<vmem>>, vector<16xf32>,
        %mul3A_1687 = arith.mulf %get3A_1686, %gather3A_1648 : vector<16xf32>
        %swap3A_1688 = arith.constant 1 : i32
        %swap3A_1689 = arith.index_cast %swap3A_1688 : i32 to index
        %swap3A_1690 = arith.index_cast %add3A_1642 : i32 to index
        %swap3A_1691 = arith.constant 48 : index
        %swap3A_1692 = tpu.vector_load %arg13[%swap3A_1689, %swap3A_1690, %swap3A_1691] {strides = array<i32>} : memref<2x400x64xf32, #tpu.memory_space<vmem>>, vector<16xf32>,
        tpu.vector_store %arg13[%swap3A_1689, %swap3A_1690, %swap3A_1691], %mul3A_1687 {strides = array<i32>} : memref<2x400x64xf32, #tpu.memory_space<vmem>>, vector<16xf32>,
      }
      %scan3A_1477 = arith.constant 100 : i32
      %run_scoped3A_1478 = arith.constant 1 : i32
      %run_scoped3A_1479 = arith.constant 1 : i32
      "tpu.region"() ({
        %run_scoped3A_1482 = tpu.sem_alloc : memref<!tpu.dma_semaphore, #tpu.memory_space<semaphore_mem>>
        %dma_start3A_1483 = arith.constant 0 : i32
        %dma_start3A_1484 = arith.constant 0 : i32
        %dma_start3A_1485 = tpu.memref_slice %arg13[%run_scoped3A_1478, %dma_start3A_1483, %dma_start3A_1484] : memref<2x400x64xf32, #tpu.memory_space<vmem>> -> memref<1x400x64xf32, #tpu.memory_space<vmem>>
        %dma_start3A_1486 = tpu.memref_squeeze %dma_start3A_1485 : memref<1x400x64xf32, #tpu.memory_space<vmem>> -> memref<400x64xf32, #tpu.memory_space<vmem>>
        %dma_start3A_1487 = arith.constant 0 : i32
        %dma_start3A_1488 = tpu.memref_slice %arg11[%run_scoped3A_1479, %dma_start3A_1487] : memref<2x400xi32, #tpu.memory_space<vmem>> -> memref<1x400xi32, #tpu.memory_space<vmem>>
        %dma_start3A_1489 = tpu.memref_squeeze %dma_start3A_1488 : memref<1x400xi32, #tpu.memory_space<vmem>> -> memref<400xi32, #tpu.memory_space<vmem>>
        %dma_start3A_1490 = arith.constant 0 : i32
        %dma_start3A_1491 = arith.constant 0 : i32
        %dma_start3A_1492 = tpu.memref_slice %arg16[%dma_start3A_1490, %dma_start3A_1491] : memref<10000x64xf32, #tpu.memory_space<vmem_shared>> -> memref<10000x64xf32, #tpu.memory_space<vmem_shared>>
        tpu.enqueue_indirect_dma source(%dma_start3A_1486 : memref<400x64xf32, #tpu.memory_space<vmem>>) target(%dma_start3A_1492 : memref<10000x64xf32, #tpu.memory_space<vmem_shared>>) offsets(%dma_start3A_1489 : memref<400xi32, #tpu.memory_space<vmem>>) semaphore(%run_scoped3A_1482 : memref<!tpu.dma_semaphore, #tpu.memory_space<semaphore_mem>>) {add = true}
        %dma_wait3A_1493 = arith.constant 0 : i32
        %dma_wait3A_1494 = arith.constant 0 : i32
        %dma_wait3A_1495 = tpu.memref_slice %arg13[%run_scoped3A_1478, %dma_wait3A_1493, %dma_wait3A_1494] : memref<2x400x64xf32, #tpu.memory_space<vmem>> -> memref<1x400x64xf32, #tpu.memory_space<vmem>>
        %dma_wait3A_1496 = tpu.memref_squeeze %dma_wait3A_1495 : memref<1x400x64xf32, #tpu.memory_space<vmem>> -> memref<400x64xf32, #tpu.memory_space<vmem>>
        %dma_wait3A_1497 = arith.constant 0 : i32
        %dma_wait3A_1498 = tpu.memref_slice %arg11[%run_scoped3A_1479, %dma_wait3A_1497] : memref<2x400xi32, #tpu.memory_space<vmem>> -> memref<1x400xi32, #tpu.memory_space<vmem>>
        %dma_wait3A_1499 = tpu.memref_squeeze %dma_wait3A_1498 : memref<1x400xi32, #tpu.memory_space<vmem>> -> memref<400xi32, #tpu.memory_space<vmem>>
        %dma_wait3A_1500 = arith.constant 0 : i32
        %dma_wait3A_1501 = arith.constant 0 : i32
        %dma_wait3A_1502 = tpu.memref_slice %arg16[%dma_wait3A_1500, %dma_wait3A_1501] : memref<10000x64xf32, #tpu.memory_space<vmem_shared>> -> memref<10000x64xf32, #tpu.memory_space<vmem_shared>>
        tpu.wait_indirect_dma semaphore(%run_scoped3A_1482 : memref<!tpu.dma_semaphore, #tpu.memory_space<semaphore_mem>>) src(%dma_wait3A_1496 : memref<400x64xf32, #tpu.memory_space<vmem>>) dst(%dma_wait3A_1502 : memref<10000x64xf32, #tpu.memory_space<vmem_shared>>)
        tpu.yield
      }) : () -> ()
      %run_scoped3A_1480 = arith.constant 1 : i32
      %run_scoped3A_1481 = arith.constant 1 : i32
      "tpu.region"() ({
        %run_scoped3A_1482 = tpu.sem_alloc : memref<!tpu.dma_semaphore, #tpu.memory_space<semaphore_mem>>
        %dma_start3A_1483 = arith.constant 0 : i32
        %dma_start3A_1484 = tpu.memref_slice %arg12[%run_scoped3A_1480, %dma_start3A_1483] : memref<2x400xf32, #tpu.memory_space<vmem>> -> memref<1x400xf32, #tpu.memory_space<vmem>>
        %dma_start3A_1485 = tpu.memref_squeeze %dma_start3A_1484 : memref<1x400xf32, #tpu.memory_space<vmem>> -> memref<400xf32, #tpu.memory_space<vmem>>
        %dma_start3A_1486 = arith.constant 0 : i32
        %dma_start3A_1487 = tpu.memref_slice %arg11[%run_scoped3A_1481, %dma_start3A_1486] : memref<2x400xi32, #tpu.memory_space<vmem>> -> memref<1x400xi32, #tpu.memory_space<vmem>>
        %dma_start3A_1488 = tpu.memref_squeeze %dma_start3A_1487 : memref<1x400xi32, #tpu.memory_space<vmem>> -> memref<400xi32, #tpu.memory_space<vmem>>
        %dma_start3A_1489 = arith.constant 0 : i32
        %dma_start3A_1490 = tpu.memref_slice %arg17[%dma_start3A_1489] : memref<10240xf32, #tpu.memory_space<vmem_shared>> -> memref<10240xf32, #tpu.memory_space<vmem_shared>>
        tpu.enqueue_indirect_dma source(%dma_start3A_1485 : memref<400xf32, #tpu.memory_space<vmem>>) target(%dma_start3A_1490 : memref<10240xf32, #tpu.memory_space<vmem_shared>>) offsets(%dma_start3A_1488 : memref<400xi32, #tpu.memory_space<vmem>>) semaphore(%run_scoped3A_1482 : memref<!tpu.dma_semaphore, #tpu.memory_space<semaphore_mem>>) {add = true}
        %dma_wait3A_1491 = arith.constant 0 : i32
        %dma_wait3A_1492 = tpu.memref_slice %arg12[%run_scoped3A_1480, %dma_wait3A_1491] : memref<2x400xf32, #tpu.memory_space<vmem>> -> memref<1x400xf32, #tpu.memory_space<vmem>>
        %dma_wait3A_1493 = tpu.memref_squeeze %dma_wait3A_1492 : memref<1x400xf32, #tpu.memory_space<vmem>> -> memref<400xf32, #tpu.memory_space<vmem>>
        %dma_wait3A_1494 = arith.constant 0 : i32
        %dma_wait3A_1495 = tpu.memref_slice %arg11[%run_scoped3A_1481, %dma_wait3A_1494] : memref<2x400xi32, #tpu.memory_space<vmem>> -> memref<1x400xi32, #tpu.memory_space<vmem>>
        %dma_wait3A_1496 = tpu.memref_squeeze %dma_wait3A_1495 : memref<1x400xi32, #tpu.memory_space<vmem>> -> memref<400xi32, #tpu.memory_space<vmem>>
        %dma_wait3A_1497 = arith.constant 0 : i32
        %dma_wait3A_1498 = tpu.memref_slice %arg17[%dma_wait3A_1497] : memref<10240xf32, #tpu.memory_space<vmem_shared>> -> memref<10240xf32, #tpu.memory_space<vmem_shared>>
        tpu.wait_indirect_dma semaphore(%run_scoped3A_1482 : memref<!tpu.dma_semaphore, #tpu.memory_space<semaphore_mem>>) src(%dma_wait3A_1493 : memref<400xf32, #tpu.memory_space<vmem>>) dst(%dma_wait3A_1498 : memref<10240xf32, #tpu.memory_space<vmem_shared>>)
        tpu.yield
      }) : () -> ()
    }
    %scan3A_207 = arith.constant 25 : i32
    %barrier3A_208 = arith.constant 0 : index
    tpu.barrier barrier_id(%barrier3A_208)
    %mul3A_209 = arith.constant 625 : i32
    %mul3A_210 = arith.muli %arg1, %mul3A_209 : i32
    %add3A_211 = arith.constant 0 : i32
    %add3A_212 = arith.addi %mul3A_210, %add3A_211 : i32
    %run_scoped3A_213 = arith.constant 0 : i32
    "tpu.region"() ({
      %run_scoped3A_255 = tpu.sem_alloc : memref<!tpu.dma_semaphore, #tpu.memory_space<semaphore_mem>>
      %dma_start3A_256 = arith.constant 0 : i32
      %dma_start3A_257 = arith.constant 0 : i32
      %dma_start3A_258 = tpu.memref_slice %arg13[%run_scoped3A_213, %dma_start3A_256, %dma_start3A_257] : memref<2x400x64xf32, #tpu.memory_space<vmem>> -> memref<1x400x64xf32, #tpu.memory_space<vmem>>
      %dma_start3A_259 = tpu.memref_squeeze %dma_start3A_258 : memref<1x400x64xf32, #tpu.memory_space<vmem>> -> memref<400x64xf32, #tpu.memory_space<vmem>>
      %dma_start3A_260 = arith.constant 0 : i32
      %dma_start3A_261 = arith.constant 0 : i32
      %dma_start3A_262 = tpu.memref_slice %dma_start3A_259[%dma_start3A_260, %dma_start3A_261] : memref<400x64xf32, #tpu.memory_space<vmem>> -> memref<125x64xf32, #tpu.memory_space<vmem>>
      %dma_start3A_263 = arith.constant 0 : i32
      %dma_start3A_264 = tpu.memref_slice %arg16[%add3A_212, %dma_start3A_263] : memref<10000x64xf32, #tpu.memory_space<vmem_shared>> -> memref<125x64xf32, #tpu.memory_space<vmem_shared>>
      %dma_start3A_265 = arith.constant 0 : i32
      %dma_start3A_266 = arith.constant 0 : i32
      %dma_start3A_267 = tpu.memref_slice %arg13[%run_scoped3A_213, %dma_start3A_265, %dma_start3A_266] : memref<2x400x64xf32, #tpu.memory_space<vmem>> -> memref<1x400x64xf32, #tpu.memory_space<vmem>>
      %dma_start3A_268 = tpu.memref_squeeze %dma_start3A_267 : memref<1x400x64xf32, #tpu.memory_space<vmem>> -> memref<400x64xf32, #tpu.memory_space<vmem>>
      %dma_start3A_269 = arith.constant 0 : i32
      %dma_start3A_270 = arith.constant 0 : i32
      %dma_start3A_271 = tpu.memref_slice %dma_start3A_268[%dma_start3A_269, %dma_start3A_270] : memref<400x64xf32, #tpu.memory_space<vmem>> -> memref<125x64xf32, #tpu.memory_space<vmem>>
      %dma_start3A_272 = arith.constant 0 : i32
      %dma_start3A_273 = tpu.memref_slice %arg16[%add3A_212, %dma_start3A_272] : memref<10000x64xf32, #tpu.memory_space<vmem_shared>> -> memref<125x64xf32, #tpu.memory_space<vmem_shared>>
      tpu.enqueue_dma source(%dma_start3A_273 : memref<125x64xf32, #tpu.memory_space<vmem_shared>>) target(%dma_start3A_271 : memref<125x64xf32, #tpu.memory_space<vmem>>) target_semaphore(%run_scoped3A_255 : memref<!tpu.dma_semaphore, #tpu.memory_space<semaphore_mem>>)
      %dma_wait3A = arith.constant 0 : i32
      %dma_wait3A_274 = arith.constant 0 : i32
      %dma_wait3A_275 = tpu.memref_slice %arg13[%run_scoped3A_213, %dma_wait3A, %dma_wait3A_274] : memref<2x400x64xf32, #tpu.memory_space<vmem>> -> memref<1x400x64xf32, #tpu.memory_space<vmem>>
      %dma_wait3A_276 = tpu.memref_squeeze %dma_wait3A_275 : memref<1x400x64xf32, #tpu.memory_space<vmem>> -> memref<400x64xf32, #tpu.memory_space<vmem>>
      %dma_wait3A_277 = arith.constant 0 : i32
      %dma_wait3A_278 = arith.constant 0 : i32
      %dma_wait3A_279 = tpu.memref_slice %dma_wait3A_276[%dma_wait3A_277, %dma_wait3A_278] : memref<400x64xf32, #tpu.memory_space<vmem>> -> memref<125x64xf32, #tpu.memory_space<vmem>>
      %dma_wait3A_280 = arith.constant 0 : i32
      %dma_wait3A_281 = tpu.memref_slice %arg16[%add3A_212, %dma_wait3A_280] : memref<10000x64xf32, #tpu.memory_space<vmem_shared>> -> memref<125x64xf32, #tpu.memory_space<vmem_shared>>
      %dma_wait3A_282 = arith.constant 0 : i32
      %dma_wait3A_283 = arith.constant 0 : i32
      %dma_wait3A_284 = tpu.memref_slice %arg13[%run_scoped3A_213, %dma_wait3A_282, %dma_wait3A_283] : memref<2x400x64xf32, #tpu.memory_space<vmem>> -> memref<1x400x64xf32, #tpu.memory_space<vmem>>
      %dma_wait3A_285 = tpu.memref_squeeze %dma_wait3A_284 : memref<1x400x64xf32, #tpu.memory_space<vmem>> -> memref<400x64xf32, #tpu.memory_space<vmem>>
      %dma_wait3A_286 = arith.constant 0 : i32
      %dma_wait3A_287 = arith.constant 0 : i32
      %dma_wait3A_288 = tpu.memref_slice %dma_wait3A_285[%dma_wait3A_286, %dma_wait3A_287] : memref<400x64xf32, #tpu.memory_space<vmem>> -> memref<125x64xf32, #tpu.memory_space<vmem>>
      %dma_wait3A_289 = arith.constant 0 : i32
      %dma_wait3A_290 = tpu.memref_slice %arg16[%add3A_212, %dma_wait3A_289] : memref<10000x64xf32, #tpu.memory_space<vmem_shared>> -> memref<125x64xf32, #tpu.memory_space<vmem_shared>>
      tpu.wait_dma2 semaphore(%run_scoped3A_255 : memref<!tpu.dma_semaphore, #tpu.memory_space<semaphore_mem>>) src(%dma_wait3A_290 : memref<125x64xf32, #tpu.memory_space<vmem_shared>>) dst(%dma_wait3A_288 : memref<125x64xf32, #tpu.memory_space<vmem>>)
      tpu.yield
    }) : () -> ()
    %run_scoped3A_214 = arith.constant 0 : i32
    "tpu.region"() ({
      %run_scoped3A_255 = tpu.sem_alloc : memref<!tpu.dma_semaphore, #tpu.memory_space<semaphore_mem>>
      %dma_start3A_256 = arith.constant 0 : i32
      %dma_start3A_257 = arith.constant 0 : i32
      %dma_start3A_258 = tpu.memref_slice %arg13[%run_scoped3A_214, %dma_start3A_256, %dma_start3A_257] : memref<2x400x64xf32, #tpu.memory_space<vmem>> -> memref<1x400x64xf32, #tpu.memory_space<vmem>>
      %dma_start3A_259 = tpu.memref_squeeze %dma_start3A_258 : memref<1x400x64xf32, #tpu.memory_space<vmem>> -> memref<400x64xf32, #tpu.memory_space<vmem>>
      %dma_start3A_260 = arith.constant 0 : i32
      %dma_start3A_261 = arith.constant 0 : i32
      %dma_start3A_262 = tpu.memref_slice %dma_start3A_259[%dma_start3A_260, %dma_start3A_261] : memref<400x64xf32, #tpu.memory_space<vmem>> -> memref<125x64xf32, #tpu.memory_space<vmem>>
      %dma_start3A_263 = arith.constant 0 : i32
      %dma_start3A_264 = arith.constant 0 : i32
      %dma_start3A_265 = tpu.memref_slice %arg6[%arg0, %dma_start3A_263, %dma_start3A_264] : memref<2x10000x64xf32, #tpu.memory_space<hbm>> -> memref<1x10000x64xf32, #tpu.memory_space<hbm>>
      %dma_start3A_266 = tpu.memref_squeeze %dma_start3A_265 : memref<1x10000x64xf32, #tpu.memory_space<hbm>> -> memref<10000x64xf32, #tpu.memory_space<hbm>>
      %dma_start3A_267 = arith.constant 0 : i32
      %dma_start3A_268 = tpu.memref_slice %dma_start3A_266[%add3A_212, %dma_start3A_267] : memref<10000x64xf32, #tpu.memory_space<hbm>> -> memref<125x64xf32, #tpu.memory_space<hbm>>
      %dma_start3A_269 = arith.constant 0 : i32
      %dma_start3A_270 = arith.constant 0 : i32
      %dma_start3A_271 = tpu.memref_slice %arg6[%arg0, %dma_start3A_269, %dma_start3A_270] : memref<2x10000x64xf32, #tpu.memory_space<hbm>> -> memref<1x10000x64xf32, #tpu.memory_space<hbm>>
      %dma_start3A_272 = tpu.memref_squeeze %dma_start3A_271 : memref<1x10000x64xf32, #tpu.memory_space<hbm>> -> memref<10000x64xf32, #tpu.memory_space<hbm>>
      %dma_start3A_273 = arith.constant 0 : i32
      %dma_start3A_274 = tpu.memref_slice %dma_start3A_272[%add3A_212, %dma_start3A_273] : memref<10000x64xf32, #tpu.memory_space<hbm>> -> memref<125x64xf32, #tpu.memory_space<hbm>>
      %dma_start3A_275 = arith.constant 0 : i32
      %dma_start3A_276 = arith.constant 0 : i32
      %dma_start3A_277 = tpu.memref_slice %arg13[%run_scoped3A_214, %dma_start3A_275, %dma_start3A_276] : memref<2x400x64xf32, #tpu.memory_space<vmem>> -> memref<1x400x64xf32, #tpu.memory_space<vmem>>
      %dma_start3A_278 = tpu.memref_squeeze %dma_start3A_277 : memref<1x400x64xf32, #tpu.memory_space<vmem>> -> memref<400x64xf32, #tpu.memory_space<vmem>>
      %dma_start3A_279 = arith.constant 0 : i32
      %dma_start3A_280 = arith.constant 0 : i32
      %dma_start3A_281 = tpu.memref_slice %dma_start3A_278[%dma_start3A_279, %dma_start3A_280] : memref<400x64xf32, #tpu.memory_space<vmem>> -> memref<125x64xf32, #tpu.memory_space<vmem>>
      tpu.enqueue_dma source(%dma_start3A_281 : memref<125x64xf32, #tpu.memory_space<vmem>>) target(%dma_start3A_274 : memref<125x64xf32, #tpu.memory_space<hbm>>) target_semaphore(%run_scoped3A_255 : memref<!tpu.dma_semaphore, #tpu.memory_space<semaphore_mem>>)
      %dma_wait3A = arith.constant 0 : i32
      %dma_wait3A_282 = arith.constant 0 : i32
      %dma_wait3A_283 = tpu.memref_slice %arg13[%run_scoped3A_214, %dma_wait3A, %dma_wait3A_282] : memref<2x400x64xf32, #tpu.memory_space<vmem>> -> memref<1x400x64xf32, #tpu.memory_space<vmem>>
      %dma_wait3A_284 = tpu.memref_squeeze %dma_wait3A_283 : memref<1x400x64xf32, #tpu.memory_space<vmem>> -> memref<400x64xf32, #tpu.memory_space<vmem>>
      %dma_wait3A_285 = arith.constant 0 : i32
      %dma_wait3A_286 = arith.constant 0 : i32
      %dma_wait3A_287 = tpu.memref_slice %dma_wait3A_284[%dma_wait3A_285, %dma_wait3A_286] : memref<400x64xf32, #tpu.memory_space<vmem>> -> memref<125x64xf32, #tpu.memory_space<vmem>>
      %dma_wait3A_288 = arith.constant 0 : i32
      %dma_wait3A_289 = arith.constant 0 : i32
      %dma_wait3A_290 = tpu.memref_slice %arg6[%arg0, %dma_wait3A_288, %dma_wait3A_289] : memref<2x10000x64xf32, #tpu.memory_space<hbm>> -> memref<1x10000x64xf32, #tpu.memory_space<hbm>>
      %dma_wait3A_291 = tpu.memref_squeeze %dma_wait3A_290 : memref<1x10000x64xf32, #tpu.memory_space<hbm>> -> memref<10000x64xf32, #tpu.memory_space<hbm>>
      %dma_wait3A_292 = arith.constant 0 : i32
      %dma_wait3A_293 = tpu.memref_slice %dma_wait3A_291[%add3A_212, %dma_wait3A_292] : memref<10000x64xf32, #tpu.memory_space<hbm>> -> memref<125x64xf32, #tpu.memory_space<hbm>>
      %dma_wait3A_294 = arith.constant 0 : i32
      %dma_wait3A_295 = arith.constant 0 : i32
      %dma_wait3A_296 = tpu.memref_slice %arg6[%arg0, %dma_wait3A_294, %dma_wait3A_295] : memref<2x10000x64xf32, #tpu.memory_space<hbm>> -> memref<1x10000x64xf32, #tpu.memory_space<hbm>>
      %dma_wait3A_297 = tpu.memref_squeeze %dma_wait3A_296 : memref<1x10000x64xf32, #tpu.memory_space<hbm>> -> memref<10000x64xf32, #tpu.memory_space<hbm>>
      %dma_wait3A_298 = arith.constant 0 : i32
      %dma_wait3A_299 = tpu.memref_slice %dma_wait3A_297[%add3A_212, %dma_wait3A_298] : memref<10000x64xf32, #tpu.memory_space<hbm>> -> memref<125x64xf32, #tpu.memory_space<hbm>>
      %dma_wait3A_300 = arith.constant 0 : i32
      %dma_wait3A_301 = arith.constant 0 : i32
      %dma_wait3A_302 = tpu.memref_slice %arg13[%run_scoped3A_214, %dma_wait3A_300, %dma_wait3A_301] : memref<2x400x64xf32, #tpu.memory_space<vmem>> -> memref<1x400x64xf32, #tpu.memory_space<vmem>>
      %dma_wait3A_303 = tpu.memref_squeeze %dma_wait3A_302 : memref<1x400x64xf32, #tpu.memory_space<vmem>> -> memref<400x64xf32, #tpu.memory_space<vmem>>
      %dma_wait3A_304 = arith.constant 0 : i32
      %dma_wait3A_305 = arith.constant 0 : i32
      %dma_wait3A_306 = tpu.memref_slice %dma_wait3A_303[%dma_wait3A_304, %dma_wait3A_305] : memref<400x64xf32, #tpu.memory_space<vmem>> -> memref<125x64xf32, #tpu.memory_space<vmem>>
      tpu.wait_dma2 semaphore(%run_scoped3A_255 : memref<!tpu.dma_semaphore, #tpu.memory_space<semaphore_mem>>) src(%dma_wait3A_306 : memref<125x64xf32, #tpu.memory_space<vmem>>) dst(%dma_wait3A_299 : memref<125x64xf32, #tpu.memory_space<hbm>>)
      tpu.yield
    }) : () -> ()
    %mul3A_215 = arith.constant 625 : i32
    %mul3A_216 = arith.muli %arg1, %mul3A_215 : i32
    %add3A_217 = arith.constant 125 : i32
    %add3A_218 = arith.addi %mul3A_216, %add3A_217 : i32
    %run_scoped3A_219 = arith.constant 0 : i32
    "tpu.region"() ({
      %run_scoped3A_255 = tpu.sem_alloc : memref<!tpu.dma_semaphore, #tpu.memory_space<semaphore_mem>>
      %dma_start3A_256 = arith.constant 0 : i32
      %dma_start3A_257 = arith.constant 0 : i32
      %dma_start3A_258 = tpu.memref_slice %arg13[%run_scoped3A_219, %dma_start3A_256, %dma_start3A_257] : memref<2x400x64xf32, #tpu.memory_space<vmem>> -> memref<1x400x64xf32, #tpu.memory_space<vmem>>
      %dma_start3A_259 = tpu.memref_squeeze %dma_start3A_258 : memref<1x400x64xf32, #tpu.memory_space<vmem>> -> memref<400x64xf32, #tpu.memory_space<vmem>>
      %dma_start3A_260 = arith.constant 0 : i32
      %dma_start3A_261 = arith.constant 0 : i32
      %dma_start3A_262 = tpu.memref_slice %dma_start3A_259[%dma_start3A_260, %dma_start3A_261] : memref<400x64xf32, #tpu.memory_space<vmem>> -> memref<125x64xf32, #tpu.memory_space<vmem>>
      %dma_start3A_263 = arith.constant 0 : i32
      %dma_start3A_264 = tpu.memref_slice %arg16[%add3A_218, %dma_start3A_263] : memref<10000x64xf32, #tpu.memory_space<vmem_shared>> -> memref<125x64xf32, #tpu.memory_space<vmem_shared>>
      %dma_start3A_265 = arith.constant 0 : i32
      %dma_start3A_266 = arith.constant 0 : i32
      %dma_start3A_267 = tpu.memref_slice %arg13[%run_scoped3A_219, %dma_start3A_265, %dma_start3A_266] : memref<2x400x64xf32, #tpu.memory_space<vmem>> -> memref<1x400x64xf32, #tpu.memory_space<vmem>>
      %dma_start3A_268 = tpu.memref_squeeze %dma_start3A_267 : memref<1x400x64xf32, #tpu.memory_space<vmem>> -> memref<400x64xf32, #tpu.memory_space<vmem>>
      %dma_start3A_269 = arith.constant 0 : i32
      %dma_start3A_270 = arith.constant 0 : i32
      %dma_start3A_271 = tpu.memref_slice %dma_start3A_268[%dma_start3A_269, %dma_start3A_270] : memref<400x64xf32, #tpu.memory_space<vmem>> -> memref<125x64xf32, #tpu.memory_space<vmem>>
      %dma_start3A_272 = arith.constant 0 : i32
      %dma_start3A_273 = tpu.memref_slice %arg16[%add3A_218, %dma_start3A_272] : memref<10000x64xf32, #tpu.memory_space<vmem_shared>> -> memref<125x64xf32, #tpu.memory_space<vmem_shared>>
      tpu.enqueue_dma source(%dma_start3A_273 : memref<125x64xf32, #tpu.memory_space<vmem_shared>>) target(%dma_start3A_271 : memref<125x64xf32, #tpu.memory_space<vmem>>) target_semaphore(%run_scoped3A_255 : memref<!tpu.dma_semaphore, #tpu.memory_space<semaphore_mem>>)
      %dma_wait3A = arith.constant 0 : i32
      %dma_wait3A_274 = arith.constant 0 : i32
      %dma_wait3A_275 = tpu.memref_slice %arg13[%run_scoped3A_219, %dma_wait3A, %dma_wait3A_274] : memref<2x400x64xf32, #tpu.memory_space<vmem>> -> memref<1x400x64xf32, #tpu.memory_space<vmem>>
      %dma_wait3A_276 = tpu.memref_squeeze %dma_wait3A_275 : memref<1x400x64xf32, #tpu.memory_space<vmem>> -> memref<400x64xf32, #tpu.memory_space<vmem>>
      %dma_wait3A_277 = arith.constant 0 : i32
      %dma_wait3A_278 = arith.constant 0 : i32
      %dma_wait3A_279 = tpu.memref_slice %dma_wait3A_276[%dma_wait3A_277, %dma_wait3A_278] : memref<400x64xf32, #tpu.memory_space<vmem>> -> memref<125x64xf32, #tpu.memory_space<vmem>>
      %dma_wait3A_280 = arith.constant 0 : i32
      %dma_wait3A_281 = tpu.memref_slice %arg16[%add3A_218, %dma_wait3A_280] : memref<10000x64xf32, #tpu.memory_space<vmem_shared>> -> memref<125x64xf32, #tpu.memory_space<vmem_shared>>
      %dma_wait3A_282 = arith.constant 0 : i32
      %dma_wait3A_283 = arith.constant 0 : i32
      %dma_wait3A_284 = tpu.memref_slice %arg13[%run_scoped3A_219, %dma_wait3A_282, %dma_wait3A_283] : memref<2x400x64xf32, #tpu.memory_space<vmem>> -> memref<1x400x64xf32, #tpu.memory_space<vmem>>
      %dma_wait3A_285 = tpu.memref_squeeze %dma_wait3A_284 : memref<1x400x64xf32, #tpu.memory_space<vmem>> -> memref<400x64xf32, #tpu.memory_space<vmem>>
      %dma_wait3A_286 = arith.constant 0 : i32
      %dma_wait3A_287 = arith.constant 0 : i32
      %dma_wait3A_288 = tpu.memref_slice %dma_wait3A_285[%dma_wait3A_286, %dma_wait3A_287] : memref<400x64xf32, #tpu.memory_space<vmem>> -> memref<125x64xf32, #tpu.memory_space<vmem>>
      %dma_wait3A_289 = arith.constant 0 : i32
      %dma_wait3A_290 = tpu.memref_slice %arg16[%add3A_218, %dma_wait3A_289] : memref<10000x64xf32, #tpu.memory_space<vmem_shared>> -> memref<125x64xf32, #tpu.memory_space<vmem_shared>>
      tpu.wait_dma2 semaphore(%run_scoped3A_255 : memref<!tpu.dma_semaphore, #tpu.memory_space<semaphore_mem>>) src(%dma_wait3A_290 : memref<125x64xf32, #tpu.memory_space<vmem_shared>>) dst(%dma_wait3A_288 : memref<125x64xf32, #tpu.memory_space<vmem>>)
      tpu.yield
    }) : () -> ()
    %run_scoped3A_220 = arith.constant 0 : i32
    "tpu.region"() ({
      %run_scoped3A_255 = tpu.sem_alloc : memref<!tpu.dma_semaphore, #tpu.memory_space<semaphore_mem>>
      %dma_start3A_256 = arith.constant 0 : i32
      %dma_start3A_257 = arith.constant 0 : i32
      %dma_start3A_258 = tpu.memref_slice %arg13[%run_scoped3A_220, %dma_start3A_256, %dma_start3A_257] : memref<2x400x64xf32, #tpu.memory_space<vmem>> -> memref<1x400x64xf32, #tpu.memory_space<vmem>>
      %dma_start3A_259 = tpu.memref_squeeze %dma_start3A_258 : memref<1x400x64xf32, #tpu.memory_space<vmem>> -> memref<400x64xf32, #tpu.memory_space<vmem>>
      %dma_start3A_260 = arith.constant 0 : i32
      %dma_start3A_261 = arith.constant 0 : i32
      %dma_start3A_262 = tpu.memref_slice %dma_start3A_259[%dma_start3A_260, %dma_start3A_261] : memref<400x64xf32, #tpu.memory_space<vmem>> -> memref<125x64xf32, #tpu.memory_space<vmem>>
      %dma_start3A_263 = arith.constant 0 : i32
      %dma_start3A_264 = arith.constant 0 : i32
      %dma_start3A_265 = tpu.memref_slice %arg6[%arg0, %dma_start3A_263, %dma_start3A_264] : memref<2x10000x64xf32, #tpu.memory_space<hbm>> -> memref<1x10000x64xf32, #tpu.memory_space<hbm>>
      %dma_start3A_266 = tpu.memref_squeeze %dma_start3A_265 : memref<1x10000x64xf32, #tpu.memory_space<hbm>> -> memref<10000x64xf32, #tpu.memory_space<hbm>>
      %dma_start3A_267 = arith.constant 0 : i32
      %dma_start3A_268 = tpu.memref_slice %dma_start3A_266[%add3A_218, %dma_start3A_267] : memref<10000x64xf32, #tpu.memory_space<hbm>> -> memref<125x64xf32, #tpu.memory_space<hbm>>
      %dma_start3A_269 = arith.constant 0 : i32
      %dma_start3A_270 = arith.constant 0 : i32
      %dma_start3A_271 = tpu.memref_slice %arg6[%arg0, %dma_start3A_269, %dma_start3A_270] : memref<2x10000x64xf32, #tpu.memory_space<hbm>> -> memref<1x10000x64xf32, #tpu.memory_space<hbm>>
      %dma_start3A_272 = tpu.memref_squeeze %dma_start3A_271 : memref<1x10000x64xf32, #tpu.memory_space<hbm>> -> memref<10000x64xf32, #tpu.memory_space<hbm>>
      %dma_start3A_273 = arith.constant 0 : i32
      %dma_start3A_274 = tpu.memref_slice %dma_start3A_272[%add3A_218, %dma_start3A_273] : memref<10000x64xf32, #tpu.memory_space<hbm>> -> memref<125x64xf32, #tpu.memory_space<hbm>>
      %dma_start3A_275 = arith.constant 0 : i32
      %dma_start3A_276 = arith.constant 0 : i32
      %dma_start3A_277 = tpu.memref_slice %arg13[%run_scoped3A_220, %dma_start3A_275, %dma_start3A_276] : memref<2x400x64xf32, #tpu.memory_space<vmem>> -> memref<1x400x64xf32, #tpu.memory_space<vmem>>
      %dma_start3A_278 = tpu.memref_squeeze %dma_start3A_277 : memref<1x400x64xf32, #tpu.memory_space<vmem>> -> memref<400x64xf32, #tpu.memory_space<vmem>>
      %dma_start3A_279 = arith.constant 0 : i32
      %dma_start3A_280 = arith.constant 0 : i32
      %dma_start3A_281 = tpu.memref_slice %dma_start3A_278[%dma_start3A_279, %dma_start3A_280] : memref<400x64xf32, #tpu.memory_space<vmem>> -> memref<125x64xf32, #tpu.memory_space<vmem>>
      tpu.enqueue_dma source(%dma_start3A_281 : memref<125x64xf32, #tpu.memory_space<vmem>>) target(%dma_start3A_274 : memref<125x64xf32, #tpu.memory_space<hbm>>) target_semaphore(%run_scoped3A_255 : memref<!tpu.dma_semaphore, #tpu.memory_space<semaphore_mem>>)
      %dma_wait3A = arith.constant 0 : i32
      %dma_wait3A_282 = arith.constant 0 : i32
      %dma_wait3A_283 = tpu.memref_slice %arg13[%run_scoped3A_220, %dma_wait3A, %dma_wait3A_282] : memref<2x400x64xf32, #tpu.memory_space<vmem>> -> memref<1x400x64xf32, #tpu.memory_space<vmem>>
      %dma_wait3A_284 = tpu.memref_squeeze %dma_wait3A_283 : memref<1x400x64xf32, #tpu.memory_space<vmem>> -> memref<400x64xf32, #tpu.memory_space<vmem>>
      %dma_wait3A_285 = arith.constant 0 : i32
      %dma_wait3A_286 = arith.constant 0 : i32
      %dma_wait3A_287 = tpu.memref_slice %dma_wait3A_284[%dma_wait3A_285, %dma_wait3A_286] : memref<400x64xf32, #tpu.memory_space<vmem>> -> memref<125x64xf32, #tpu.memory_space<vmem>>
      %dma_wait3A_288 = arith.constant 0 : i32
      %dma_wait3A_289 = arith.constant 0 : i32
      %dma_wait3A_290 = tpu.memref_slice %arg6[%arg0, %dma_wait3A_288, %dma_wait3A_289] : memref<2x10000x64xf32, #tpu.memory_space<hbm>> -> memref<1x10000x64xf32, #tpu.memory_space<hbm>>
      %dma_wait3A_291 = tpu.memref_squeeze %dma_wait3A_290 : memref<1x10000x64xf32, #tpu.memory_space<hbm>> -> memref<10000x64xf32, #tpu.memory_space<hbm>>
      %dma_wait3A_292 = arith.constant 0 : i32
      %dma_wait3A_293 = tpu.memref_slice %dma_wait3A_291[%add3A_218, %dma_wait3A_292] : memref<10000x64xf32, #tpu.memory_space<hbm>> -> memref<125x64xf32, #tpu.memory_space<hbm>>
      %dma_wait3A_294 = arith.constant 0 : i32
      %dma_wait3A_295 = arith.constant 0 : i32
      %dma_wait3A_296 = tpu.memref_slice %arg6[%arg0, %dma_wait3A_294, %dma_wait3A_295] : memref<2x10000x64xf32, #tpu.memory_space<hbm>> -> memref<1x10000x64xf32, #tpu.memory_space<hbm>>
      %dma_wait3A_297 = tpu.memref_squeeze %dma_wait3A_296 : memref<1x10000x64xf32, #tpu.memory_space<hbm>> -> memref<10000x64xf32, #tpu.memory_space<hbm>>
      %dma_wait3A_298 = arith.constant 0 : i32
      %dma_wait3A_299 = tpu.memref_slice %dma_wait3A_297[%add3A_218, %dma_wait3A_298] : memref<10000x64xf32, #tpu.memory_space<hbm>> -> memref<125x64xf32, #tpu.memory_space<hbm>>
      %dma_wait3A_300 = arith.constant 0 : i32
      %dma_wait3A_301 = arith.constant 0 : i32
      %dma_wait3A_302 = tpu.memref_slice %arg13[%run_scoped3A_220, %dma_wait3A_300, %dma_wait3A_301] : memref<2x400x64xf32, #tpu.memory_space<vmem>> -> memref<1x400x64xf32, #tpu.memory_space<vmem>>
      %dma_wait3A_303 = tpu.memref_squeeze %dma_wait3A_302 : memref<1x400x64xf32, #tpu.memory_space<vmem>> -> memref<400x64xf32, #tpu.memory_space<vmem>>
      %dma_wait3A_304 = arith.constant 0 : i32
      %dma_wait3A_305 = arith.constant 0 : i32
      %dma_wait3A_306 = tpu.memref_slice %dma_wait3A_303[%dma_wait3A_304, %dma_wait3A_305] : memref<400x64xf32, #tpu.memory_space<vmem>> -> memref<125x64xf32, #tpu.memory_space<vmem>>
      tpu.wait_dma2 semaphore(%run_scoped3A_255 : memref<!tpu.dma_semaphore, #tpu.memory_space<semaphore_mem>>) src(%dma_wait3A_306 : memref<125x64xf32, #tpu.memory_space<vmem>>) dst(%dma_wait3A_299 : memref<125x64xf32, #tpu.memory_space<hbm>>)
      tpu.yield
    }) : () -> ()
    %mul3A_221 = arith.constant 625 : i32
    %mul3A_222 = arith.muli %arg1, %mul3A_221 : i32
    %add3A_223 = arith.constant 250 : i32
    %add3A_224 = arith.addi %mul3A_222, %add3A_223 : i32
    %run_scoped3A_225 = arith.constant 0 : i32
    "tpu.region"() ({
      %run_scoped3A_255 = tpu.sem_alloc : memref<!tpu.dma_semaphore, #tpu.memory_space<semaphore_mem>>
      %dma_start3A_256 = arith.constant 0 : i32
      %dma_start3A_257 = arith.constant 0 : i32
      %dma_start3A_258 = tpu.memref_slice %arg13[%run_scoped3A_225, %dma_start3A_256, %dma_start3A_257] : memref<2x400x64xf32, #tpu.memory_space<vmem>> -> memref<1x400x64xf32, #tpu.memory_space<vmem>>
      %dma_start3A_259 = tpu.memref_squeeze %dma_start3A_258 : memref<1x400x64xf32, #tpu.memory_space<vmem>> -> memref<400x64xf32, #tpu.memory_space<vmem>>
      %dma_start3A_260 = arith.constant 0 : i32
      %dma_start3A_261 = arith.constant 0 : i32
      %dma_start3A_262 = tpu.memref_slice %dma_start3A_259[%dma_start3A_260, %dma_start3A_261] : memref<400x64xf32, #tpu.memory_space<vmem>> -> memref<125x64xf32, #tpu.memory_space<vmem>>
      %dma_start3A_263 = arith.constant 0 : i32
      %dma_start3A_264 = tpu.memref_slice %arg16[%add3A_224, %dma_start3A_263] : memref<10000x64xf32, #tpu.memory_space<vmem_shared>> -> memref<125x64xf32, #tpu.memory_space<vmem_shared>>
      %dma_start3A_265 = arith.constant 0 : i32
      %dma_start3A_266 = arith.constant 0 : i32
      %dma_start3A_267 = tpu.memref_slice %arg13[%run_scoped3A_225, %dma_start3A_265, %dma_start3A_266] : memref<2x400x64xf32, #tpu.memory_space<vmem>> -> memref<1x400x64xf32, #tpu.memory_space<vmem>>
      %dma_start3A_268 = tpu.memref_squeeze %dma_start3A_267 : memref<1x400x64xf32, #tpu.memory_space<vmem>> -> memref<400x64xf32, #tpu.memory_space<vmem>>
      %dma_start3A_269 = arith.constant 0 : i32
      %dma_start3A_270 = arith.constant 0 : i32
      %dma_start3A_271 = tpu.memref_slice %dma_start3A_268[%dma_start3A_269, %dma_start3A_270] : memref<400x64xf32, #tpu.memory_space<vmem>> -> memref<125x64xf32, #tpu.memory_space<vmem>>
      %dma_start3A_272 = arith.constant 0 : i32
      %dma_start3A_273 = tpu.memref_slice %arg16[%add3A_224, %dma_start3A_272] : memref<10000x64xf32, #tpu.memory_space<vmem_shared>> -> memref<125x64xf32, #tpu.memory_space<vmem_shared>>
      tpu.enqueue_dma source(%dma_start3A_273 : memref<125x64xf32, #tpu.memory_space<vmem_shared>>) target(%dma_start3A_271 : memref<125x64xf32, #tpu.memory_space<vmem>>) target_semaphore(%run_scoped3A_255 : memref<!tpu.dma_semaphore, #tpu.memory_space<semaphore_mem>>)
      %dma_wait3A = arith.constant 0 : i32
      %dma_wait3A_274 = arith.constant 0 : i32
      %dma_wait3A_275 = tpu.memref_slice %arg13[%run_scoped3A_225, %dma_wait3A, %dma_wait3A_274] : memref<2x400x64xf32, #tpu.memory_space<vmem>> -> memref<1x400x64xf32, #tpu.memory_space<vmem>>
      %dma_wait3A_276 = tpu.memref_squeeze %dma_wait3A_275 : memref<1x400x64xf32, #tpu.memory_space<vmem>> -> memref<400x64xf32, #tpu.memory_space<vmem>>
      %dma_wait3A_277 = arith.constant 0 : i32
      %dma_wait3A_278 = arith.constant 0 : i32
      %dma_wait3A_279 = tpu.memref_slice %dma_wait3A_276[%dma_wait3A_277, %dma_wait3A_278] : memref<400x64xf32, #tpu.memory_space<vmem>> -> memref<125x64xf32, #tpu.memory_space<vmem>>
      %dma_wait3A_280 = arith.constant 0 : i32
      %dma_wait3A_281 = tpu.memref_slice %arg16[%add3A_224, %dma_wait3A_280] : memref<10000x64xf32, #tpu.memory_space<vmem_shared>> -> memref<125x64xf32, #tpu.memory_space<vmem_shared>>
      %dma_wait3A_282 = arith.constant 0 : i32
      %dma_wait3A_283 = arith.constant 0 : i32
      %dma_wait3A_284 = tpu.memref_slice %arg13[%run_scoped3A_225, %dma_wait3A_282, %dma_wait3A_283] : memref<2x400x64xf32, #tpu.memory_space<vmem>> -> memref<1x400x64xf32, #tpu.memory_space<vmem>>
      %dma_wait3A_285 = tpu.memref_squeeze %dma_wait3A_284 : memref<1x400x64xf32, #tpu.memory_space<vmem>> -> memref<400x64xf32, #tpu.memory_space<vmem>>
      %dma_wait3A_286 = arith.constant 0 : i32
      %dma_wait3A_287 = arith.constant 0 : i32
      %dma_wait3A_288 = tpu.memref_slice %dma_wait3A_285[%dma_wait3A_286, %dma_wait3A_287] : memref<400x64xf32, #tpu.memory_space<vmem>> -> memref<125x64xf32, #tpu.memory_space<vmem>>
      %dma_wait3A_289 = arith.constant 0 : i32
      %dma_wait3A_290 = tpu.memref_slice %arg16[%add3A_224, %dma_wait3A_289] : memref<10000x64xf32, #tpu.memory_space<vmem_shared>> -> memref<125x64xf32, #tpu.memory_space<vmem_shared>>
      tpu.wait_dma2 semaphore(%run_scoped3A_255 : memref<!tpu.dma_semaphore, #tpu.memory_space<semaphore_mem>>) src(%dma_wait3A_290 : memref<125x64xf32, #tpu.memory_space<vmem_shared>>) dst(%dma_wait3A_288 : memref<125x64xf32, #tpu.memory_space<vmem>>)
      tpu.yield
    }) : () -> ()
    %run_scoped3A_226 = arith.constant 0 : i32
    "tpu.region"() ({
      %run_scoped3A_255 = tpu.sem_alloc : memref<!tpu.dma_semaphore, #tpu.memory_space<semaphore_mem>>
      %dma_start3A_256 = arith.constant 0 : i32
      %dma_start3A_257 = arith.constant 0 : i32
      %dma_start3A_258 = tpu.memref_slice %arg13[%run_scoped3A_226, %dma_start3A_256, %dma_start3A_257] : memref<2x400x64xf32, #tpu.memory_space<vmem>> -> memref<1x400x64xf32, #tpu.memory_space<vmem>>
      %dma_start3A_259 = tpu.memref_squeeze %dma_start3A_258 : memref<1x400x64xf32, #tpu.memory_space<vmem>> -> memref<400x64xf32, #tpu.memory_space<vmem>>
      %dma_start3A_260 = arith.constant 0 : i32
      %dma_start3A_261 = arith.constant 0 : i32
      %dma_start3A_262 = tpu.memref_slice %dma_start3A_259[%dma_start3A_260, %dma_start3A_261] : memref<400x64xf32, #tpu.memory_space<vmem>> -> memref<125x64xf32, #tpu.memory_space<vmem>>
      %dma_start3A_263 = arith.constant 0 : i32
      %dma_start3A_264 = arith.constant 0 : i32
      %dma_start3A_265 = tpu.memref_slice %arg6[%arg0, %dma_start3A_263, %dma_start3A_264] : memref<2x10000x64xf32, #tpu.memory_space<hbm>> -> memref<1x10000x64xf32, #tpu.memory_space<hbm>>
      %dma_start3A_266 = tpu.memref_squeeze %dma_start3A_265 : memref<1x10000x64xf32, #tpu.memory_space<hbm>> -> memref<10000x64xf32, #tpu.memory_space<hbm>>
      %dma_start3A_267 = arith.constant 0 : i32
      %dma_start3A_268 = tpu.memref_slice %dma_start3A_266[%add3A_224, %dma_start3A_267] : memref<10000x64xf32, #tpu.memory_space<hbm>> -> memref<125x64xf32, #tpu.memory_space<hbm>>
      %dma_start3A_269 = arith.constant 0 : i32
      %dma_start3A_270 = arith.constant 0 : i32
      %dma_start3A_271 = tpu.memref_slice %arg6[%arg0, %dma_start3A_269, %dma_start3A_270] : memref<2x10000x64xf32, #tpu.memory_space<hbm>> -> memref<1x10000x64xf32, #tpu.memory_space<hbm>>
      %dma_start3A_272 = tpu.memref_squeeze %dma_start3A_271 : memref<1x10000x64xf32, #tpu.memory_space<hbm>> -> memref<10000x64xf32, #tpu.memory_space<hbm>>
      %dma_start3A_273 = arith.constant 0 : i32
      %dma_start3A_274 = tpu.memref_slice %dma_start3A_272[%add3A_224, %dma_start3A_273] : memref<10000x64xf32, #tpu.memory_space<hbm>> -> memref<125x64xf32, #tpu.memory_space<hbm>>
      %dma_start3A_275 = arith.constant 0 : i32
      %dma_start3A_276 = arith.constant 0 : i32
      %dma_start3A_277 = tpu.memref_slice %arg13[%run_scoped3A_226, %dma_start3A_275, %dma_start3A_276] : memref<2x400x64xf32, #tpu.memory_space<vmem>> -> memref<1x400x64xf32, #tpu.memory_space<vmem>>
      %dma_start3A_278 = tpu.memref_squeeze %dma_start3A_277 : memref<1x400x64xf32, #tpu.memory_space<vmem>> -> memref<400x64xf32, #tpu.memory_space<vmem>>
      %dma_start3A_279 = arith.constant 0 : i32
      %dma_start3A_280 = arith.constant 0 : i32
      %dma_start3A_281 = tpu.memref_slice %dma_start3A_278[%dma_start3A_279, %dma_start3A_280] : memref<400x64xf32, #tpu.memory_space<vmem>> -> memref<125x64xf32, #tpu.memory_space<vmem>>
      tpu.enqueue_dma source(%dma_start3A_281 : memref<125x64xf32, #tpu.memory_space<vmem>>) target(%dma_start3A_274 : memref<125x64xf32, #tpu.memory_space<hbm>>) target_semaphore(%run_scoped3A_255 : memref<!tpu.dma_semaphore, #tpu.memory_space<semaphore_mem>>)
      %dma_wait3A = arith.constant 0 : i32
      %dma_wait3A_282 = arith.constant 0 : i32
      %dma_wait3A_283 = tpu.memref_slice %arg13[%run_scoped3A_226, %dma_wait3A, %dma_wait3A_282] : memref<2x400x64xf32, #tpu.memory_space<vmem>> -> memref<1x400x64xf32, #tpu.memory_space<vmem>>
      %dma_wait3A_284 = tpu.memref_squeeze %dma_wait3A_283 : memref<1x400x64xf32, #tpu.memory_space<vmem>> -> memref<400x64xf32, #tpu.memory_space<vmem>>
      %dma_wait3A_285 = arith.constant 0 : i32
      %dma_wait3A_286 = arith.constant 0 : i32
      %dma_wait3A_287 = tpu.memref_slice %dma_wait3A_284[%dma_wait3A_285, %dma_wait3A_286] : memref<400x64xf32, #tpu.memory_space<vmem>> -> memref<125x64xf32, #tpu.memory_space<vmem>>
      %dma_wait3A_288 = arith.constant 0 : i32
      %dma_wait3A_289 = arith.constant 0 : i32
      %dma_wait3A_290 = tpu.memref_slice %arg6[%arg0, %dma_wait3A_288, %dma_wait3A_289] : memref<2x10000x64xf32, #tpu.memory_space<hbm>> -> memref<1x10000x64xf32, #tpu.memory_space<hbm>>
      %dma_wait3A_291 = tpu.memref_squeeze %dma_wait3A_290 : memref<1x10000x64xf32, #tpu.memory_space<hbm>> -> memref<10000x64xf32, #tpu.memory_space<hbm>>
      %dma_wait3A_292 = arith.constant 0 : i32
      %dma_wait3A_293 = tpu.memref_slice %dma_wait3A_291[%add3A_224, %dma_wait3A_292] : memref<10000x64xf32, #tpu.memory_space<hbm>> -> memref<125x64xf32, #tpu.memory_space<hbm>>
      %dma_wait3A_294 = arith.constant 0 : i32
      %dma_wait3A_295 = arith.constant 0 : i32
      %dma_wait3A_296 = tpu.memref_slice %arg6[%arg0, %dma_wait3A_294, %dma_wait3A_295] : memref<2x10000x64xf32, #tpu.memory_space<hbm>> -> memref<1x10000x64xf32, #tpu.memory_space<hbm>>
      %dma_wait3A_297 = tpu.memref_squeeze %dma_wait3A_296 : memref<1x10000x64xf32, #tpu.memory_space<hbm>> -> memref<10000x64xf32, #tpu.memory_space<hbm>>
      %dma_wait3A_298 = arith.constant 0 : i32
      %dma_wait3A_299 = tpu.memref_slice %dma_wait3A_297[%add3A_224, %dma_wait3A_298] : memref<10000x64xf32, #tpu.memory_space<hbm>> -> memref<125x64xf32, #tpu.memory_space<hbm>>
      %dma_wait3A_300 = arith.constant 0 : i32
      %dma_wait3A_301 = arith.constant 0 : i32
      %dma_wait3A_302 = tpu.memref_slice %arg13[%run_scoped3A_226, %dma_wait3A_300, %dma_wait3A_301] : memref<2x400x64xf32, #tpu.memory_space<vmem>> -> memref<1x400x64xf32, #tpu.memory_space<vmem>>
      %dma_wait3A_303 = tpu.memref_squeeze %dma_wait3A_302 : memref<1x400x64xf32, #tpu.memory_space<vmem>> -> memref<400x64xf32, #tpu.memory_space<vmem>>
      %dma_wait3A_304 = arith.constant 0 : i32
      %dma_wait3A_305 = arith.constant 0 : i32
      %dma_wait3A_306 = tpu.memref_slice %dma_wait3A_303[%dma_wait3A_304, %dma_wait3A_305] : memref<400x64xf32, #tpu.memory_space<vmem>> -> memref<125x64xf32, #tpu.memory_space<vmem>>
      tpu.wait_dma2 semaphore(%run_scoped3A_255 : memref<!tpu.dma_semaphore, #tpu.memory_space<semaphore_mem>>) src(%dma_wait3A_306 : memref<125x64xf32, #tpu.memory_space<vmem>>) dst(%dma_wait3A_299 : memref<125x64xf32, #tpu.memory_space<hbm>>)
      tpu.yield
    }) : () -> ()
    %mul3A_227 = arith.constant 625 : i32
    %mul3A_228 = arith.muli %arg1, %mul3A_227 : i32
    %add3A_229 = arith.constant 375 : i32
    %add3A_230 = arith.addi %mul3A_228, %add3A_229 : i32
    %run_scoped3A_231 = arith.constant 0 : i32
    "tpu.region"() ({
      %run_scoped3A_255 = tpu.sem_alloc : memref<!tpu.dma_semaphore, #tpu.memory_space<semaphore_mem>>
      %dma_start3A_256 = arith.constant 0 : i32
      %dma_start3A_257 = arith.constant 0 : i32
      %dma_start3A_258 = tpu.memref_slice %arg13[%run_scoped3A_231, %dma_start3A_256, %dma_start3A_257] : memref<2x400x64xf32, #tpu.memory_space<vmem>> -> memref<1x400x64xf32, #tpu.memory_space<vmem>>
      %dma_start3A_259 = tpu.memref_squeeze %dma_start3A_258 : memref<1x400x64xf32, #tpu.memory_space<vmem>> -> memref<400x64xf32, #tpu.memory_space<vmem>>
      %dma_start3A_260 = arith.constant 0 : i32
      %dma_start3A_261 = arith.constant 0 : i32
      %dma_start3A_262 = tpu.memref_slice %dma_start3A_259[%dma_start3A_260, %dma_start3A_261] : memref<400x64xf32, #tpu.memory_space<vmem>> -> memref<125x64xf32, #tpu.memory_space<vmem>>
      %dma_start3A_263 = arith.constant 0 : i32
      %dma_start3A_264 = tpu.memref_slice %arg16[%add3A_230, %dma_start3A_263] : memref<10000x64xf32, #tpu.memory_space<vmem_shared>> -> memref<125x64xf32, #tpu.memory_space<vmem_shared>>
      %dma_start3A_265 = arith.constant 0 : i32
      %dma_start3A_266 = arith.constant 0 : i32
      %dma_start3A_267 = tpu.memref_slice %arg13[%run_scoped3A_231, %dma_start3A_265, %dma_start3A_266] : memref<2x400x64xf32, #tpu.memory_space<vmem>> -> memref<1x400x64xf32, #tpu.memory_space<vmem>>
      %dma_start3A_268 = tpu.memref_squeeze %dma_start3A_267 : memref<1x400x64xf32, #tpu.memory_space<vmem>> -> memref<400x64xf32, #tpu.memory_space<vmem>>
      %dma_start3A_269 = arith.constant 0 : i32
      %dma_start3A_270 = arith.constant 0 : i32
      %dma_start3A_271 = tpu.memref_slice %dma_start3A_268[%dma_start3A_269, %dma_start3A_270] : memref<400x64xf32, #tpu.memory_space<vmem>> -> memref<125x64xf32, #tpu.memory_space<vmem>>
      %dma_start3A_272 = arith.constant 0 : i32
      %dma_start3A_273 = tpu.memref_slice %arg16[%add3A_230, %dma_start3A_272] : memref<10000x64xf32, #tpu.memory_space<vmem_shared>> -> memref<125x64xf32, #tpu.memory_space<vmem_shared>>
      tpu.enqueue_dma source(%dma_start3A_273 : memref<125x64xf32, #tpu.memory_space<vmem_shared>>) target(%dma_start3A_271 : memref<125x64xf32, #tpu.memory_space<vmem>>) target_semaphore(%run_scoped3A_255 : memref<!tpu.dma_semaphore, #tpu.memory_space<semaphore_mem>>)
      %dma_wait3A = arith.constant 0 : i32
      %dma_wait3A_274 = arith.constant 0 : i32
      %dma_wait3A_275 = tpu.memref_slice %arg13[%run_scoped3A_231, %dma_wait3A, %dma_wait3A_274] : memref<2x400x64xf32, #tpu.memory_space<vmem>> -> memref<1x400x64xf32, #tpu.memory_space<vmem>>
      %dma_wait3A_276 = tpu.memref_squeeze %dma_wait3A_275 : memref<1x400x64xf32, #tpu.memory_space<vmem>> -> memref<400x64xf32, #tpu.memory_space<vmem>>
      %dma_wait3A_277 = arith.constant 0 : i32
      %dma_wait3A_278 = arith.constant 0 : i32
      %dma_wait3A_279 = tpu.memref_slice %dma_wait3A_276[%dma_wait3A_277, %dma_wait3A_278] : memref<400x64xf32, #tpu.memory_space<vmem>> -> memref<125x64xf32, #tpu.memory_space<vmem>>
      %dma_wait3A_280 = arith.constant 0 : i32
      %dma_wait3A_281 = tpu.memref_slice %arg16[%add3A_230, %dma_wait3A_280] : memref<10000x64xf32, #tpu.memory_space<vmem_shared>> -> memref<125x64xf32, #tpu.memory_space<vmem_shared>>
      %dma_wait3A_282 = arith.constant 0 : i32
      %dma_wait3A_283 = arith.constant 0 : i32
      %dma_wait3A_284 = tpu.memref_slice %arg13[%run_scoped3A_231, %dma_wait3A_282, %dma_wait3A_283] : memref<2x400x64xf32, #tpu.memory_space<vmem>> -> memref<1x400x64xf32, #tpu.memory_space<vmem>>
      %dma_wait3A_285 = tpu.memref_squeeze %dma_wait3A_284 : memref<1x400x64xf32, #tpu.memory_space<vmem>> -> memref<400x64xf32, #tpu.memory_space<vmem>>
      %dma_wait3A_286 = arith.constant 0 : i32
      %dma_wait3A_287 = arith.constant 0 : i32
      %dma_wait3A_288 = tpu.memref_slice %dma_wait3A_285[%dma_wait3A_286, %dma_wait3A_287] : memref<400x64xf32, #tpu.memory_space<vmem>> -> memref<125x64xf32, #tpu.memory_space<vmem>>
      %dma_wait3A_289 = arith.constant 0 : i32
      %dma_wait3A_290 = tpu.memref_slice %arg16[%add3A_230, %dma_wait3A_289] : memref<10000x64xf32, #tpu.memory_space<vmem_shared>> -> memref<125x64xf32, #tpu.memory_space<vmem_shared>>
      tpu.wait_dma2 semaphore(%run_scoped3A_255 : memref<!tpu.dma_semaphore, #tpu.memory_space<semaphore_mem>>) src(%dma_wait3A_290 : memref<125x64xf32, #tpu.memory_space<vmem_shared>>) dst(%dma_wait3A_288 : memref<125x64xf32, #tpu.memory_space<vmem>>)
      tpu.yield
    }) : () -> ()
    %run_scoped3A_232 = arith.constant 0 : i32
    "tpu.region"() ({
      %run_scoped3A_255 = tpu.sem_alloc : memref<!tpu.dma_semaphore, #tpu.memory_space<semaphore_mem>>
      %dma_start3A_256 = arith.constant 0 : i32
      %dma_start3A_257 = arith.constant 0 : i32
      %dma_start3A_258 = tpu.memref_slice %arg13[%run_scoped3A_232, %dma_start3A_256, %dma_start3A_257] : memref<2x400x64xf32, #tpu.memory_space<vmem>> -> memref<1x400x64xf32, #tpu.memory_space<vmem>>
      %dma_start3A_259 = tpu.memref_squeeze %dma_start3A_258 : memref<1x400x64xf32, #tpu.memory_space<vmem>> -> memref<400x64xf32, #tpu.memory_space<vmem>>
      %dma_start3A_260 = arith.constant 0 : i32
      %dma_start3A_261 = arith.constant 0 : i32
      %dma_start3A_262 = tpu.memref_slice %dma_start3A_259[%dma_start3A_260, %dma_start3A_261] : memref<400x64xf32, #tpu.memory_space<vmem>> -> memref<125x64xf32, #tpu.memory_space<vmem>>
      %dma_start3A_263 = arith.constant 0 : i32
      %dma_start3A_264 = arith.constant 0 : i32
      %dma_start3A_265 = tpu.memref_slice %arg6[%arg0, %dma_start3A_263, %dma_start3A_264] : memref<2x10000x64xf32, #tpu.memory_space<hbm>> -> memref<1x10000x64xf32, #tpu.memory_space<hbm>>
      %dma_start3A_266 = tpu.memref_squeeze %dma_start3A_265 : memref<1x10000x64xf32, #tpu.memory_space<hbm>> -> memref<10000x64xf32, #tpu.memory_space<hbm>>
      %dma_start3A_267 = arith.constant 0 : i32
      %dma_start3A_268 = tpu.memref_slice %dma_start3A_266[%add3A_230, %dma_start3A_267] : memref<10000x64xf32, #tpu.memory_space<hbm>> -> memref<125x64xf32, #tpu.memory_space<hbm>>
      %dma_start3A_269 = arith.constant 0 : i32
      %dma_start3A_270 = arith.constant 0 : i32
      %dma_start3A_271 = tpu.memref_slice %arg6[%arg0, %dma_start3A_269, %dma_start3A_270] : memref<2x10000x64xf32, #tpu.memory_space<hbm>> -> memref<1x10000x64xf32, #tpu.memory_space<hbm>>
      %dma_start3A_272 = tpu.memref_squeeze %dma_start3A_271 : memref<1x10000x64xf32, #tpu.memory_space<hbm>> -> memref<10000x64xf32, #tpu.memory_space<hbm>>
      %dma_start3A_273 = arith.constant 0 : i32
      %dma_start3A_274 = tpu.memref_slice %dma_start3A_272[%add3A_230, %dma_start3A_273] : memref<10000x64xf32, #tpu.memory_space<hbm>> -> memref<125x64xf32, #tpu.memory_space<hbm>>
      %dma_start3A_275 = arith.constant 0 : i32
      %dma_start3A_276 = arith.constant 0 : i32
      %dma_start3A_277 = tpu.memref_slice %arg13[%run_scoped3A_232, %dma_start3A_275, %dma_start3A_276] : memref<2x400x64xf32, #tpu.memory_space<vmem>> -> memref<1x400x64xf32, #tpu.memory_space<vmem>>
      %dma_start3A_278 = tpu.memref_squeeze %dma_start3A_277 : memref<1x400x64xf32, #tpu.memory_space<vmem>> -> memref<400x64xf32, #tpu.memory_space<vmem>>
      %dma_start3A_279 = arith.constant 0 : i32
      %dma_start3A_280 = arith.constant 0 : i32
      %dma_start3A_281 = tpu.memref_slice %dma_start3A_278[%dma_start3A_279, %dma_start3A_280] : memref<400x64xf32, #tpu.memory_space<vmem>> -> memref<125x64xf32, #tpu.memory_space<vmem>>
      tpu.enqueue_dma source(%dma_start3A_281 : memref<125x64xf32, #tpu.memory_space<vmem>>) target(%dma_start3A_274 : memref<125x64xf32, #tpu.memory_space<hbm>>) target_semaphore(%run_scoped3A_255 : memref<!tpu.dma_semaphore, #tpu.memory_space<semaphore_mem>>)
      %dma_wait3A = arith.constant 0 : i32
      %dma_wait3A_282 = arith.constant 0 : i32
      %dma_wait3A_283 = tpu.memref_slice %arg13[%run_scoped3A_232, %dma_wait3A, %dma_wait3A_282] : memref<2x400x64xf32, #tpu.memory_space<vmem>> -> memref<1x400x64xf32, #tpu.memory_space<vmem>>
      %dma_wait3A_284 = tpu.memref_squeeze %dma_wait3A_283 : memref<1x400x64xf32, #tpu.memory_space<vmem>> -> memref<400x64xf32, #tpu.memory_space<vmem>>
      %dma_wait3A_285 = arith.constant 0 : i32
      %dma_wait3A_286 = arith.constant 0 : i32
      %dma_wait3A_287 = tpu.memref_slice %dma_wait3A_284[%dma_wait3A_285, %dma_wait3A_286] : memref<400x64xf32, #tpu.memory_space<vmem>> -> memref<125x64xf32, #tpu.memory_space<vmem>>
      %dma_wait3A_288 = arith.constant 0 : i32
      %dma_wait3A_289 = arith.constant 0 : i32
      %dma_wait3A_290 = tpu.memref_slice %arg6[%arg0, %dma_wait3A_288, %dma_wait3A_289] : memref<2x10000x64xf32, #tpu.memory_space<hbm>> -> memref<1x10000x64xf32, #tpu.memory_space<hbm>>
      %dma_wait3A_291 = tpu.memref_squeeze %dma_wait3A_290 : memref<1x10000x64xf32, #tpu.memory_space<hbm>> -> memref<10000x64xf32, #tpu.memory_space<hbm>>
      %dma_wait3A_292 = arith.constant 0 : i32
      %dma_wait3A_293 = tpu.memref_slice %dma_wait3A_291[%add3A_230, %dma_wait3A_292] : memref<10000x64xf32, #tpu.memory_space<hbm>> -> memref<125x64xf32, #tpu.memory_space<hbm>>
      %dma_wait3A_294 = arith.constant 0 : i32
      %dma_wait3A_295 = arith.constant 0 : i32
      %dma_wait3A_296 = tpu.memref_slice %arg6[%arg0, %dma_wait3A_294, %dma_wait3A_295] : memref<2x10000x64xf32, #tpu.memory_space<hbm>> -> memref<1x10000x64xf32, #tpu.memory_space<hbm>>
      %dma_wait3A_297 = tpu.memref_squeeze %dma_wait3A_296 : memref<1x10000x64xf32, #tpu.memory_space<hbm>> -> memref<10000x64xf32, #tpu.memory_space<hbm>>
      %dma_wait3A_298 = arith.constant 0 : i32
      %dma_wait3A_299 = tpu.memref_slice %dma_wait3A_297[%add3A_230, %dma_wait3A_298] : memref<10000x64xf32, #tpu.memory_space<hbm>> -> memref<125x64xf32, #tpu.memory_space<hbm>>
      %dma_wait3A_300 = arith.constant 0 : i32
      %dma_wait3A_301 = arith.constant 0 : i32
      %dma_wait3A_302 = tpu.memref_slice %arg13[%run_scoped3A_232, %dma_wait3A_300, %dma_wait3A_301] : memref<2x400x64xf32, #tpu.memory_space<vmem>> -> memref<1x400x64xf32, #tpu.memory_space<vmem>>
      %dma_wait3A_303 = tpu.memref_squeeze %dma_wait3A_302 : memref<1x400x64xf32, #tpu.memory_space<vmem>> -> memref<400x64xf32, #tpu.memory_space<vmem>>
      %dma_wait3A_304 = arith.constant 0 : i32
      %dma_wait3A_305 = arith.constant 0 : i32
      %dma_wait3A_306 = tpu.memref_slice %dma_wait3A_303[%dma_wait3A_304, %dma_wait3A_305] : memref<400x64xf32, #tpu.memory_space<vmem>> -> memref<125x64xf32, #tpu.memory_space<vmem>>
      tpu.wait_dma2 semaphore(%run_scoped3A_255 : memref<!tpu.dma_semaphore, #tpu.memory_space<semaphore_mem>>) src(%dma_wait3A_306 : memref<125x64xf32, #tpu.memory_space<vmem>>) dst(%dma_wait3A_299 : memref<125x64xf32, #tpu.memory_space<hbm>>)
      tpu.yield
    }) : () -> ()
    %mul3A_233 = arith.constant 625 : i32
    %mul3A_234 = arith.muli %arg1, %mul3A_233 : i32
    %add3A_235 = arith.constant 500 : i32
    %add3A_236 = arith.addi %mul3A_234, %add3A_235 : i32
    %run_scoped3A_237 = arith.constant 0 : i32
    "tpu.region"() ({
      %run_scoped3A_255 = tpu.sem_alloc : memref<!tpu.dma_semaphore, #tpu.memory_space<semaphore_mem>>
      %dma_start3A_256 = arith.constant 0 : i32
      %dma_start3A_257 = arith.constant 0 : i32
      %dma_start3A_258 = tpu.memref_slice %arg13[%run_scoped3A_237, %dma_start3A_256, %dma_start3A_257] : memref<2x400x64xf32, #tpu.memory_space<vmem>> -> memref<1x400x64xf32, #tpu.memory_space<vmem>>
      %dma_start3A_259 = tpu.memref_squeeze %dma_start3A_258 : memref<1x400x64xf32, #tpu.memory_space<vmem>> -> memref<400x64xf32, #tpu.memory_space<vmem>>
      %dma_start3A_260 = arith.constant 0 : i32
      %dma_start3A_261 = arith.constant 0 : i32
      %dma_start3A_262 = tpu.memref_slice %dma_start3A_259[%dma_start3A_260, %dma_start3A_261] : memref<400x64xf32, #tpu.memory_space<vmem>> -> memref<125x64xf32, #tpu.memory_space<vmem>>
      %dma_start3A_263 = arith.constant 0 : i32
      %dma_start3A_264 = tpu.memref_slice %arg16[%add3A_236, %dma_start3A_263] : memref<10000x64xf32, #tpu.memory_space<vmem_shared>> -> memref<125x64xf32, #tpu.memory_space<vmem_shared>>
      %dma_start3A_265 = arith.constant 0 : i32
      %dma_start3A_266 = arith.constant 0 : i32
      %dma_start3A_267 = tpu.memref_slice %arg13[%run_scoped3A_237, %dma_start3A_265, %dma_start3A_266] : memref<2x400x64xf32, #tpu.memory_space<vmem>> -> memref<1x400x64xf32, #tpu.memory_space<vmem>>
      %dma_start3A_268 = tpu.memref_squeeze %dma_start3A_267 : memref<1x400x64xf32, #tpu.memory_space<vmem>> -> memref<400x64xf32, #tpu.memory_space<vmem>>
      %dma_start3A_269 = arith.constant 0 : i32
      %dma_start3A_270 = arith.constant 0 : i32
      %dma_start3A_271 = tpu.memref_slice %dma_start3A_268[%dma_start3A_269, %dma_start3A_270] : memref<400x64xf32, #tpu.memory_space<vmem>> -> memref<125x64xf32, #tpu.memory_space<vmem>>
      %dma_start3A_272 = arith.constant 0 : i32
      %dma_start3A_273 = tpu.memref_slice %arg16[%add3A_236, %dma_start3A_272] : memref<10000x64xf32, #tpu.memory_space<vmem_shared>> -> memref<125x64xf32, #tpu.memory_space<vmem_shared>>
      tpu.enqueue_dma source(%dma_start3A_273 : memref<125x64xf32, #tpu.memory_space<vmem_shared>>) target(%dma_start3A_271 : memref<125x64xf32, #tpu.memory_space<vmem>>) target_semaphore(%run_scoped3A_255 : memref<!tpu.dma_semaphore, #tpu.memory_space<semaphore_mem>>)
      %dma_wait3A = arith.constant 0 : i32
      %dma_wait3A_274 = arith.constant 0 : i32
      %dma_wait3A_275 = tpu.memref_slice %arg13[%run_scoped3A_237, %dma_wait3A, %dma_wait3A_274] : memref<2x400x64xf32, #tpu.memory_space<vmem>> -> memref<1x400x64xf32, #tpu.memory_space<vmem>>
      %dma_wait3A_276 = tpu.memref_squeeze %dma_wait3A_275 : memref<1x400x64xf32, #tpu.memory_space<vmem>> -> memref<400x64xf32, #tpu.memory_space<vmem>>
      %dma_wait3A_277 = arith.constant 0 : i32
      %dma_wait3A_278 = arith.constant 0 : i32
      %dma_wait3A_279 = tpu.memref_slice %dma_wait3A_276[%dma_wait3A_277, %dma_wait3A_278] : memref<400x64xf32, #tpu.memory_space<vmem>> -> memref<125x64xf32, #tpu.memory_space<vmem>>
      %dma_wait3A_280 = arith.constant 0 : i32
      %dma_wait3A_281 = tpu.memref_slice %arg16[%add3A_236, %dma_wait3A_280] : memref<10000x64xf32, #tpu.memory_space<vmem_shared>> -> memref<125x64xf32, #tpu.memory_space<vmem_shared>>
      %dma_wait3A_282 = arith.constant 0 : i32
      %dma_wait3A_283 = arith.constant 0 : i32
      %dma_wait3A_284 = tpu.memref_slice %arg13[%run_scoped3A_237, %dma_wait3A_282, %dma_wait3A_283] : memref<2x400x64xf32, #tpu.memory_space<vmem>> -> memref<1x400x64xf32, #tpu.memory_space<vmem>>
      %dma_wait3A_285 = tpu.memref_squeeze %dma_wait3A_284 : memref<1x400x64xf32, #tpu.memory_space<vmem>> -> memref<400x64xf32, #tpu.memory_space<vmem>>
      %dma_wait3A_286 = arith.constant 0 : i32
      %dma_wait3A_287 = arith.constant 0 : i32
      %dma_wait3A_288 = tpu.memref_slice %dma_wait3A_285[%dma_wait3A_286, %dma_wait3A_287] : memref<400x64xf32, #tpu.memory_space<vmem>> -> memref<125x64xf32, #tpu.memory_space<vmem>>
      %dma_wait3A_289 = arith.constant 0 : i32
      %dma_wait3A_290 = tpu.memref_slice %arg16[%add3A_236, %dma_wait3A_289] : memref<10000x64xf32, #tpu.memory_space<vmem_shared>> -> memref<125x64xf32, #tpu.memory_space<vmem_shared>>
      tpu.wait_dma2 semaphore(%run_scoped3A_255 : memref<!tpu.dma_semaphore, #tpu.memory_space<semaphore_mem>>) src(%dma_wait3A_290 : memref<125x64xf32, #tpu.memory_space<vmem_shared>>) dst(%dma_wait3A_288 : memref<125x64xf32, #tpu.memory_space<vmem>>)
      tpu.yield
    }) : () -> ()
    %run_scoped3A_238 = arith.constant 0 : i32
    "tpu.region"() ({
      %run_scoped3A_255 = tpu.sem_alloc : memref<!tpu.dma_semaphore, #tpu.memory_space<semaphore_mem>>
      %dma_start3A_256 = arith.constant 0 : i32
      %dma_start3A_257 = arith.constant 0 : i32
      %dma_start3A_258 = tpu.memref_slice %arg13[%run_scoped3A_238, %dma_start3A_256, %dma_start3A_257] : memref<2x400x64xf32, #tpu.memory_space<vmem>> -> memref<1x400x64xf32, #tpu.memory_space<vmem>>
      %dma_start3A_259 = tpu.memref_squeeze %dma_start3A_258 : memref<1x400x64xf32, #tpu.memory_space<vmem>> -> memref<400x64xf32, #tpu.memory_space<vmem>>
      %dma_start3A_260 = arith.constant 0 : i32
      %dma_start3A_261 = arith.constant 0 : i32
      %dma_start3A_262 = tpu.memref_slice %dma_start3A_259[%dma_start3A_260, %dma_start3A_261] : memref<400x64xf32, #tpu.memory_space<vmem>> -> memref<125x64xf32, #tpu.memory_space<vmem>>
      %dma_start3A_263 = arith.constant 0 : i32
      %dma_start3A_264 = arith.constant 0 : i32
      %dma_start3A_265 = tpu.memref_slice %arg6[%arg0, %dma_start3A_263, %dma_start3A_264] : memref<2x10000x64xf32, #tpu.memory_space<hbm>> -> memref<1x10000x64xf32, #tpu.memory_space<hbm>>
      %dma_start3A_266 = tpu.memref_squeeze %dma_start3A_265 : memref<1x10000x64xf32, #tpu.memory_space<hbm>> -> memref<10000x64xf32, #tpu.memory_space<hbm>>
      %dma_start3A_267 = arith.constant 0 : i32
      %dma_start3A_268 = tpu.memref_slice %dma_start3A_266[%add3A_236, %dma_start3A_267] : memref<10000x64xf32, #tpu.memory_space<hbm>> -> memref<125x64xf32, #tpu.memory_space<hbm>>
      %dma_start3A_269 = arith.constant 0 : i32
      %dma_start3A_270 = arith.constant 0 : i32
      %dma_start3A_271 = tpu.memref_slice %arg6[%arg0, %dma_start3A_269, %dma_start3A_270] : memref<2x10000x64xf32, #tpu.memory_space<hbm>> -> memref<1x10000x64xf32, #tpu.memory_space<hbm>>
      %dma_start3A_272 = tpu.memref_squeeze %dma_start3A_271 : memref<1x10000x64xf32, #tpu.memory_space<hbm>> -> memref<10000x64xf32, #tpu.memory_space<hbm>>
      %dma_start3A_273 = arith.constant 0 : i32
      %dma_start3A_274 = tpu.memref_slice %dma_start3A_272[%add3A_236, %dma_start3A_273] : memref<10000x64xf32, #tpu.memory_space<hbm>> -> memref<125x64xf32, #tpu.memory_space<hbm>>
      %dma_start3A_275 = arith.constant 0 : i32
      %dma_start3A_276 = arith.constant 0 : i32
      %dma_start3A_277 = tpu.memref_slice %arg13[%run_scoped3A_238, %dma_start3A_275, %dma_start3A_276] : memref<2x400x64xf32, #tpu.memory_space<vmem>> -> memref<1x400x64xf32, #tpu.memory_space<vmem>>
      %dma_start3A_278 = tpu.memref_squeeze %dma_start3A_277 : memref<1x400x64xf32, #tpu.memory_space<vmem>> -> memref<400x64xf32, #tpu.memory_space<vmem>>
      %dma_start3A_279 = arith.constant 0 : i32
      %dma_start3A_280 = arith.constant 0 : i32
      %dma_start3A_281 = tpu.memref_slice %dma_start3A_278[%dma_start3A_279, %dma_start3A_280] : memref<400x64xf32, #tpu.memory_space<vmem>> -> memref<125x64xf32, #tpu.memory_space<vmem>>
      tpu.enqueue_dma source(%dma_start3A_281 : memref<125x64xf32, #tpu.memory_space<vmem>>) target(%dma_start3A_274 : memref<125x64xf32, #tpu.memory_space<hbm>>) target_semaphore(%run_scoped3A_255 : memref<!tpu.dma_semaphore, #tpu.memory_space<semaphore_mem>>)
      %dma_wait3A = arith.constant 0 : i32
      %dma_wait3A_282 = arith.constant 0 : i32
      %dma_wait3A_283 = tpu.memref_slice %arg13[%run_scoped3A_238, %dma_wait3A, %dma_wait3A_282] : memref<2x400x64xf32, #tpu.memory_space<vmem>> -> memref<1x400x64xf32, #tpu.memory_space<vmem>>
      %dma_wait3A_284 = tpu.memref_squeeze %dma_wait3A_283 : memref<1x400x64xf32, #tpu.memory_space<vmem>> -> memref<400x64xf32, #tpu.memory_space<vmem>>
      %dma_wait3A_285 = arith.constant 0 : i32
      %dma_wait3A_286 = arith.constant 0 : i32
      %dma_wait3A_287 = tpu.memref_slice %dma_wait3A_284[%dma_wait3A_285, %dma_wait3A_286] : memref<400x64xf32, #tpu.memory_space<vmem>> -> memref<125x64xf32, #tpu.memory_space<vmem>>
      %dma_wait3A_288 = arith.constant 0 : i32
      %dma_wait3A_289 = arith.constant 0 : i32
      %dma_wait3A_290 = tpu.memref_slice %arg6[%arg0, %dma_wait3A_288, %dma_wait3A_289] : memref<2x10000x64xf32, #tpu.memory_space<hbm>> -> memref<1x10000x64xf32, #tpu.memory_space<hbm>>
      %dma_wait3A_291 = tpu.memref_squeeze %dma_wait3A_290 : memref<1x10000x64xf32, #tpu.memory_space<hbm>> -> memref<10000x64xf32, #tpu.memory_space<hbm>>
      %dma_wait3A_292 = arith.constant 0 : i32
      %dma_wait3A_293 = tpu.memref_slice %dma_wait3A_291[%add3A_236, %dma_wait3A_292] : memref<10000x64xf32, #tpu.memory_space<hbm>> -> memref<125x64xf32, #tpu.memory_space<hbm>>
      %dma_wait3A_294 = arith.constant 0 : i32
      %dma_wait3A_295 = arith.constant 0 : i32
      %dma_wait3A_296 = tpu.memref_slice %arg6[%arg0, %dma_wait3A_294, %dma_wait3A_295] : memref<2x10000x64xf32, #tpu.memory_space<hbm>> -> memref<1x10000x64xf32, #tpu.memory_space<hbm>>
      %dma_wait3A_297 = tpu.memref_squeeze %dma_wait3A_296 : memref<1x10000x64xf32, #tpu.memory_space<hbm>> -> memref<10000x64xf32, #tpu.memory_space<hbm>>
      %dma_wait3A_298 = arith.constant 0 : i32
      %dma_wait3A_299 = tpu.memref_slice %dma_wait3A_297[%add3A_236, %dma_wait3A_298] : memref<10000x64xf32, #tpu.memory_space<hbm>> -> memref<125x64xf32, #tpu.memory_space<hbm>>
      %dma_wait3A_300 = arith.constant 0 : i32
      %dma_wait3A_301 = arith.constant 0 : i32
      %dma_wait3A_302 = tpu.memref_slice %arg13[%run_scoped3A_238, %dma_wait3A_300, %dma_wait3A_301] : memref<2x400x64xf32, #tpu.memory_space<vmem>> -> memref<1x400x64xf32, #tpu.memory_space<vmem>>
      %dma_wait3A_303 = tpu.memref_squeeze %dma_wait3A_302 : memref<1x400x64xf32, #tpu.memory_space<vmem>> -> memref<400x64xf32, #tpu.memory_space<vmem>>
      %dma_wait3A_304 = arith.constant 0 : i32
      %dma_wait3A_305 = arith.constant 0 : i32
      %dma_wait3A_306 = tpu.memref_slice %dma_wait3A_303[%dma_wait3A_304, %dma_wait3A_305] : memref<400x64xf32, #tpu.memory_space<vmem>> -> memref<125x64xf32, #tpu.memory_space<vmem>>
      tpu.wait_dma2 semaphore(%run_scoped3A_255 : memref<!tpu.dma_semaphore, #tpu.memory_space<semaphore_mem>>) src(%dma_wait3A_306 : memref<125x64xf32, #tpu.memory_space<vmem>>) dst(%dma_wait3A_299 : memref<125x64xf32, #tpu.memory_space<hbm>>)
      tpu.yield
    }) : () -> ()
    %mul3A_239 = arith.constant 640 : i32
    %mul3A_240 = arith.muli %arg1, %mul3A_239 : i32
    %run_scoped3A_241 = arith.constant 0 : i32
    "tpu.region"() ({
      %run_scoped3A_255 = tpu.sem_alloc : memref<!tpu.dma_semaphore, #tpu.memory_space<semaphore_mem>>
      %dma_start3A_256 = arith.constant 0 : i32
      %dma_start3A_257 = tpu.memref_slice %arg12[%run_scoped3A_241, %dma_start3A_256] : memref<2x400xf32, #tpu.memory_space<vmem>> -> memref<1x400xf32, #tpu.memory_space<vmem>>
      %dma_start3A_258 = tpu.memref_squeeze %dma_start3A_257 : memref<1x400xf32, #tpu.memory_space<vmem>> -> memref<400xf32, #tpu.memory_space<vmem>>
      %dma_start3A_259 = tpu.memref_slice %arg17[%mul3A_240] : memref<10240xf32, #tpu.memory_space<vmem_shared>> -> memref<400xf32, #tpu.memory_space<vmem_shared>>
      %dma_start3A_260 = arith.constant 0 : i32
      %dma_start3A_261 = tpu.memref_slice %arg12[%run_scoped3A_241, %dma_start3A_260] : memref<2x400xf32, #tpu.memory_space<vmem>> -> memref<1x400xf32, #tpu.memory_space<vmem>>
      %dma_start3A_262 = tpu.memref_squeeze %dma_start3A_261 : memref<1x400xf32, #tpu.memory_space<vmem>> -> memref<400xf32, #tpu.memory_space<vmem>>
      %dma_start3A_263 = tpu.memref_slice %arg17[%mul3A_240] : memref<10240xf32, #tpu.memory_space<vmem_shared>> -> memref<400xf32, #tpu.memory_space<vmem_shared>>
      tpu.enqueue_dma source(%dma_start3A_263 : memref<400xf32, #tpu.memory_space<vmem_shared>>) target(%dma_start3A_262 : memref<400xf32, #tpu.memory_space<vmem>>) target_semaphore(%run_scoped3A_255 : memref<!tpu.dma_semaphore, #tpu.memory_space<semaphore_mem>>)
      %dma_wait3A = arith.constant 0 : i32
      %dma_wait3A_264 = tpu.memref_slice %arg12[%run_scoped3A_241, %dma_wait3A] : memref<2x400xf32, #tpu.memory_space<vmem>> -> memref<1x400xf32, #tpu.memory_space<vmem>>
      %dma_wait3A_265 = tpu.memref_squeeze %dma_wait3A_264 : memref<1x400xf32, #tpu.memory_space<vmem>> -> memref<400xf32, #tpu.memory_space<vmem>>
      %dma_wait3A_266 = tpu.memref_slice %arg17[%mul3A_240] : memref<10240xf32, #tpu.memory_space<vmem_shared>> -> memref<400xf32, #tpu.memory_space<vmem_shared>>
      %dma_wait3A_267 = arith.constant 0 : i32
      %dma_wait3A_268 = tpu.memref_slice %arg12[%run_scoped3A_241, %dma_wait3A_267] : memref<2x400xf32, #tpu.memory_space<vmem>> -> memref<1x400xf32, #tpu.memory_space<vmem>>
      %dma_wait3A_269 = tpu.memref_squeeze %dma_wait3A_268 : memref<1x400xf32, #tpu.memory_space<vmem>> -> memref<400xf32, #tpu.memory_space<vmem>>
      %dma_wait3A_270 = tpu.memref_slice %arg17[%mul3A_240] : memref<10240xf32, #tpu.memory_space<vmem_shared>> -> memref<400xf32, #tpu.memory_space<vmem_shared>>
      tpu.wait_dma2 semaphore(%run_scoped3A_255 : memref<!tpu.dma_semaphore, #tpu.memory_space<semaphore_mem>>) src(%dma_wait3A_270 : memref<400xf32, #tpu.memory_space<vmem_shared>>) dst(%dma_wait3A_269 : memref<400xf32, #tpu.memory_space<vmem>>)
      tpu.yield
    }) : () -> ()
    %mul3A_242 = arith.constant 640 : i32
    %mul3A_243 = arith.muli %arg1, %mul3A_242 : i32
    %run_scoped3A_244 = arith.constant 0 : i32
    "tpu.region"() ({
      %run_scoped3A_255 = tpu.sem_alloc : memref<!tpu.dma_semaphore, #tpu.memory_space<semaphore_mem>>
      %dma_start3A_256 = arith.constant 0 : i32
      %dma_start3A_257 = tpu.memref_slice %arg12[%run_scoped3A_244, %dma_start3A_256] : memref<2x400xf32, #tpu.memory_space<vmem>> -> memref<1x400xf32, #tpu.memory_space<vmem>>
      %dma_start3A_258 = tpu.memref_squeeze %dma_start3A_257 : memref<1x400xf32, #tpu.memory_space<vmem>> -> memref<400xf32, #tpu.memory_space<vmem>>
      %dma_start3A_259 = arith.constant 0 : i32
      %dma_start3A_260 = tpu.memref_slice %arg7[%arg0, %dma_start3A_259] : memref<2x10240xf32, #tpu.memory_space<hbm>> -> memref<1x10240xf32, #tpu.memory_space<hbm>>
      %dma_start3A_261 = tpu.memref_squeeze %dma_start3A_260 : memref<1x10240xf32, #tpu.memory_space<hbm>> -> memref<10240xf32, #tpu.memory_space<hbm>>
      %dma_start3A_262 = tpu.memref_slice %dma_start3A_261[%mul3A_243] : memref<10240xf32, #tpu.memory_space<hbm>> -> memref<400xf32, #tpu.memory_space<hbm>>
      %dma_start3A_263 = arith.constant 0 : i32
      %dma_start3A_264 = tpu.memref_slice %arg7[%arg0, %dma_start3A_263] : memref<2x10240xf32, #tpu.memory_space<hbm>> -> memref<1x10240xf32, #tpu.memory_space<hbm>>
      %dma_start3A_265 = tpu.memref_squeeze %dma_start3A_264 : memref<1x10240xf32, #tpu.memory_space<hbm>> -> memref<10240xf32, #tpu.memory_space<hbm>>
      %dma_start3A_266 = tpu.memref_slice %dma_start3A_265[%mul3A_243] : memref<10240xf32, #tpu.memory_space<hbm>> -> memref<400xf32, #tpu.memory_space<hbm>>
      %dma_start3A_267 = arith.constant 0 : i32
      %dma_start3A_268 = tpu.memref_slice %arg12[%run_scoped3A_244, %dma_start3A_267] : memref<2x400xf32, #tpu.memory_space<vmem>> -> memref<1x400xf32, #tpu.memory_space<vmem>>
      %dma_start3A_269 = tpu.memref_squeeze %dma_start3A_268 : memref<1x400xf32, #tpu.memory_space<vmem>> -> memref<400xf32, #tpu.memory_space<vmem>>
      tpu.enqueue_dma source(%dma_start3A_269 : memref<400xf32, #tpu.memory_space<vmem>>) target(%dma_start3A_266 : memref<400xf32, #tpu.memory_space<hbm>>) target_semaphore(%run_scoped3A_255 : memref<!tpu.dma_semaphore, #tpu.memory_space<semaphore_mem>>)
      %dma_wait3A = arith.constant 0 : i32
      %dma_wait3A_270 = tpu.memref_slice %arg12[%run_scoped3A_244, %dma_wait3A] : memref<2x400xf32, #tpu.memory_space<vmem>> -> memref<1x400xf32, #tpu.memory_space<vmem>>
      %dma_wait3A_271 = tpu.memref_squeeze %dma_wait3A_270 : memref<1x400xf32, #tpu.memory_space<vmem>> -> memref<400xf32, #tpu.memory_space<vmem>>
      %dma_wait3A_272 = arith.constant 0 : i32
      %dma_wait3A_273 = tpu.memref_slice %arg7[%arg0, %dma_wait3A_272] : memref<2x10240xf32, #tpu.memory_space<hbm>> -> memref<1x10240xf32, #tpu.memory_space<hbm>>
      %dma_wait3A_274 = tpu.memref_squeeze %dma_wait3A_273 : memref<1x10240xf32, #tpu.memory_space<hbm>> -> memref<10240xf32, #tpu.memory_space<hbm>>
      %dma_wait3A_275 = tpu.memref_slice %dma_wait3A_274[%mul3A_243] : memref<10240xf32, #tpu.memory_space<hbm>> -> memref<400xf32, #tpu.memory_space<hbm>>
      %dma_wait3A_276 = arith.constant 0 : i32
      %dma_wait3A_277 = tpu.memref_slice %arg7[%arg0, %dma_wait3A_276] : memref<2x10240xf32, #tpu.memory_space<hbm>> -> memref<1x10240xf32, #tpu.memory_space<hbm>>
      %dma_wait3A_278 = tpu.memref_squeeze %dma_wait3A_277 : memref<1x10240xf32, #tpu.memory_space<hbm>> -> memref<10240xf32, #tpu.memory_space<hbm>>
      %dma_wait3A_279 = tpu.memref_slice %dma_wait3A_278[%mul3A_243] : memref<10240xf32, #tpu.memory_space<hbm>> -> memref<400xf32, #tpu.memory_space<hbm>>
      %dma_wait3A_280 = arith.constant 0 : i32
      %dma_wait3A_281 = tpu.memref_slice %arg12[%run_scoped3A_244, %dma_wait3A_280] : memref<2x400xf32, #tpu.memory_space<vmem>> -> memref<1x400xf32, #tpu.memory_space<vmem>>
      %dma_wait3A_282 = tpu.memref_squeeze %dma_wait3A_281 : memref<1x400xf32, #tpu.memory_space<vmem>> -> memref<400xf32, #tpu.memory_space<vmem>>
      tpu.wait_dma2 semaphore(%run_scoped3A_255 : memref<!tpu.dma_semaphore, #tpu.memory_space<semaphore_mem>>) src(%dma_wait3A_282 : memref<400xf32, #tpu.memory_space<vmem>>) dst(%dma_wait3A_279 : memref<400xf32, #tpu.memory_space<hbm>>)
      tpu.yield
    }) : () -> ()
    %mul3A_245 = arith.constant 640 : i32
    %mul3A_246 = arith.muli %arg1, %mul3A_245 : i32
    %add3A_247 = arith.constant 400 : i32
    %add3A_248 = arith.addi %mul3A_246, %add3A_247 : i32
    %run_scoped3A_249 = arith.constant 0 : i32
    "tpu.region"() ({
      %run_scoped3A_255 = tpu.sem_alloc : memref<!tpu.dma_semaphore, #tpu.memory_space<semaphore_mem>>
      %dma_start3A_256 = arith.constant 0 : i32
      %dma_start3A_257 = tpu.memref_slice %arg12[%run_scoped3A_249, %dma_start3A_256] : memref<2x400xf32, #tpu.memory_space<vmem>> -> memref<1x400xf32, #tpu.memory_space<vmem>>
      %dma_start3A_258 = tpu.memref_squeeze %dma_start3A_257 : memref<1x400xf32, #tpu.memory_space<vmem>> -> memref<400xf32, #tpu.memory_space<vmem>>
      %dma_start3A_259 = arith.constant 0 : i32
      %dma_start3A_260 = tpu.memref_slice %dma_start3A_258[%dma_start3A_259] : memref<400xf32, #tpu.memory_space<vmem>> -> memref<240xf32, #tpu.memory_space<vmem>>
      %dma_start3A_261 = tpu.memref_slice %arg17[%add3A_248] : memref<10240xf32, #tpu.memory_space<vmem_shared>> -> memref<240xf32, #tpu.memory_space<vmem_shared>>
      %dma_start3A_262 = arith.constant 0 : i32
      %dma_start3A_263 = tpu.memref_slice %arg12[%run_scoped3A_249, %dma_start3A_262] : memref<2x400xf32, #tpu.memory_space<vmem>> -> memref<1x400xf32, #tpu.memory_space<vmem>>
      %dma_start3A_264 = tpu.memref_squeeze %dma_start3A_263 : memref<1x400xf32, #tpu.memory_space<vmem>> -> memref<400xf32, #tpu.memory_space<vmem>>
      %dma_start3A_265 = arith.constant 0 : i32
      %dma_start3A_266 = tpu.memref_slice %dma_start3A_264[%dma_start3A_265] : memref<400xf32, #tpu.memory_space<vmem>> -> memref<240xf32, #tpu.memory_space<vmem>>
      %dma_start3A_267 = tpu.memref_slice %arg17[%add3A_248] : memref<10240xf32, #tpu.memory_space<vmem_shared>> -> memref<240xf32, #tpu.memory_space<vmem_shared>>
      tpu.enqueue_dma source(%dma_start3A_267 : memref<240xf32, #tpu.memory_space<vmem_shared>>) target(%dma_start3A_266 : memref<240xf32, #tpu.memory_space<vmem>>) target_semaphore(%run_scoped3A_255 : memref<!tpu.dma_semaphore, #tpu.memory_space<semaphore_mem>>)
      %dma_wait3A = arith.constant 0 : i32
      %dma_wait3A_268 = tpu.memref_slice %arg12[%run_scoped3A_249, %dma_wait3A] : memref<2x400xf32, #tpu.memory_space<vmem>> -> memref<1x400xf32, #tpu.memory_space<vmem>>
      %dma_wait3A_269 = tpu.memref_squeeze %dma_wait3A_268 : memref<1x400xf32, #tpu.memory_space<vmem>> -> memref<400xf32, #tpu.memory_space<vmem>>
      %dma_wait3A_270 = arith.constant 0 : i32
      %dma_wait3A_271 = tpu.memref_slice %dma_wait3A_269[%dma_wait3A_270] : memref<400xf32, #tpu.memory_space<vmem>> -> memref<240xf32, #tpu.memory_space<vmem>>
      %dma_wait3A_272 = tpu.memref_slice %arg17[%add3A_248] : memref<10240xf32, #tpu.memory_space<vmem_shared>> -> memref<240xf32, #tpu.memory_space<vmem_shared>>
      %dma_wait3A_273 = arith.constant 0 : i32
      %dma_wait3A_274 = tpu.memref_slice %arg12[%run_scoped3A_249, %dma_wait3A_273] : memref<2x400xf32, #tpu.memory_space<vmem>> -> memref<1x400xf32, #tpu.memory_space<vmem>>
      %dma_wait3A_275 = tpu.memref_squeeze %dma_wait3A_274 : memref<1x400xf32, #tpu.memory_space<vmem>> -> memref<400xf32, #tpu.memory_space<vmem>>
      %dma_wait3A_276 = arith.constant 0 : i32
      %dma_wait3A_277 = tpu.memref_slice %dma_wait3A_275[%dma_wait3A_276] : memref<400xf32, #tpu.memory_space<vmem>> -> memref<240xf32, #tpu.memory_space<vmem>>
      %dma_wait3A_278 = tpu.memref_slice %arg17[%add3A_248] : memref<10240xf32, #tpu.memory_space<vmem_shared>> -> memref<240xf32, #tpu.memory_space<vmem_shared>>
      tpu.wait_dma2 semaphore(%run_scoped3A_255 : memref<!tpu.dma_semaphore, #tpu.memory_space<semaphore_mem>>) src(%dma_wait3A_278 : memref<240xf32, #tpu.memory_space<vmem_shared>>) dst(%dma_wait3A_277 : memref<240xf32, #tpu.memory_space<vmem>>)
      tpu.yield
    }) : () -> ()
    %mul3A_250 = arith.constant 640 : i32
    %mul3A_251 = arith.muli %arg1, %mul3A_250 : i32
    %add3A_252 = arith.constant 400 : i32
    %add3A_253 = arith.addi %mul3A_251, %add3A_252 : i32
    %run_scoped3A_254 = arith.constant 0 : i32
    "tpu.region"() ({
      %run_scoped3A_255 = tpu.sem_alloc : memref<!tpu.dma_semaphore, #tpu.memory_space<semaphore_mem>>
      %dma_start3A_256 = arith.constant 0 : i32
      %dma_start3A_257 = tpu.memref_slice %arg12[%run_scoped3A_254, %dma_start3A_256] : memref<2x400xf32, #tpu.memory_space<vmem>> -> memref<1x400xf32, #tpu.memory_space<vmem>>
      %dma_start3A_258 = tpu.memref_squeeze %dma_start3A_257 : memref<1x400xf32, #tpu.memory_space<vmem>> -> memref<400xf32, #tpu.memory_space<vmem>>
      %dma_start3A_259 = arith.constant 0 : i32
      %dma_start3A_260 = tpu.memref_slice %dma_start3A_258[%dma_start3A_259] : memref<400xf32, #tpu.memory_space<vmem>> -> memref<240xf32, #tpu.memory_space<vmem>>
      %dma_start3A_261 = arith.constant 0 : i32
      %dma_start3A_262 = tpu.memref_slice %arg7[%arg0, %dma_start3A_261] : memref<2x10240xf32, #tpu.memory_space<hbm>> -> memref<1x10240xf32, #tpu.memory_space<hbm>>
      %dma_start3A_263 = tpu.memref_squeeze %dma_start3A_262 : memref<1x10240xf32, #tpu.memory_space<hbm>> -> memref<10240xf32, #tpu.memory_space<hbm>>
      %dma_start3A_264 = tpu.memref_slice %dma_start3A_263[%add3A_253] : memref<10240xf32, #tpu.memory_space<hbm>> -> memref<240xf32, #tpu.memory_space<hbm>>
      %dma_start3A_265 = arith.constant 0 : i32
      %dma_start3A_266 = tpu.memref_slice %arg7[%arg0, %dma_start3A_265] : memref<2x10240xf32, #tpu.memory_space<hbm>> -> memref<1x10240xf32, #tpu.memory_space<hbm>>
      %dma_start3A_267 = tpu.memref_squeeze %dma_start3A_266 : memref<1x10240xf32, #tpu.memory_space<hbm>> -> memref<10240xf32, #tpu.memory_space<hbm>>
      %dma_start3A_268 = tpu.memref_slice %dma_start3A_267[%add3A_253] : memref<10240xf32, #tpu.memory_space<hbm>> -> memref<240xf32, #tpu.memory_space<hbm>>
      %dma_start3A_269 = arith.constant 0 : i32
      %dma_start3A_270 = tpu.memref_slice %arg12[%run_scoped3A_254, %dma_start3A_269] : memref<2x400xf32, #tpu.memory_space<vmem>> -> memref<1x400xf32, #tpu.memory_space<vmem>>
      %dma_start3A_271 = tpu.memref_squeeze %dma_start3A_270 : memref<1x400xf32, #tpu.memory_space<vmem>> -> memref<400xf32, #tpu.memory_space<vmem>>
      %dma_start3A_272 = arith.constant 0 : i32
      %dma_start3A_273 = tpu.memref_slice %dma_start3A_271[%dma_start3A_272] : memref<400xf32, #tpu.memory_space<vmem>> -> memref<240xf32, #tpu.memory_space<vmem>>
      tpu.enqueue_dma source(%dma_start3A_273 : memref<240xf32, #tpu.memory_space<vmem>>) target(%dma_start3A_268 : memref<240xf32, #tpu.memory_space<hbm>>) target_semaphore(%run_scoped3A_255 : memref<!tpu.dma_semaphore, #tpu.memory_space<semaphore_mem>>)
      %dma_wait3A = arith.constant 0 : i32
      %dma_wait3A_274 = tpu.memref_slice %arg12[%run_scoped3A_254, %dma_wait3A] : memref<2x400xf32, #tpu.memory_space<vmem>> -> memref<1x400xf32, #tpu.memory_space<vmem>>
      %dma_wait3A_275 = tpu.memref_squeeze %dma_wait3A_274 : memref<1x400xf32, #tpu.memory_space<vmem>> -> memref<400xf32, #tpu.memory_space<vmem>>
      %dma_wait3A_276 = arith.constant 0 : i32
      %dma_wait3A_277 = tpu.memref_slice %dma_wait3A_275[%dma_wait3A_276] : memref<400xf32, #tpu.memory_space<vmem>> -> memref<240xf32, #tpu.memory_space<vmem>>
      %dma_wait3A_278 = arith.constant 0 : i32
      %dma_wait3A_279 = tpu.memref_slice %arg7[%arg0, %dma_wait3A_278] : memref<2x10240xf32, #tpu.memory_space<hbm>> -> memref<1x10240xf32, #tpu.memory_space<hbm>>
      %dma_wait3A_280 = tpu.memref_squeeze %dma_wait3A_279 : memref<1x10240xf32, #tpu.memory_space<hbm>> -> memref<10240xf32, #tpu.memory_space<hbm>>
      %dma_wait3A_281 = tpu.memref_slice %dma_wait3A_280[%add3A_253] : memref<10240xf32, #tpu.memory_space<hbm>> -> memref<240xf32, #tpu.memory_space<hbm>>
      %dma_wait3A_282 = arith.constant 0 : i32
      %dma_wait3A_283 = tpu.memref_slice %arg7[%arg0, %dma_wait3A_282] : memref<2x10240xf32, #tpu.memory_space<hbm>> -> memref<1x10240xf32, #tpu.memory_space<hbm>>
      %dma_wait3A_284 = tpu.memref_squeeze %dma_wait3A_283 : memref<1x10240xf32, #tpu.memory_space<hbm>> -> memref<10240xf32, #tpu.memory_space<hbm>>
      %dma_wait3A_285 = tpu.memref_slice %dma_wait3A_284[%add3A_253] : memref<10240xf32, #tpu.memory_space<hbm>> -> memref<240xf32, #tpu.memory_space<hbm>>
      %dma_wait3A_286 = arith.constant 0 : i32
      %dma_wait3A_287 = tpu.memref_slice %arg12[%run_scoped3A_254, %dma_wait3A_286] : memref<2x400xf32, #tpu.memory_space<vmem>> -> memref<1x400xf32, #tpu.memory_space<vmem>>
      %dma_wait3A_288 = tpu.memref_squeeze %dma_wait3A_287 : memref<1x400xf32, #tpu.memory_space<vmem>> -> memref<400xf32, #tpu.memory_space<vmem>>
      %dma_wait3A_289 = arith.constant 0 : i32
      %dma_wait3A_290 = tpu.memref_slice %dma_wait3A_288[%dma_wait3A_289] : memref<400xf32, #tpu.memory_space<vmem>> -> memref<240xf32, #tpu.memory_space<vmem>>
      tpu.wait_dma2 semaphore(%run_scoped3A_255 : memref<!tpu.dma_semaphore, #tpu.memory_space<semaphore_mem>>) src(%dma_wait3A_290 : memref<240xf32, #tpu.memory_space<vmem>>) dst(%dma_wait3A_285 : memref<240xf32, #tpu.memory_space<hbm>>)
      tpu.yield
    }) : () -> ()
    return
  }
}

module attributes {stable_mosaic.version = 14 : i64} {
  func.func @_embed_body(%arg0: memref<10000x128xf32, #tpu.memory_space<vmem>>, %arg1: memref<128x128xf32, #tpu.memory_space<vmem>>, %arg2: memref<2x128xf32, #tpu.memory_space<vmem>>, %arg3: memref<2x10000x64xf32, #tpu.memory_space<vmem>>, %arg4: memref<2x10000xf32, #tpu.memory_space<vmem>>) attributes {dimension_semantics = [], scalar_prefetch = 0 : i64, scratch_operands = 0 : i64, tpu.core_type = #tpu.core_type<tc>} {
    %get3A = arith.constant 0 : index
    %get3A_0 = arith.constant 0 : index
    %get3A_1 = vector.load %arg0[%get3A, %get3A_0] : memref<10000x128xf32, #tpu.memory_space<vmem>>, vector<10000x128xf32>
    %get3A_2 = arith.constant 0 : index
    %get3A_3 = arith.constant 0 : index
    %get3A_4 = vector.load %arg1[%get3A_2, %get3A_3] : memref<128x128xf32, #tpu.memory_space<vmem>>, vector<128x128xf32>
    %dot_general3A = arith.constant dense<0.000000e+00> : vector<10000x128xf32>
    %dot_general3A_5 = tpu.matmul %get3A_1, %get3A_4, %dot_general3A {dimension_numbers = #tpu.dot_dimension_numbers<[1], [0], [0], [1], [0, 0, 1, 1], [], []>, transpose_lhs_hint = false} : vector<10000x128xf32>, vector<128x128xf32>, vector<10000x128xf32> -> vector<10000x128xf32>
    %slice3A = vector.extract_strided_slice %dot_general3A_5 {offsets = [0, 0], sizes = [10000, 64], strides = [1, 1]} : vector<10000x128xf32> to vector<10000x64xf32>
    %swap3A = arith.constant 0 : index
    %swap3A_6 = arith.constant 0 : index
    %swap3A_7 = arith.constant 0 : index
    %swap3A_8 = vector.load %arg3[%swap3A, %swap3A_6, %swap3A_7] : memref<2x10000x64xf32, #tpu.memory_space<vmem>>, vector<1x10000x64xf32>
    %swap3A_9 = vector.shape_cast %swap3A_8 : vector<1x10000x64xf32> to vector<10000x64xf32>
    %swap3A_10 = vector.shape_cast %slice3A : vector<10000x64xf32> to vector<1x10000x64xf32>
    tpu.vector_store %arg3[%swap3A, %swap3A_6, %swap3A_7], %swap3A_10 {strides = array<i32>} : memref<2x10000x64xf32, #tpu.memory_space<vmem>>, vector<1x10000x64xf32>,
    %slice3A_11 = vector.extract_strided_slice %dot_general3A_5 {offsets = [0, 64], sizes = [10000, 64], strides = [1, 1]} : vector<10000x128xf32> to vector<10000x64xf32>
    %swap3A_12 = arith.constant 1 : index
    %swap3A_13 = arith.constant 0 : index
    %swap3A_14 = arith.constant 0 : index
    %swap3A_15 = vector.load %arg3[%swap3A_12, %swap3A_13, %swap3A_14] : memref<2x10000x64xf32, #tpu.memory_space<vmem>>, vector<1x10000x64xf32>
    %swap3A_16 = vector.shape_cast %swap3A_15 : vector<1x10000x64xf32> to vector<10000x64xf32>
    %swap3A_17 = vector.shape_cast %slice3A_11 : vector<10000x64xf32> to vector<1x10000x64xf32>
    tpu.vector_store %arg3[%swap3A_12, %swap3A_13, %swap3A_14], %swap3A_17 {strides = array<i32>} : memref<2x10000x64xf32, #tpu.memory_space<vmem>>, vector<1x10000x64xf32>,
    %get3A_18 = arith.constant 0 : index
    %get3A_19 = arith.constant 0 : index
    %get3A_20 = vector.load %arg2[%get3A_18, %get3A_19] : memref<2x128xf32, #tpu.memory_space<vmem>>, vector<2x128xf32>
    %dot_general3A_21 = arith.constant dense<0.000000e+00> : vector<2x10000xf32>
    %dot_general3A_22 = tpu.matmul %get3A_20, %dot_general3A_5, %dot_general3A_21 {dimension_numbers = #tpu.dot_dimension_numbers<[1], [1], [0], [0], [0, 0, 1, 0], [], []>, transpose_lhs_hint = false} : vector<2x128xf32>, vector<10000x128xf32>, vector<2x10000xf32> -> vector<2x10000xf32>
    %swap3A_23 = arith.constant 0 : index
    %swap3A_24 = arith.constant 0 : index
    %swap3A_25 = vector.load %arg4[%swap3A_23, %swap3A_24] : memref<2x10000xf32, #tpu.memory_space<vmem>>, vector<2x10000xf32>
    tpu.vector_store %arg4[%swap3A_23, %swap3A_24], %dot_general3A_22 {strides = array<i32>} : memref<2x10000xf32, #tpu.memory_space<vmem>>, vector<2x10000xf32>,
    return
  }
}

module attributes {stable_mosaic.version = 14 : i64} {
  func.func @_combine_body(%arg0: memref<2x10000x64xf32, #tpu.memory_space<vmem>>, %arg1: memref<2x10240xf32, #tpu.memory_space<vmem>>, %arg2: memref<128xf32, #tpu.memory_space<vmem>>, %arg3: memref<10000x128xf32, #tpu.memory_space<vmem>>) attributes {dimension_semantics = [], scalar_prefetch = 0 : i64, scratch_operands = 0 : i64, tpu.core_type = #tpu.core_type<tc>} {
    %get3A = arith.constant 0 : index
    %get3A_0 = arith.constant 0 : index
    %get3A_1 = arith.constant 0 : index
    %get3A_2 = vector.load %arg0[%get3A, %get3A_0, %get3A_1] : memref<2x10000x64xf32, #tpu.memory_space<vmem>>, vector<2x10000x64xf32>
    %get3A_3 = arith.constant 0 : index
    %get3A_4 = arith.constant 0 : index
    %get3A_5 = vector.load %arg1[%get3A_3, %get3A_4] : memref<2x10240xf32, #tpu.memory_space<vmem>>, vector<1x10000xf32>
    %get3A_6 = vector.shape_cast %get3A_5 : vector<1x10000xf32> to vector<10000xf32>
    %broadcast_in_dim3A = vector.shape_cast %get3A_6 : vector<10000xf32> to vector<10000x1xf32>
    %add3A = arith.constant 1.000000e-16 : f32
    %add3A_7 = vector.broadcast %add3A : f32 to vector<10000x1xf32>
    %add3A_8 = arith.addf %broadcast_in_dim3A, %add3A_7 : vector<10000x1xf32>
    %slice3A = vector.extract_strided_slice %get3A_2 {offsets = [0, 0, 0], sizes = [1, 10000, 64], strides = [1, 1, 1]} : vector<2x10000x64xf32> to vector<1x10000x64xf32>
    %squeeze3A = vector.shape_cast %slice3A : vector<1x10000x64xf32> to vector<10000x64xf32>
    %div3A = vector.broadcast %add3A_8 : vector<10000x1xf32> to vector<10000x64xf32>
    %div3A_9 = arith.divf %squeeze3A, %div3A : vector<10000x64xf32>
    %slice3A_10 = vector.extract_strided_slice %get3A_2 {offsets = [1, 0, 0], sizes = [1, 10000, 64], strides = [1, 1, 1]} : vector<2x10000x64xf32> to vector<1x10000x64xf32>
    %squeeze3A_11 = vector.shape_cast %slice3A_10 : vector<1x10000x64xf32> to vector<10000x64xf32>
    %div3A_12 = vector.broadcast %add3A_8 : vector<10000x1xf32> to vector<10000x64xf32>
    %div3A_13 = arith.divf %squeeze3A_11, %div3A_12 : vector<10000x64xf32>
    %concatenate3A = tpu.concatenate %div3A_9, %div3A_13 in 1 : vector<10000x64xf32>, vector<10000x64xf32> -> vector<10000x128xf32>
    %get3A_14 = arith.constant 0 : index
    %get3A_15 = vector.load %arg2[%get3A_14] : memref<128xf32, #tpu.memory_space<vmem>>, vector<128xf32>
    %broadcast_in_dim3A_16 = vector.shape_cast %get3A_15 : vector<128xf32> to vector<1x128xf32>
    %add3A_17 = vector.broadcast %broadcast_in_dim3A_16 : vector<1x128xf32> to vector<10000x128xf32>
    %add3A_18 = arith.addf %concatenate3A, %add3A_17 : vector<10000x128xf32>
    %swap3A = arith.constant 0 : index
    %swap3A_19 = arith.constant 0 : index
    %swap3A_20 = vector.load %arg3[%swap3A, %swap3A_19] : memref<10000x128xf32, #tpu.memory_space<vmem>>, vector<10000x128xf32>
    tpu.vector_store %arg3[%swap3A, %swap3A_19], %add3A_18 {strides = array<i32>} : memref<10000x128xf32, #tpu.memory_space<vmem>>, vector<10000x128xf32>,
    return
  }
}

</mosaic_0001>

<sc_bundles>
// kernel: kernel.5.cloned.1.call-start
scs
__scs_entry_jumppad:
0x0: {  	(pc) =	sbr.rel $0x88, $3  }
0x1: {  	(tag) =	ssettag $0x0;
	lr =	simm.s32 $0x1  }
0x2: {  	[smem:$0x3F9B] =	sst lr;
	_ =	strace $0xD0000000  }
0x3: {  	_ = 	snop  }
0x4: {  	_ = 	snop  }
0x5: {  	_ = 	snop  }
0x6: {  	_ = 	snop  }
0x7: {  	_ = 	snop  }
__scs_overlays_trampoline_lowered:
0x8: {  	[smem:$0x3FAA] =	sst s0  }
0x9: {  	[smem:$0x3FAB] =	sst s1  }
0xa: {  	[smem:$0x3FAC] =	sst s2  }
0xb: {  	[smem:$0x3FAD] =	sst s3  }
0xc: {  	[smem:$0x3FAE] =	sst s4  }
0xd: {  	[smem:$0x3FAF] =	sst s5  }
0xe: {  	[smem:$0x3FB0] =	sst s6  }
0xf: {  	[smem:$0x3FB1] =	sst s7  }
0x10: {  	[smem:$0x3FB2] =	sst s8  }
0x11: {  	[smem:$0x3FB3] =	sst s9;
	s0 =	simm.s32 @!p0 $0x0  }
0x12: {  	s1 =	sld [smem:$0x3F99];
	s0 =	simm.s32 @p0 $0x1  }
0x13: {  	[smem:$0x3FB4] =	sst s0;
	s0 =	simm.s32 @!p1 $0x0  }
0x14: {  	s2 =	sld [smem:$0x3F98];
	s0 =	simm.s32 @p1 $0x1  }
0x15: {  	[smem:$0x3FB5] =	sst s0;
	s0 =	simm.s32 @!p2 $0x0  }
0x16: {  	s3 =	sld [smem:$0x3FDB];
	s0 =	simm.s32 @p2 $0x1  }
0x17: {  	s4 =	simm.s32 $0x1BF5;
	[smem:$0x3FB7] =	sst s0  }
0x18: {  	s0 =	sld [smem:$0x3F9A];
	_ =	swait.ge [sflag:s4], $0x0  }
0x19: {  	s7 =	sld [smem:$0x3F9B]  }
0x1a: {  	s8 =	sadd.s32 $0xFFFFE003, lr  }
0x1b: {  	s9 =	sadd.s32 $0xFFFFFEF7, lr;
	s5 =	simm.s32 $0xFFFFFFFF;
	p2 =	slt.u32 s8, $0xFFFFF086  }
0x1c: {  	p1 =	slt.u32 s9, $0xF7A;
	s5 =	simm.s32 @!p2 $0x0  }
0x1d: {  	s5 =	simm.s32 @p1 $0x1;
	p0 =	seq.s32 s7, s2  }
0x1e: {  	s7 =	smul.u32 @!p0 $0xF7A, s2;
	p2 =	seq.s32 @!p0 s5, $0x0  }
0x1f: {  	s9 =	smul.u32 $0xF7A, s1;
	s8 =	simm.s32 @!p0 $0x1BF5;
	p2 =	por !p2, p0  }
0x20: {  	[sflag:s8] =	ssyncset.s32 @!p0 $0xFFFFF086;
	s6 =	sadd.s32 @!p0 s3, s7;
	s7 =	simm.s32 @!p0 $0x108  }
0x21: {  	s3 =	sadd.s32 s3, s9;
	s6 =	sadd.s32 @!p0 $0x88, s6;
	s7 =	simm.s32 @p2 $0x1082  }
0x22: {  	[simem:s7], [sflag:s8] =	dma.local @!p0 [hbm:s6], $0xF7A  }
0x23: {  	s9 =	sor.u32 $0xD0000000, s2;
	s6 =	simm.s32 $0x108;
	_ =	swait.ge @!p0 [sflag:s8], $0x0  }
0x24: {  	s3 =	sadd.s32 $0x88, s3;
	s6 =	simm.s32 @!p1 $0x1082;
	[sflag:s4] =	ssyncset.s32 $0xFFFFF086  }
0x25: {  	[simem:s6], [sflag:s4] =	dma.local [hbm:s3], $0xF7A  }
0x26: {  	[smem:$0x3F9B] =	sst s1;
	(tag) =	ssettag s2;
	_ =	strace s9  }
0x27: {  	s1 =	sld [smem:$0x3FAB]  }
0x28: {  	s2 =	sld [smem:$0x3FAC]  }
0x29: {  	s4 =	sld [smem:$0x3FAE]  }
0x2a: {  	p0 =	seq.s32 s5, $0x0;
	s5 =	sld [smem:$0x3FAF]  }
0x2b: {  	s6 =	sld [smem:$0x3FB0]  }
0x2c: {  	s7 =	sld [smem:$0x3FB1]  }
0x2d: {  	s3 =	simm.s32 $0x108;
	s8 =	sld [smem:$0x3FB2]  }
0x2e: {  	s3 =	simm.s32 @!p0 $0x1082;
	s9 =	sld [smem:$0x3FB3]  }
0x2f: {  	lr =	sadd.s32 s0, s3;
	s0 =	sld [smem:$0x3FAA]  }
0x30: {  	s3 =	sld [smem:$0x3FAD]  }
0x31: {  	[smem:$0x3FB6] =	sst s10  }
0x32: {  	s10 =	sld [smem:$0x3FB4];
	_ =	sdelay $0x3  }
0x33: {  	p0 =	seq.s32 s10, $0x1;
	s10 =	sld [smem:$0x3FB6];
	_ =	sdelay $0x3  }
0x34: {  	[smem:$0x3FB6] =	sst s10  }
0x35: {  	s10 =	sld [smem:$0x3FB5];
	_ =	sdelay $0x3  }
0x36: {  	p1 =	seq.s32 s10, $0x1;
	s10 =	sld [smem:$0x3FB6];
	_ =	sdelay $0x3  }
0x37: {  	[smem:$0x3FB6] =	sst s10  }
0x38: {  	s10 =	sld [smem:$0x3FB7]  }
0x39: {  	_ = 	snop;
	(pc) =	sbr.ind lr, $3  }
0x3a: {  	_ = 	snop  }
0x3b: {  	_ = 	snop  }
0x3c: {  	p2 =	seq.s32 s10, $0x1;
	s10 =	sld [smem:$0x3FB6]  }
0x3d: {  	_ =	shalt  }
0x3e: {  	_ =	shalt  }
0x3f: {  	_ =	shalt  }
0x40: {  	_ =	shalt  }
0x41: {  	_ =	shalt  }
0x42: {  	_ =	shalt  }
0x43: {  	_ =	shalt  }
0x44: {  	_ =	shalt  }
0x45: {  	_ =	shalt  }
0x46: {  	_ =	shalt  }
0x47: {  	_ =	shalt  }
0x48: {  	_ =	shalt  }
0x49: {  	_ =	shalt  }
0x4a: {  	_ =	shalt  }
0x4b: {  	_ =	shalt  }
0x4c: {  	_ =	shalt  }
0x4d: {  	_ =	shalt  }
0x4e: {  	_ =	shalt  }
0x4f: {  	_ =	shalt  }
0x50: {  	_ =	shalt  }
0x51: {  	_ =	shalt  }
0x52: {  	_ =	shalt  }
0x53: {  	_ =	shalt  }
0x54: {  	_ =	shalt  }
0x55: {  	_ =	shalt  }
0x56: {  	_ =	shalt  }
0x57: {  	_ =	shalt  }
0x58: {  	_ =	shalt  }
0x59: {  	_ =	shalt  }
0x5a: {  	_ =	shalt  }
0x5b: {  	_ =	shalt  }
0x5c: {  	_ =	shalt  }
0x5d: {  	_ =	shalt  }
0x5e: {  	_ =	shalt  }
0x5f: {  	_ =	shalt  }
0x60: {  	_ =	shalt  }
0x61: {  	_ =	shalt  }
0x62: {  	_ =	shalt  }
0x63: {  	_ =	shalt  }
0x64: {  	_ =	shalt  }
0x65: {  	_ =	shalt  }
0x66: {  	_ =	shalt  }
0x67: {  	_ =	shalt  }
0x68: {  	_ =	shalt  }
0x69: {  	_ =	shalt  }
0x6a: {  	_ =	shalt  }
0x6b: {  	_ =	shalt  }
0x6c: {  	_ =	shalt  }
0x6d: {  	_ =	shalt  }
0x6e: {  	_ =	shalt  }
0x6f: {  	_ =	shalt  }
0x70: {  	_ =	shalt  }
0x71: {  	_ =	shalt  }
0x72: {  	_ =	shalt  }
0x73: {  	_ =	shalt  }
0x74: {  	_ =	shalt  }
0x75: {  	_ =	shalt  }
0x76: {  	_ =	shalt  }
0x77: {  	_ =	shalt  }
0x78: {  	_ =	shalt  }
0x79: {  	_ =	shalt  }
0x7a: {  	_ =	shalt  }
0x7b: {  	_ =	shalt  }
0x7c: {  	_ =	shalt  }
0x7d: {  	_ =	shalt  }
0x7e: {  	_ =	shalt  }
0x7f: {  	_ =	shalt  }
0x80: {  	_ =	shalt  }
0x81: {  	_ =	shalt  }
0x82: {  	_ =	shalt  }
0x83: {  	_ =	shalt  }
0x84: {  	_ =	shalt  }
0x85: {  	_ =	shalt  }
0x86: {  	_ =	shalt  }
0x87: {  	_ =	shalt  }
.Lfunc_end0:
.L_simem_size_0:
called_computation_lowered:
.L_overlay_start_0:
0x88: {  	s2 =	sld [smem:$0x3FD9]  }
0x89: {  	s3 =	sld [smem:$0x3FFE];
	_ =	sdelay $0x1  }
0x8a: {  	s1 =	srdreg.scid  }
0x8b: {  	s0 =	sand.u32 $0x1, s1  }
0x8c: {  	s17 =	sshll.u32 s0, $0xA;
	s2 =	sadd.s32 s3, s2  }
0x8d: {  	s2 =	sadd.s32 s2, s17  }
0x8e: {  	[smem:$0x3FC2] =	sst s2  }
0x8f: {  	_ = 	snop  }
0x90: {  	s2 =	sld [smem:$0x3FD0];
	(tm) =	ssettm $0x1  }
0x91: {  	s18 =	sld [smem:$0x3FFB];
	_ =	sdelay $0x3  }
0x92: {  	_ =	strace s18  }
0x93: {  	s3 =	sld [smem:$0x3FFC];
	_ =	sdelay $0x3  }
0x94: {  	_ =	strace s3  }
0x95: {  	s3 =	sld [smem:$0x3FFD];
	_ =	sdelay $0x3  }
0x96: {  	_ =	strace s3  }
0x97: {  	_ =	strace $0x8FFFFFFF  }
0x98: {  	s19 =	sld [smem:$0x3FDB];
	_ =	sdelay $0x1  }
0x99: {  	s4 =	simm.s32 $_scs_section_size  }
0x9a: {  	s5 =	simm.s32 $_size__tile_overlayer_lowered;
	s6 =	simm.s32 $_tile_overlayer_lowered  }
0x9b: {  	s22 =	simm.s32 $0x1BFF;
	s21 =	sshll.u32 s6, $0x1;
	s3 =	sadd.s32 s4, s19  }
0x9c: {  	s7 =	simm.s32 $0x0;
	s20 =	sshll.u32 s5, $0x1;
	s5 =	sadd.s32 s21, s3  }
0x9d: {  	[timem:s7], [sflag:s22] =	dma.local [hbm:s5], s20  }
0x9e: {  	_ =	swait.ge [sflag:s22], s20  }
0x9f: {  	s4 =	ssub.s32 $0x0, s20;
	[sflag:s22] =	ssyncset.done $0x0  }
0xa0: {  	[sflag:s22] =	ssyncadd.s32 s4;
	_ =	sdelay $0x1  }
0xa1: {  	s23 =	simm.s32 $0x1B8B  }
0xa2: {  	_ =	swait.ge [sflag:s23], $0x1  }
0xa3: {  	[sflag:s23] =	ssyncset.done $0x0  }
0xa4: {  	s25 =	simm.s32 $0x1B8E;
	s24 =	sld [smem:$0x3FFE];
	[sflag:s23] =	ssyncadd.s32 $0xFFFFFFFF  }
0xa5: {  	s26 =	simm.s32 $execute0_lowered;
	[smem:$0x3FD2] =	sst s25  }
0xa6: {  	s5 =	sshll.u32 s26, $0x1;
	_ =	strace $0x80000046;
	[dreg:$0x1] =	wrdreg $0xFFFFFFFF  }
0xa7: {  	s28 =	simm.s32 $_size_execute0_lowered;
	s3 =	sadd.s32 s3, s5;
	[dreg:$0x0] =	wrdreg $0x0  }
0xa8: {  	s5 =	sshll.u32 s28, $0x1;
	[dreg:$0x2] =	wrdreg s3  }
0xa9: {  	[dreg:$0x3] =	wrdreg s5  }
0xaa: {  	[dreg:$0x4] =	wrdreg $0xC0  }
0xab: {  	_ =	task [dreg:s7], $0x5FFFF  }
0xac: {  	[dreg:$0x1] =	wrdreg $0xFFFFFFFF  }
0xad: {  	[dreg:$0x0] =	wrdreg $0x60  }
0xae: {  	[dreg:$0x2] =	wrdreg s2  }
0xaf: {  	[dreg:$0x3] =	wrdreg s24  }
0xb0: {  	[dreg:$0x4] =	wrdreg $0x11F800  }
0xb1: {  	[dreg:$0x5] =	wrdreg $0x1BBC00  }
0xb2: {  	[dreg:$0x6] =	wrdreg $0x9  }
0xb3: {  	_ =	task.clear_ibuf [dreg:s7], $0x7FFFF;
	_ =	strace $0x90000046  }
0xb4: {  	s29 =	simm.s32 $0x9;
	_ =	strace $0x80000048  }
0xb5: {  	_ =	swait.ge [sflag:s29], $0x1  }
0xb6: {  	[sflag:s29] =	ssyncadd.s32 $0xFFFFFFFF  }
0xb7: {  	_ =	strace $0x90000048  }
0xb8: {  	_ =	sfence  }
0xb9: {  	s30 =	sld [smem:$0x0];
	_ =	sdelay $0x2  }
0xba: {  	s31 =	sshll.u32 s1, $0xD;
	s1 =	sshrl.u32 s1, $0x2  }
0xbb: {  	s3 =	sand.u32 $0x4000, s31;
	s1 =	sadd.s32 s1, s30  }
0xbc: {  	s0 =	sor.u32 s3, s0;
	s1 =	sshll.u32 s1, $0x11  }
0xbd: {  	s0 =	sor.u32 s1, s0  }
0xbe: {  	s0 =	sadd.s32 $0x8F2B, s0  }
0xbf: {  	[sflag:s0] =	ssyncadd.remote.s32 $0x1  }
0xc0: {  	_ =	sfence.sel $0xFFFF  }
0xc1: {  	[dreg:$0x0] =	wrdreg $0xFFFFFFFF;
	(pc) =	sbr.abs _section_cstart, $3  }
0xc2: {  	[dreg:$0x1] =	wrdreg $0xFFFFFFFF  }
0xc3: {  	_ =	task.clear_ibuf [dreg:s7], $0x2FFFF;
	_ =	strace $0x9FFFFFFF  }
0xc4: {  	(tm) =	ssettm $0x7FFFFFFF  }
0xc5: {  	_ =	shalt  }
tec
execute0_lowered:
.L_overlay_start_1:
0x0: {  	(tag) =	ssettag $0x1  }
0x1: {  	s0 =	rddreg [dreg:$0x0]  }
0x2: {  	s1 =	rddreg [dreg:$0x1]  }
0x3: {  	s2 =	rddreg [dreg:$0x2]  }
0x4: {  	s8 =	stileid.u32;
	s4 =	srdreg.scid  }
0x5: {  	s3 =	rddreg [dreg:$0x3];
	s28 =	simm.s32 $0x5460;
	s5 =	smul.u32 $0x9C4, s8  }
0x6: {  	s29 =	simm.s32 $0x2710;
	s31 =	simm.s32 $0x5140;
	s14 =	smul.u32 $0x9C40, s8  }
0x7: {  	s30 =	simm.s32 $0x1;
	s6 =	sand.u32 $0x1, s4;
	s22 =	smul.u32 $0x280, s8  }
0x8: {  	s4 =	simm.s32 $0x0;
	s9 =	sadd.s32 $0xC00, s1;
	s12 =	smul.u32 $0x13880, s6  }
0x9: {  	[smem:$0x7FF] =	sst s4;
	s7 =	smul.u32 $0x500, s6;
	s6 =	ssub.s32 $0x2, s6  }
0xa: {  	_ =	strace $0x80000047;
	[dreg:$0x5] =	wrdreg s9;
	s5 =	sadd.s32 s5, s1  }
0xb: {  	s24 =	sshrl.u32 s6, $0x1;
	s17 =	sadd.s32 $0x1F40, s14;
	s18 =	sadd.s32 $0x3E80, s14  }
0xc: {  	s19 =	sadd.s32 $0x5DC0, s14;
	s20 =	sadd.s32 $0x7D00, s14;
	s11 =	sadd.s32 s22, s3  }
0xd: {  	s23 =	sadd.s32 $0x190, s22;
	s9 =	sadd.s32 $0x10E2, s1;
	s21 =	sshrl.u32 s14, $0x3  }
0xe: {  	s15 =	sadd.s32 s12, s1;
	s16 =	sadd.s32 s7, s1;
	s6 =	ssub.s32 s6, s24  }
0xf: {  	s7 =	sadd.s32 s14, s2;
	s24 =	sadd.s32 s17, s2;
	s25 =	sadd.s32 s18, s2  }
0x10: {  	s26 =	sadd.s32 s19, s2;
	s10 =	sadd.s32 s20, s2;
	s12 =	sadd.s32 s0, s12  }
0x11: {  	s13 =	sadd.s32 s23, s3;
	[dreg:$0x8] =	wrdreg s9;
	s8 =	sshrl.u32 s19, $0x3  }
0x12: {  	s9 =	sshrl.u32 s20, $0x3;
	s20 =	sadd.s32 $0xB400, s5;
	[dreg:$0x6] =	wrdreg s25  }
0x13: {  	[dreg:$0x7] =	wrdreg s26;
	s0 =	sadd.s32 $0x15200, s15;
	s25 =	sshrl.u32 s17, $0x3  }
0x14: {  	s26 =	sshrl.u32 s18, $0x3;
	s19 =	sadd.s32 $0x3C400, s16;
	s6 =	smax.u32 s6, $0x1  }
0x15: {  	s16 =	simm.s32 $0x55F0;
	s1 =	sadd.s32 s21, s0;
	[dreg:$0xe] =	wrdreg s6  }
0x16: {  	s14 =	sadd.s32 s25, s0;
	s15 =	sadd.s32 s26, s0;
	[dreg:$0x9] =	wrdreg s1  }
0x17: {  	s17 =	sadd.s32 s8, s0;
	s0 =	sadd.s32 s9, s0;
	[dreg:$0xa] =	wrdreg s14  }
0x18: {  	s21 =	sadd.s32 $0x1600, s5;
	s25 =	sshrl.u32 s22, $0x3;
	[dreg:$0xb] =	wrdreg s15  }
0x19: {  	s26 =	sshrl.u32 s23, $0x3;
	s5 =	simm.s32 $0x52D0;
	[dreg:$0xc] =	wrdreg s17  }
0x1a: {  	[dreg:$0xd] =	wrdreg s0;
	s1 =	sadd.s32 s25, s19;
	s0 =	sadd.s32 s26, s19  }
0x1b: {  	s25 =	simm.s32 $0x5780;
	s26 =	simm.s32 $0x3;
	s14 =	simm.s32 $0xBB80  }
0x1c: {  	s15 =	simm.s32 $0x2;
	s17 =	simm.s32 $0x0;
	[dreg:$0xf] =	wrdreg s1  }
0x1d: {  	v0 =	vimm.f32 $0.0e+00;
	[dreg:$0x10] =	wrdreg s0;
	s1 =	simm.s32 $0x190;
	s0 =	simm.s32 $0x4FB0  }
.LBB2_1:
0x1e: {  	s18 =	simm.s32 $0x100;
	s6 =	simm.s32 $0x0  }
.LBB2_2:
0x1f: {  	p0 =	sne.s32 s18, $0x7C00;
	[tilespmem:s6+$0x57B0] =	vst v0;
	s19 =	smov.u32 s18;
	s18 =	sadd.s32 $0x100, s18  }
.Ltmp0:
0x20: {  	[tilespmem:s6+$0x57A0] =	vst v0;
	(pc) =	sbr.rel @p0 .LBB2_2-.Ltmp0, $3  }
0x21: {  	[tilespmem:s6+$0x5780] =	vst v0  }
0x22: {  	[tilespmem:s6+$0x5790] =	vst v0;
	_ =	sdelay $0x1  }
0x23: {  	s6 =	sshra.s32 s19, $0x2  }
0x24: {  	[tilespmem:s6+$0x57B0] =	vst v0  }
0x25: {  	[tilespmem:s6+$0x57A0] =	vst v0  }
0x26: {  	[tilespmem:s6+$0x5780] =	vst v0  }
0x27: {  	[tilespmem:s6+$0x5790] =	vst v0  }
0x28: {  	[tilespmem:$0x5460] =	vst v0  }
0x29: {  	[tilespmem:$0x5470] =	vst v0  }
0x2a: {  	[tilespmem:$0x5480] =	vst v0  }
0x2b: {  	[tilespmem:$0x5490] =	vst v0  }
0x2c: {  	[tilespmem:$0x54A0] =	vst v0  }
0x2d: {  	[tilespmem:$0x54B0] =	vst v0  }
0x2e: {  	[tilespmem:$0x54C0] =	vst v0  }
0x2f: {  	[tilespmem:$0x54D0] =	vst v0  }
0x30: {  	[tilespmem:$0x54E0] =	vst v0  }
0x31: {  	[tilespmem:$0x54F0] =	vst v0  }
0x32: {  	[tilespmem:$0x5500] =	vst v0  }
0x33: {  	[tilespmem:$0x5510] =	vst v0  }
0x34: {  	[tilespmem:$0x5520] =	vst v0  }
0x35: {  	[tilespmem:$0x5530] =	vst v0  }
0x36: {  	[tilespmem:$0x5540] =	vst v0  }
0x37: {  	[tilespmem:$0x5550] =	vst v0  }
0x38: {  	[tilespmem:$0x5560] =	vst v0  }
0x39: {  	[tilespmem:$0x5570] =	vst v0  }
0x3a: {  	[tilespmem:$0x5580] =	vst v0  }
0x3b: {  	[tilespmem:$0x5590] =	vst v0  }
0x3c: {  	[tilespmem:$0x55A0] =	vst v0  }
0x3d: {  	[tilespmem:$0x55B0] =	vst v0  }
0x3e: {  	[tilespmem:$0x55C0] =	vst v0  }
0x3f: {  	[tilespmem:$0x55D0] =	vst v0  }
0x40: {  	[tilespmem:$0x55E0] =	vst v0  }
0x41: {  	[spmem:s7] =	stream.linear.scatter [tilespmem:s25], [sflag:$0x3], $0x1F40, $0x38;
	[tilespmem:$0x1BE40] =	vst v63  }
0x42: {  	_ =	swait.ge [sflag:s26], $0x1F40  }
0x43: {  	[sflag:s26] =	ssyncset.done $0x0  }
0x44: {  	[sflag:s26] =	ssyncadd.s32 $0xFFFFE0C0  }
0x45: {  	[spmem:s24] =	stream.linear.scatter [tilespmem:s25], [sflag:$0x3], $0x1F40, $0x38;
	[tilespmem:$0x1BE40] =	vst v63  }
0x46: {  	_ =	swait.ge [sflag:s26], $0x1F40  }
0x47: {  	[sflag:s26] =	ssyncset.done $0x0  }
0x48: {  	s18 =	rddreg [dreg:$0x6];
	[sflag:s26] =	ssyncadd.s32 $0xFFFFE0C0  }
0x49: {  	[spmem:s18] =	stream.linear.scatter [tilespmem:s25], [sflag:$0x3], $0x1F40, $0x38;
	[tilespmem:$0x1BE40] =	vst v63  }
0x4a: {  	_ =	swait.ge [sflag:s26], $0x1F40  }
0x4b: {  	[sflag:s26] =	ssyncset.done $0x0  }
0x4c: {  	s19 =	rddreg [dreg:$0x7];
	[sflag:s26] =	ssyncadd.s32 $0xFFFFE0C0  }
0x4d: {  	[spmem:s19] =	stream.linear.scatter [tilespmem:s25], [sflag:$0x3], $0x1F40, $0x38;
	[tilespmem:$0x1BE40] =	vst v63  }
0x4e: {  	_ =	swait.ge [sflag:s26], $0x1F40  }
0x4f: {  	[sflag:s26] =	ssyncset.done $0x0  }
0x50: {  	[sflag:s26] =	ssyncadd.s32 $0xFFFFE0C0  }
0x51: {  	[spmem:s10] =	stream.linear.scatter [tilespmem:s25], [sflag:$0x3], $0x1F40, $0x38;
	[tilespmem:$0x1BE40] =	vst v63  }
0x52: {  	_ =	swait.ge [sflag:s26], $0x1F40  }
0x53: {  	[sflag:s26] =	ssyncset.done $0x0  }
0x54: {  	[sflag:s26] =	ssyncadd.s32 $0xFFFFE0C0  }
0x55: {  	[spmem:s11] =	stream.linear.scatter [tilespmem:s28], [sflag:$0x3], $0x190, $0x38;
	[tilespmem:$0x1BE40] =	vst v63  }
0x56: {  	_ =	swait.ge [sflag:s26], $0x190  }
0x57: {  	[sflag:s26] =	ssyncset.done $0x0  }
0x58: {  	[sflag:s26] =	ssyncadd.s32 $0xFFFFFE70  }
0x59: {  	[spmem:s13] =	stream.linear.scatter [tilespmem:s28], [sflag:$0x3], $0xF0, $0x38;
	[tilespmem:$0x1BE40] =	vst v63  }
0x5a: {  	_ =	swait.ge [sflag:s26], $0xF0  }
0x5b: {  	[sflag:s26] =	ssyncset.done $0x0  }
0x5c: {  	s18 =	simm.s32 $0x0;
	s22 =	rddreg [dreg:$0x5];
	[sflag:s26] =	ssyncadd.s32 $0xFFFFFF10  }
0x5d: {  	[tilespmem:s18], [sflag:$0x3] =	stream.linear.gather [hbm4b:s22+s18], $0x2710, $0x38;
	[tilespmem:$0x1BE40] =	vst v63  }
0x5e: {  	_ =	swait.ge [sflag:s26], $0x2710  }
0x5f: {  	[sflag:s26] =	ssyncset.done $0x0  }
0x60: {  	s23 =	rddreg [dreg:$0x8];
	[sflag:s26] =	ssyncadd.s32 $0xFFFFD8F0  }
0x61: {  	[tilespmem:s29], [sflag:$0x3] =	stream.linear.gather [hbm4b:s23+s18], $0x2710, $0x38;
	[tilespmem:$0x1BE40] =	vst v63  }
0x62: {  	_ =	swait.ge [sflag:s26], $0x2710  }
0x63: {  	[sflag:s26] =	ssyncset.done $0x0  }
0x64: {  	[sflag:s26] =	ssyncadd.s32 $0xFFFFD8F0  }
0x65: {  	s9 =	smov.u32 s24;
	s24 =	simm.s32 $0x4E20;
	[bflag:$0x0] =	sbarrier.arrive $0xFFFF  }
0x66: {  	[tilespmem:s24], [sflag:$0x3] =	stream.linear.gather [hbm4b:s20+s18], $0x190, $0x38;
	[tilespmem:$0x1BE40] =	vst v63  }
0x67: {  	_ =	swait.ge [sflag:s26], $0x190  }
0x68: {  	[sflag:s26] =	ssyncset.done $0x0  }
0x69: {  	[sflag:s26] =	ssyncadd.s32 $0xFFFFFE70  }
0x6a: {  	[tilespmem:s31], [sflag:$0x3] =	stream.linear.gather [hbm4b:s21+s18], $0x190, $0x38;
	[tilespmem:$0x1BE40] =	vst v63  }
0x6b: {  	_ =	swait.ge [sflag:s26], $0x190  }
0x6c: {  	[sflag:s26] =	ssyncset.done $0x0  }
0x6d: {  	s8 =	smov.u32 s7;
	[sflag:s26] =	ssyncadd.s32 $0xFFFFFE70  }
0x6e: {  	[tilespmem:s25], [sflag:$0x1] =	stream.indirect.gather [hbm4b:s12+s1], $0x40, s24, s1, $0xb8;
	[tilespmem:$0x1BE40] =	vst v63  }
.LBB2_4:
0x6f: {  	s19 =	smul.u32 $0x320, s18;
	_ =	sdelay $0x1  }
0x70: {  	s6 =	sshrl.u32 s19, $0x3  }
0x71: {  	s6 =	sadd.s32 $0x32, s6  }
0x72: {  	s22 =	sadd.s32 s20, s6  }
0x73: {  	[tilespmem:s0], [sflag:$0x3] =	stream.linear.gather [hbm4b:s22+s4], $0x190, $0x38;
	[tilespmem:$0x1BE40] =	vst v63  }
0x74: {  	s22 =	simm.s32 $0x3  }
0x75: {  	_ =	swait.ge [sflag:s22], $0x190  }
0x76: {  	[sflag:s22] =	ssyncset.done $0x0  }
0x77: {  	s6 =	sadd.s32 s21, s6;
	[sflag:s22] =	ssyncadd.s32 $0xFFFFFE70  }
0x78: {  	[tilespmem:s5], [sflag:$0x3] =	stream.linear.gather [hbm4b:s6+s4], $0x190, $0x38;
	[tilespmem:$0x1BE40] =	vst v63  }
0x79: {  	_ =	swait.ge [sflag:s22], $0x190  }
0x7a: {  	[sflag:s22] =	ssyncset.done $0x0  }
0x7b: {  	[sflag:s22] =	ssyncadd.s32 $0xFFFFFE70  }
0x7c: {  	[tilespmem:s14], [sflag:$0x2] =	stream.indirect.gather [hbm4b:s12+s1], $0x40, s0, s1, $0xb8;
	[tilespmem:$0x1BE40] =	vst v63  }
0x7d: {  	v1 =	vld [tilespmem:$0x4E20]  }
0x7e: {  	v2 =	vld [tilespmem:$0x5140];
	_ =	sdelay $0x6  }
0x7f: {  	v1 =	vld.idx.msk [tilespmem:v1+s4+$0x0], $0xffff  }
0x80: {  	v2 =	vld.idx.msk [tilespmem:v2+s29+$0x0], $0xffff;
	_ =	sdelay $0x4  }
0x81: {  	v1 =	vadd.f32 v2, v1;
	_ =	sdelay $0x1  }
0x82: {  	v2 =	vmul.f32 $2.000000030e-01, v1  }
0x83: {  	vm0 =	vge.f32 v1, $0.0e+00  }
0x84: {  	v1 =	vsel vm0, v1, v2  }
0x85: {  	v1 =	vmul.f32 $1.442695020e+00, v1;
	_ =	sdelay $0x1  }
0x86: {  	(erf) = vpow2.f32 v1;
	_ =	sdelay $0x2  }
0x87: {  	v1 =	vld [tilespmem:$0x4E30]  }
0x88: {  	v2 =	vld [tilespmem:$0x5150];
	_ =	sdelay $0x4  }
0x89: {  	v3 =	vpop (erf)  }
0x8a: {  	[tilespmem:$0x5460] =	vst v3  }
0x8b: {  	v1 =	vld.idx.msk [tilespmem:v1+s4+$0x0], $0xffff  }
0x8c: {  	v2 =	vld.idx.msk [tilespmem:v2+s29+$0x0], $0xffff;
	_ =	sdelay $0x4  }
0x8d: {  	v1 =	vadd.f32 v2, v1;
	_ =	sdelay $0x1  }
0x8e: {  	v2 =	vmul.f32 $2.000000030e-01, v1  }
0x8f: {  	vm4 =	vge.f32 v1, $0.0e+00  }
0x90: {  	v1 =	vsel vm4, v1, v2  }
0x91: {  	v1 =	vmul.f32 $1.442695020e+00, v1;
	_ =	sdelay $0x1  }
0x92: {  	(erf) = vpow2.f32 v1;
	_ =	sdelay $0x2  }
0x93: {  	v1 =	vld [tilespmem:$0x4E40]  }
0x94: {  	v2 =	vld [tilespmem:$0x5160];
	_ =	sdelay $0x4  }
0x95: {  	v3 =	vpop (erf)  }
0x96: {  	[tilespmem:$0x5470] =	vst v3  }
0x97: {  	v1 =	vld.idx.msk [tilespmem:v1+s4+$0x0], $0xffff  }
0x98: {  	v2 =	vld.idx.msk [tilespmem:v2+s29+$0x0], $0xffff;
	_ =	sdelay $0x4  }
0x99: {  	v1 =	vadd.f32 v2, v1;
	_ =	sdelay $0x1  }
0x9a: {  	v2 =	vmul.f32 $2.000000030e-01, v1  }
0x9b: {  	vm5 =	vge.f32 v1, $0.0e+00  }
0x9c: {  	v1 =	vsel vm5, v1, v2  }
0x9d: {  	v1 =	vmul.f32 $1.442695020e+00, v1;
	_ =	sdelay $0x1  }
0x9e: {  	(erf) = vpow2.f32 v1;
	_ =	sdelay $0x2  }
0x9f: {  	v1 =	vld [tilespmem:$0x4E50]  }
0xa0: {  	v2 =	vld [tilespmem:$0x5170];
	_ =	sdelay $0x4  }
0xa1: {  	v3 =	vpop (erf)  }
0xa2: {  	[tilespmem:$0x5480] =	vst v3  }
0xa3: {  	v1 =	vld.idx.msk [tilespmem:v1+s4+$0x0], $0xffff  }
0xa4: {  	v2 =	vld.idx.msk [tilespmem:v2+s29+$0x0], $0xffff;
	_ =	sdelay $0x4  }
0xa5: {  	v1 =	vadd.f32 v2, v1;
	_ =	sdelay $0x1  }
0xa6: {  	v2 =	vmul.f32 $2.000000030e-01, v1  }
0xa7: {  	vm6 =	vge.f32 v1, $0.0e+00  }
0xa8: {  	v1 =	vsel vm6, v1, v2  }
0xa9: {  	v1 =	vmul.f32 $1.442695020e+00, v1;
	_ =	sdelay $0x1  }
0xaa: {  	(erf) = vpow2.f32 v1;
	_ =	sdelay $0x2  }
0xab: {  	v1 =	vld [tilespmem:$0x4E60]  }
0xac: {  	v2 =	vld [tilespmem:$0x5180];
	_ =	sdelay $0x4  }
0xad: {  	v3 =	vpop (erf)  }
0xae: {  	[tilespmem:$0x5490] =	vst v3  }
0xaf: {  	v1 =	vld.idx.msk [tilespmem:v1+s4+$0x0], $0xffff  }
0xb0: {  	v2 =	vld.idx.msk [tilespmem:v2+s29+$0x0], $0xffff;
	_ =	sdelay $0x4  }
0xb1: {  	v1 =	vadd.f32 v2, v1;
	_ =	sdelay $0x1  }
0xb2: {  	v2 =	vmul.f32 $2.000000030e-01, v1  }
0xb3: {  	vm7 =	vge.f32 v1, $0.0e+00  }
0xb4: {  	v1 =	vsel vm7, v1, v2  }
0xb5: {  	v1 =	vmul.f32 $1.442695020e+00, v1;
	_ =	sdelay $0x1  }
0xb6: {  	(erf) = vpow2.f32 v1;
	_ =	sdelay $0x2  }
0xb7: {  	v1 =	vld [tilespmem:$0x4E70]  }
0xb8: {  	v2 =	vld [tilespmem:$0x5190];
	_ =	sdelay $0x4  }
0xb9: {  	v3 =	vpop (erf)  }
0xba: {  	[tilespmem:$0x54A0] =	vst v3  }
0xbb: {  	v1 =	vld.idx.msk [tilespmem:v1+s4+$0x0], $0xffff  }
0xbc: {  	v2 =	vld.idx.msk [tilespmem:v2+s29+$0x0], $0xffff;
	_ =	sdelay $0x4  }
0xbd: {  	v1 =	vadd.f32 v2, v1;
	_ =	sdelay $0x1  }
0xbe: {  	v2 =	vmul.f32 $2.000000030e-01, v1  }
0xbf: {  	vm8 =	vge.f32 v1, $0.0e+00  }
0xc0: {  	v1 =	vsel vm8, v1, v2  }
0xc1: {  	v1 =	vmul.f32 $1.442695020e+00, v1;
	_ =	sdelay $0x1  }
0xc2: {  	(erf) = vpow2.f32 v1;
	_ =	sdelay $0x2  }
0xc3: {  	v1 =	vld [tilespmem:$0x4E80]  }
0xc4: {  	v2 =	vld [tilespmem:$0x51A0];
	_ =	sdelay $0x4  }
0xc5: {  	v3 =	vpop (erf)  }
0xc6: {  	[tilespmem:$0x54B0] =	vst v3  }
0xc7: {  	v1 =	vld.idx.msk [tilespmem:v1+s4+$0x0], $0xffff  }
0xc8: {  	v2 =	vld.idx.msk [tilespmem:v2+s29+$0x0], $0xffff;
	_ =	sdelay $0x4  }
0xc9: {  	v1 =	vadd.f32 v2, v1;
	_ =	sdelay $0x1  }
0xca: {  	v2 =	vmul.f32 $2.000000030e-01, v1  }
0xcb: {  	vm9 =	vge.f32 v1, $0.0e+00  }
0xcc: {  	v1 =	vsel vm9, v1, v2  }
0xcd: {  	v1 =	vmul.f32 $1.442695020e+00, v1;
	_ =	sdelay $0x1  }
0xce: {  	(erf) = vpow2.f32 v1;
	_ =	sdelay $0x2  }
0xcf: {  	v1 =	vld [tilespmem:$0x4E90]  }
0xd0: {  	v2 =	vld [tilespmem:$0x51B0];
	_ =	sdelay $0x4  }
0xd1: {  	v3 =	vpop (erf)  }
0xd2: {  	[tilespmem:$0x54C0] =	vst v3  }
0xd3: {  	v1 =	vld.idx.msk [tilespmem:v1+s4+$0x0], $0xffff  }
0xd4: {  	v2 =	vld.idx.msk [tilespmem:v2+s29+$0x0], $0xffff;
	_ =	sdelay $0x4  }
0xd5: {  	v1 =	vadd.f32 v2, v1;
	_ =	sdelay $0x1  }
0xd6: {  	v2 =	vmul.f32 $2.000000030e-01, v1  }
0xd7: {  	vm10 =	vge.f32 v1, $0.0e+00  }
0xd8: {  	v1 =	vsel vm10, v1, v2  }
0xd9: {  	v1 =	vmul.f32 $1.442695020e+00, v1;
	_ =	sdelay $0x1  }
0xda: {  	(erf) = vpow2.f32 v1;
	_ =	sdelay $0x2  }
0xdb: {  	v1 =	vld [tilespmem:$0x4EA0]  }
0xdc: {  	v2 =	vld [tilespmem:$0x51C0];
	_ =	sdelay $0x4  }
0xdd: {  	v3 =	vpop (erf)  }
0xde: {  	[tilespmem:$0x54D0] =	vst v3  }
0xdf: {  	v1 =	vld.idx.msk [tilespmem:v1+s4+$0x0], $0xffff  }
0xe0: {  	v2 =	vld.idx.msk [tilespmem:v2+s29+$0x0], $0xffff;
	_ =	sdelay $0x4  }
0xe1: {  	v1 =	vadd.f32 v2, v1;
	_ =	sdelay $0x1  }
0xe2: {  	v2 =	vmul.f32 $2.000000030e-01, v1  }
0xe3: {  	vm11 =	vge.f32 v1, $0.0e+00  }
0xe4: {  	v1 =	vsel vm11, v1, v2  }
0xe5: {  	v1 =	vmul.f32 $1.442695020e+00, v1;
	_ =	sdelay $0x1  }
0xe6: {  	(erf) = vpow2.f32 v1;
	_ =	sdelay $0x2  }
0xe7: {  	v1 =	vld [tilespmem:$0x4EB0]  }
0xe8: {  	v2 =	vld [tilespmem:$0x51D0];
	_ =	sdelay $0x4  }
0xe9: {  	v3 =	vpop (erf)  }
0xea: {  	[tilespmem:$0x54E0] =	vst v3  }
0xeb: {  	v1 =	vld.idx.msk [tilespmem:v1+s4+$0x0], $0xffff  }
0xec: {  	v2 =	vld.idx.msk [tilespmem:v2+s29+$0x0], $0xffff;
	_ =	sdelay $0x4  }
0xed: {  	v1 =	vadd.f32 v2, v1;
	_ =	sdelay $0x1  }
0xee: {  	v2 =	vmul.f32 $2.000000030e-01, v1  }
0xef: {  	vm12 =	vge.f32 v1, $0.0e+00  }
0xf0: {  	v1 =	vsel vm12, v1, v2  }
0xf1: {  	v1 =	vmul.f32 $1.442695020e+00, v1;
	_ =	sdelay $0x1  }
0xf2: {  	(erf) = vpow2.f32 v1;
	_ =	sdelay $0x2  }
0xf3: {  	v1 =	vld [tilespmem:$0x4EC0]  }
0xf4: {  	v2 =	vld [tilespmem:$0x51E0];
	_ =	sdelay $0x4  }
0xf5: {  	v3 =	vpop (erf)  }
0xf6: {  	[tilespmem:$0x54F0] =	vst v3  }
0xf7: {  	v1 =	vld.idx.msk [tilespmem:v1+s4+$0x0], $0xffff  }
0xf8: {  	v2 =	vld.idx.msk [tilespmem:v2+s29+$0x0], $0xffff;
	_ =	sdelay $0x4  }
0xf9: {  	v1 =	vadd.f32 v2, v1;
	_ =	sdelay $0x1  }
0xfa: {  	v2 =	vmul.f32 $2.000000030e-01, v1  }
0xfb: {  	vm13 =	vge.f32 v1, $0.0e+00  }
0xfc: {  	v1 =	vsel vm13, v1, v2  }
0xfd: {  	v1 =	vmul.f32 $1.442695020e+00, v1;
	_ =	sdelay $0x1  }
0xfe: {  	(erf) = vpow2.f32 v1;
	_ =	sdelay $0x2  }
0xff: {  	v1 =	vld [tilespmem:$0x4ED0]  }
0x100: {  	v2 =	vld [tilespmem:$0x51F0];
	_ =	sdelay $0x4  }
0x101: {  	v3 =	vpop (erf)  }
0x102: {  	[tilespmem:$0x5500] =	vst v3  }
0x103: {  	v1 =	vld.idx.msk [tilespmem:v1+s4+$0x0], $0xffff  }
0x104: {  	v2 =	vld.idx.msk [tilespmem:v2+s29+$0x0], $0xffff;
	_ =	sdelay $0x4  }
0x105: {  	v1 =	vadd.f32 v2, v1;
	_ =	sdelay $0x1  }
0x106: {  	v2 =	vmul.f32 $2.000000030e-01, v1  }
0x107: {  	vm14 =	vge.f32 v1, $0.0e+00  }
0x108: {  	v1 =	vsel vm14, v1, v2  }
0x109: {  	v1 =	vmul.f32 $1.442695020e+00, v1;
	_ =	sdelay $0x1  }
0x10a: {  	(erf) = vpow2.f32 v1;
	_ =	sdelay $0x2  }
0x10b: {  	v1 =	vld [tilespmem:$0x4EE0]  }
0x10c: {  	v2 =	vld [tilespmem:$0x5200];
	_ =	sdelay $0x4  }
0x10d: {  	v3 =	vpop (erf)  }
0x10e: {  	[tilespmem:$0x5510] =	vst v3  }
0x10f: {  	v1 =	vld.idx.msk [tilespmem:v1+s4+$0x0], $0xffff  }
0x110: {  	v2 =	vld.idx.msk [tilespmem:v2+s29+$0x0], $0xffff;
	_ =	sdelay $0x4  }
0x111: {  	v1 =	vadd.f32 v2, v1;
	_ =	sdelay $0x1  }
0x112: {  	v2 =	vmul.f32 $2.000000030e-01, v1  }
0x113: {  	vm15 =	vge.f32 v1, $0.0e+00  }
0x114: {  	v1 =	vsel vm15, v1, v2  }
0x115: {  	v1 =	vmul.f32 $1.442695020e+00, v1;
	_ =	sdelay $0x1  }
0x116: {  	(erf) = vpow2.f32 v1;
	_ =	sdelay $0x2  }
0x117: {  	v1 =	vld [tilespmem:$0x4EF0]  }
0x118: {  	v2 =	vld [tilespmem:$0x5210];
	_ =	sdelay $0x4  }
0x119: {  	v3 =	vpop (erf)  }
0x11a: {  	[tilespmem:$0x5520] =	vst v3  }
0x11b: {  	v1 =	vld.idx.msk [tilespmem:v1+s4+$0x0], $0xffff  }
0x11c: {  	v2 =	vld.idx.msk [tilespmem:v2+s29+$0x0], $0xffff;
	_ =	sdelay $0x4  }
0x11d: {  	v1 =	vadd.f32 v2, v1;
	_ =	sdelay $0x1  }
0x11e: {  	v2 =	vmul.f32 $2.000000030e-01, v1  }
0x11f: {  	vm4 =	vge.f32 v1, $0.0e+00  }
0x120: {  	v1 =	vsel vm4, v1, v2  }
0x121: {  	v1 =	vmul.f32 $1.442695020e+00, v1;
	_ =	sdelay $0x1  }
0x122: {  	(erf) = vpow2.f32 v1;
	_ =	sdelay $0x2  }
0x123: {  	v1 =	vld [tilespmem:$0x4F00]  }
0x124: {  	v2 =	vld [tilespmem:$0x5220];
	_ =	sdelay $0x4  }
0x125: {  	v3 =	vpop (erf)  }
0x126: {  	[tilespmem:$0x5530] =	vst v3  }
0x127: {  	v1 =	vld.idx.msk [tilespmem:v1+s4+$0x0], $0xffff  }
0x128: {  	v2 =	vld.idx.msk [tilespmem:v2+s29+$0x0], $0xffff;
	_ =	sdelay $0x4  }
0x129: {  	v1 =	vadd.f32 v2, v1;
	_ =	sdelay $0x1  }
0x12a: {  	v2 =	vmul.f32 $2.000000030e-01, v1  }
0x12b: {  	vm5 =	vge.f32 v1, $0.0e+00  }
0x12c: {  	v1 =	vsel vm5, v1, v2  }
0x12d: {  	v1 =	vmul.f32 $1.442695020e+00, v1;
	_ =	sdelay $0x1  }
0x12e: {  	(erf) = vpow2.f32 v1;
	_ =	sdelay $0x2  }
0x12f: {  	v1 =	vld [tilespmem:$0x4F10]  }
0x130: {  	v2 =	vld [tilespmem:$0x5230];
	_ =	sdelay $0x4  }
0x131: {  	v3 =	vpop (erf)  }
0x132: {  	[tilespmem:$0x5540] =	vst v3  }
0x133: {  	v1 =	vld.idx.msk [tilespmem:v1+s4+$0x0], $0xffff  }
0x134: {  	v2 =	vld.idx.msk [tilespmem:v2+s29+$0x0], $0xffff;
	_ =	sdelay $0x4  }
0x135: {  	v1 =	vadd.f32 v2, v1;
	_ =	sdelay $0x1  }
0x136: {  	v2 =	vmul.f32 $2.000000030e-01, v1  }
0x137: {  	vm6 =	vge.f32 v1, $0.0e+00  }
0x138: {  	v1 =	vsel vm6, v1, v2  }
0x139: {  	v1 =	vmul.f32 $1.442695020e+00, v1;
	_ =	sdelay $0x1  }
0x13a: {  	(erf) = vpow2.f32 v1;
	_ =	sdelay $0x2  }
0x13b: {  	v1 =	vld [tilespmem:$0x4F20]  }
0x13c: {  	v2 =	vld [tilespmem:$0x5240];
	_ =	sdelay $0x4  }
0x13d: {  	v3 =	vpop (erf)  }
0x13e: {  	[tilespmem:$0x5550] =	vst v3  }
0x13f: {  	v1 =	vld.idx.msk [tilespmem:v1+s4+$0x0], $0xffff  }
0x140: {  	v2 =	vld.idx.msk [tilespmem:v2+s29+$0x0], $0xffff;
	_ =	sdelay $0x4  }
0x141: {  	v1 =	vadd.f32 v2, v1;
	_ =	sdelay $0x1  }
0x142: {  	v2 =	vmul.f32 $2.000000030e-01, v1  }
0x143: {  	vm7 =	vge.f32 v1, $0.0e+00  }
0x144: {  	v1 =	vsel vm7, v1, v2  }
0x145: {  	v1 =	vmul.f32 $1.442695020e+00, v1;
	_ =	sdelay $0x1  }
0x146: {  	(erf) = vpow2.f32 v1;
	_ =	sdelay $0x2  }
0x147: {  	v1 =	vld [tilespmem:$0x4F30]  }
0x148: {  	v2 =	vld [tilespmem:$0x5250];
	_ =	sdelay $0x4  }
0x149: {  	v3 =	vpop (erf)  }
0x14a: {  	[tilespmem:$0x5560] =	vst v3  }
0x14b: {  	v1 =	vld.idx.msk [tilespmem:v1+s4+$0x0], $0xffff  }
0x14c: {  	v2 =	vld.idx.msk [tilespmem:v2+s29+$0x0], $0xffff;
	_ =	sdelay $0x4  }
0x14d: {  	v1 =	vadd.f32 v2, v1;
	_ =	sdelay $0x1  }
0x14e: {  	v2 =	vmul.f32 $2.000000030e-01, v1  }
0x14f: {  	vm8 =	vge.f32 v1, $0.0e+00  }
0x150: {  	v1 =	vsel vm8, v1, v2  }
0x151: {  	v1 =	vmul.f32 $1.442695020e+00, v1;
	_ =	sdelay $0x1  }
0x152: {  	(erf) = vpow2.f32 v1;
	_ =	sdelay $0x2  }
0x153: {  	v1 =	vld [tilespmem:$0x4F40]  }
0x154: {  	v2 =	vld [tilespmem:$0x5260];
	_ =	sdelay $0x4  }
0x155: {  	v3 =	vpop (erf)  }
0x156: {  	[tilespmem:$0x5570] =	vst v3  }
0x157: {  	v1 =	vld.idx.msk [tilespmem:v1+s4+$0x0], $0xffff  }
0x158: {  	v2 =	vld.idx.msk [tilespmem:v2+s29+$0x0], $0xffff;
	_ =	sdelay $0x4  }
0x159: {  	v1 =	vadd.f32 v2, v1;
	_ =	sdelay $0x1  }
0x15a: {  	v2 =	vmul.f32 $2.000000030e-01, v1  }
0x15b: {  	vm9 =	vge.f32 v1, $0.0e+00  }
0x15c: {  	v1 =	vsel vm9, v1, v2  }
0x15d: {  	v1 =	vmul.f32 $1.442695020e+00, v1;
	_ =	sdelay $0x1  }
0x15e: {  	(erf) = vpow2.f32 v1;
	_ =	sdelay $0x2  }
0x15f: {  	v1 =	vld [tilespmem:$0x4F50]  }
0x160: {  	v2 =	vld [tilespmem:$0x5270];
	_ =	sdelay $0x4  }
0x161: {  	v3 =	vpop (erf)  }
0x162: {  	[tilespmem:$0x5580] =	vst v3  }
0x163: {  	v1 =	vld.idx.msk [tilespmem:v1+s4+$0x0], $0xffff  }
0x164: {  	v2 =	vld.idx.msk [tilespmem:v2+s29+$0x0], $0xffff;
	_ =	sdelay $0x4  }
0x165: {  	v1 =	vadd.f32 v2, v1;
	_ =	sdelay $0x1  }
0x166: {  	v2 =	vmul.f32 $2.000000030e-01, v1  }
0x167: {  	vm10 =	vge.f32 v1, $0.0e+00  }
0x168: {  	v1 =	vsel vm10, v1, v2  }
0x169: {  	v1 =	vmul.f32 $1.442695020e+00, v1;
	_ =	sdelay $0x1  }
0x16a: {  	(erf) = vpow2.f32 v1;
	_ =	sdelay $0x2  }
0x16b: {  	v1 =	vld [tilespmem:$0x4F60]  }
0x16c: {  	v2 =	vld [tilespmem:$0x5280];
	_ =	sdelay $0x4  }
0x16d: {  	v3 =	vpop (erf)  }
0x16e: {  	[tilespmem:$0x5590] =	vst v3  }
0x16f: {  	v1 =	vld.idx.msk [tilespmem:v1+s4+$0x0], $0xffff  }
0x170: {  	v2 =	vld.idx.msk [tilespmem:v2+s29+$0x0], $0xffff;
	_ =	sdelay $0x4  }
0x171: {  	v1 =	vadd.f32 v2, v1;
	_ =	sdelay $0x1  }
0x172: {  	v2 =	vmul.f32 $2.000000030e-01, v1  }
0x173: {  	vm11 =	vge.f32 v1, $0.0e+00  }
0x174: {  	v1 =	vsel vm11, v1, v2  }
0x175: {  	v1 =	vmul.f32 $1.442695020e+00, v1;
	_ =	sdelay $0x1  }
0x176: {  	(erf) = vpow2.f32 v1;
	_ =	sdelay $0x2  }
0x177: {  	v1 =	vld [tilespmem:$0x4F70]  }
0x178: {  	v2 =	vld [tilespmem:$0x5290];
	_ =	sdelay $0x4  }
0x179: {  	v3 =	vpop (erf)  }
0x17a: {  	[tilespmem:$0x55A0] =	vst v3  }
0x17b: {  	v1 =	vld.idx.msk [tilespmem:v1+s4+$0x0], $0xffff  }
0x17c: {  	v2 =	vld.idx.msk [tilespmem:v2+s29+$0x0], $0xffff;
	_ =	sdelay $0x4  }
0x17d: {  	v1 =	vadd.f32 v2, v1;
	_ =	sdelay $0x1  }
0x17e: {  	v2 =	vmul.f32 $2.000000030e-01, v1  }
0x17f: {  	vm12 =	vge.f32 v1, $0.0e+00  }
0x180: {  	v1 =	vsel vm12, v1, v2  }
0x181: {  	v1 =	vmul.f32 $1.442695020e+00, v1;
	_ =	sdelay $0x1  }
0x182: {  	(erf) = vpow2.f32 v1;
	_ =	sdelay $0x2  }
0x183: {  	v1 =	vld [tilespmem:$0x4F80]  }
0x184: {  	v2 =	vld [tilespmem:$0x52A0];
	_ =	sdelay $0x4  }
0x185: {  	v3 =	vpop (erf)  }
0x186: {  	[tilespmem:$0x55B0] =	vst v3  }
0x187: {  	v1 =	vld.idx.msk [tilespmem:v1+s4+$0x0], $0xffff  }
0x188: {  	v2 =	vld.idx.msk [tilespmem:v2+s29+$0x0], $0xffff;
	_ =	sdelay $0x4  }
0x189: {  	v1 =	vadd.f32 v2, v1;
	_ =	sdelay $0x1  }
0x18a: {  	v2 =	vmul.f32 $2.000000030e-01, v1  }
0x18b: {  	vm13 =	vge.f32 v1, $0.0e+00  }
0x18c: {  	v1 =	vsel vm13, v1, v2  }
0x18d: {  	v1 =	vmul.f32 $1.442695020e+00, v1;
	_ =	sdelay $0x1  }
0x18e: {  	(erf) = vpow2.f32 v1;
	_ =	sdelay $0x2  }
0x18f: {  	v1 =	vld [tilespmem:$0x4F90]  }
0x190: {  	v2 =	vld [tilespmem:$0x52B0];
	_ =	sdelay $0x4  }
0x191: {  	v3 =	vpop (erf)  }
0x192: {  	[tilespmem:$0x55C0] =	vst v3  }
0x193: {  	v1 =	vld.idx.msk [tilespmem:v1+s4+$0x0], $0xffff  }
0x194: {  	v2 =	vld.idx.msk [tilespmem:v2+s29+$0x0], $0xffff;
	_ =	sdelay $0x4  }
0x195: {  	v1 =	vadd.f32 v2, v1;
	_ =	sdelay $0x1  }
0x196: {  	v2 =	vmul.f32 $2.000000030e-01, v1  }
0x197: {  	vm14 =	vge.f32 v1, $0.0e+00  }
0x198: {  	v1 =	vsel vm14, v1, v2  }
0x199: {  	v1 =	vmul.f32 $1.442695020e+00, v1;
	_ =	sdelay $0x1  }
0x19a: {  	(erf) = vpow2.f32 v1;
	_ =	sdelay $0x2  }
0x19b: {  	v1 =	vld [tilespmem:$0x4FA0]  }
0x19c: {  	v2 =	vld [tilespmem:$0x52C0];
	_ =	sdelay $0x4  }
0x19d: {  	v3 =	vpop (erf)  }
0x19e: {  	[tilespmem:$0x55D0] =	vst v3  }
0x19f: {  	v1 =	vld.idx.msk [tilespmem:v1+s4+$0x0], $0xffff  }
0x1a0: {  	v2 =	vld.idx.msk [tilespmem:v2+s29+$0x0], $0xffff;
	_ =	sdelay $0x4  }
0x1a1: {  	v1 =	vadd.f32 v2, v1;
	_ =	sdelay $0x1  }
0x1a2: {  	v2 =	vmul.f32 $2.000000030e-01, v1  }
0x1a3: {  	vm15 =	vge.f32 v1, $0.0e+00  }
0x1a4: {  	v1 =	vsel vm15, v1, v2  }
0x1a5: {  	v1 =	vmul.f32 $1.442695020e+00, v1;
	_ =	sdelay $0x1  }
0x1a6: {  	(erf) = vpow2.f32 v1;
	_ =	sdelay $0x4  }
0x1a7: {  	s24 =	simm.s32 $0x0  }
0x1a8: {  	v1 =	vmov s24  }
0x1a9: {  	v1 =	vand.u32 $0xFFFFFFFC, v1  }
0x1aa: {  	v1 =	vbroadcast v1, $0x0  }
0x1ab: {  	v2 =	vpop (erf)  }
0x1ac: {  	[tilespmem:$0x55E0] =	vst v2  }
0x1ad: {  	_ =	swait.ge [sflag:s30], $0x6400  }
0x1ae: {  	[sflag:s30] =	ssyncset.done $0x0  }
0x1af: {  	[sflag:s30] =	ssyncadd.s32 $0xFFFF9C00  }
0x1b0: {  	s23 =	simm.s32 $0x5800;
	v1 =	vld.idx.msk [tilespmem:v1+s28+$0x0], $0xffff  }
0x1b1: {  	v2 =	vld [tilespmem:s23+$0xFFFFFF80]  }
0x1b2: {  	v3 =	vld [tilespmem:s23+$0xFFFFFFB0]  }
0x1b3: {  	s7 =	simm.s32 $0x1;
	v4 =	vld [tilespmem:s23+$0xFFFFFF90]  }
0x1b4: {  	v6 =	vmov s7;
	v5 =	vld [tilespmem:s23+$0xFFFFFFA0]  }
0x1b5: {  	v6 =	vand.u32 $0xFFFFFFFD, v6  }
0x1b6: {  	v6 =	vbroadcast v6, $0x0;
	v2 =	vmul.f32 v2, v1  }
0x1b7: {  	v3 =	vmul.f32 v3, v1  }
0x1b8: {  	[tilespmem:s23+$0xFFFFFF80] =	vst v2;
	v2 =	vmul.f32 v4, v1  }
0x1b9: {  	v1 =	vmul.f32 v5, v1;
	[tilespmem:s23+$0xFFFFFFB0] =	vst v3  }
0x1ba: {  	[tilespmem:s23+$0xFFFFFF90] =	vst v2  }
0x1bb: {  	[tilespmem:s23+$0xFFFFFFA0] =	vst v1;
	v2 =	vld [tilespmem:s23+$0xFFFFFFC0]  }
0x1bc: {  	v1 =	vld.idx.msk [tilespmem:v6+s28+$0x0], $0xffff  }
0x1bd: {  	v3 =	vld [tilespmem:s23+$0xFFFFFFE0]  }
0x1be: {  	s24 =	simm.s32 $0x2;
	v59 =	vld [tilespmem:s23+$0xFFFFFFF0]  }
0x1bf: {  	v61 =	vmov s24;
	v60 =	vld [tilespmem:s23+$0xFFFFFFD0]  }
0x1c0: {  	v6 =	vand.u32 $0xFFFFFFFE, v61  }
0x1c1: {  	v6 =	vbroadcast v6, $0x0;
	v2 =	vmul.f32 v2, v1  }
0x1c2: {  	v3 =	vmul.f32 v3, v1  }
0x1c3: {  	v4 =	vmul.f32 v59, v1;
	[tilespmem:s23+$0xFFFFFFC0] =	vst v2  }
0x1c4: {  	v1 =	vmul.f32 v60, v1;
	[tilespmem:s23+$0xFFFFFFE0] =	vst v3  }
0x1c5: {  	[tilespmem:s23+$0xFFFFFFF0] =	vst v4  }
0x1c6: {  	[tilespmem:s23+$0xFFFFFFD0] =	vst v1;
	v1 =	vld [tilespmem:s23+$0x0]  }
0x1c7: {  	v2 =	vld.idx.msk [tilespmem:v6+s28+$0x0], $0xffff  }
0x1c8: {  	v3 =	vld [tilespmem:s23+$0x10]  }
0x1c9: {  	v62 =	vld [tilespmem:s23+$0x30];
	_ =	sdelay $0x1  }
0x1ca: {  	v63 =	vld [tilespmem:s23+$0x20]  }
0x1cb: {  	v1 =	vmul.f32 v1, v2  }
0x1cc: {  	v3 =	vmul.f32 v3, v2  }
0x1cd: {  	v4 =	vmul.f32 v62, v2;
	[tilespmem:s23+$0x0] =	vst v1;
	v1 =	vmov s22  }
0x1ce: {  	[tilespmem:s23+$0x10] =	vst v3  }
0x1cf: {  	s24 =	simm.s32 $0x7;
	v2 =	vmul.f32 v63, v2;
	[tilespmem:s23+$0x30] =	vst v4;
	s22 =	simm.s32 $0x5800  }
.LBB2_5:
0x1d0: {  	p0 =	sne.s32 s24, $0x18F  }
0x1d1: {  	[tilespmem:s23+$0x20] =	vst v2;
	v2 =	vld [tilespmem:s23+$0x60];
	s22 =	sadd.s32 $0x100, s22;
	s6 =	smov.u32 s24;
	s24 =	sadd.s32 $0x4, s24  }
0x1d2: {  	v1 =	vld.idx.msk [tilespmem:v1+s28+$0x0], $0xffff  }
0x1d3: {  	v3 =	vld [tilespmem:s23+$0x40]  }
0x1d4: {  	v4 =	vld [tilespmem:s23+$0x50]  }
0x1d5: {  	s7 =	sadd.s32 $0xFFFFFFFD, s6;
	v5 =	vld [tilespmem:s23+$0x70]  }
0x1d6: {  	v6 =	vmov s7  }
0x1d7: {  	v6 =	vand.u32 $0xFFFFFFFC, v6  }
0x1d8: {  	v6 =	vbroadcast v6, $0x0;
	v3 =	vmul.f32 v3, v1  }
0x1d9: {  	v2 =	vmul.f32 v2, v1;
	v4 =	vmul.f32 v4, v1  }
0x1da: {  	[tilespmem:s23+$0x40] =	vst v3;
	v1 =	vmul.f32 v5, v1  }
0x1db: {  	[tilespmem:s23+$0x60] =	vst v2  }
0x1dc: {  	v2 =	vld [tilespmem:s22+$0xFFFFFFA0];
	[tilespmem:s23+$0x70] =	vst v1  }
0x1dd: {  	v1 =	vld [tilespmem:s22+$0xFFFFFFB0];
	[tilespmem:s23+$0x50] =	vst v4;
	s23 =	smov.u32 s22  }
0x1de: {  	v3 =	vld.idx.msk [tilespmem:v6+s28+$0x0], $0xffff  }
0x1df: {  	v4 =	vld [tilespmem:s22+$0xFFFFFF80]  }
0x1e0: {  	v5 =	vld [tilespmem:s22+$0xFFFFFF90]  }
0x1e1: {  	s7 =	sadd.s32 $0xFFFFFFFE, s6  }
0x1e2: {  	v6 =	vmov s7  }
0x1e3: {  	v6 =	vand.u32 $0xFFFFFFFD, v6  }
0x1e4: {  	v6 =	vbroadcast v6, $0x0;
	v4 =	vmul.f32 v4, v3  }
0x1e5: {  	v2 =	vmul.f32 v2, v3;
	v1 =	vmul.f32 v1, v3  }
0x1e6: {  	v3 =	vmul.f32 v5, v3;
	[tilespmem:s22+$0xFFFFFF80] =	vst v4  }
0x1e7: {  	[tilespmem:s22+$0xFFFFFFB0] =	vst v1  }
0x1e8: {  	[tilespmem:s22+$0xFFFFFF90] =	vst v3;
	v1 =	vld [tilespmem:s22+$0xFFFFFFF0]  }
0x1e9: {  	[tilespmem:s22+$0xFFFFFFA0] =	vst v2;
	v2 =	vld [tilespmem:s22+$0xFFFFFFD0]  }
0x1ea: {  	v3 =	vld.idx.msk [tilespmem:v6+s28+$0x0], $0xffff  }
0x1eb: {  	v4 =	vld [tilespmem:s22+$0xFFFFFFC0]  }
0x1ec: {  	v5 =	vld [tilespmem:s22+$0xFFFFFFE0]  }
0x1ed: {  	s7 =	sadd.s32 $0xFFFFFFFF, s6  }
0x1ee: {  	v6 =	vmov s7  }
0x1ef: {  	v6 =	vand.u32 $0xFFFFFFFE, v6  }
0x1f0: {  	v6 =	vbroadcast v6, $0x0;
	v4 =	vmul.f32 v4, v3  }
0x1f1: {  	v1 =	vmul.f32 v1, v3;
	v5 =	vmul.f32 v5, v3  }
0x1f2: {  	v2 =	vmul.f32 v2, v3;
	[tilespmem:s22+$0xFFFFFFC0] =	vst v4  }
0x1f3: {  	[tilespmem:s22+$0xFFFFFFE0] =	vst v5  }
0x1f4: {  	[tilespmem:s22+$0xFFFFFFF0] =	vst v1;
	v1 =	vld [tilespmem:s22+$0x30]  }
0x1f5: {  	[tilespmem:s22+$0xFFFFFFD0] =	vst v2;
	v2 =	vld [tilespmem:s22+$0x0]  }
0x1f6: {  	v3 =	vld.idx.msk [tilespmem:v6+s28+$0x0], $0xffff  }
0x1f7: {  	v4 =	vld [tilespmem:s22+$0x10]  }
0x1f8: {  	v5 =	vld [tilespmem:s22+$0x20];
	_ =	sdelay $0x3  }
.Ltmp1:
0x1f9: {  	v6 =	vmul.f32 v2, v3;
	v4 =	vmul.f32 v4, v3;
	(pc) =	sbr.rel @p0 .LBB2_5-.Ltmp1, $4  }
0x1fa: {  	v2 =	vmul.f32 v5, v3;
	v3 =	vmul.f32 v1, v3;
	v1 =	vmov s6  }
0x1fb: {  	[tilespmem:s22+$0x0] =	vst v6  }
0x1fc: {  	[tilespmem:s22+$0x10] =	vst v4  }
0x1fd: {  	[tilespmem:s22+$0x30] =	vst v3  }
0x1fe: {  	_ =	sdelay $0x2  }
0x1ff: {  	[tilespmem:s23+$0x20] =	vst v2;
	v2 =	vld [tilespmem:s23+$0x40]  }
0x200: {  	v1 =	vld.idx.msk [tilespmem:v1+s28+$0x0], $0xffff  }
0x201: {  	v3 =	vld [tilespmem:s23+$0x60]  }
0x202: {  	v4 =	vld [tilespmem:s23+$0x70]  }
0x203: {  	v5 =	vld [tilespmem:s23+$0x50];
	_ =	sdelay $0x1  }
0x204: {  	v2 =	vmul.f32 v2, v1  }
0x205: {  	v3 =	vmul.f32 v3, v1  }
0x206: {  	[tilespmem:s23+$0x40] =	vst v2;
	v2 =	vmul.f32 v4, v1  }
0x207: {  	v1 =	vmul.f32 v5, v1;
	[tilespmem:s23+$0x60] =	vst v3  }
0x208: {  	[tilespmem:s23+$0x70] =	vst v2  }
0x209: {  	[tilespmem:s23+$0x50] =	vst v1  }
0x20a: {  	[spmem:s2] =	stream.indirect.scatter.add.f32 [tilespmem:s25], [sflag:$0x3], $0x40, s31, s1, $0xb8;
	[tilespmem:$0x1BE40] =	vst v63  }
0x20b: {  	_ =	swait.ge [sflag:s26], $0x6400  }
0x20c: {  	[sflag:s26] =	ssyncset.done $0x0  }
0x20d: {  	p0 =	seq.s32 s18, $0x18;
	[sflag:s26] =	ssyncadd.s32 $0xFFFF9C00  }
0x20e: {  	[spmem:s3] =	stream.indirect.scatter.add.f32 [tilespmem:s28], [sflag:$0x3], $0x1, s31, s1, $0xb8;
	[tilespmem:$0x1BE40] =	vst v63  }
0x20f: {  	s6 =	sshrl.u32 @!p0 s19, $0x3;
	_ =	swait.ge [sflag:s26], $0x190  }
0x210: {  	s19 =	simm.s32 @!p0 $0x0;
	s6 =	sadd.s32 @!p0 $0x64, s6;
	[sflag:s26] =	ssyncset.done $0x0  }
0x211: {  	s22 =	simm.s32 @!p0 $0x4E20;
	s7 =	sadd.s32 @!p0 s20, s6;
	[sflag:s26] =	ssyncadd.s32 $0xFFFFFE70  }
0x212: {  	[tilespmem:s22], [sflag:$0x3] =	stream.linear.gather @!p0 [hbm4b:s7+s19], $0x190, $0x38;
	[tilespmem:$0x1BE40] =	vst v63  }
0x213: {  	s7 =	simm.s32 @!p0 $0x3  }
0x214: {  	_ =	swait.ge @!p0 [sflag:s7], $0x190  }
0x215: {  	[sflag:s7] =	ssyncset.done @!p0 $0x0  }
0x216: {  	s6 =	sadd.s32 @!p0 s21, s6;
	s23 =	simm.s32 @!p0 $0x5140;
	[sflag:s7] =	ssyncadd.s32 @!p0 $0xFFFFFE70  }
0x217: {  	[tilespmem:s23], [sflag:$0x3] =	stream.linear.gather @!p0 [hbm4b:s6+s19], $0x190, $0x38;
	[tilespmem:$0x1BE40] =	vst v63  }
0x218: {  	_ =	swait.ge @!p0 [sflag:s7], $0x190  }
0x219: {  	[sflag:s7] =	ssyncset.done @!p0 $0x0  }
0x21a: {  	s6 =	simm.s32 @!p0 $0x190;
	[sflag:s7] =	ssyncadd.s32 @!p0 $0xFFFFFE70;
	s7 =	simm.s32 @!p0 $0x5780  }
0x21b: {  	[tilespmem:s7], [sflag:$0x1] =	stream.indirect.gather @!p0 [hbm4b:s12+s6], $0x40, s22, s6, $0xb8;
	[tilespmem:$0x1BE40] =	vst v63  }
0x21c: {  	v1 =	vld [tilespmem:$0x4FB0]  }
0x21d: {  	v2 =	vld [tilespmem:$0x52D0];
	_ =	sdelay $0x5  }
0x21e: {  	s7 =	simm.s32 $0x0  }
0x21f: {  	v1 =	vld.idx.msk [tilespmem:v1+s7+$0x0], $0xffff  }
0x220: {  	v2 =	vld.idx.msk [tilespmem:v2+s29+$0x0], $0xffff;
	_ =	sdelay $0x4  }
0x221: {  	v1 =	vadd.f32 v2, v1;
	_ =	sdelay $0x1  }
0x222: {  	v2 =	vmul.f32 $2.000000030e-01, v1  }
0x223: {  	vm0 =	vge.f32 v1, $0.0e+00  }
0x224: {  	v1 =	vsel vm0, v1, v2  }
0x225: {  	v1 =	vmul.f32 $1.442695020e+00, v1;
	_ =	sdelay $0x1  }
0x226: {  	(erf) = vpow2.f32 v1;
	_ =	sdelay $0x2  }
0x227: {  	v1 =	vld [tilespmem:$0x4FC0]  }
0x228: {  	v2 =	vld [tilespmem:$0x52E0];
	_ =	sdelay $0x4  }
0x229: {  	v3 =	vpop (erf)  }
0x22a: {  	[tilespmem:$0x55F0] =	vst v3  }
0x22b: {  	v1 =	vld.idx.msk [tilespmem:v1+s7+$0x0], $0xffff  }
0x22c: {  	v2 =	vld.idx.msk [tilespmem:v2+s29+$0x0], $0xffff;
	_ =	sdelay $0x4  }
0x22d: {  	v1 =	vadd.f32 v2, v1;
	_ =	sdelay $0x1  }
0x22e: {  	v2 =	vmul.f32 $2.000000030e-01, v1  }
0x22f: {  	vm4 =	vge.f32 v1, $0.0e+00  }
0x230: {  	v1 =	vsel vm4, v1, v2  }
0x231: {  	v1 =	vmul.f32 $1.442695020e+00, v1;
	_ =	sdelay $0x1  }
0x232: {  	(erf) = vpow2.f32 v1;
	_ =	sdelay $0x2  }
0x233: {  	v1 =	vld [tilespmem:$0x4FD0]  }
0x234: {  	v2 =	vld [tilespmem:$0x52F0];
	_ =	sdelay $0x4  }
0x235: {  	v3 =	vpop (erf)  }
0x236: {  	[tilespmem:$0x5600] =	vst v3  }
0x237: {  	v1 =	vld.idx.msk [tilespmem:v1+s7+$0x0], $0xffff  }
0x238: {  	v2 =	vld.idx.msk [tilespmem:v2+s29+$0x0], $0xffff;
	_ =	sdelay $0x4  }
0x239: {  	v1 =	vadd.f32 v2, v1;
	_ =	sdelay $0x1  }
0x23a: {  	v2 =	vmul.f32 $2.000000030e-01, v1  }
0x23b: {  	vm5 =	vge.f32 v1, $0.0e+00  }
0x23c: {  	v1 =	vsel vm5, v1, v2  }
0x23d: {  	v1 =	vmul.f32 $1.442695020e+00, v1;
	_ =	sdelay $0x1  }
0x23e: {  	(erf) = vpow2.f32 v1;
	_ =	sdelay $0x2  }
0x23f: {  	v1 =	vld [tilespmem:$0x4FE0]  }
0x240: {  	v2 =	vld [tilespmem:$0x5300];
	_ =	sdelay $0x4  }
0x241: {  	v3 =	vpop (erf)  }
0x242: {  	[tilespmem:$0x5610] =	vst v3  }
0x243: {  	v1 =	vld.idx.msk [tilespmem:v1+s7+$0x0], $0xffff  }
0x244: {  	v2 =	vld.idx.msk [tilespmem:v2+s29+$0x0], $0xffff;
	_ =	sdelay $0x4  }
0x245: {  	v1 =	vadd.f32 v2, v1;
	_ =	sdelay $0x1  }
0x246: {  	v2 =	vmul.f32 $2.000000030e-01, v1  }
0x247: {  	vm6 =	vge.f32 v1, $0.0e+00  }
0x248: {  	v1 =	vsel vm6, v1, v2  }
0x249: {  	v1 =	vmul.f32 $1.442695020e+00, v1;
	_ =	sdelay $0x1  }
0x24a: {  	(erf) = vpow2.f32 v1;
	_ =	sdelay $0x2  }
0x24b: {  	v1 =	vld [tilespmem:$0x4FF0]  }
0x24c: {  	v2 =	vld [tilespmem:$0x5310];
	_ =	sdelay $0x4  }
0x24d: {  	v3 =	vpop (erf)  }
0x24e: {  	[tilespmem:$0x5620] =	vst v3  }
0x24f: {  	v1 =	vld.idx.msk [tilespmem:v1+s7+$0x0], $0xffff  }
0x250: {  	v2 =	vld.idx.msk [tilespmem:v2+s29+$0x0], $0xffff;
	_ =	sdelay $0x4  }
0x251: {  	v1 =	vadd.f32 v2, v1;
	_ =	sdelay $0x1  }
0x252: {  	v2 =	vmul.f32 $2.000000030e-01, v1  }
0x253: {  	vm7 =	vge.f32 v1, $0.0e+00  }
0x254: {  	v1 =	vsel vm7, v1, v2  }
0x255: {  	v1 =	vmul.f32 $1.442695020e+00, v1;
	_ =	sdelay $0x1  }
0x256: {  	(erf) = vpow2.f32 v1;
	_ =	sdelay $0x2  }
0x257: {  	v1 =	vld [tilespmem:$0x5000]  }
0x258: {  	v2 =	vld [tilespmem:$0x5320];
	_ =	sdelay $0x4  }
0x259: {  	v3 =	vpop (erf)  }
0x25a: {  	[tilespmem:$0x5630] =	vst v3  }
0x25b: {  	v1 =	vld.idx.msk [tilespmem:v1+s7+$0x0], $0xffff  }
0x25c: {  	v2 =	vld.idx.msk [tilespmem:v2+s29+$0x0], $0xffff;
	_ =	sdelay $0x4  }
0x25d: {  	v1 =	vadd.f32 v2, v1;
	_ =	sdelay $0x1  }
0x25e: {  	v2 =	vmul.f32 $2.000000030e-01, v1  }
0x25f: {  	vm8 =	vge.f32 v1, $0.0e+00  }
0x260: {  	v1 =	vsel vm8, v1, v2  }
0x261: {  	v1 =	vmul.f32 $1.442695020e+00, v1;
	_ =	sdelay $0x1  }
0x262: {  	(erf) = vpow2.f32 v1;
	_ =	sdelay $0x2  }
0x263: {  	v1 =	vld [tilespmem:$0x5010]  }
0x264: {  	v2 =	vld [tilespmem:$0x5330];
	_ =	sdelay $0x4  }
0x265: {  	v3 =	vpop (erf)  }
0x266: {  	[tilespmem:$0x5640] =	vst v3  }
0x267: {  	v1 =	vld.idx.msk [tilespmem:v1+s7+$0x0], $0xffff  }
0x268: {  	v2 =	vld.idx.msk [tilespmem:v2+s29+$0x0], $0xffff;
	_ =	sdelay $0x4  }
0x269: {  	v1 =	vadd.f32 v2, v1;
	_ =	sdelay $0x1  }
0x26a: {  	v2 =	vmul.f32 $2.000000030e-01, v1  }
0x26b: {  	vm9 =	vge.f32 v1, $0.0e+00  }
0x26c: {  	v1 =	vsel vm9, v1, v2  }
0x26d: {  	v1 =	vmul.f32 $1.442695020e+00, v1;
	_ =	sdelay $0x1  }
0x26e: {  	(erf) = vpow2.f32 v1;
	_ =	sdelay $0x2  }
0x26f: {  	v1 =	vld [tilespmem:$0x5020]  }
0x270: {  	v2 =	vld [tilespmem:$0x5340];
	_ =	sdelay $0x4  }
0x271: {  	v3 =	vpop (erf)  }
0x272: {  	[tilespmem:$0x5650] =	vst v3  }
0x273: {  	v1 =	vld.idx.msk [tilespmem:v1+s7+$0x0], $0xffff  }
0x274: {  	v2 =	vld.idx.msk [tilespmem:v2+s29+$0x0], $0xffff;
	_ =	sdelay $0x4  }
0x275: {  	v1 =	vadd.f32 v2, v1;
	_ =	sdelay $0x1  }
0x276: {  	v2 =	vmul.f32 $2.000000030e-01, v1  }
0x277: {  	vm10 =	vge.f32 v1, $0.0e+00  }
0x278: {  	v1 =	vsel vm10, v1, v2  }
0x279: {  	v1 =	vmul.f32 $1.442695020e+00, v1;
	_ =	sdelay $0x1  }
0x27a: {  	(erf) = vpow2.f32 v1;
	_ =	sdelay $0x2  }
0x27b: {  	v1 =	vld [tilespmem:$0x5030]  }
0x27c: {  	v2 =	vld [tilespmem:$0x5350];
	_ =	sdelay $0x4  }
0x27d: {  	v3 =	vpop (erf)  }
0x27e: {  	[tilespmem:$0x5660] =	vst v3  }
0x27f: {  	v1 =	vld.idx.msk [tilespmem:v1+s7+$0x0], $0xffff  }
0x280: {  	v2 =	vld.idx.msk [tilespmem:v2+s29+$0x0], $0xffff;
	_ =	sdelay $0x4  }
0x281: {  	v1 =	vadd.f32 v2, v1;
	_ =	sdelay $0x1  }
0x282: {  	v2 =	vmul.f32 $2.000000030e-01, v1  }
0x283: {  	vm11 =	vge.f32 v1, $0.0e+00  }
0x284: {  	v1 =	vsel vm11, v1, v2  }
0x285: {  	v1 =	vmul.f32 $1.442695020e+00, v1;
	_ =	sdelay $0x1  }
0x286: {  	(erf) = vpow2.f32 v1;
	_ =	sdelay $0x2  }
0x287: {  	v1 =	vld [tilespmem:$0x5040]  }
0x288: {  	v2 =	vld [tilespmem:$0x5360];
	_ =	sdelay $0x4  }
0x289: {  	v3 =	vpop (erf)  }
0x28a: {  	[tilespmem:$0x5670] =	vst v3  }
0x28b: {  	v1 =	vld.idx.msk [tilespmem:v1+s7+$0x0], $0xffff  }
0x28c: {  	v2 =	vld.idx.msk [tilespmem:v2+s29+$0x0], $0xffff;
	_ =	sdelay $0x4  }
0x28d: {  	v1 =	vadd.f32 v2, v1;
	_ =	sdelay $0x1  }
0x28e: {  	v2 =	vmul.f32 $2.000000030e-01, v1  }
0x28f: {  	vm12 =	vge.f32 v1, $0.0e+00  }
0x290: {  	v1 =	vsel vm12, v1, v2  }
0x291: {  	v1 =	vmul.f32 $1.442695020e+00, v1;
	_ =	sdelay $0x1  }
0x292: {  	(erf) = vpow2.f32 v1;
	_ =	sdelay $0x2  }
0x293: {  	v1 =	vld [tilespmem:$0x5050]  }
0x294: {  	v2 =	vld [tilespmem:$0x5370];
	_ =	sdelay $0x4  }
0x295: {  	v3 =	vpop (erf)  }
0x296: {  	[tilespmem:$0x5680] =	vst v3  }
0x297: {  	v1 =	vld.idx.msk [tilespmem:v1+s7+$0x0], $0xffff  }
0x298: {  	v2 =	vld.idx.msk [tilespmem:v2+s29+$0x0], $0xffff;
	_ =	sdelay $0x4  }
0x299: {  	v1 =	vadd.f32 v2, v1;
	_ =	sdelay $0x1  }
0x29a: {  	v2 =	vmul.f32 $2.000000030e-01, v1  }
0x29b: {  	vm13 =	vge.f32 v1, $0.0e+00  }
0x29c: {  	v1 =	vsel vm13, v1, v2  }
0x29d: {  	v1 =	vmul.f32 $1.442695020e+00, v1;
	_ =	sdelay $0x1  }
0x29e: {  	(erf) = vpow2.f32 v1;
	_ =	sdelay $0x2  }
0x29f: {  	v1 =	vld [tilespmem:$0x5060]  }
0x2a0: {  	v2 =	vld [tilespmem:$0x5380];
	_ =	sdelay $0x4  }
0x2a1: {  	v3 =	vpop (erf)  }
0x2a2: {  	[tilespmem:$0x5690] =	vst v3  }
0x2a3: {  	v1 =	vld.idx.msk [tilespmem:v1+s7+$0x0], $0xffff  }
0x2a4: {  	v2 =	vld.idx.msk [tilespmem:v2+s29+$0x0], $0xffff;
	_ =	sdelay $0x4  }
0x2a5: {  	v1 =	vadd.f32 v2, v1;
	_ =	sdelay $0x1  }
0x2a6: {  	v2 =	vmul.f32 $2.000000030e-01, v1  }
0x2a7: {  	vm14 =	vge.f32 v1, $0.0e+00  }
0x2a8: {  	v1 =	vsel vm14, v1, v2  }
0x2a9: {  	v1 =	vmul.f32 $1.442695020e+00, v1;
	_ =	sdelay $0x1  }
0x2aa: {  	(erf) = vpow2.f32 v1;
	_ =	sdelay $0x2  }
0x2ab: {  	v1 =	vld [tilespmem:$0x5070]  }
0x2ac: {  	v2 =	vld [tilespmem:$0x5390];
	_ =	sdelay $0x4  }
0x2ad: {  	v3 =	vpop (erf)  }
0x2ae: {  	[tilespmem:$0x56A0] =	vst v3  }
0x2af: {  	v1 =	vld.idx.msk [tilespmem:v1+s7+$0x0], $0xffff  }
0x2b0: {  	v2 =	vld.idx.msk [tilespmem:v2+s29+$0x0], $0xffff;
	_ =	sdelay $0x4  }
0x2b1: {  	v1 =	vadd.f32 v2, v1;
	_ =	sdelay $0x1  }
0x2b2: {  	v2 =	vmul.f32 $2.000000030e-01, v1  }
0x2b3: {  	vm15 =	vge.f32 v1, $0.0e+00  }
0x2b4: {  	v1 =	vsel vm15, v1, v2  }
0x2b5: {  	v1 =	vmul.f32 $1.442695020e+00, v1;
	_ =	sdelay $0x1  }
0x2b6: {  	(erf) = vpow2.f32 v1;
	_ =	sdelay $0x2  }
0x2b7: {  	v1 =	vld [tilespmem:$0x5080]  }
0x2b8: {  	v2 =	vld [tilespmem:$0x53A0];
	_ =	sdelay $0x4  }
0x2b9: {  	v3 =	vpop (erf)  }
0x2ba: {  	[tilespmem:$0x56B0] =	vst v3  }
0x2bb: {  	v1 =	vld.idx.msk [tilespmem:v1+s7+$0x0], $0xffff  }
0x2bc: {  	v2 =	vld.idx.msk [tilespmem:v2+s29+$0x0], $0xffff;
	_ =	sdelay $0x4  }
0x2bd: {  	v1 =	vadd.f32 v2, v1;
	_ =	sdelay $0x1  }
0x2be: {  	v2 =	vmul.f32 $2.000000030e-01, v1  }
0x2bf: {  	vm4 =	vge.f32 v1, $0.0e+00  }
0x2c0: {  	v1 =	vsel vm4, v1, v2  }
0x2c1: {  	v1 =	vmul.f32 $1.442695020e+00, v1;
	_ =	sdelay $0x1  }
0x2c2: {  	(erf) = vpow2.f32 v1;
	_ =	sdelay $0x2  }
0x2c3: {  	v1 =	vld [tilespmem:$0x5090]  }
0x2c4: {  	v2 =	vld [tilespmem:$0x53B0];
	_ =	sdelay $0x4  }
0x2c5: {  	v3 =	vpop (erf)  }
0x2c6: {  	[tilespmem:$0x56C0] =	vst v3  }
0x2c7: {  	v1 =	vld.idx.msk [tilespmem:v1+s7+$0x0], $0xffff  }
0x2c8: {  	v2 =	vld.idx.msk [tilespmem:v2+s29+$0x0], $0xffff;
	_ =	sdelay $0x4  }
0x2c9: {  	v1 =	vadd.f32 v2, v1;
	_ =	sdelay $0x1  }
0x2ca: {  	v2 =	vmul.f32 $2.000000030e-01, v1  }
0x2cb: {  	vm5 =	vge.f32 v1, $0.0e+00  }
0x2cc: {  	v1 =	vsel vm5, v1, v2  }
0x2cd: {  	v1 =	vmul.f32 $1.442695020e+00, v1;
	_ =	sdelay $0x1  }
0x2ce: {  	(erf) = vpow2.f32 v1;
	_ =	sdelay $0x2  }
0x2cf: {  	v1 =	vld [tilespmem:$0x50A0]  }
0x2d0: {  	v2 =	vld [tilespmem:$0x53C0];
	_ =	sdelay $0x4  }
0x2d1: {  	v3 =	vpop (erf)  }
0x2d2: {  	[tilespmem:$0x56D0] =	vst v3  }
0x2d3: {  	v1 =	vld.idx.msk [tilespmem:v1+s7+$0x0], $0xffff  }
0x2d4: {  	v2 =	vld.idx.msk [tilespmem:v2+s29+$0x0], $0xffff;
	_ =	sdelay $0x4  }
0x2d5: {  	v1 =	vadd.f32 v2, v1;
	_ =	sdelay $0x1  }
0x2d6: {  	v2 =	vmul.f32 $2.000000030e-01, v1  }
0x2d7: {  	vm6 =	vge.f32 v1, $0.0e+00  }
0x2d8: {  	v1 =	vsel vm6, v1, v2  }
0x2d9: {  	v1 =	vmul.f32 $1.442695020e+00, v1;
	_ =	sdelay $0x1  }
0x2da: {  	(erf) = vpow2.f32 v1;
	_ =	sdelay $0x2  }
0x2db: {  	v1 =	vld [tilespmem:$0x50B0]  }
0x2dc: {  	v2 =	vld [tilespmem:$0x53D0];
	_ =	sdelay $0x4  }
0x2dd: {  	v3 =	vpop (erf)  }
0x2de: {  	[tilespmem:$0x56E0] =	vst v3  }
0x2df: {  	v1 =	vld.idx.msk [tilespmem:v1+s7+$0x0], $0xffff  }
0x2e0: {  	v2 =	vld.idx.msk [tilespmem:v2+s29+$0x0], $0xffff;
	_ =	sdelay $0x4  }
0x2e1: {  	v1 =	vadd.f32 v2, v1;
	_ =	sdelay $0x1  }
0x2e2: {  	v2 =	vmul.f32 $2.000000030e-01, v1  }
0x2e3: {  	vm7 =	vge.f32 v1, $0.0e+00  }
0x2e4: {  	v1 =	vsel vm7, v1, v2  }
0x2e5: {  	v1 =	vmul.f32 $1.442695020e+00, v1;
	_ =	sdelay $0x1  }
0x2e6: {  	(erf) = vpow2.f32 v1;
	_ =	sdelay $0x2  }
0x2e7: {  	v1 =	vld [tilespmem:$0x50C0]  }
0x2e8: {  	v2 =	vld [tilespmem:$0x53E0];
	_ =	sdelay $0x4  }
0x2e9: {  	v3 =	vpop (erf)  }
0x2ea: {  	[tilespmem:$0x56F0] =	vst v3  }
0x2eb: {  	v1 =	vld.idx.msk [tilespmem:v1+s7+$0x0], $0xffff  }
0x2ec: {  	v2 =	vld.idx.msk [tilespmem:v2+s29+$0x0], $0xffff;
	_ =	sdelay $0x4  }
0x2ed: {  	v1 =	vadd.f32 v2, v1;
	_ =	sdelay $0x1  }
0x2ee: {  	v2 =	vmul.f32 $2.000000030e-01, v1  }
0x2ef: {  	vm8 =	vge.f32 v1, $0.0e+00  }
0x2f0: {  	v1 =	vsel vm8, v1, v2  }
0x2f1: {  	v1 =	vmul.f32 $1.442695020e+00, v1;
	_ =	sdelay $0x1  }
0x2f2: {  	(erf) = vpow2.f32 v1;
	_ =	sdelay $0x2  }
0x2f3: {  	v1 =	vld [tilespmem:$0x50D0]  }
0x2f4: {  	v2 =	vld [tilespmem:$0x53F0];
	_ =	sdelay $0x4  }
0x2f5: {  	v3 =	vpop (erf)  }
0x2f6: {  	[tilespmem:$0x5700] =	vst v3  }
0x2f7: {  	v1 =	vld.idx.msk [tilespmem:v1+s7+$0x0], $0xffff  }
0x2f8: {  	v2 =	vld.idx.msk [tilespmem:v2+s29+$0x0], $0xffff;
	_ =	sdelay $0x4  }
0x2f9: {  	v1 =	vadd.f32 v2, v1;
	_ =	sdelay $0x1  }
0x2fa: {  	v2 =	vmul.f32 $2.000000030e-01, v1  }
0x2fb: {  	vm9 =	vge.f32 v1, $0.0e+00  }
0x2fc: {  	v1 =	vsel vm9, v1, v2  }
0x2fd: {  	v1 =	vmul.f32 $1.442695020e+00, v1;
	_ =	sdelay $0x1  }
0x2fe: {  	(erf) = vpow2.f32 v1;
	_ =	sdelay $0x2  }
0x2ff: {  	v1 =	vld [tilespmem:$0x50E0]  }
0x300: {  	v2 =	vld [tilespmem:$0x5400];
	_ =	sdelay $0x4  }
0x301: {  	v3 =	vpop (erf)  }
0x302: {  	[tilespmem:$0x5710] =	vst v3  }
0x303: {  	v1 =	vld.idx.msk [tilespmem:v1+s7+$0x0], $0xffff  }
0x304: {  	v2 =	vld.idx.msk [tilespmem:v2+s29+$0x0], $0xffff;
	_ =	sdelay $0x4  }
0x305: {  	v1 =	vadd.f32 v2, v1;
	_ =	sdelay $0x1  }
0x306: {  	v2 =	vmul.f32 $2.000000030e-01, v1  }
0x307: {  	vm10 =	vge.f32 v1, $0.0e+00  }
0x308: {  	v1 =	vsel vm10, v1, v2  }
0x309: {  	v1 =	vmul.f32 $1.442695020e+00, v1;
	_ =	sdelay $0x1  }
0x30a: {  	(erf) = vpow2.f32 v1;
	_ =	sdelay $0x2  }
0x30b: {  	v1 =	vld [tilespmem:$0x50F0]  }
0x30c: {  	v2 =	vld [tilespmem:$0x5410];
	_ =	sdelay $0x4  }
0x30d: {  	v3 =	vpop (erf)  }
0x30e: {  	[tilespmem:$0x5720] =	vst v3  }
0x30f: {  	v1 =	vld.idx.msk [tilespmem:v1+s7+$0x0], $0xffff  }
0x310: {  	v2 =	vld.idx.msk [tilespmem:v2+s29+$0x0], $0xffff;
	_ =	sdelay $0x4  }
0x311: {  	v1 =	vadd.f32 v2, v1;
	_ =	sdelay $0x1  }
0x312: {  	v2 =	vmul.f32 $2.000000030e-01, v1  }
0x313: {  	vm11 =	vge.f32 v1, $0.0e+00  }
0x314: {  	v1 =	vsel vm11, v1, v2  }
0x315: {  	v1 =	vmul.f32 $1.442695020e+00, v1;
	_ =	sdelay $0x1  }
0x316: {  	(erf) = vpow2.f32 v1;
	_ =	sdelay $0x2  }
0x317: {  	v1 =	vld [tilespmem:$0x5100]  }
0x318: {  	v2 =	vld [tilespmem:$0x5420];
	_ =	sdelay $0x4  }
0x319: {  	v3 =	vpop (erf)  }
0x31a: {  	[tilespmem:$0x5730] =	vst v3  }
0x31b: {  	v1 =	vld.idx.msk [tilespmem:v1+s7+$0x0], $0xffff  }
0x31c: {  	v2 =	vld.idx.msk [tilespmem:v2+s29+$0x0], $0xffff;
	_ =	sdelay $0x4  }
0x31d: {  	v1 =	vadd.f32 v2, v1;
	_ =	sdelay $0x1  }
0x31e: {  	v2 =	vmul.f32 $2.000000030e-01, v1  }
0x31f: {  	vm12 =	vge.f32 v1, $0.0e+00  }
0x320: {  	v1 =	vsel vm12, v1, v2  }
0x321: {  	v1 =	vmul.f32 $1.442695020e+00, v1;
	_ =	sdelay $0x1  }
0x322: {  	(erf) = vpow2.f32 v1;
	_ =	sdelay $0x2  }
0x323: {  	v1 =	vld [tilespmem:$0x5110]  }
0x324: {  	v2 =	vld [tilespmem:$0x5430];
	_ =	sdelay $0x4  }
0x325: {  	v3 =	vpop (erf)  }
0x326: {  	[tilespmem:$0x5740] =	vst v3  }
0x327: {  	v1 =	vld.idx.msk [tilespmem:v1+s7+$0x0], $0xffff  }
0x328: {  	v2 =	vld.idx.msk [tilespmem:v2+s29+$0x0], $0xffff;
	_ =	sdelay $0x4  }
0x329: {  	v1 =	vadd.f32 v2, v1;
	_ =	sdelay $0x1  }
0x32a: {  	v2 =	vmul.f32 $2.000000030e-01, v1  }
0x32b: {  	vm13 =	vge.f32 v1, $0.0e+00  }
0x32c: {  	v1 =	vsel vm13, v1, v2  }
0x32d: {  	v1 =	vmul.f32 $1.442695020e+00, v1;
	_ =	sdelay $0x1  }
0x32e: {  	(erf) = vpow2.f32 v1;
	_ =	sdelay $0x2  }
0x32f: {  	v1 =	vld [tilespmem:$0x5120]  }
0x330: {  	v2 =	vld [tilespmem:$0x5440];
	_ =	sdelay $0x4  }
0x331: {  	v3 =	vpop (erf)  }
0x332: {  	[tilespmem:$0x5750] =	vst v3  }
0x333: {  	v1 =	vld.idx.msk [tilespmem:v1+s7+$0x0], $0xffff  }
0x334: {  	v2 =	vld.idx.msk [tilespmem:v2+s29+$0x0], $0xffff;
	_ =	sdelay $0x4  }
0x335: {  	v1 =	vadd.f32 v2, v1;
	_ =	sdelay $0x1  }
0x336: {  	v2 =	vmul.f32 $2.000000030e-01, v1  }
0x337: {  	vm14 =	vge.f32 v1, $0.0e+00  }
0x338: {  	v1 =	vsel vm14, v1, v2  }
0x339: {  	v1 =	vmul.f32 $1.442695020e+00, v1;
	_ =	sdelay $0x1  }
0x33a: {  	(erf) = vpow2.f32 v1;
	_ =	sdelay $0x2  }
0x33b: {  	v1 =	vld [tilespmem:$0x5130]  }
0x33c: {  	v2 =	vld [tilespmem:$0x5450];
	_ =	sdelay $0x4  }
0x33d: {  	v3 =	vpop (erf)  }
0x33e: {  	[tilespmem:$0x5760] =	vst v3  }
0x33f: {  	v1 =	vld.idx.msk [tilespmem:v1+s7+$0x0], $0xffff  }
0x340: {  	v2 =	vld.idx.msk [tilespmem:v2+s29+$0x0], $0xffff;
	_ =	sdelay $0x4  }
0x341: {  	v1 =	vadd.f32 v2, v1;
	_ =	sdelay $0x1  }
0x342: {  	v2 =	vmul.f32 $2.000000030e-01, v1  }
0x343: {  	vm15 =	vge.f32 v1, $0.0e+00  }
0x344: {  	v1 =	vsel vm15, v1, v2  }
0x345: {  	v1 =	vmul.f32 $1.442695020e+00, v1;
	_ =	sdelay $0x1  }
0x346: {  	(erf) = vpow2.f32 v1;
	_ =	sdelay $0x4  }
0x347: {  	s22 =	simm.s32 $0x0  }
0x348: {  	v1 =	vmov s22  }
0x349: {  	v1 =	vand.u32 $0xFFFFFFFC, v1  }
0x34a: {  	v1 =	vbroadcast v1, $0x0  }
0x34b: {  	v2 =	vpop (erf)  }
0x34c: {  	[tilespmem:$0x5770] =	vst v2  }
0x34d: {  	_ =	swait.ge [sflag:s15], $0x6400  }
0x34e: {  	[sflag:s15] =	ssyncset.done $0x0  }
0x34f: {  	[sflag:s15] =	ssyncadd.s32 $0xFFFF9C00  }
0x350: {  	s19 =	simm.s32 $0x0;
	v1 =	vld.idx.msk [tilespmem:v1+s16+$0x0], $0xffff  }
0x351: {  	v2 =	vld [tilespmem:s19+$0xBBB0]  }
0x352: {  	v3 =	vld [tilespmem:s19+$0xBB90]  }
0x353: {  	s23 =	simm.s32 $0x1;
	v4 =	vld [tilespmem:s19+$0xBB80]  }
0x354: {  	v6 =	vmov s23;
	v5 =	vld [tilespmem:s19+$0xBBA0]  }
0x355: {  	v6 =	vand.u32 $0xFFFFFFFD, v6  }
0x356: {  	v6 =	vbroadcast v6, $0x0;
	v2 =	vmul.f32 v2, v1  }
0x357: {  	v3 =	vmul.f32 v3, v1  }
0x358: {  	v4 =	vmul.f32 v4, v1;
	[tilespmem:s19+$0xBBB0] =	vst v2  }
0x359: {  	v1 =	vmul.f32 v5, v1;
	[tilespmem:s19+$0xBB90] =	vst v3  }
0x35a: {  	[tilespmem:s19+$0xBB80] =	vst v4  }
0x35b: {  	[tilespmem:s19+$0xBBA0] =	vst v1;
	v3 =	vld [tilespmem:s19+$0xBBC0]  }
0x35c: {  	v1 =	vld.idx.msk [tilespmem:v6+s16+$0x0], $0xffff  }
0x35d: {  	v4 =	vld [tilespmem:s19+$0xBBE0]  }
0x35e: {  	s24 =	simm.s32 $0x2;
	v5 =	vld [tilespmem:s19+$0xBBD0]  }
0x35f: {  	v2 =	vld [tilespmem:s19+$0xBBF0];
	v6 =	vmov s24  }
0x360: {  	v6 =	vand.u32 $0xFFFFFFFE, v6  }
0x361: {  	v6 =	vbroadcast v6, $0x0;
	v3 =	vmul.f32 v3, v1  }
0x362: {  	v4 =	vmul.f32 v4, v1  }
0x363: {  	[tilespmem:s19+$0xBBC0] =	vst v3;
	v3 =	vmul.f32 v5, v1  }
0x364: {  	[tilespmem:s19+$0xBBE0] =	vst v4;
	v1 =	vmul.f32 v2, v1  }
0x365: {  	v2 =	vld [tilespmem:s19+$0xBC30];
	[tilespmem:s19+$0xBBD0] =	vst v3  }
0x366: {  	[tilespmem:s19+$0xBBF0] =	vst v1;
	v1 =	vld [tilespmem:s19+$0xBC00]  }
0x367: {  	v4 =	vld.idx.msk [tilespmem:v6+s16+$0x0], $0xffff  }
0x368: {  	v3 =	vld [tilespmem:s19+$0xBC10]  }
0x369: {  	v5 =	vld [tilespmem:s19+$0xBC20];
	_ =	sdelay $0x2  }
0x36a: {  	v6 =	vmul.f32 v1, v4  }
0x36b: {  	s22 =	simm.s32 $0x3;
	v3 =	vmul.f32 v3, v4  }
0x36c: {  	s23 =	simm.s32 $0x400;
	v1 =	vmul.f32 v5, v4;
	v4 =	vmul.f32 v2, v4;
	v2 =	vmov s22;
	[tilespmem:s19+$0xBC00] =	vst v6  }
.LBB2_7:
0x36d: {  	p0 =	sne.s32 s23, $0x18C00  }
0x36e: {  	[tilespmem:s19+$0xBC30] =	vst v4;
	s22 =	sadd.s32 $0x4, s22;
	s6 =	smov.u32 s23;
	s23 =	sadd.s32 $0x400, s23  }
0x36f: {  	[tilespmem:s19+$0xBC10] =	vst v3;
	v3 =	vld [tilespmem:s19+$0xBC70]  }
0x370: {  	[tilespmem:s19+$0xBC20] =	vst v1;
	v1 =	vld [tilespmem:s19+$0xBC50]  }
0x371: {  	v2 =	vld.idx.msk [tilespmem:v2+s16+$0x0], $0xffff  }
0x372: {  	s7 =	sadd.s32 $0xFFFFFFFD, s22;
	v4 =	vld [tilespmem:s19+$0xBC40]  }
0x373: {  	v5 =	vmov s7;
	v6 =	vld [tilespmem:s19+$0xBC60]  }
0x374: {  	v5 =	vand.u32 $0xFFFFFFFC, v5  }
0x375: {  	v5 =	vbroadcast v5, $0x0;
	_ =	sdelay $0x1  }
0x376: {  	v1 =	vmul.f32 v1, v2;
	v4 =	vmul.f32 v4, v2  }
0x377: {  	v6 =	vmul.f32 v6, v2;
	v2 =	vmul.f32 v3, v2  }
0x378: {  	[tilespmem:s19+$0xBC40] =	vst v4  }
0x379: {  	[tilespmem:s19+$0xBC50] =	vst v1  }
0x37a: {  	s6 =	sshra.s32 s6, $0x2;
	[tilespmem:s19+$0xBC60] =	vst v6  }
0x37b: {  	v1 =	vld [tilespmem:s6+$0xBB90];
	[tilespmem:s19+$0xBC70] =	vst v2;
	s19 =	smov.u32 s6  }
0x37c: {  	v2 =	vld.idx.msk [tilespmem:v5+s16+$0x0], $0xffff  }
0x37d: {  	v3 =	vld [tilespmem:s19+$0xBBB0]  }
0x37e: {  	v4 =	vld [tilespmem:s19+$0xBB80]  }
0x37f: {  	s6 =	sadd.s32 $0xFFFFFFFE, s22;
	v5 =	vld [tilespmem:s19+$0xBBA0]  }
0x380: {  	v6 =	vmov s6  }
0x381: {  	v6 =	vand.u32 $0xFFFFFFFD, v6  }
0x382: {  	v6 =	vbroadcast v6, $0x0;
	v3 =	vmul.f32 v3, v2  }
0x383: {  	v1 =	vmul.f32 v1, v2;
	v4 =	vmul.f32 v4, v2  }
0x384: {  	v2 =	vmul.f32 v5, v2;
	[tilespmem:s19+$0xBBB0] =	vst v3  }
0x385: {  	[tilespmem:s19+$0xBB90] =	vst v1  }
0x386: {  	[tilespmem:s19+$0xBB80] =	vst v4;
	v1 =	vld [tilespmem:s19+$0xBBF0]  }
0x387: {  	[tilespmem:s19+$0xBBA0] =	vst v2;
	v2 =	vld [tilespmem:s19+$0xBBD0]  }
0x388: {  	v3 =	vld.idx.msk [tilespmem:v6+s16+$0x0], $0xffff  }
0x389: {  	v4 =	vld [tilespmem:s19+$0xBBC0]  }
0x38a: {  	v5 =	vld [tilespmem:s19+$0xBBE0]  }
0x38b: {  	s6 =	sadd.s32 $0xFFFFFFFF, s22  }
0x38c: {  	v6 =	vmov s6  }
0x38d: {  	v6 =	vand.u32 $0xFFFFFFFE, v6  }
0x38e: {  	v6 =	vbroadcast v6, $0x0;
	v4 =	vmul.f32 v4, v3  }
0x38f: {  	v1 =	vmul.f32 v1, v3;
	v5 =	vmul.f32 v5, v3  }
0x390: {  	v2 =	vmul.f32 v2, v3;
	[tilespmem:s19+$0xBBC0] =	vst v4  }
0x391: {  	[tilespmem:s19+$0xBBE0] =	vst v5  }
0x392: {  	[tilespmem:s19+$0xBBD0] =	vst v2;
	v2 =	vld [tilespmem:s19+$0xBC30]  }
0x393: {  	[tilespmem:s19+$0xBBF0] =	vst v1;
	v1 =	vld [tilespmem:s19+$0xBC10]  }
0x394: {  	v4 =	vld.idx.msk [tilespmem:v6+s16+$0x0], $0xffff  }
0x395: {  	v3 =	vld [tilespmem:s19+$0xBC00]  }
0x396: {  	v5 =	vld [tilespmem:s19+$0xBC20];
	_ =	sdelay $0x1  }
.Ltmp2:
0x397: {  	(pc) =	sbr.rel @p0 .LBB2_7-.Ltmp2, $4  }
0x398: {  	_ = 	snop  }
0x399: {  	v6 =	vmul.f32 v3, v4;
	v3 =	vmul.f32 v1, v4  }
0x39a: {  	v1 =	vmul.f32 v5, v4;
	v4 =	vmul.f32 v2, v4;
	v2 =	vmov s22  }
0x39b: {  	[tilespmem:s19+$0xBC00] =	vst v6  }
0x39c: {  	_ = 	snop  }
0x39d: {  	[tilespmem:s19+$0xBC30] =	vst v4  }
0x39e: {  	[tilespmem:s19+$0xBC10] =	vst v3  }
0x39f: {  	[tilespmem:s19+$0xBC20] =	vst v1  }
0x3a0: {  	v1 =	vld.idx.msk [tilespmem:v2+s16+$0x0], $0xffff  }
0x3a1: {  	v2 =	vld [tilespmem:s19+$0xBC40]  }
0x3a2: {  	v63 =	vld [tilespmem:s19+$0xBC50]  }
0x3a3: {  	v5 =	vld [tilespmem:s19+$0xBC60]  }
0x3a4: {  	v3 =	vld [tilespmem:s19+$0xBC70];
	_ =	sdelay $0x1  }
0x3a5: {  	v2 =	vmul.f32 v2, v1  }
0x3a6: {  	v4 =	vmul.f32 v63, v1  }
0x3a7: {  	v5 =	vmul.f32 v5, v1;
	[tilespmem:s19+$0xBC40] =	vst v2  }
0x3a8: {  	v1 =	vmul.f32 v3, v1;
	[tilespmem:s19+$0xBC50] =	vst v4  }
0x3a9: {  	[tilespmem:s19+$0xBC60] =	vst v5  }
0x3aa: {  	[tilespmem:s19+$0xBC70] =	vst v1  }
0x3ab: {  	[spmem:s2] =	stream.indirect.scatter.add.f32 [tilespmem:s14], [sflag:$0x3], $0x40, s5, s1, $0xb8;
	[tilespmem:$0x1BE40] =	vst v63  }
0x3ac: {  	s18 =	sadd.s32 $0x1, s18;
	_ =	swait.ge [sflag:s26], $0x6400  }
0x3ad: {  	p0 =	sne.s32 s18, $0x19;
	[sflag:s26] =	ssyncset.done $0x0  }
.Ltmp3:
0x3ae: {  	[sflag:s26] =	ssyncadd.s32 $0xFFFF9C00;
	(pc) =	sbr.rel @p0 .LBB2_4-.Ltmp3, $4  }
0x3af: {  	[spmem:s3] =	stream.indirect.scatter.add.f32 [tilespmem:s16], [sflag:$0x3], $0x1, s5, s1, $0xb8;
	[tilespmem:$0x1BE40] =	vst v63  }
0x3b0: {  	_ =	swait.ge [sflag:s26], $0x190  }
0x3b1: {  	[sflag:s26] =	ssyncset.done $0x0  }
0x3b2: {  	[sflag:s26] =	ssyncadd.s32 $0xFFFFFE70  }
0x3b3: {  	[bflag:$0x0] =	sbarrier.arrive $0xFFFF  }
0x3b4: {  	[tilespmem:s25], [sflag:$0x3] =	stream.linear.gather [spmem:s8], $0x1F40, $0x38;
	[tilespmem:$0x1BE40] =	vst v63  }
0x3b5: {  	_ =	swait.ge [sflag:s26], $0x1F40  }
0x3b6: {  	[sflag:s26] =	ssyncset.done $0x0  }
0x3b7: {  	s6 =	rddreg [dreg:$0x9];
	[sflag:s26] =	ssyncadd.s32 $0xFFFFE0C0  }
0x3b8: {  	[hbm4b:s6+s4] =	stream.linear.scatter [tilespmem:s25], [sflag:$0x3], $0x1F40, $0x38;
	[tilespmem:$0x1BE40] =	vst v63  }
0x3b9: {  	_ =	swait.ge [sflag:s26], $0x1F40  }
0x3ba: {  	[sflag:s26] =	ssyncset.done $0x0  }
0x3bb: {  	[sflag:s26] =	ssyncadd.s32 $0xFFFFE0C0  }
0x3bc: {  	[tilespmem:s25], [sflag:$0x3] =	stream.linear.gather [spmem:s9], $0x1F40, $0x38;
	[tilespmem:$0x1BE40] =	vst v63  }
0x3bd: {  	_ =	swait.ge [sflag:s26], $0x1F40  }
0x3be: {  	[sflag:s26] =	ssyncset.done $0x0  }
0x3bf: {  	s19 =	rddreg [dreg:$0xa];
	[sflag:s26] =	ssyncadd.s32 $0xFFFFE0C0  }
0x3c0: {  	[hbm4b:s19+s4] =	stream.linear.scatter [tilespmem:s25], [sflag:$0x3], $0x1F40, $0x38;
	[tilespmem:$0x1BE40] =	vst v63  }
0x3c1: {  	_ =	swait.ge [sflag:s26], $0x1F40  }
0x3c2: {  	[sflag:s26] =	ssyncset.done $0x0  }
0x3c3: {  	s22 =	rddreg [dreg:$0x6];
	[sflag:s26] =	ssyncadd.s32 $0xFFFFE0C0  }
0x3c4: {  	[tilespmem:s25], [sflag:$0x3] =	stream.linear.gather [spmem:s22], $0x1F40, $0x38;
	[tilespmem:$0x1BE40] =	vst v63  }
0x3c5: {  	_ =	swait.ge [sflag:s26], $0x1F40  }
0x3c6: {  	[sflag:s26] =	ssyncset.done $0x0  }
0x3c7: {  	s23 =	rddreg [dreg:$0xb];
	[sflag:s26] =	ssyncadd.s32 $0xFFFFE0C0  }
0x3c8: {  	[hbm4b:s23+s4] =	stream.linear.scatter [tilespmem:s25], [sflag:$0x3], $0x1F40, $0x38;
	[tilespmem:$0x1BE40] =	vst v63  }
0x3c9: {  	_ =	swait.ge [sflag:s26], $0x1F40  }
0x3ca: {  	[sflag:s26] =	ssyncset.done $0x0  }
0x3cb: {  	s7 =	smov.u32 s8;
	s8 =	rddreg [dreg:$0x7];
	[sflag:s26] =	ssyncadd.s32 $0xFFFFE0C0  }
0x3cc: {  	[tilespmem:s25], [sflag:$0x3] =	stream.linear.gather [spmem:s8], $0x1F40, $0x38;
	[tilespmem:$0x1BE40] =	vst v63  }
0x3cd: {  	_ =	swait.ge [sflag:s26], $0x1F40  }
0x3ce: {  	[sflag:s26] =	ssyncset.done $0x0  }
0x3cf: {  	s24 =	smov.u32 s9;
	s9 =	rddreg [dreg:$0xc];
	[sflag:s26] =	ssyncadd.s32 $0xFFFFE0C0  }
0x3d0: {  	[hbm4b:s9+s4] =	stream.linear.scatter [tilespmem:s25], [sflag:$0x3], $0x1F40, $0x38;
	[tilespmem:$0x1BE40] =	vst v63  }
0x3d1: {  	_ =	swait.ge [sflag:s26], $0x1F40  }
0x3d2: {  	[sflag:s26] =	ssyncset.done $0x0  }
0x3d3: {  	[sflag:s26] =	ssyncadd.s32 $0xFFFFE0C0  }
0x3d4: {  	[tilespmem:s25], [sflag:$0x3] =	stream.linear.gather [spmem:s10], $0x1F40, $0x38;
	[tilespmem:$0x1BE40] =	vst v63  }
0x3d5: {  	_ =	swait.ge [sflag:s26], $0x1F40  }
0x3d6: {  	[sflag:s26] =	ssyncset.done $0x0  }
0x3d7: {  	s18 =	rddreg [dreg:$0xd];
	[sflag:s26] =	ssyncadd.s32 $0xFFFFE0C0  }
0x3d8: {  	[hbm4b:s18+s4] =	stream.linear.scatter [tilespmem:s25], [sflag:$0x3], $0x1F40, $0x38;
	[tilespmem:$0x1BE40] =	vst v63  }
0x3d9: {  	_ =	swait.ge [sflag:s26], $0x1F40  }
0x3da: {  	[sflag:s26] =	ssyncset.done $0x0  }
0x3db: {  	[sflag:s26] =	ssyncadd.s32 $0xFFFFE0C0  }
0x3dc: {  	[tilespmem:s28], [sflag:$0x3] =	stream.linear.gather [spmem:s11], $0x190, $0x38;
	[tilespmem:$0x1BE40] =	vst v63  }
0x3dd: {  	_ =	swait.ge [sflag:s26], $0x190  }
0x3de: {  	[sflag:s26] =	ssyncset.done $0x0  }
0x3df: {  	s19 =	rddreg [dreg:$0xf];
	[sflag:s26] =	ssyncadd.s32 $0xFFFFFE70  }
0x3e0: {  	[hbm4b:s19+s4] =	stream.linear.scatter [tilespmem:s28], [sflag:$0x3], $0x190, $0x38;
	[tilespmem:$0x1BE40] =	vst v63  }
0x3e1: {  	_ =	swait.ge [sflag:s26], $0x190  }
0x3e2: {  	[sflag:s26] =	ssyncset.done $0x0  }
0x3e3: {  	[sflag:s26] =	ssyncadd.s32 $0xFFFFFE70  }
0x3e4: {  	[tilespmem:s28], [sflag:$0x3] =	stream.linear.gather [spmem:s13], $0xF0, $0x38;
	[tilespmem:$0x1BE40] =	vst v63  }
0x3e5: {  	_ =	swait.ge [sflag:s26], $0xF0  }
0x3e6: {  	[sflag:s26] =	ssyncset.done $0x0  }
0x3e7: {  	s22 =	rddreg [dreg:$0x10];
	[sflag:s26] =	ssyncadd.s32 $0xFFFFFF10  }
0x3e8: {  	[hbm4b:s22+s4] =	stream.linear.scatter [tilespmem:s28], [sflag:$0x3], $0xF0, $0x38;
	[tilespmem:$0x1BE40] =	vst v63  }
0x3e9: {  	_ =	swait.ge [sflag:s26], $0xF0  }
0x3ea: {  	s17 =	sadd.s32 $0x1, s17;
	s23 =	rddreg [dreg:$0xe]  }
0x3eb: {  	p0 =	sne.s32 s17, s23  }
.Ltmp4:
0x3ec: {  	_ = 	snop;
	(pc) =	sbr.rel @p0 .LBB2_1-.Ltmp4, $3  }
0x3ed: {  	_ =	sdelay $0x1  }
0x3ee: {  	[sflag:s26] =	ssyncset.done $0x0  }
0x3ef: {  	[sflag:s26] =	ssyncadd.s32 $0xFFFFFF10  }
0x3f0: {  	_ =	sfence.sel $0x180000  }
0x3f1: {  	[bflag:$0x0] =	sbarrier.arrive $0xFFFF  }
0x3f2: {  	_ =	strace $0x90000047  }
0x3f3: {  	s0 =	stileid.u32;
	[bflag:$0x2] =	sbarrier.arrive $0xFFFF  }
0x3f4: {  	p0 =	sne.s32 s0, $0x0;
	s0 =	rddreg [dreg:$0x4]  }
0x3f5: {  	s0 =	sadd.s32 @!p0 $0x100000, s0  }
0x3f6: {  	[sflag:s0] =	ssyncadd.tile.s32 @!p0 $0x1;
	_ =	shalt  }
.Lfunc_end2:
_tile_overlayer_lowered:
.L_overlay_start_2:
0x3f7: {  	(tag) =	ssettag $0x2  }
0x3f8: {  	s0 =	rddreg [dreg:$0x0];
	s2 =	stileid.u32  }
0x3f9: {  	s1 =	rddreg [dreg:$0x1];
	p0 =	sne.s32 s2, $0x0  }
0x3fa: {  	s3 =	rddreg [dreg:$0x2];
	[bflag:$0x3] =	sbarrier.arrive $0xFFFF;
	s2 =	simm.s32 @!p0 $0x1C03  }
0x3fb: {  	[timem:s3], [sflag:s2] =	dma.local @!p0 [hbm:s0], s1  }
0x3fc: {  	s0 =	simm.s32 @!p0 $0x3  }
0x3fd: {  	_ =	swait.ge @!p0 [sflag:s0], s1  }
0x3fe: {  	s1 =	ssub.s32 @!p0 $0x0, s1;
	[sflag:s0] =	ssyncset.done @!p0 $0x0  }
0x3ff: {  	[sflag:s0] =	ssyncadd.s32 @!p0 s1  }
0x400: {  	[bflag:$0x3] =	sbarrier.arrive $0xFFFF  }
0x401: {  	_ =	shalt  }

</sc_bundles>
